<compile_context>
chip_gen: v7x
topology: tpu7x:2x2x1
jax: 0.10.2.dev20260603
libtpu: 0.0.44.dev20260713+nightly
codegen_flags: <defaults>
</compile_context>

<pallas_src>
import functools

import jax
import jax.numpy as jnp
from jax import lax
from jax.experimental import pallas as pl
from jax.experimental.pallas import tpu as pltpu
from jax.experimental.pallas import tpu_sc as plsc

_NCORE, _NSUB = 2, 16
_NW = _NCORE * _NSUB

_MAX_POS = 128
_N_POSS = 4
_NC = 32
_NEG = -1e10

_INTERPRET = False

_N_ITEMS = 262144
_N_NB = 65536
_NTY = 1000
_NRL = 500
_IPW = _N_ITEMS // _NW
_JPW = _N_NB // _NW


def _sc_codes_body(cnb_hbm, nnt_hbm, tid_hbm, ty_hbm, rs_hbm,
                   codes_hbm, codes2_hbm, packed_v, buf1, buf2, outv):
    wid = lax.axis_index("s") * _NCORE + lax.axis_index("c")

    def build_round(r, _):
        pltpu.sync_copy(cnb_hbm.at[pl.ds(r * 8192, 8192)], buf1)
        pltpu.sync_copy(nnt_hbm.at[pl.ds(r * 8192, 8192)], buf2)

        def inner(i, _):
            cv = buf1[pl.ds(i * 16, 16)]
            nv = buf2[pl.ds(i * 16, 16)]
            packed_v[pl.ds(r * 8192 + i * 16, 16)] = cv | ((nv - 1) << 16)
            return 0
        return lax.fori_loop(0, 512, inner, 0)
    lax.fori_loop(0, _N_NB // 8192, build_round, 0)

    base = wid * _IPW
    pltpu.sync_copy(tid_hbm.at[pl.ds(base, _IPW)], buf1)
    pltpu.sync_copy(ty_hbm.at[pl.ds(base, _IPW)], buf2)

    @plsc.parallel_loop(0, _IPW // 128, unroll=2)
    def item(i):
        for u in range(8):
            tid = buf1[pl.ds(i * 128 + u * 16, 16)]
            pk = plsc.load_gather(packed_v, [tid])
            dst = pk & 0xFFFF
            n1 = pk >> 16
            ty = buf2[pl.ds(i * 128 + u * 16, 16)]
            code = ty | ((dst & 63) << 10) | ((dst >> 6) << 16) | (n1 << 21)
            outv[pl.ds(i * 128 + u * 16, 16)] = code
    pltpu.sync_copy(outv, codes_hbm.at[pl.ds(base, _IPW)])

    jbase = wid * _JPW
    pltpu.sync_copy(cnb_hbm.at[pl.ds(jbase, _JPW)], buf1.at[pl.ds(0, _JPW)])
    pltpu.sync_copy(rs_hbm.at[pl.ds(jbase, _JPW)], buf2.at[pl.ds(0, _JPW)])

    @plsc.parallel_loop(0, _JPW // 128, unroll=2)
    def nbj(i):
        for u in range(8):
            cv = buf1[pl.ds(i * 128 + u * 16, 16)]
            rs = buf2[pl.ds(i * 128 + u * 16, 16)]
            outv[pl.ds(i * 128 + u * 16, 16)] = (
                rs | ((cv & 63) << 10) | ((cv >> 6) << 16))
    pltpu.sync_copy(outv.at[pl.ds(0, _JPW)], codes2_hbm.at[pl.ds(jbase, _JPW)])


def _sc_hist_body(codes_hbm, codes2_hbm, lut_hbm, za_hbm, zc_hbm,
                  a_hbm, c_hbm, accA, accC, lut, buf):
    wid = lax.axis_index("s") * _NCORE + lax.axis_index("c")
    pltpu.sync_copy(lut_hbm, lut)
    pltpu.sync_copy(za_hbm, accA)
    pltpu.sync_copy(zc_hbm, accC)

    CH = 8192

    def chunk_a(cidx, _):
        pltpu.sync_copy(codes_hbm.at[pl.ds(cidx * CH, CH)], buf)

        @plsc.parallel_loop(0, CH // 128, unroll=2)
        def it(i):
            for u in range(8):
                code = buf[pl.ds(i * 128 + u * 16, 16)]
                msk = ((code >> 16) & 31) == wid
                inv = plsc.load_gather(lut, [code >> 21])
                plsc.addupdate_scatter(
                    accA, [(code >> 10) & 63, code & 1023], inv, mask=msk)
        return 0
    lax.fori_loop(0, _N_ITEMS // CH, chunk_a, 0)

    ones = jnp.ones((16,), jnp.float32)

    def chunk_c(cidx, _):
        pltpu.sync_copy(codes2_hbm.at[pl.ds(cidx * CH, CH)], buf)

        @plsc.parallel_loop(0, CH // 128, unroll=2)
        def it(i):
            for u in range(8):
                code = buf[pl.ds(i * 128 + u * 16, 16)]
                msk = ((code >> 16) & 31) == wid
                plsc.addupdate_scatter(
                    accC, [(code >> 10) & 63, code & 1023], ones, mask=msk)
        return 0
    lax.fori_loop(0, _N_NB // CH, chunk_c, 0)

    pltpu.sync_copy(accA, a_hbm.at[pl.ds(wid * 64, 64)])
    pltpu.sync_copy(accC, c_hbm.at[pl.ds(wid * 64, 64)])


def _bdot(a, b):
    return jnp.dot(a.astype(jnp.bfloat16), b.astype(jnp.bfloat16),
                   preferred_element_type=jnp.float32)


def _b(x):
    return x.astype(jnp.bfloat16).astype(jnp.float32)


def _conv_body(word_ref, posf_ref, ww_ref, wp_ref, cb3_ref, cb5_ref,
               ml_ref, mr_ref, ctx_ref):
    S = 128
    F = 128
    ROWS = word_ref.shape[0]
    NSENT = ROWS // S

    M = _bdot(word_ref[...], ww_ref[...]) + _bdot(posf_ref[...], wp_ref[...])

    s_idx = lax.broadcasted_iota(jnp.int32, (ROWS, 1), 0) % S

    def tap_sum(base, fs):
        c = fs // 2
        acc = None
        for u in range(fs):
            d = u - c
            blk = M[:, (base + u) * F:(base + u + 1) * F]
            if d != 0:
                blk = jnp.roll(blk, -d, axis=0)
            valid = ((s_idx + d >= 0) & (s_idx + d < S)).astype(jnp.float32)
            blk = blk * valid
            acc = blk if acc is None else acc + blk
        return acc

    y3 = jax.nn.relu(tap_sum(0, 3) + cb3_ref[...])
    y5 = jax.nn.relu(tap_sum(3, 5) + cb5_ref[...])

    ml = ml_ref[...]
    mr = mr_ref[...]

    def pool(y, m):
        masked = y * m - (1.0 - m) * 1e10
        return jnp.max(masked.reshape(NSENT, S, F), axis=1)

    ctx_ref[...] = jnp.concatenate(
        [pool(y3, ml), pool(y5, ml), pool(y3, mr), pool(y5, mr)], axis=1)


def _head_body(a_ref, c_ref, te_ref, re_ref, rw_ref, ctx_in_ref, rnp_ref,
               sw1c_ref, sw1e_ref, sb1_ref, sw2_ref, sb2_ref,
               nw1c_ref, nw1e_ref, nb1_ref, nw2_ref, nb2_ref,
               scores_ref, noise_ref):
    B = 64
    F = 128

    T = jnp.dot(a_ref[...], te_ref[...], preferred_element_type=jnp.float32, precision=lax.Precision.HIGHEST)
    R = jnp.dot(c_ref[...], re_ref[...], preferred_element_type=jnp.float32, precision=lax.Precision.HIGHEST)
    cand = jax.nn.relu(
        jnp.dot(T, _b(rw_ref[...]), preferred_element_type=jnp.float32, precision=lax.Precision.HIGHEST) + R)
    ctx = ctx_in_ref[...]

    ctx_h = _bdot(ctx, sw1c_ref[...])
    cand_h = _bdot(cand, sw1e_ref[...])
    h3 = jax.nn.relu(cand_h.reshape(B, _NC, 512) + ctx_h[:, None, :]
                     + sb1_ref[...].reshape(1, 1, 512))
    scores = jnp.sum(_b(h3) * _b(sw2_ref[...]).reshape(1, 1, 512), axis=-1) + sb2_ref[0, 0]

    k_idx = lax.broadcasted_iota(jnp.int32, (B, _NC), 1)
    keep = (k_idx >= _N_POSS) | ((k_idx + 1) <= rnp_ref[...])
    scores = jnp.where(keep, scores, jnp.float32(_NEG))
    scores_ref[...] = scores

    l4 = scores[:, :_N_POSS]
    m4 = jnp.max(l4, axis=-1, keepdims=True)
    p4 = jnp.exp(l4 - m4)
    p4 = p4 / jnp.sum(p4, axis=-1, keepdims=True)
    cand3 = cand.reshape(B, _NC, F)
    e = p4[:, 0:1] * cand3[:, 0, :]
    for k in range(1, _N_POSS):
        e = e + p4[:, k:k + 1] * cand3[:, k, :]
    h2 = jax.nn.relu(_bdot(ctx, nw1c_ref[...]) + _bdot(e, nw1e_ref[...])
                     + nb1_ref[...])
    noise_ref[...] = (jnp.sum(_b(h2) * _b(nw2_ref[...]), axis=-1, keepdims=True)
                      + nb2_ref[0, 0])


@functools.partial(jax.jit, static_argnames=())
def kernel(tokens, pos_wrt_m, masks, nb_n_types, nb_type_ids, nb_types, nb_rs,
           cand_nb_ids, real_n_poss, word_embs, pos_embs, type_embs, rel_embs_t,
           rel_weight, conv_w3, conv_b3, conv_w5, conv_b5,
           s_w1, s_b1, s_w2, s_b2, n_w1, n_b1, n_w2, n_b2):
    B, S = tokens.shape
    BNC = B * _NC
    n_types = type_embs.shape[0]
    n_rels = rel_embs_t.shape[0]
    wdim = word_embs.shape[1]

    mesh = plsc.VectorSubcoreMesh(core_axis_name="c", subcore_axis_name="s")
    codes, codes2 = pl.kernel(
        _sc_codes_body, mesh=mesh,
        compiler_params=pltpu.CompilerParams(needs_layout_passes=False),
        out_type=(jax.ShapeDtypeStruct((_N_ITEMS,), jnp.int32),
                  jax.ShapeDtypeStruct((_N_NB,), jnp.int32)),
        scratch_types=[pltpu.VMEM((_N_NB,), jnp.int32),
                       pltpu.VMEM((8192,), jnp.int32),
                       pltpu.VMEM((8192,), jnp.int32),
                       pltpu.VMEM((8192,), jnp.int32)],
    )(cand_nb_ids, nb_n_types, nb_type_ids, nb_types, nb_rs)

    A, C = pl.kernel(
        _sc_hist_body, mesh=mesh,
        compiler_params=pltpu.CompilerParams(needs_layout_passes=False),
        out_type=(jax.ShapeDtypeStruct((BNC, n_types), jnp.float32),
                  jax.ShapeDtypeStruct((BNC, n_rels), jnp.float32)),
        scratch_types=[pltpu.VMEM((64, _NTY), jnp.float32),
                       pltpu.VMEM((64, _NRL), jnp.float32),
                       pltpu.VMEM((16,), jnp.float32),
                       pltpu.VMEM((8192,), jnp.int32)],
    )(codes, codes2,
      1.0 / (1.0 + jnp.arange(16, dtype=jnp.float32)),
      jnp.zeros((64, n_types), jnp.float32),
      jnp.zeros((64, n_rels), jnp.float32))

    word_flat = word_embs.astype(jnp.bfloat16)[tokens].reshape(B * S, wdim)
    pos_flat = pos_embs.astype(jnp.bfloat16)[
        pos_wrt_m + _MAX_POS].reshape(B * S, -1)

    Ww = jnp.concatenate(
        [conv_w3[:, 0, u, :wdim].T for u in range(3)]
        + [conv_w5[:, 0, u, :wdim].T for u in range(5)], axis=1)
    Wp = jnp.concatenate(
        [conv_w3[:, 0, u, wdim:].T for u in range(3)]
        + [conv_w5[:, 0, u, wdim:].T for u in range(5)], axis=1)

    ml = (pos_wrt_m <= 0).astype(jnp.float32).reshape(-1, 1)
    mr = ((pos_wrt_m >= 0).astype(jnp.float32) * masks).reshape(-1, 1)

    ROWS = 1024
    NSENT = ROWS // S
    grid = (B * S) // ROWS
    ctx = pl.pallas_call(
        _conv_body, interpret=_INTERPRET,
        grid=(grid,),
        in_specs=[
            pl.BlockSpec((ROWS, wdim), lambda i: (i, 0)),
            pl.BlockSpec((ROWS, pos_flat.shape[1]), lambda i: (i, 0)),
            pl.BlockSpec(Ww.shape, lambda i: (0, 0)),
            pl.BlockSpec(Wp.shape, lambda i: (0, 0)),
            pl.BlockSpec((1, 128), lambda i: (0, 0)),
            pl.BlockSpec((1, 128), lambda i: (0, 0)),
            pl.BlockSpec((ROWS, 1), lambda i: (i, 0)),
            pl.BlockSpec((ROWS, 1), lambda i: (i, 0)),
        ],
        out_specs=pl.BlockSpec((NSENT, 512), lambda i: (i, 0)),
        out_shape=jax.ShapeDtypeStruct((B, 512), jnp.float32),
    )(word_flat, pos_flat, Ww, Wp, conv_b3.reshape(1, -1),
      conv_b5.reshape(1, -1), ml, mr)

    out_shapes = (jax.ShapeDtypeStruct((B, _NC), jnp.float32),
                  jax.ShapeDtypeStruct((B, 1), jnp.float32))
    scores, noise = pl.pallas_call(
        _head_body, out_shape=out_shapes, interpret=_INTERPRET,
    )(A, C, type_embs, rel_embs_t, rel_weight, ctx,
      real_n_poss.reshape(B, 1),
      s_w1[:512], s_w1[512:], s_b1.reshape(1, -1), s_w2.reshape(1, -1),
      s_b2.reshape(1, 1),
      n_w1[:512], n_w1[512:], n_b1.reshape(1, -1), n_w2.reshape(1, -1),
      n_b2.reshape(1, 1))
    return (scores, noise)

# --- scband reference (transcript-rebuilt; emitter-appended) ---
"""Pipeline reference for scband-elencoder-34608846471270 (READ-ONLY COPY).

The authoritative reference and input builder live on the scoring server;
editing this copy changes nothing except your own understanding.
"""

import jax, jax.numpy as jnp
import numpy as np

MAX_POS = 128
N_POSS, N_NEGS = 4, 28


def setup_inputs(seed: int = 0) -> dict:
    key = jax.random.key(seed)
    ks = jax.random.split(key, 32)
    B, S = 64, 128
    NC = N_POSS + N_NEGS
    vocab, wdim = 100000, 300
    pos_dim = 50
    n_types, t_dim = 1000, 128
    n_rels, e_dim = 500, 128
    n_cand_nb = 65536
    tot_types = 262144
    nf = 128
    dim = wdim + pos_dim
    we = jax.random.normal(ks[0], (vocab, wdim), dtype=jnp.float32)
    we = we / jnp.maximum(jnp.linalg.norm(we, axis=1, keepdims=True), 1e-12)
    return {
        'tokens': jax.random.randint(ks[1], (B, S), 0, vocab),
        'pos_wrt_m': jax.random.randint(ks[2], (B, S), -MAX_POS, MAX_POS + 1),
        'masks': jnp.ones((B, S), jnp.float32),
        'nb_n_types': jax.random.randint(ks[3], (n_cand_nb,), 1, 9),
        'nb_type_ids': jax.random.randint(ks[4], (tot_types,), 0, n_cand_nb),
        'nb_types': jax.random.randint(ks[5], (tot_types,), 0, n_types),
        'nb_rs': jax.random.randint(ks[6], (n_cand_nb,), 0, n_rels),
        'cand_nb_ids': jax.random.randint(ks[7], (n_cand_nb,), 0, B * NC),
        'real_n_poss': jax.random.randint(ks[8], (B,), 1, N_POSS + 1),
        'word_embs': we,
        'pos_embs': 0.02 * jax.random.normal(ks[9], (2 * MAX_POS + 1, pos_dim), dtype=jnp.float32),
        'type_embs': 0.02 * jax.random.normal(ks[10], (n_types, t_dim), dtype=jnp.float32),
        'rel_embs_t': 0.02 * jax.random.normal(ks[11], (n_rels, e_dim), dtype=jnp.float32),
        'rel_weight': jnp.sqrt(2.0 / e_dim) * jax.random.normal(ks[12], (t_dim, e_dim), dtype=jnp.float32),
        'conv_w3': jax.random.normal(ks[13], (nf, 1, 3, dim), dtype=jnp.float32) / jnp.sqrt(3.0 * dim),
        'conv_b3': jnp.zeros((nf,), jnp.float32),
        'conv_w5': jax.random.normal(ks[14], (nf, 1, 5, dim), dtype=jnp.float32) / jnp.sqrt(5.0 * dim),
        'conv_b5': jnp.zeros((nf,), jnp.float32),
        's_w1': jax.random.normal(ks[15], (640, 512), dtype=jnp.float32) / jnp.sqrt(640.0),
        's_b1': jnp.zeros((512,), jnp.float32),
        's_w2': jax.random.normal(ks[16], (512, 1), dtype=jnp.float32) / jnp.sqrt(512.0),
        's_b2': jnp.zeros((1,), jnp.float32),
        'n_w1': jax.random.normal(ks[17], (640, 512), dtype=jnp.float32) / jnp.sqrt(640.0),
        'n_b1': jnp.zeros((512,), jnp.float32),
        'n_w2': jax.random.normal(ks[18], (512, 1), dtype=jnp.float32) / jnp.sqrt(512.0),
        'n_b2': jnp.zeros((1,), jnp.float32),
    }


def _pcnn_conv(x, w, b, fs):
    y = jax.lax.conv_general_dilated(
        x, w, window_strides=(1, 1),
        padding=[(fs // 2, fs // 2), (0, 0)],
        dimension_numbers=('NCHW', 'OIHW', 'NCHW'))
    return jax.nn.relu(y + b[None, :, None, None])[:, :, :, 0]


def reference(tokens, pos_wrt_m, masks, nb_n_types, nb_type_ids, nb_types, nb_rs,
              cand_nb_ids, real_n_poss, word_embs, pos_embs, type_embs, rel_embs_t,
              rel_weight, conv_w3, conv_b3, conv_w5, conv_b5,
              s_w1, s_b1, s_w2, s_b2, n_w1, n_b1, n_w2, n_b2):
    B, S = tokens.shape
    NC = N_POSS + N_NEGS
    # position embeddings for the mention context
    pos_ment_embs = pos_embs[pos_wrt_m + MAX_POS]  # [B, S, pos_dim]
    # TYPE_OPT == 'mean': scatter-add type embeddings per neighbor, divide by count
    nb_embs = jax.ops.segment_sum(type_embs[nb_types], nb_type_ids,
                                  num_segments=nb_n_types.shape[0])
    nb_embs = nb_embs / nb_n_types.astype(jnp.float32)[:, None]
    rel_embs = rel_embs_t[nb_rs]
    msgs = nb_embs @ rel_weight + rel_embs
    cand_embs = jax.nn.relu(jax.ops.segment_sum(msgs, cand_nb_ids, num_segments=B * NC))
    # context encoder input (dropout is identity in eval mode)
    inp = jnp.concatenate([word_embs[tokens], pos_ment_embs], axis=2)  # [B, S, dim]
    x = inp[:, None, :, :]  # [B, 1, S, dim]
    conved = [_pcnn_conv(x, conv_w3, conv_b3, 3), _pcnn_conv(x, conv_w5, conv_b5, 5)]
    mask_l = (pos_wrt_m <= 0).astype(jnp.float32)[:, None, :]
    left = [c * mask_l - (1.0 - mask_l) * 1e10 for c in conved]
    mask_r = ((pos_wrt_m >= 0).astype(jnp.float32) * masks)[:, None, :]
    right = [c * mask_r - (1.0 - mask_r) * 1e10 for c in conved]
    pooled_l = jnp.concatenate([jnp.max(c, axis=2) for c in left], axis=1)
    pooled_r = jnp.concatenate([jnp.max(c, axis=2) for c in right], axis=1)
    ctx_vecs = jnp.concatenate([pooled_l, pooled_r], axis=1)  # [B, 512]
    rp_ctx = jnp.repeat(ctx_vecs[:, None, :], NC, axis=1).reshape(B * NC, -1)
    reprs = jnp.concatenate([rp_ctx, cand_embs], axis=1)  # [B*NC, 640]
    h = jax.nn.relu(reprs @ s_w1 + s_b1)
    scores = (h @ s_w2 + s_b2).reshape(B, NC)
    pos_mask = jnp.linspace(1.0, N_POSS, N_POSS)[None, :] <= real_n_poss.astype(jnp.float32)[:, None]
    mask = jnp.concatenate([pos_mask, jnp.ones((B, N_NEGS), dtype=bool)], axis=1)
    scores = jnp.where(mask, scores, jnp.full_like(scores, -1e10))
    p = jax.nn.softmax(scores[:, :N_POSS], axis=-1)
    e = (cand_embs.reshape(B, NC, -1)[:, :N_POSS, :] * p[:, :, None]).sum(axis=1)
    reprs2 = jnp.concatenate([ctx_vecs, e], axis=1)  # [B, 640]
    h2 = jax.nn.relu(reprs2 @ n_w1 + n_b1)
    noise_scores = h2 @ n_w2 + n_b2
    return (scores, noise_scores)

if __name__ == "__main__":
    import jax
    _d = setup_inputs()
    print(jax.jit(kernel)(*tuple(_d.values())))

</pallas_src>

<mosaic_0001>
#map = affine_map<(d0, d1) -> (0)>
module attributes {stable_mosaic.version = 14 : i64} {
  func.func @_sc_codes_body(%arg0: i32, %arg1: i32, %arg2: memref<65536xi32, #tpu.memory_space<hbm>>, %arg3: memref<65536xi32, #tpu.memory_space<hbm>>, %arg4: memref<262144xi32, #tpu.memory_space<hbm>>, %arg5: memref<262144xi32, #tpu.memory_space<hbm>>, %arg6: memref<65536xi32, #tpu.memory_space<hbm>>, %arg7: memref<262144xi32, #tpu.memory_space<hbm>>, %arg8: memref<65536xi32, #tpu.memory_space<hbm>>, %arg9: memref<65536xi32, #tpu.memory_space<vmem>>, %arg10: memref<8192xi32, #tpu.memory_space<vmem>>, %arg11: memref<8192xi32, #tpu.memory_space<vmem>>, %arg12: memref<8192xi32, #tpu.memory_space<vmem>>) attributes {dimension_semantics = [#tpu.dimension_semantics<core_parallel>, #tpu.dimension_semantics<subcore_parallel>], iteration_bounds = array<i64: 2, 16>, scalar_prefetch = 0 : i64, scratch_operands = 4 : i64, tpu.core_type = #tpu.core_type<sc_vector_subcore>, window_params = [{transform_indices = #map}, {transform_indices = #map}, {transform_indices = #map}, {transform_indices = #map}, {transform_indices = #map}, {transform_indices = #map}, {transform_indices = #map}]} {
    %mul3A = arith.constant 2 : i32
    %mul3A_0 = arith.muli %arg1, %mul3A : i32
    %add3A = arith.addi %mul3A_0, %arg0 : i32
    %scan3A = arith.constant 0 : i32
    %scan3A_1 = arith.constant 0 : i32
    %scan3A_2 = arith.constant 8 : i32
    %scan3A_3 = arith.addi %scan3A_1, %scan3A_2 : i32
    %scan3A_4 = arith.constant 1 : i32
    %scan3A_5 = scf.for %scan3A_16 = %scan3A_1 to %scan3A_3 step %scan3A_4 iter_args(%scan3A_17 = %scan3A) -> (i32)  : i32 {
      %mul3A_18 = arith.constant 8192 : i32
      %mul3A_19 = arith.muli %scan3A_16, %mul3A_18 : i32
      "tpu.region"() ({
        %run_scoped3A = tpu.sem_alloc : memref<!tpu.dma_semaphore, #tpu.memory_space<semaphore_mem>>
        %dma_start3A = tpu.memref_slice %arg2[%mul3A_19] : memref<65536xi32, #tpu.memory_space<hbm>> -> memref<8192xi32, #tpu.memory_space<hbm>>
        %dma_start3A_29 = tpu.memref_slice %arg2[%mul3A_19] : memref<65536xi32, #tpu.memory_space<hbm>> -> memref<8192xi32, #tpu.memory_space<hbm>>
        tpu.enqueue_dma source(%dma_start3A_29 : memref<8192xi32, #tpu.memory_space<hbm>>) target(%arg10 : memref<8192xi32, #tpu.memory_space<vmem>>) target_semaphore(%run_scoped3A : memref<!tpu.dma_semaphore, #tpu.memory_space<semaphore_mem>>)
        %dma_wait3A = tpu.memref_slice %arg2[%mul3A_19] : memref<65536xi32, #tpu.memory_space<hbm>> -> memref<8192xi32, #tpu.memory_space<hbm>>
        %dma_wait3A_30 = tpu.memref_slice %arg2[%mul3A_19] : memref<65536xi32, #tpu.memory_space<hbm>> -> memref<8192xi32, #tpu.memory_space<hbm>>
        tpu.wait_dma2 semaphore(%run_scoped3A : memref<!tpu.dma_semaphore, #tpu.memory_space<semaphore_mem>>) src(%dma_wait3A_30 : memref<8192xi32, #tpu.memory_space<hbm>>) dst(%arg10 : memref<8192xi32, #tpu.memory_space<vmem>>)
        tpu.yield
      }) : () -> ()
      %mul3A_20 = arith.constant 8192 : i32
      %mul3A_21 = arith.muli %scan3A_16, %mul3A_20 : i32
      "tpu.region"() ({
        %run_scoped3A = tpu.sem_alloc : memref<!tpu.dma_semaphore, #tpu.memory_space<semaphore_mem>>
        %dma_start3A = tpu.memref_slice %arg3[%mul3A_21] : memref<65536xi32, #tpu.memory_space<hbm>> -> memref<8192xi32, #tpu.memory_space<hbm>>
        %dma_start3A_29 = tpu.memref_slice %arg3[%mul3A_21] : memref<65536xi32, #tpu.memory_space<hbm>> -> memref<8192xi32, #tpu.memory_space<hbm>>
        tpu.enqueue_dma source(%dma_start3A_29 : memref<8192xi32, #tpu.memory_space<hbm>>) target(%arg11 : memref<8192xi32, #tpu.memory_space<vmem>>) target_semaphore(%run_scoped3A : memref<!tpu.dma_semaphore, #tpu.memory_space<semaphore_mem>>)
        %dma_wait3A = tpu.memref_slice %arg3[%mul3A_21] : memref<65536xi32, #tpu.memory_space<hbm>> -> memref<8192xi32, #tpu.memory_space<hbm>>
        %dma_wait3A_30 = tpu.memref_slice %arg3[%mul3A_21] : memref<65536xi32, #tpu.memory_space<hbm>> -> memref<8192xi32, #tpu.memory_space<hbm>>
        tpu.wait_dma2 semaphore(%run_scoped3A : memref<!tpu.dma_semaphore, #tpu.memory_space<semaphore_mem>>) src(%dma_wait3A_30 : memref<8192xi32, #tpu.memory_space<hbm>>) dst(%arg11 : memref<8192xi32, #tpu.memory_space<vmem>>)
        tpu.yield
      }) : () -> ()
      %scan3A_22 = arith.constant 0 : i32
      %scan3A_23 = arith.constant 0 : i32
      %scan3A_24 = arith.constant 512 : i32
      %scan3A_25 = arith.addi %scan3A_23, %scan3A_24 : i32
      %scan3A_26 = arith.constant 1 : i32
      %scan3A_27 = scf.for %scan3A_29 = %scan3A_23 to %scan3A_25 step %scan3A_26 iter_args(%scan3A_30 = %scan3A_22) -> (i32)  : i32 {
        %mul3A_31 = arith.constant 16 : i32
        %mul3A_32 = arith.muli %scan3A_29, %mul3A_31 : i32
        %get3A = arith.index_cast %mul3A_32 : i32 to index
        %get3A_33 = tpu.vector_load %arg10[%get3A] {strides = array<i32>} : memref<8192xi32, #tpu.memory_space<vmem>>, vector<16xi32>,
        %mul3A_34 = arith.constant 16 : i32
        %mul3A_35 = arith.muli %scan3A_29, %mul3A_34 : i32
        %get3A_36 = arith.index_cast %mul3A_35 : i32 to index
        %get3A_37 = tpu.vector_load %arg11[%get3A_36] {strides = array<i32>} : memref<8192xi32, #tpu.memory_space<vmem>>, vector<16xi32>,
        %sub3A = arith.constant 1 : i32
        %sub3A_38 = vector.broadcast %sub3A : i32 to vector<16xi32>
        %sub3A_39 = arith.subi %get3A_37, %sub3A_38 : vector<16xi32>
        %shift_left3A = arith.constant 16 : i32
        %shift_left3A_40 = vector.broadcast %shift_left3A : i32 to vector<16xi32>
        %shift_left3A_41 = arith.shli %sub3A_39, %shift_left3A_40 : vector<16xi32>
        %or3A = arith.ori %get3A_33, %shift_left3A_41 : vector<16xi32>
        %mul3A_42 = arith.constant 8192 : i32
        %mul3A_43 = arith.muli %scan3A_16, %mul3A_42 : i32
        %mul3A_44 = arith.constant 16 : i32
        %mul3A_45 = arith.muli %scan3A_29, %mul3A_44 : i32
        %add3A_46 = arith.addi %mul3A_43, %mul3A_45 : i32
        %swap3A = arith.index_cast %add3A_46 : i32 to index
        %swap3A_47 = tpu.vector_load %arg9[%swap3A] {strides = array<i32>} : memref<65536xi32, #tpu.memory_space<vmem>>, vector<16xi32>,
        tpu.vector_store %arg9[%swap3A], %or3A {strides = array<i32>} : memref<65536xi32, #tpu.memory_space<vmem>>, vector<16xi32>,
        %scan3A_48 = arith.constant 0 : i32
        scf.yield %scan3A_48 : i32
      }
      %scan3A_28 = arith.constant 512 : i32
      scf.yield %scan3A_27 : i32
    }
    %scan3A_6 = arith.constant 8 : i32
    %mul3A_7 = arith.constant 8192 : i32
    %mul3A_8 = arith.muli %add3A, %mul3A_7 : i32
    "tpu.region"() ({
      %run_scoped3A = tpu.sem_alloc : memref<!tpu.dma_semaphore, #tpu.memory_space<semaphore_mem>>
      %dma_start3A = tpu.memref_slice %arg4[%mul3A_8] : memref<262144xi32, #tpu.memory_space<hbm>> -> memref<8192xi32, #tpu.memory_space<hbm>>
      %dma_start3A_16 = tpu.memref_slice %arg4[%mul3A_8] : memref<262144xi32, #tpu.memory_space<hbm>> -> memref<8192xi32, #tpu.memory_space<hbm>>
      tpu.enqueue_dma source(%dma_start3A_16 : memref<8192xi32, #tpu.memory_space<hbm>>) target(%arg10 : memref<8192xi32, #tpu.memory_space<vmem>>) target_semaphore(%run_scoped3A : memref<!tpu.dma_semaphore, #tpu.memory_space<semaphore_mem>>)
      %dma_wait3A = tpu.memref_slice %arg4[%mul3A_8] : memref<262144xi32, #tpu.memory_space<hbm>> -> memref<8192xi32, #tpu.memory_space<hbm>>
      %dma_wait3A_17 = tpu.memref_slice %arg4[%mul3A_8] : memref<262144xi32, #tpu.memory_space<hbm>> -> memref<8192xi32, #tpu.memory_space<hbm>>
      tpu.wait_dma2 semaphore(%run_scoped3A : memref<!tpu.dma_semaphore, #tpu.memory_space<semaphore_mem>>) src(%dma_wait3A_17 : memref<8192xi32, #tpu.memory_space<hbm>>) dst(%arg10 : memref<8192xi32, #tpu.memory_space<vmem>>)
      tpu.yield
    }) : () -> ()
    "tpu.region"() ({
      %run_scoped3A = tpu.sem_alloc : memref<!tpu.dma_semaphore, #tpu.memory_space<semaphore_mem>>
      %dma_start3A = tpu.memref_slice %arg5[%mul3A_8] : memref<262144xi32, #tpu.memory_space<hbm>> -> memref<8192xi32, #tpu.memory_space<hbm>>
      %dma_start3A_16 = tpu.memref_slice %arg5[%mul3A_8] : memref<262144xi32, #tpu.memory_space<hbm>> -> memref<8192xi32, #tpu.memory_space<hbm>>
      tpu.enqueue_dma source(%dma_start3A_16 : memref<8192xi32, #tpu.memory_space<hbm>>) target(%arg11 : memref<8192xi32, #tpu.memory_space<vmem>>) target_semaphore(%run_scoped3A : memref<!tpu.dma_semaphore, #tpu.memory_space<semaphore_mem>>)
      %dma_wait3A = tpu.memref_slice %arg5[%mul3A_8] : memref<262144xi32, #tpu.memory_space<hbm>> -> memref<8192xi32, #tpu.memory_space<hbm>>
      %dma_wait3A_17 = tpu.memref_slice %arg5[%mul3A_8] : memref<262144xi32, #tpu.memory_space<hbm>> -> memref<8192xi32, #tpu.memory_space<hbm>>
      tpu.wait_dma2 semaphore(%run_scoped3A : memref<!tpu.dma_semaphore, #tpu.memory_space<semaphore_mem>>) src(%dma_wait3A_17 : memref<8192xi32, #tpu.memory_space<hbm>>) dst(%arg11 : memref<8192xi32, #tpu.memory_space<vmem>>)
      tpu.yield
    }) : () -> ()
    %parallel_loop3A = arith.constant 0 : i32
    %parallel_loop3A_9 = arith.constant 64 : i32
    %parallel_loop3A_10 = arith.constant 1 : i32
    scf.for %parallel_loop3A_16 = %parallel_loop3A to %parallel_loop3A_9 step %parallel_loop3A_10  : i32 {
      %parallel_loop3A_17 = arith.constant 128 : i32
      %parallel_loop3A_18 = arith.muli %parallel_loop3A_16, %parallel_loop3A_17 : i32
      %parallel_loop3A_19 = arith.constant 0 : i32
      %parallel_loop3A_20 = arith.addi %parallel_loop3A_18, %parallel_loop3A_19 : i32
      %parallel_loop3A_21 = arith.index_cast %parallel_loop3A_20 : i32 to index
      %parallel_loop3A_22 = tpu.vector_load %arg10[%parallel_loop3A_21] {strides = array<i32>} : memref<8192xi32, #tpu.memory_space<vmem>>, vector<16xi32>,
      %parallel_loop3A_23 = tpu.vector_load_idx %arg9[%parallel_loop3A_22] : memref<65536xi32, #tpu.memory_space<vmem>>[vector<16xi32>], vector<16xi32>,
      %parallel_loop3A_24 = arith.constant 65535 : i32
      %parallel_loop3A_25 = vector.broadcast %parallel_loop3A_24 : i32 to vector<16xi32>
      %parallel_loop3A_26 = arith.andi %parallel_loop3A_23, %parallel_loop3A_25 : vector<16xi32>
      %parallel_loop3A_27 = arith.constant 16 : i32
      %parallel_loop3A_28 = vector.broadcast %parallel_loop3A_27 : i32 to vector<16xi32>
      %parallel_loop3A_29 = arith.shrsi %parallel_loop3A_23, %parallel_loop3A_28 : vector<16xi32>
      %parallel_loop3A_30 = arith.constant 128 : i32
      %parallel_loop3A_31 = arith.muli %parallel_loop3A_16, %parallel_loop3A_30 : i32
      %parallel_loop3A_32 = arith.constant 0 : i32
      %parallel_loop3A_33 = arith.addi %parallel_loop3A_31, %parallel_loop3A_32 : i32
      %parallel_loop3A_34 = arith.index_cast %parallel_loop3A_33 : i32 to index
      %parallel_loop3A_35 = tpu.vector_load %arg11[%parallel_loop3A_34] {strides = array<i32>} : memref<8192xi32, #tpu.memory_space<vmem>>, vector<16xi32>,
      %parallel_loop3A_36 = arith.constant 63 : i32
      %parallel_loop3A_37 = vector.broadcast %parallel_loop3A_36 : i32 to vector<16xi32>
      %parallel_loop3A_38 = arith.andi %parallel_loop3A_26, %parallel_loop3A_37 : vector<16xi32>
      %parallel_loop3A_39 = arith.constant 10 : i32
      %parallel_loop3A_40 = vector.broadcast %parallel_loop3A_39 : i32 to vector<16xi32>
      %parallel_loop3A_41 = arith.shli %parallel_loop3A_38, %parallel_loop3A_40 : vector<16xi32>
      %parallel_loop3A_42 = arith.ori %parallel_loop3A_35, %parallel_loop3A_41 : vector<16xi32>
      %parallel_loop3A_43 = arith.constant 6 : i32
      %parallel_loop3A_44 = vector.broadcast %parallel_loop3A_43 : i32 to vector<16xi32>
      %parallel_loop3A_45 = arith.shrsi %parallel_loop3A_26, %parallel_loop3A_44 : vector<16xi32>
      %parallel_loop3A_46 = arith.constant 16 : i32
      %parallel_loop3A_47 = vector.broadcast %parallel_loop3A_46 : i32 to vector<16xi32>
      %parallel_loop3A_48 = arith.shli %parallel_loop3A_45, %parallel_loop3A_47 : vector<16xi32>
      %parallel_loop3A_49 = arith.ori %parallel_loop3A_42, %parallel_loop3A_48 : vector<16xi32>
      %parallel_loop3A_50 = arith.constant 21 : i32
      %parallel_loop3A_51 = vector.broadcast %parallel_loop3A_50 : i32 to vector<16xi32>
      %parallel_loop3A_52 = arith.shli %parallel_loop3A_29, %parallel_loop3A_51 : vector<16xi32>
      %parallel_loop3A_53 = arith.ori %parallel_loop3A_49, %parallel_loop3A_52 : vector<16xi32>
      %parallel_loop3A_54 = arith.constant 128 : i32
      %parallel_loop3A_55 = arith.muli %parallel_loop3A_16, %parallel_loop3A_54 : i32
      %parallel_loop3A_56 = arith.constant 0 : i32
      %parallel_loop3A_57 = arith.addi %parallel_loop3A_55, %parallel_loop3A_56 : i32
      %parallel_loop3A_58 = arith.index_cast %parallel_loop3A_57 : i32 to index
      %parallel_loop3A_59 = tpu.vector_load %arg12[%parallel_loop3A_58] {strides = array<i32>} : memref<8192xi32, #tpu.memory_space<vmem>>, vector<16xi32>,
      tpu.vector_store %arg12[%parallel_loop3A_58], %parallel_loop3A_53 {strides = array<i32>} : memref<8192xi32, #tpu.memory_space<vmem>>, vector<16xi32>,
      %parallel_loop3A_60 = arith.constant 128 : i32
      %parallel_loop3A_61 = arith.muli %parallel_loop3A_16, %parallel_loop3A_60 : i32
      %parallel_loop3A_62 = arith.constant 16 : i32
      %parallel_loop3A_63 = arith.addi %parallel_loop3A_61, %parallel_loop3A_62 : i32
      %parallel_loop3A_64 = arith.index_cast %parallel_loop3A_63 : i32 to index
      %parallel_loop3A_65 = tpu.vector_load %arg10[%parallel_loop3A_64] {strides = array<i32>} : memref<8192xi32, #tpu.memory_space<vmem>>, vector<16xi32>,
      %parallel_loop3A_66 = tpu.vector_load_idx %arg9[%parallel_loop3A_65] : memref<65536xi32, #tpu.memory_space<vmem>>[vector<16xi32>], vector<16xi32>,
      %parallel_loop3A_67 = arith.constant 65535 : i32
      %parallel_loop3A_68 = vector.broadcast %parallel_loop3A_67 : i32 to vector<16xi32>
      %parallel_loop3A_69 = arith.andi %parallel_loop3A_66, %parallel_loop3A_68 : vector<16xi32>
      %parallel_loop3A_70 = arith.constant 16 : i32
      %parallel_loop3A_71 = vector.broadcast %parallel_loop3A_70 : i32 to vector<16xi32>
      %parallel_loop3A_72 = arith.shrsi %parallel_loop3A_66, %parallel_loop3A_71 : vector<16xi32>
      %parallel_loop3A_73 = arith.constant 128 : i32
      %parallel_loop3A_74 = arith.muli %parallel_loop3A_16, %parallel_loop3A_73 : i32
      %parallel_loop3A_75 = arith.constant 16 : i32
      %parallel_loop3A_76 = arith.addi %parallel_loop3A_74, %parallel_loop3A_75 : i32
      %parallel_loop3A_77 = arith.index_cast %parallel_loop3A_76 : i32 to index
      %parallel_loop3A_78 = tpu.vector_load %arg11[%parallel_loop3A_77] {strides = array<i32>} : memref<8192xi32, #tpu.memory_space<vmem>>, vector<16xi32>,
      %parallel_loop3A_79 = arith.constant 63 : i32
      %parallel_loop3A_80 = vector.broadcast %parallel_loop3A_79 : i32 to vector<16xi32>
      %parallel_loop3A_81 = arith.andi %parallel_loop3A_69, %parallel_loop3A_80 : vector<16xi32>
      %parallel_loop3A_82 = arith.constant 10 : i32
      %parallel_loop3A_83 = vector.broadcast %parallel_loop3A_82 : i32 to vector<16xi32>
      %parallel_loop3A_84 = arith.shli %parallel_loop3A_81, %parallel_loop3A_83 : vector<16xi32>
      %parallel_loop3A_85 = arith.ori %parallel_loop3A_78, %parallel_loop3A_84 : vector<16xi32>
      %parallel_loop3A_86 = arith.constant 6 : i32
      %parallel_loop3A_87 = vector.broadcast %parallel_loop3A_86 : i32 to vector<16xi32>
      %parallel_loop3A_88 = arith.shrsi %parallel_loop3A_69, %parallel_loop3A_87 : vector<16xi32>
      %parallel_loop3A_89 = arith.constant 16 : i32
      %parallel_loop3A_90 = vector.broadcast %parallel_loop3A_89 : i32 to vector<16xi32>
      %parallel_loop3A_91 = arith.shli %parallel_loop3A_88, %parallel_loop3A_90 : vector<16xi32>
      %parallel_loop3A_92 = arith.ori %parallel_loop3A_85, %parallel_loop3A_91 : vector<16xi32>
      %parallel_loop3A_93 = arith.constant 21 : i32
      %parallel_loop3A_94 = vector.broadcast %parallel_loop3A_93 : i32 to vector<16xi32>
      %parallel_loop3A_95 = arith.shli %parallel_loop3A_72, %parallel_loop3A_94 : vector<16xi32>
      %parallel_loop3A_96 = arith.ori %parallel_loop3A_92, %parallel_loop3A_95 : vector<16xi32>
      %parallel_loop3A_97 = arith.constant 128 : i32
      %parallel_loop3A_98 = arith.muli %parallel_loop3A_16, %parallel_loop3A_97 : i32
      %parallel_loop3A_99 = arith.constant 16 : i32
      %parallel_loop3A_100 = arith.addi %parallel_loop3A_98, %parallel_loop3A_99 : i32
      %parallel_loop3A_101 = arith.index_cast %parallel_loop3A_100 : i32 to index
      %parallel_loop3A_102 = tpu.vector_load %arg12[%parallel_loop3A_101] {strides = array<i32>} : memref<8192xi32, #tpu.memory_space<vmem>>, vector<16xi32>,
      tpu.vector_store %arg12[%parallel_loop3A_101], %parallel_loop3A_96 {strides = array<i32>} : memref<8192xi32, #tpu.memory_space<vmem>>, vector<16xi32>,
      %parallel_loop3A_103 = arith.constant 128 : i32
      %parallel_loop3A_104 = arith.muli %parallel_loop3A_16, %parallel_loop3A_103 : i32
      %parallel_loop3A_105 = arith.constant 32 : i32
      %parallel_loop3A_106 = arith.addi %parallel_loop3A_104, %parallel_loop3A_105 : i32
      %parallel_loop3A_107 = arith.index_cast %parallel_loop3A_106 : i32 to index
      %parallel_loop3A_108 = tpu.vector_load %arg10[%parallel_loop3A_107] {strides = array<i32>} : memref<8192xi32, #tpu.memory_space<vmem>>, vector<16xi32>,
      %parallel_loop3A_109 = tpu.vector_load_idx %arg9[%parallel_loop3A_108] : memref<65536xi32, #tpu.memory_space<vmem>>[vector<16xi32>], vector<16xi32>,
      %parallel_loop3A_110 = arith.constant 65535 : i32
      %parallel_loop3A_111 = vector.broadcast %parallel_loop3A_110 : i32 to vector<16xi32>
      %parallel_loop3A_112 = arith.andi %parallel_loop3A_109, %parallel_loop3A_111 : vector<16xi32>
      %parallel_loop3A_113 = arith.constant 16 : i32
      %parallel_loop3A_114 = vector.broadcast %parallel_loop3A_113 : i32 to vector<16xi32>
      %parallel_loop3A_115 = arith.shrsi %parallel_loop3A_109, %parallel_loop3A_114 : vector<16xi32>
      %parallel_loop3A_116 = arith.constant 128 : i32
      %parallel_loop3A_117 = arith.muli %parallel_loop3A_16, %parallel_loop3A_116 : i32
      %parallel_loop3A_118 = arith.constant 32 : i32
      %parallel_loop3A_119 = arith.addi %parallel_loop3A_117, %parallel_loop3A_118 : i32
      %parallel_loop3A_120 = arith.index_cast %parallel_loop3A_119 : i32 to index
      %parallel_loop3A_121 = tpu.vector_load %arg11[%parallel_loop3A_120] {strides = array<i32>} : memref<8192xi32, #tpu.memory_space<vmem>>, vector<16xi32>,
      %parallel_loop3A_122 = arith.constant 63 : i32
      %parallel_loop3A_123 = vector.broadcast %parallel_loop3A_122 : i32 to vector<16xi32>
      %parallel_loop3A_124 = arith.andi %parallel_loop3A_112, %parallel_loop3A_123 : vector<16xi32>
      %parallel_loop3A_125 = arith.constant 10 : i32
      %parallel_loop3A_126 = vector.broadcast %parallel_loop3A_125 : i32 to vector<16xi32>
      %parallel_loop3A_127 = arith.shli %parallel_loop3A_124, %parallel_loop3A_126 : vector<16xi32>
      %parallel_loop3A_128 = arith.ori %parallel_loop3A_121, %parallel_loop3A_127 : vector<16xi32>
      %parallel_loop3A_129 = arith.constant 6 : i32
      %parallel_loop3A_130 = vector.broadcast %parallel_loop3A_129 : i32 to vector<16xi32>
      %parallel_loop3A_131 = arith.shrsi %parallel_loop3A_112, %parallel_loop3A_130 : vector<16xi32>
      %parallel_loop3A_132 = arith.constant 16 : i32
      %parallel_loop3A_133 = vector.broadcast %parallel_loop3A_132 : i32 to vector<16xi32>
      %parallel_loop3A_134 = arith.shli %parallel_loop3A_131, %parallel_loop3A_133 : vector<16xi32>
      %parallel_loop3A_135 = arith.ori %parallel_loop3A_128, %parallel_loop3A_134 : vector<16xi32>
      %parallel_loop3A_136 = arith.constant 21 : i32
      %parallel_loop3A_137 = vector.broadcast %parallel_loop3A_136 : i32 to vector<16xi32>
      %parallel_loop3A_138 = arith.shli %parallel_loop3A_115, %parallel_loop3A_137 : vector<16xi32>
      %parallel_loop3A_139 = arith.ori %parallel_loop3A_135, %parallel_loop3A_138 : vector<16xi32>
      %parallel_loop3A_140 = arith.constant 128 : i32
      %parallel_loop3A_141 = arith.muli %parallel_loop3A_16, %parallel_loop3A_140 : i32
      %parallel_loop3A_142 = arith.constant 32 : i32
      %parallel_loop3A_143 = arith.addi %parallel_loop3A_141, %parallel_loop3A_142 : i32
      %parallel_loop3A_144 = arith.index_cast %parallel_loop3A_143 : i32 to index
      %parallel_loop3A_145 = tpu.vector_load %arg12[%parallel_loop3A_144] {strides = array<i32>} : memref<8192xi32, #tpu.memory_space<vmem>>, vector<16xi32>,
      tpu.vector_store %arg12[%parallel_loop3A_144], %parallel_loop3A_139 {strides = array<i32>} : memref<8192xi32, #tpu.memory_space<vmem>>, vector<16xi32>,
      %parallel_loop3A_146 = arith.constant 128 : i32
      %parallel_loop3A_147 = arith.muli %parallel_loop3A_16, %parallel_loop3A_146 : i32
      %parallel_loop3A_148 = arith.constant 48 : i32
      %parallel_loop3A_149 = arith.addi %parallel_loop3A_147, %parallel_loop3A_148 : i32
      %parallel_loop3A_150 = arith.index_cast %parallel_loop3A_149 : i32 to index
      %parallel_loop3A_151 = tpu.vector_load %arg10[%parallel_loop3A_150] {strides = array<i32>} : memref<8192xi32, #tpu.memory_space<vmem>>, vector<16xi32>,
      %parallel_loop3A_152 = tpu.vector_load_idx %arg9[%parallel_loop3A_151] : memref<65536xi32, #tpu.memory_space<vmem>>[vector<16xi32>], vector<16xi32>,
      %parallel_loop3A_153 = arith.constant 65535 : i32
      %parallel_loop3A_154 = vector.broadcast %parallel_loop3A_153 : i32 to vector<16xi32>
      %parallel_loop3A_155 = arith.andi %parallel_loop3A_152, %parallel_loop3A_154 : vector<16xi32>
      %parallel_loop3A_156 = arith.constant 16 : i32
      %parallel_loop3A_157 = vector.broadcast %parallel_loop3A_156 : i32 to vector<16xi32>
      %parallel_loop3A_158 = arith.shrsi %parallel_loop3A_152, %parallel_loop3A_157 : vector<16xi32>
      %parallel_loop3A_159 = arith.constant 128 : i32
      %parallel_loop3A_160 = arith.muli %parallel_loop3A_16, %parallel_loop3A_159 : i32
      %parallel_loop3A_161 = arith.constant 48 : i32
      %parallel_loop3A_162 = arith.addi %parallel_loop3A_160, %parallel_loop3A_161 : i32
      %parallel_loop3A_163 = arith.index_cast %parallel_loop3A_162 : i32 to index
      %parallel_loop3A_164 = tpu.vector_load %arg11[%parallel_loop3A_163] {strides = array<i32>} : memref<8192xi32, #tpu.memory_space<vmem>>, vector<16xi32>,
      %parallel_loop3A_165 = arith.constant 63 : i32
      %parallel_loop3A_166 = vector.broadcast %parallel_loop3A_165 : i32 to vector<16xi32>
      %parallel_loop3A_167 = arith.andi %parallel_loop3A_155, %parallel_loop3A_166 : vector<16xi32>
      %parallel_loop3A_168 = arith.constant 10 : i32
      %parallel_loop3A_169 = vector.broadcast %parallel_loop3A_168 : i32 to vector<16xi32>
      %parallel_loop3A_170 = arith.shli %parallel_loop3A_167, %parallel_loop3A_169 : vector<16xi32>
      %parallel_loop3A_171 = arith.ori %parallel_loop3A_164, %parallel_loop3A_170 : vector<16xi32>
      %parallel_loop3A_172 = arith.constant 6 : i32
      %parallel_loop3A_173 = vector.broadcast %parallel_loop3A_172 : i32 to vector<16xi32>
      %parallel_loop3A_174 = arith.shrsi %parallel_loop3A_155, %parallel_loop3A_173 : vector<16xi32>
      %parallel_loop3A_175 = arith.constant 16 : i32
      %parallel_loop3A_176 = vector.broadcast %parallel_loop3A_175 : i32 to vector<16xi32>
      %parallel_loop3A_177 = arith.shli %parallel_loop3A_174, %parallel_loop3A_176 : vector<16xi32>
      %parallel_loop3A_178 = arith.ori %parallel_loop3A_171, %parallel_loop3A_177 : vector<16xi32>
      %parallel_loop3A_179 = arith.constant 21 : i32
      %parallel_loop3A_180 = vector.broadcast %parallel_loop3A_179 : i32 to vector<16xi32>
      %parallel_loop3A_181 = arith.shli %parallel_loop3A_158, %parallel_loop3A_180 : vector<16xi32>
      %parallel_loop3A_182 = arith.ori %parallel_loop3A_178, %parallel_loop3A_181 : vector<16xi32>
      %parallel_loop3A_183 = arith.constant 128 : i32
      %parallel_loop3A_184 = arith.muli %parallel_loop3A_16, %parallel_loop3A_183 : i32
      %parallel_loop3A_185 = arith.constant 48 : i32
      %parallel_loop3A_186 = arith.addi %parallel_loop3A_184, %parallel_loop3A_185 : i32
      %parallel_loop3A_187 = arith.index_cast %parallel_loop3A_186 : i32 to index
      %parallel_loop3A_188 = tpu.vector_load %arg12[%parallel_loop3A_187] {strides = array<i32>} : memref<8192xi32, #tpu.memory_space<vmem>>, vector<16xi32>,
      tpu.vector_store %arg12[%parallel_loop3A_187], %parallel_loop3A_182 {strides = array<i32>} : memref<8192xi32, #tpu.memory_space<vmem>>, vector<16xi32>,
      %parallel_loop3A_189 = arith.constant 128 : i32
      %parallel_loop3A_190 = arith.muli %parallel_loop3A_16, %parallel_loop3A_189 : i32
      %parallel_loop3A_191 = arith.constant 64 : i32
      %parallel_loop3A_192 = arith.addi %parallel_loop3A_190, %parallel_loop3A_191 : i32
      %parallel_loop3A_193 = arith.index_cast %parallel_loop3A_192 : i32 to index
      %parallel_loop3A_194 = tpu.vector_load %arg10[%parallel_loop3A_193] {strides = array<i32>} : memref<8192xi32, #tpu.memory_space<vmem>>, vector<16xi32>,
      %parallel_loop3A_195 = tpu.vector_load_idx %arg9[%parallel_loop3A_194] : memref<65536xi32, #tpu.memory_space<vmem>>[vector<16xi32>], vector<16xi32>,
      %parallel_loop3A_196 = arith.constant 65535 : i32
      %parallel_loop3A_197 = vector.broadcast %parallel_loop3A_196 : i32 to vector<16xi32>
      %parallel_loop3A_198 = arith.andi %parallel_loop3A_195, %parallel_loop3A_197 : vector<16xi32>
      %parallel_loop3A_199 = arith.constant 16 : i32
      %parallel_loop3A_200 = vector.broadcast %parallel_loop3A_199 : i32 to vector<16xi32>
      %parallel_loop3A_201 = arith.shrsi %parallel_loop3A_195, %parallel_loop3A_200 : vector<16xi32>
      %parallel_loop3A_202 = arith.constant 128 : i32
      %parallel_loop3A_203 = arith.muli %parallel_loop3A_16, %parallel_loop3A_202 : i32
      %parallel_loop3A_204 = arith.constant 64 : i32
      %parallel_loop3A_205 = arith.addi %parallel_loop3A_203, %parallel_loop3A_204 : i32
      %parallel_loop3A_206 = arith.index_cast %parallel_loop3A_205 : i32 to index
      %parallel_loop3A_207 = tpu.vector_load %arg11[%parallel_loop3A_206] {strides = array<i32>} : memref<8192xi32, #tpu.memory_space<vmem>>, vector<16xi32>,
      %parallel_loop3A_208 = arith.constant 63 : i32
      %parallel_loop3A_209 = vector.broadcast %parallel_loop3A_208 : i32 to vector<16xi32>
      %parallel_loop3A_210 = arith.andi %parallel_loop3A_198, %parallel_loop3A_209 : vector<16xi32>
      %parallel_loop3A_211 = arith.constant 10 : i32
      %parallel_loop3A_212 = vector.broadcast %parallel_loop3A_211 : i32 to vector<16xi32>
      %parallel_loop3A_213 = arith.shli %parallel_loop3A_210, %parallel_loop3A_212 : vector<16xi32>
      %parallel_loop3A_214 = arith.ori %parallel_loop3A_207, %parallel_loop3A_213 : vector<16xi32>
      %parallel_loop3A_215 = arith.constant 6 : i32
      %parallel_loop3A_216 = vector.broadcast %parallel_loop3A_215 : i32 to vector<16xi32>
      %parallel_loop3A_217 = arith.shrsi %parallel_loop3A_198, %parallel_loop3A_216 : vector<16xi32>
      %parallel_loop3A_218 = arith.constant 16 : i32
      %parallel_loop3A_219 = vector.broadcast %parallel_loop3A_218 : i32 to vector<16xi32>
      %parallel_loop3A_220 = arith.shli %parallel_loop3A_217, %parallel_loop3A_219 : vector<16xi32>
      %parallel_loop3A_221 = arith.ori %parallel_loop3A_214, %parallel_loop3A_220 : vector<16xi32>
      %parallel_loop3A_222 = arith.constant 21 : i32
      %parallel_loop3A_223 = vector.broadcast %parallel_loop3A_222 : i32 to vector<16xi32>
      %parallel_loop3A_224 = arith.shli %parallel_loop3A_201, %parallel_loop3A_223 : vector<16xi32>
      %parallel_loop3A_225 = arith.ori %parallel_loop3A_221, %parallel_loop3A_224 : vector<16xi32>
      %parallel_loop3A_226 = arith.constant 128 : i32
      %parallel_loop3A_227 = arith.muli %parallel_loop3A_16, %parallel_loop3A_226 : i32
      %parallel_loop3A_228 = arith.constant 64 : i32
      %parallel_loop3A_229 = arith.addi %parallel_loop3A_227, %parallel_loop3A_228 : i32
      %parallel_loop3A_230 = arith.index_cast %parallel_loop3A_229 : i32 to index
      %parallel_loop3A_231 = tpu.vector_load %arg12[%parallel_loop3A_230] {strides = array<i32>} : memref<8192xi32, #tpu.memory_space<vmem>>, vector<16xi32>,
      tpu.vector_store %arg12[%parallel_loop3A_230], %parallel_loop3A_225 {strides = array<i32>} : memref<8192xi32, #tpu.memory_space<vmem>>, vector<16xi32>,
      %parallel_loop3A_232 = arith.constant 128 : i32
      %parallel_loop3A_233 = arith.muli %parallel_loop3A_16, %parallel_loop3A_232 : i32
      %parallel_loop3A_234 = arith.constant 80 : i32
      %parallel_loop3A_235 = arith.addi %parallel_loop3A_233, %parallel_loop3A_234 : i32
      %parallel_loop3A_236 = arith.index_cast %parallel_loop3A_235 : i32 to index
      %parallel_loop3A_237 = tpu.vector_load %arg10[%parallel_loop3A_236] {strides = array<i32>} : memref<8192xi32, #tpu.memory_space<vmem>>, vector<16xi32>,
      %parallel_loop3A_238 = tpu.vector_load_idx %arg9[%parallel_loop3A_237] : memref<65536xi32, #tpu.memory_space<vmem>>[vector<16xi32>], vector<16xi32>,
      %parallel_loop3A_239 = arith.constant 65535 : i32
      %parallel_loop3A_240 = vector.broadcast %parallel_loop3A_239 : i32 to vector<16xi32>
      %parallel_loop3A_241 = arith.andi %parallel_loop3A_238, %parallel_loop3A_240 : vector<16xi32>
      %parallel_loop3A_242 = arith.constant 16 : i32
      %parallel_loop3A_243 = vector.broadcast %parallel_loop3A_242 : i32 to vector<16xi32>
      %parallel_loop3A_244 = arith.shrsi %parallel_loop3A_238, %parallel_loop3A_243 : vector<16xi32>
      %parallel_loop3A_245 = arith.constant 128 : i32
      %parallel_loop3A_246 = arith.muli %parallel_loop3A_16, %parallel_loop3A_245 : i32
      %parallel_loop3A_247 = arith.constant 80 : i32
      %parallel_loop3A_248 = arith.addi %parallel_loop3A_246, %parallel_loop3A_247 : i32
      %parallel_loop3A_249 = arith.index_cast %parallel_loop3A_248 : i32 to index
      %parallel_loop3A_250 = tpu.vector_load %arg11[%parallel_loop3A_249] {strides = array<i32>} : memref<8192xi32, #tpu.memory_space<vmem>>, vector<16xi32>,
      %parallel_loop3A_251 = arith.constant 63 : i32
      %parallel_loop3A_252 = vector.broadcast %parallel_loop3A_251 : i32 to vector<16xi32>
      %parallel_loop3A_253 = arith.andi %parallel_loop3A_241, %parallel_loop3A_252 : vector<16xi32>
      %parallel_loop3A_254 = arith.constant 10 : i32
      %parallel_loop3A_255 = vector.broadcast %parallel_loop3A_254 : i32 to vector<16xi32>
      %parallel_loop3A_256 = arith.shli %parallel_loop3A_253, %parallel_loop3A_255 : vector<16xi32>
      %parallel_loop3A_257 = arith.ori %parallel_loop3A_250, %parallel_loop3A_256 : vector<16xi32>
      %parallel_loop3A_258 = arith.constant 6 : i32
      %parallel_loop3A_259 = vector.broadcast %parallel_loop3A_258 : i32 to vector<16xi32>
      %parallel_loop3A_260 = arith.shrsi %parallel_loop3A_241, %parallel_loop3A_259 : vector<16xi32>
      %parallel_loop3A_261 = arith.constant 16 : i32
      %parallel_loop3A_262 = vector.broadcast %parallel_loop3A_261 : i32 to vector<16xi32>
      %parallel_loop3A_263 = arith.shli %parallel_loop3A_260, %parallel_loop3A_262 : vector<16xi32>
      %parallel_loop3A_264 = arith.ori %parallel_loop3A_257, %parallel_loop3A_263 : vector<16xi32>
      %parallel_loop3A_265 = arith.constant 21 : i32
      %parallel_loop3A_266 = vector.broadcast %parallel_loop3A_265 : i32 to vector<16xi32>
      %parallel_loop3A_267 = arith.shli %parallel_loop3A_244, %parallel_loop3A_266 : vector<16xi32>
      %parallel_loop3A_268 = arith.ori %parallel_loop3A_264, %parallel_loop3A_267 : vector<16xi32>
      %parallel_loop3A_269 = arith.constant 128 : i32
      %parallel_loop3A_270 = arith.muli %parallel_loop3A_16, %parallel_loop3A_269 : i32
      %parallel_loop3A_271 = arith.constant 80 : i32
      %parallel_loop3A_272 = arith.addi %parallel_loop3A_270, %parallel_loop3A_271 : i32
      %parallel_loop3A_273 = arith.index_cast %parallel_loop3A_272 : i32 to index
      %parallel_loop3A_274 = tpu.vector_load %arg12[%parallel_loop3A_273] {strides = array<i32>} : memref<8192xi32, #tpu.memory_space<vmem>>, vector<16xi32>,
      tpu.vector_store %arg12[%parallel_loop3A_273], %parallel_loop3A_268 {strides = array<i32>} : memref<8192xi32, #tpu.memory_space<vmem>>, vector<16xi32>,
      %parallel_loop3A_275 = arith.constant 128 : i32
      %parallel_loop3A_276 = arith.muli %parallel_loop3A_16, %parallel_loop3A_275 : i32
      %parallel_loop3A_277 = arith.constant 96 : i32
      %parallel_loop3A_278 = arith.addi %parallel_loop3A_276, %parallel_loop3A_277 : i32
      %parallel_loop3A_279 = arith.index_cast %parallel_loop3A_278 : i32 to index
      %parallel_loop3A_280 = tpu.vector_load %arg10[%parallel_loop3A_279] {strides = array<i32>} : memref<8192xi32, #tpu.memory_space<vmem>>, vector<16xi32>,
      %parallel_loop3A_281 = tpu.vector_load_idx %arg9[%parallel_loop3A_280] : memref<65536xi32, #tpu.memory_space<vmem>>[vector<16xi32>], vector<16xi32>,
      %parallel_loop3A_282 = arith.constant 65535 : i32
      %parallel_loop3A_283 = vector.broadcast %parallel_loop3A_282 : i32 to vector<16xi32>
      %parallel_loop3A_284 = arith.andi %parallel_loop3A_281, %parallel_loop3A_283 : vector<16xi32>
      %parallel_loop3A_285 = arith.constant 16 : i32
      %parallel_loop3A_286 = vector.broadcast %parallel_loop3A_285 : i32 to vector<16xi32>
      %parallel_loop3A_287 = arith.shrsi %parallel_loop3A_281, %parallel_loop3A_286 : vector<16xi32>
      %parallel_loop3A_288 = arith.constant 128 : i32
      %parallel_loop3A_289 = arith.muli %parallel_loop3A_16, %parallel_loop3A_288 : i32
      %parallel_loop3A_290 = arith.constant 96 : i32
      %parallel_loop3A_291 = arith.addi %parallel_loop3A_289, %parallel_loop3A_290 : i32
      %parallel_loop3A_292 = arith.index_cast %parallel_loop3A_291 : i32 to index
      %parallel_loop3A_293 = tpu.vector_load %arg11[%parallel_loop3A_292] {strides = array<i32>} : memref<8192xi32, #tpu.memory_space<vmem>>, vector<16xi32>,
      %parallel_loop3A_294 = arith.constant 63 : i32
      %parallel_loop3A_295 = vector.broadcast %parallel_loop3A_294 : i32 to vector<16xi32>
      %parallel_loop3A_296 = arith.andi %parallel_loop3A_284, %parallel_loop3A_295 : vector<16xi32>
      %parallel_loop3A_297 = arith.constant 10 : i32
      %parallel_loop3A_298 = vector.broadcast %parallel_loop3A_297 : i32 to vector<16xi32>
      %parallel_loop3A_299 = arith.shli %parallel_loop3A_296, %parallel_loop3A_298 : vector<16xi32>
      %parallel_loop3A_300 = arith.ori %parallel_loop3A_293, %parallel_loop3A_299 : vector<16xi32>
      %parallel_loop3A_301 = arith.constant 6 : i32
      %parallel_loop3A_302 = vector.broadcast %parallel_loop3A_301 : i32 to vector<16xi32>
      %parallel_loop3A_303 = arith.shrsi %parallel_loop3A_284, %parallel_loop3A_302 : vector<16xi32>
      %parallel_loop3A_304 = arith.constant 16 : i32
      %parallel_loop3A_305 = vector.broadcast %parallel_loop3A_304 : i32 to vector<16xi32>
      %parallel_loop3A_306 = arith.shli %parallel_loop3A_303, %parallel_loop3A_305 : vector<16xi32>
      %parallel_loop3A_307 = arith.ori %parallel_loop3A_300, %parallel_loop3A_306 : vector<16xi32>
      %parallel_loop3A_308 = arith.constant 21 : i32
      %parallel_loop3A_309 = vector.broadcast %parallel_loop3A_308 : i32 to vector<16xi32>
      %parallel_loop3A_310 = arith.shli %parallel_loop3A_287, %parallel_loop3A_309 : vector<16xi32>
      %parallel_loop3A_311 = arith.ori %parallel_loop3A_307, %parallel_loop3A_310 : vector<16xi32>
      %parallel_loop3A_312 = arith.constant 128 : i32
      %parallel_loop3A_313 = arith.muli %parallel_loop3A_16, %parallel_loop3A_312 : i32
      %parallel_loop3A_314 = arith.constant 96 : i32
      %parallel_loop3A_315 = arith.addi %parallel_loop3A_313, %parallel_loop3A_314 : i32
      %parallel_loop3A_316 = arith.index_cast %parallel_loop3A_315 : i32 to index
      %parallel_loop3A_317 = tpu.vector_load %arg12[%parallel_loop3A_316] {strides = array<i32>} : memref<8192xi32, #tpu.memory_space<vmem>>, vector<16xi32>,
      tpu.vector_store %arg12[%parallel_loop3A_316], %parallel_loop3A_311 {strides = array<i32>} : memref<8192xi32, #tpu.memory_space<vmem>>, vector<16xi32>,
      %parallel_loop3A_318 = arith.constant 128 : i32
      %parallel_loop3A_319 = arith.muli %parallel_loop3A_16, %parallel_loop3A_318 : i32
      %parallel_loop3A_320 = arith.constant 112 : i32
      %parallel_loop3A_321 = arith.addi %parallel_loop3A_319, %parallel_loop3A_320 : i32
      %parallel_loop3A_322 = arith.index_cast %parallel_loop3A_321 : i32 to index
      %parallel_loop3A_323 = tpu.vector_load %arg10[%parallel_loop3A_322] {strides = array<i32>} : memref<8192xi32, #tpu.memory_space<vmem>>, vector<16xi32>,
      %parallel_loop3A_324 = tpu.vector_load_idx %arg9[%parallel_loop3A_323] : memref<65536xi32, #tpu.memory_space<vmem>>[vector<16xi32>], vector<16xi32>,
      %parallel_loop3A_325 = arith.constant 65535 : i32
      %parallel_loop3A_326 = vector.broadcast %parallel_loop3A_325 : i32 to vector<16xi32>
      %parallel_loop3A_327 = arith.andi %parallel_loop3A_324, %parallel_loop3A_326 : vector<16xi32>
      %parallel_loop3A_328 = arith.constant 16 : i32
      %parallel_loop3A_329 = vector.broadcast %parallel_loop3A_328 : i32 to vector<16xi32>
      %parallel_loop3A_330 = arith.shrsi %parallel_loop3A_324, %parallel_loop3A_329 : vector<16xi32>
      %parallel_loop3A_331 = arith.constant 128 : i32
      %parallel_loop3A_332 = arith.muli %parallel_loop3A_16, %parallel_loop3A_331 : i32
      %parallel_loop3A_333 = arith.constant 112 : i32
      %parallel_loop3A_334 = arith.addi %parallel_loop3A_332, %parallel_loop3A_333 : i32
      %parallel_loop3A_335 = arith.index_cast %parallel_loop3A_334 : i32 to index
      %parallel_loop3A_336 = tpu.vector_load %arg11[%parallel_loop3A_335] {strides = array<i32>} : memref<8192xi32, #tpu.memory_space<vmem>>, vector<16xi32>,
      %parallel_loop3A_337 = arith.constant 63 : i32
      %parallel_loop3A_338 = vector.broadcast %parallel_loop3A_337 : i32 to vector<16xi32>
      %parallel_loop3A_339 = arith.andi %parallel_loop3A_327, %parallel_loop3A_338 : vector<16xi32>
      %parallel_loop3A_340 = arith.constant 10 : i32
      %parallel_loop3A_341 = vector.broadcast %parallel_loop3A_340 : i32 to vector<16xi32>
      %parallel_loop3A_342 = arith.shli %parallel_loop3A_339, %parallel_loop3A_341 : vector<16xi32>
      %parallel_loop3A_343 = arith.ori %parallel_loop3A_336, %parallel_loop3A_342 : vector<16xi32>
      %parallel_loop3A_344 = arith.constant 6 : i32
      %parallel_loop3A_345 = vector.broadcast %parallel_loop3A_344 : i32 to vector<16xi32>
      %parallel_loop3A_346 = arith.shrsi %parallel_loop3A_327, %parallel_loop3A_345 : vector<16xi32>
      %parallel_loop3A_347 = arith.constant 16 : i32
      %parallel_loop3A_348 = vector.broadcast %parallel_loop3A_347 : i32 to vector<16xi32>
      %parallel_loop3A_349 = arith.shli %parallel_loop3A_346, %parallel_loop3A_348 : vector<16xi32>
      %parallel_loop3A_350 = arith.ori %parallel_loop3A_343, %parallel_loop3A_349 : vector<16xi32>
      %parallel_loop3A_351 = arith.constant 21 : i32
      %parallel_loop3A_352 = vector.broadcast %parallel_loop3A_351 : i32 to vector<16xi32>
      %parallel_loop3A_353 = arith.shli %parallel_loop3A_330, %parallel_loop3A_352 : vector<16xi32>
      %parallel_loop3A_354 = arith.ori %parallel_loop3A_350, %parallel_loop3A_353 : vector<16xi32>
      %parallel_loop3A_355 = arith.constant 128 : i32
      %parallel_loop3A_356 = arith.muli %parallel_loop3A_16, %parallel_loop3A_355 : i32
      %parallel_loop3A_357 = arith.constant 112 : i32
      %parallel_loop3A_358 = arith.addi %parallel_loop3A_356, %parallel_loop3A_357 : i32
      %parallel_loop3A_359 = arith.index_cast %parallel_loop3A_358 : i32 to index
      %parallel_loop3A_360 = tpu.vector_load %arg12[%parallel_loop3A_359] {strides = array<i32>} : memref<8192xi32, #tpu.memory_space<vmem>>, vector<16xi32>,
      tpu.vector_store %arg12[%parallel_loop3A_359], %parallel_loop3A_354 {strides = array<i32>} : memref<8192xi32, #tpu.memory_space<vmem>>, vector<16xi32>,
    } {sc.loop_unroll_factor = 2 : i64, sc.parallel_access}
    "tpu.region"() ({
      %run_scoped3A = tpu.sem_alloc : memref<!tpu.dma_semaphore, #tpu.memory_space<semaphore_mem>>
      %dma_start3A = tpu.memref_slice %arg7[%mul3A_8] : memref<262144xi32, #tpu.memory_space<hbm>> -> memref<8192xi32, #tpu.memory_space<hbm>>
      %dma_start3A_16 = tpu.memref_slice %arg7[%mul3A_8] : memref<262144xi32, #tpu.memory_space<hbm>> -> memref<8192xi32, #tpu.memory_space<hbm>>
      tpu.enqueue_dma source(%arg12 : memref<8192xi32, #tpu.memory_space<vmem>>) target(%dma_start3A_16 : memref<8192xi32, #tpu.memory_space<hbm>>) target_semaphore(%run_scoped3A : memref<!tpu.dma_semaphore, #tpu.memory_space<semaphore_mem>>)
      %dma_wait3A = tpu.memref_slice %arg7[%mul3A_8] : memref<262144xi32, #tpu.memory_space<hbm>> -> memref<8192xi32, #tpu.memory_space<hbm>>
      %dma_wait3A_17 = tpu.memref_slice %arg7[%mul3A_8] : memref<262144xi32, #tpu.memory_space<hbm>> -> memref<8192xi32, #tpu.memory_space<hbm>>
      tpu.wait_dma2 semaphore(%run_scoped3A : memref<!tpu.dma_semaphore, #tpu.memory_space<semaphore_mem>>) src(%arg12 : memref<8192xi32, #tpu.memory_space<vmem>>) dst(%dma_wait3A_17 : memref<8192xi32, #tpu.memory_space<hbm>>)
      tpu.yield
    }) : () -> ()
    %mul3A_11 = arith.constant 2048 : i32
    %mul3A_12 = arith.muli %add3A, %mul3A_11 : i32
    "tpu.region"() ({
      %run_scoped3A = tpu.sem_alloc : memref<!tpu.dma_semaphore, #tpu.memory_space<semaphore_mem>>
      %dma_start3A = arith.constant 0 : i32
      %dma_start3A_16 = tpu.memref_slice %arg10[%dma_start3A] : memref<8192xi32, #tpu.memory_space<vmem>> -> memref<2048xi32, #tpu.memory_space<vmem>>
      %dma_start3A_17 = tpu.memref_slice %arg2[%mul3A_12] : memref<65536xi32, #tpu.memory_space<hbm>> -> memref<2048xi32, #tpu.memory_space<hbm>>
      %dma_start3A_18 = arith.constant 0 : i32
      %dma_start3A_19 = tpu.memref_slice %arg10[%dma_start3A_18] : memref<8192xi32, #tpu.memory_space<vmem>> -> memref<2048xi32, #tpu.memory_space<vmem>>
      %dma_start3A_20 = tpu.memref_slice %arg2[%mul3A_12] : memref<65536xi32, #tpu.memory_space<hbm>> -> memref<2048xi32, #tpu.memory_space<hbm>>
      tpu.enqueue_dma source(%dma_start3A_20 : memref<2048xi32, #tpu.memory_space<hbm>>) target(%dma_start3A_19 : memref<2048xi32, #tpu.memory_space<vmem>>) target_semaphore(%run_scoped3A : memref<!tpu.dma_semaphore, #tpu.memory_space<semaphore_mem>>)
      %dma_wait3A = arith.constant 0 : i32
      %dma_wait3A_21 = tpu.memref_slice %arg10[%dma_wait3A] : memref<8192xi32, #tpu.memory_space<vmem>> -> memref<2048xi32, #tpu.memory_space<vmem>>
      %dma_wait3A_22 = tpu.memref_slice %arg2[%mul3A_12] : memref<65536xi32, #tpu.memory_space<hbm>> -> memref<2048xi32, #tpu.memory_space<hbm>>
      %dma_wait3A_23 = arith.constant 0 : i32
      %dma_wait3A_24 = tpu.memref_slice %arg10[%dma_wait3A_23] : memref<8192xi32, #tpu.memory_space<vmem>> -> memref<2048xi32, #tpu.memory_space<vmem>>
      %dma_wait3A_25 = tpu.memref_slice %arg2[%mul3A_12] : memref<65536xi32, #tpu.memory_space<hbm>> -> memref<2048xi32, #tpu.memory_space<hbm>>
      tpu.wait_dma2 semaphore(%run_scoped3A : memref<!tpu.dma_semaphore, #tpu.memory_space<semaphore_mem>>) src(%dma_wait3A_25 : memref<2048xi32, #tpu.memory_space<hbm>>) dst(%dma_wait3A_24 : memref<2048xi32, #tpu.memory_space<vmem>>)
      tpu.yield
    }) : () -> ()
    "tpu.region"() ({
      %run_scoped3A = tpu.sem_alloc : memref<!tpu.dma_semaphore, #tpu.memory_space<semaphore_mem>>
      %dma_start3A = arith.constant 0 : i32
      %dma_start3A_16 = tpu.memref_slice %arg11[%dma_start3A] : memref<8192xi32, #tpu.memory_space<vmem>> -> memref<2048xi32, #tpu.memory_space<vmem>>
      %dma_start3A_17 = tpu.memref_slice %arg6[%mul3A_12] : memref<65536xi32, #tpu.memory_space<hbm>> -> memref<2048xi32, #tpu.memory_space<hbm>>
      %dma_start3A_18 = arith.constant 0 : i32
      %dma_start3A_19 = tpu.memref_slice %arg11[%dma_start3A_18] : memref<8192xi32, #tpu.memory_space<vmem>> -> memref<2048xi32, #tpu.memory_space<vmem>>
      %dma_start3A_20 = tpu.memref_slice %arg6[%mul3A_12] : memref<65536xi32, #tpu.memory_space<hbm>> -> memref<2048xi32, #tpu.memory_space<hbm>>
      tpu.enqueue_dma source(%dma_start3A_20 : memref<2048xi32, #tpu.memory_space<hbm>>) target(%dma_start3A_19 : memref<2048xi32, #tpu.memory_space<vmem>>) target_semaphore(%run_scoped3A : memref<!tpu.dma_semaphore, #tpu.memory_space<semaphore_mem>>)
      %dma_wait3A = arith.constant 0 : i32
      %dma_wait3A_21 = tpu.memref_slice %arg11[%dma_wait3A] : memref<8192xi32, #tpu.memory_space<vmem>> -> memref<2048xi32, #tpu.memory_space<vmem>>
      %dma_wait3A_22 = tpu.memref_slice %arg6[%mul3A_12] : memref<65536xi32, #tpu.memory_space<hbm>> -> memref<2048xi32, #tpu.memory_space<hbm>>
      %dma_wait3A_23 = arith.constant 0 : i32
      %dma_wait3A_24 = tpu.memref_slice %arg11[%dma_wait3A_23] : memref<8192xi32, #tpu.memory_space<vmem>> -> memref<2048xi32, #tpu.memory_space<vmem>>
      %dma_wait3A_25 = tpu.memref_slice %arg6[%mul3A_12] : memref<65536xi32, #tpu.memory_space<hbm>> -> memref<2048xi32, #tpu.memory_space<hbm>>
      tpu.wait_dma2 semaphore(%run_scoped3A : memref<!tpu.dma_semaphore, #tpu.memory_space<semaphore_mem>>) src(%dma_wait3A_25 : memref<2048xi32, #tpu.memory_space<hbm>>) dst(%dma_wait3A_24 : memref<2048xi32, #tpu.memory_space<vmem>>)
      tpu.yield
    }) : () -> ()
    %parallel_loop3A_13 = arith.constant 0 : i32
    %parallel_loop3A_14 = arith.constant 16 : i32
    %parallel_loop3A_15 = arith.constant 1 : i32
    scf.for %parallel_loop3A_16 = %parallel_loop3A_13 to %parallel_loop3A_14 step %parallel_loop3A_15  : i32 {
      %parallel_loop3A_17 = arith.constant 128 : i32
      %parallel_loop3A_18 = arith.muli %parallel_loop3A_16, %parallel_loop3A_17 : i32
      %parallel_loop3A_19 = arith.constant 0 : i32
      %parallel_loop3A_20 = arith.addi %parallel_loop3A_18, %parallel_loop3A_19 : i32
      %parallel_loop3A_21 = arith.index_cast %parallel_loop3A_20 : i32 to index
      %parallel_loop3A_22 = tpu.vector_load %arg10[%parallel_loop3A_21] {strides = array<i32>} : memref<8192xi32, #tpu.memory_space<vmem>>, vector<16xi32>,
      %parallel_loop3A_23 = arith.constant 128 : i32
      %parallel_loop3A_24 = arith.muli %parallel_loop3A_16, %parallel_loop3A_23 : i32
      %parallel_loop3A_25 = arith.constant 0 : i32
      %parallel_loop3A_26 = arith.addi %parallel_loop3A_24, %parallel_loop3A_25 : i32
      %parallel_loop3A_27 = arith.index_cast %parallel_loop3A_26 : i32 to index
      %parallel_loop3A_28 = tpu.vector_load %arg11[%parallel_loop3A_27] {strides = array<i32>} : memref<8192xi32, #tpu.memory_space<vmem>>, vector<16xi32>,
      %parallel_loop3A_29 = arith.constant 63 : i32
      %parallel_loop3A_30 = vector.broadcast %parallel_loop3A_29 : i32 to vector<16xi32>
      %parallel_loop3A_31 = arith.andi %parallel_loop3A_22, %parallel_loop3A_30 : vector<16xi32>
      %parallel_loop3A_32 = arith.constant 10 : i32
      %parallel_loop3A_33 = vector.broadcast %parallel_loop3A_32 : i32 to vector<16xi32>
      %parallel_loop3A_34 = arith.shli %parallel_loop3A_31, %parallel_loop3A_33 : vector<16xi32>
      %parallel_loop3A_35 = arith.ori %parallel_loop3A_28, %parallel_loop3A_34 : vector<16xi32>
      %parallel_loop3A_36 = arith.constant 6 : i32
      %parallel_loop3A_37 = vector.broadcast %parallel_loop3A_36 : i32 to vector<16xi32>
      %parallel_loop3A_38 = arith.shrsi %parallel_loop3A_22, %parallel_loop3A_37 : vector<16xi32>
      %parallel_loop3A_39 = arith.constant 16 : i32
      %parallel_loop3A_40 = vector.broadcast %parallel_loop3A_39 : i32 to vector<16xi32>
      %parallel_loop3A_41 = arith.shli %parallel_loop3A_38, %parallel_loop3A_40 : vector<16xi32>
      %parallel_loop3A_42 = arith.ori %parallel_loop3A_35, %parallel_loop3A_41 : vector<16xi32>
      %parallel_loop3A_43 = arith.constant 128 : i32
      %parallel_loop3A_44 = arith.muli %parallel_loop3A_16, %parallel_loop3A_43 : i32
      %parallel_loop3A_45 = arith.constant 0 : i32
      %parallel_loop3A_46 = arith.addi %parallel_loop3A_44, %parallel_loop3A_45 : i32
      %parallel_loop3A_47 = arith.index_cast %parallel_loop3A_46 : i32 to index
      %parallel_loop3A_48 = tpu.vector_load %arg12[%parallel_loop3A_47] {strides = array<i32>} : memref<8192xi32, #tpu.memory_space<vmem>>, vector<16xi32>,
      tpu.vector_store %arg12[%parallel_loop3A_47], %parallel_loop3A_42 {strides = array<i32>} : memref<8192xi32, #tpu.memory_space<vmem>>, vector<16xi32>,
      %parallel_loop3A_49 = arith.constant 128 : i32
      %parallel_loop3A_50 = arith.muli %parallel_loop3A_16, %parallel_loop3A_49 : i32
      %parallel_loop3A_51 = arith.constant 16 : i32
      %parallel_loop3A_52 = arith.addi %parallel_loop3A_50, %parallel_loop3A_51 : i32
      %parallel_loop3A_53 = arith.index_cast %parallel_loop3A_52 : i32 to index
      %parallel_loop3A_54 = tpu.vector_load %arg10[%parallel_loop3A_53] {strides = array<i32>} : memref<8192xi32, #tpu.memory_space<vmem>>, vector<16xi32>,
      %parallel_loop3A_55 = arith.constant 128 : i32
      %parallel_loop3A_56 = arith.muli %parallel_loop3A_16, %parallel_loop3A_55 : i32
      %parallel_loop3A_57 = arith.constant 16 : i32
      %parallel_loop3A_58 = arith.addi %parallel_loop3A_56, %parallel_loop3A_57 : i32
      %parallel_loop3A_59 = arith.index_cast %parallel_loop3A_58 : i32 to index
      %parallel_loop3A_60 = tpu.vector_load %arg11[%parallel_loop3A_59] {strides = array<i32>} : memref<8192xi32, #tpu.memory_space<vmem>>, vector<16xi32>,
      %parallel_loop3A_61 = arith.constant 63 : i32
      %parallel_loop3A_62 = vector.broadcast %parallel_loop3A_61 : i32 to vector<16xi32>
      %parallel_loop3A_63 = arith.andi %parallel_loop3A_54, %parallel_loop3A_62 : vector<16xi32>
      %parallel_loop3A_64 = arith.constant 10 : i32
      %parallel_loop3A_65 = vector.broadcast %parallel_loop3A_64 : i32 to vector<16xi32>
      %parallel_loop3A_66 = arith.shli %parallel_loop3A_63, %parallel_loop3A_65 : vector<16xi32>
      %parallel_loop3A_67 = arith.ori %parallel_loop3A_60, %parallel_loop3A_66 : vector<16xi32>
      %parallel_loop3A_68 = arith.constant 6 : i32
      %parallel_loop3A_69 = vector.broadcast %parallel_loop3A_68 : i32 to vector<16xi32>
      %parallel_loop3A_70 = arith.shrsi %parallel_loop3A_54, %parallel_loop3A_69 : vector<16xi32>
      %parallel_loop3A_71 = arith.constant 16 : i32
      %parallel_loop3A_72 = vector.broadcast %parallel_loop3A_71 : i32 to vector<16xi32>
      %parallel_loop3A_73 = arith.shli %parallel_loop3A_70, %parallel_loop3A_72 : vector<16xi32>
      %parallel_loop3A_74 = arith.ori %parallel_loop3A_67, %parallel_loop3A_73 : vector<16xi32>
      %parallel_loop3A_75 = arith.constant 128 : i32
      %parallel_loop3A_76 = arith.muli %parallel_loop3A_16, %parallel_loop3A_75 : i32
      %parallel_loop3A_77 = arith.constant 16 : i32
      %parallel_loop3A_78 = arith.addi %parallel_loop3A_76, %parallel_loop3A_77 : i32
      %parallel_loop3A_79 = arith.index_cast %parallel_loop3A_78 : i32 to index
      %parallel_loop3A_80 = tpu.vector_load %arg12[%parallel_loop3A_79] {strides = array<i32>} : memref<8192xi32, #tpu.memory_space<vmem>>, vector<16xi32>,
      tpu.vector_store %arg12[%parallel_loop3A_79], %parallel_loop3A_74 {strides = array<i32>} : memref<8192xi32, #tpu.memory_space<vmem>>, vector<16xi32>,
      %parallel_loop3A_81 = arith.constant 128 : i32
      %parallel_loop3A_82 = arith.muli %parallel_loop3A_16, %parallel_loop3A_81 : i32
      %parallel_loop3A_83 = arith.constant 32 : i32
      %parallel_loop3A_84 = arith.addi %parallel_loop3A_82, %parallel_loop3A_83 : i32
      %parallel_loop3A_85 = arith.index_cast %parallel_loop3A_84 : i32 to index
      %parallel_loop3A_86 = tpu.vector_load %arg10[%parallel_loop3A_85] {strides = array<i32>} : memref<8192xi32, #tpu.memory_space<vmem>>, vector<16xi32>,
      %parallel_loop3A_87 = arith.constant 128 : i32
      %parallel_loop3A_88 = arith.muli %parallel_loop3A_16, %parallel_loop3A_87 : i32
      %parallel_loop3A_89 = arith.constant 32 : i32
      %parallel_loop3A_90 = arith.addi %parallel_loop3A_88, %parallel_loop3A_89 : i32
      %parallel_loop3A_91 = arith.index_cast %parallel_loop3A_90 : i32 to index
      %parallel_loop3A_92 = tpu.vector_load %arg11[%parallel_loop3A_91] {strides = array<i32>} : memref<8192xi32, #tpu.memory_space<vmem>>, vector<16xi32>,
      %parallel_loop3A_93 = arith.constant 63 : i32
      %parallel_loop3A_94 = vector.broadcast %parallel_loop3A_93 : i32 to vector<16xi32>
      %parallel_loop3A_95 = arith.andi %parallel_loop3A_86, %parallel_loop3A_94 : vector<16xi32>
      %parallel_loop3A_96 = arith.constant 10 : i32
      %parallel_loop3A_97 = vector.broadcast %parallel_loop3A_96 : i32 to vector<16xi32>
      %parallel_loop3A_98 = arith.shli %parallel_loop3A_95, %parallel_loop3A_97 : vector<16xi32>
      %parallel_loop3A_99 = arith.ori %parallel_loop3A_92, %parallel_loop3A_98 : vector<16xi32>
      %parallel_loop3A_100 = arith.constant 6 : i32
      %parallel_loop3A_101 = vector.broadcast %parallel_loop3A_100 : i32 to vector<16xi32>
      %parallel_loop3A_102 = arith.shrsi %parallel_loop3A_86, %parallel_loop3A_101 : vector<16xi32>
      %parallel_loop3A_103 = arith.constant 16 : i32
      %parallel_loop3A_104 = vector.broadcast %parallel_loop3A_103 : i32 to vector<16xi32>
      %parallel_loop3A_105 = arith.shli %parallel_loop3A_102, %parallel_loop3A_104 : vector<16xi32>
      %parallel_loop3A_106 = arith.ori %parallel_loop3A_99, %parallel_loop3A_105 : vector<16xi32>
      %parallel_loop3A_107 = arith.constant 128 : i32
      %parallel_loop3A_108 = arith.muli %parallel_loop3A_16, %parallel_loop3A_107 : i32
      %parallel_loop3A_109 = arith.constant 32 : i32
      %parallel_loop3A_110 = arith.addi %parallel_loop3A_108, %parallel_loop3A_109 : i32
      %parallel_loop3A_111 = arith.index_cast %parallel_loop3A_110 : i32 to index
      %parallel_loop3A_112 = tpu.vector_load %arg12[%parallel_loop3A_111] {strides = array<i32>} : memref<8192xi32, #tpu.memory_space<vmem>>, vector<16xi32>,
      tpu.vector_store %arg12[%parallel_loop3A_111], %parallel_loop3A_106 {strides = array<i32>} : memref<8192xi32, #tpu.memory_space<vmem>>, vector<16xi32>,
      %parallel_loop3A_113 = arith.constant 128 : i32
      %parallel_loop3A_114 = arith.muli %parallel_loop3A_16, %parallel_loop3A_113 : i32
      %parallel_loop3A_115 = arith.constant 48 : i32
      %parallel_loop3A_116 = arith.addi %parallel_loop3A_114, %parallel_loop3A_115 : i32
      %parallel_loop3A_117 = arith.index_cast %parallel_loop3A_116 : i32 to index
      %parallel_loop3A_118 = tpu.vector_load %arg10[%parallel_loop3A_117] {strides = array<i32>} : memref<8192xi32, #tpu.memory_space<vmem>>, vector<16xi32>,
      %parallel_loop3A_119 = arith.constant 128 : i32
      %parallel_loop3A_120 = arith.muli %parallel_loop3A_16, %parallel_loop3A_119 : i32
      %parallel_loop3A_121 = arith.constant 48 : i32
      %parallel_loop3A_122 = arith.addi %parallel_loop3A_120, %parallel_loop3A_121 : i32
      %parallel_loop3A_123 = arith.index_cast %parallel_loop3A_122 : i32 to index
      %parallel_loop3A_124 = tpu.vector_load %arg11[%parallel_loop3A_123] {strides = array<i32>} : memref<8192xi32, #tpu.memory_space<vmem>>, vector<16xi32>,
      %parallel_loop3A_125 = arith.constant 63 : i32
      %parallel_loop3A_126 = vector.broadcast %parallel_loop3A_125 : i32 to vector<16xi32>
      %parallel_loop3A_127 = arith.andi %parallel_loop3A_118, %parallel_loop3A_126 : vector<16xi32>
      %parallel_loop3A_128 = arith.constant 10 : i32
      %parallel_loop3A_129 = vector.broadcast %parallel_loop3A_128 : i32 to vector<16xi32>
      %parallel_loop3A_130 = arith.shli %parallel_loop3A_127, %parallel_loop3A_129 : vector<16xi32>
      %parallel_loop3A_131 = arith.ori %parallel_loop3A_124, %parallel_loop3A_130 : vector<16xi32>
      %parallel_loop3A_132 = arith.constant 6 : i32
      %parallel_loop3A_133 = vector.broadcast %parallel_loop3A_132 : i32 to vector<16xi32>
      %parallel_loop3A_134 = arith.shrsi %parallel_loop3A_118, %parallel_loop3A_133 : vector<16xi32>
      %parallel_loop3A_135 = arith.constant 16 : i32
      %parallel_loop3A_136 = vector.broadcast %parallel_loop3A_135 : i32 to vector<16xi32>
      %parallel_loop3A_137 = arith.shli %parallel_loop3A_134, %parallel_loop3A_136 : vector<16xi32>
      %parallel_loop3A_138 = arith.ori %parallel_loop3A_131, %parallel_loop3A_137 : vector<16xi32>
      %parallel_loop3A_139 = arith.constant 128 : i32
      %parallel_loop3A_140 = arith.muli %parallel_loop3A_16, %parallel_loop3A_139 : i32
      %parallel_loop3A_141 = arith.constant 48 : i32
      %parallel_loop3A_142 = arith.addi %parallel_loop3A_140, %parallel_loop3A_141 : i32
      %parallel_loop3A_143 = arith.index_cast %parallel_loop3A_142 : i32 to index
      %parallel_loop3A_144 = tpu.vector_load %arg12[%parallel_loop3A_143] {strides = array<i32>} : memref<8192xi32, #tpu.memory_space<vmem>>, vector<16xi32>,
      tpu.vector_store %arg12[%parallel_loop3A_143], %parallel_loop3A_138 {strides = array<i32>} : memref<8192xi32, #tpu.memory_space<vmem>>, vector<16xi32>,
      %parallel_loop3A_145 = arith.constant 128 : i32
      %parallel_loop3A_146 = arith.muli %parallel_loop3A_16, %parallel_loop3A_145 : i32
      %parallel_loop3A_147 = arith.constant 64 : i32
      %parallel_loop3A_148 = arith.addi %parallel_loop3A_146, %parallel_loop3A_147 : i32
      %parallel_loop3A_149 = arith.index_cast %parallel_loop3A_148 : i32 to index
      %parallel_loop3A_150 = tpu.vector_load %arg10[%parallel_loop3A_149] {strides = array<i32>} : memref<8192xi32, #tpu.memory_space<vmem>>, vector<16xi32>,
      %parallel_loop3A_151 = arith.constant 128 : i32
      %parallel_loop3A_152 = arith.muli %parallel_loop3A_16, %parallel_loop3A_151 : i32
      %parallel_loop3A_153 = arith.constant 64 : i32
      %parallel_loop3A_154 = arith.addi %parallel_loop3A_152, %parallel_loop3A_153 : i32
      %parallel_loop3A_155 = arith.index_cast %parallel_loop3A_154 : i32 to index
      %parallel_loop3A_156 = tpu.vector_load %arg11[%parallel_loop3A_155] {strides = array<i32>} : memref<8192xi32, #tpu.memory_space<vmem>>, vector<16xi32>,
      %parallel_loop3A_157 = arith.constant 63 : i32
      %parallel_loop3A_158 = vector.broadcast %parallel_loop3A_157 : i32 to vector<16xi32>
      %parallel_loop3A_159 = arith.andi %parallel_loop3A_150, %parallel_loop3A_158 : vector<16xi32>
      %parallel_loop3A_160 = arith.constant 10 : i32
      %parallel_loop3A_161 = vector.broadcast %parallel_loop3A_160 : i32 to vector<16xi32>
      %parallel_loop3A_162 = arith.shli %parallel_loop3A_159, %parallel_loop3A_161 : vector<16xi32>
      %parallel_loop3A_163 = arith.ori %parallel_loop3A_156, %parallel_loop3A_162 : vector<16xi32>
      %parallel_loop3A_164 = arith.constant 6 : i32
      %parallel_loop3A_165 = vector.broadcast %parallel_loop3A_164 : i32 to vector<16xi32>
      %parallel_loop3A_166 = arith.shrsi %parallel_loop3A_150, %parallel_loop3A_165 : vector<16xi32>
      %parallel_loop3A_167 = arith.constant 16 : i32
      %parallel_loop3A_168 = vector.broadcast %parallel_loop3A_167 : i32 to vector<16xi32>
      %parallel_loop3A_169 = arith.shli %parallel_loop3A_166, %parallel_loop3A_168 : vector<16xi32>
      %parallel_loop3A_170 = arith.ori %parallel_loop3A_163, %parallel_loop3A_169 : vector<16xi32>
      %parallel_loop3A_171 = arith.constant 128 : i32
      %parallel_loop3A_172 = arith.muli %parallel_loop3A_16, %parallel_loop3A_171 : i32
      %parallel_loop3A_173 = arith.constant 64 : i32
      %parallel_loop3A_174 = arith.addi %parallel_loop3A_172, %parallel_loop3A_173 : i32
      %parallel_loop3A_175 = arith.index_cast %parallel_loop3A_174 : i32 to index
      %parallel_loop3A_176 = tpu.vector_load %arg12[%parallel_loop3A_175] {strides = array<i32>} : memref<8192xi32, #tpu.memory_space<vmem>>, vector<16xi32>,
      tpu.vector_store %arg12[%parallel_loop3A_175], %parallel_loop3A_170 {strides = array<i32>} : memref<8192xi32, #tpu.memory_space<vmem>>, vector<16xi32>,
      %parallel_loop3A_177 = arith.constant 128 : i32
      %parallel_loop3A_178 = arith.muli %parallel_loop3A_16, %parallel_loop3A_177 : i32
      %parallel_loop3A_179 = arith.constant 80 : i32
      %parallel_loop3A_180 = arith.addi %parallel_loop3A_178, %parallel_loop3A_179 : i32
      %parallel_loop3A_181 = arith.index_cast %parallel_loop3A_180 : i32 to index
      %parallel_loop3A_182 = tpu.vector_load %arg10[%parallel_loop3A_181] {strides = array<i32>} : memref<8192xi32, #tpu.memory_space<vmem>>, vector<16xi32>,
      %parallel_loop3A_183 = arith.constant 128 : i32
      %parallel_loop3A_184 = arith.muli %parallel_loop3A_16, %parallel_loop3A_183 : i32
      %parallel_loop3A_185 = arith.constant 80 : i32
      %parallel_loop3A_186 = arith.addi %parallel_loop3A_184, %parallel_loop3A_185 : i32
      %parallel_loop3A_187 = arith.index_cast %parallel_loop3A_186 : i32 to index
      %parallel_loop3A_188 = tpu.vector_load %arg11[%parallel_loop3A_187] {strides = array<i32>} : memref<8192xi32, #tpu.memory_space<vmem>>, vector<16xi32>,
      %parallel_loop3A_189 = arith.constant 63 : i32
      %parallel_loop3A_190 = vector.broadcast %parallel_loop3A_189 : i32 to vector<16xi32>
      %parallel_loop3A_191 = arith.andi %parallel_loop3A_182, %parallel_loop3A_190 : vector<16xi32>
      %parallel_loop3A_192 = arith.constant 10 : i32
      %parallel_loop3A_193 = vector.broadcast %parallel_loop3A_192 : i32 to vector<16xi32>
      %parallel_loop3A_194 = arith.shli %parallel_loop3A_191, %parallel_loop3A_193 : vector<16xi32>
      %parallel_loop3A_195 = arith.ori %parallel_loop3A_188, %parallel_loop3A_194 : vector<16xi32>
      %parallel_loop3A_196 = arith.constant 6 : i32
      %parallel_loop3A_197 = vector.broadcast %parallel_loop3A_196 : i32 to vector<16xi32>
      %parallel_loop3A_198 = arith.shrsi %parallel_loop3A_182, %parallel_loop3A_197 : vector<16xi32>
      %parallel_loop3A_199 = arith.constant 16 : i32
      %parallel_loop3A_200 = vector.broadcast %parallel_loop3A_199 : i32 to vector<16xi32>
      %parallel_loop3A_201 = arith.shli %parallel_loop3A_198, %parallel_loop3A_200 : vector<16xi32>
      %parallel_loop3A_202 = arith.ori %parallel_loop3A_195, %parallel_loop3A_201 : vector<16xi32>
      %parallel_loop3A_203 = arith.constant 128 : i32
      %parallel_loop3A_204 = arith.muli %parallel_loop3A_16, %parallel_loop3A_203 : i32
      %parallel_loop3A_205 = arith.constant 80 : i32
      %parallel_loop3A_206 = arith.addi %parallel_loop3A_204, %parallel_loop3A_205 : i32
      %parallel_loop3A_207 = arith.index_cast %parallel_loop3A_206 : i32 to index
      %parallel_loop3A_208 = tpu.vector_load %arg12[%parallel_loop3A_207] {strides = array<i32>} : memref<8192xi32, #tpu.memory_space<vmem>>, vector<16xi32>,
      tpu.vector_store %arg12[%parallel_loop3A_207], %parallel_loop3A_202 {strides = array<i32>} : memref<8192xi32, #tpu.memory_space<vmem>>, vector<16xi32>,
      %parallel_loop3A_209 = arith.constant 128 : i32
      %parallel_loop3A_210 = arith.muli %parallel_loop3A_16, %parallel_loop3A_209 : i32
      %parallel_loop3A_211 = arith.constant 96 : i32
      %parallel_loop3A_212 = arith.addi %parallel_loop3A_210, %parallel_loop3A_211 : i32
      %parallel_loop3A_213 = arith.index_cast %parallel_loop3A_212 : i32 to index
      %parallel_loop3A_214 = tpu.vector_load %arg10[%parallel_loop3A_213] {strides = array<i32>} : memref<8192xi32, #tpu.memory_space<vmem>>, vector<16xi32>,
      %parallel_loop3A_215 = arith.constant 128 : i32
      %parallel_loop3A_216 = arith.muli %parallel_loop3A_16, %parallel_loop3A_215 : i32
      %parallel_loop3A_217 = arith.constant 96 : i32
      %parallel_loop3A_218 = arith.addi %parallel_loop3A_216, %parallel_loop3A_217 : i32
      %parallel_loop3A_219 = arith.index_cast %parallel_loop3A_218 : i32 to index
      %parallel_loop3A_220 = tpu.vector_load %arg11[%parallel_loop3A_219] {strides = array<i32>} : memref<8192xi32, #tpu.memory_space<vmem>>, vector<16xi32>,
      %parallel_loop3A_221 = arith.constant 63 : i32
      %parallel_loop3A_222 = vector.broadcast %parallel_loop3A_221 : i32 to vector<16xi32>
      %parallel_loop3A_223 = arith.andi %parallel_loop3A_214, %parallel_loop3A_222 : vector<16xi32>
      %parallel_loop3A_224 = arith.constant 10 : i32
      %parallel_loop3A_225 = vector.broadcast %parallel_loop3A_224 : i32 to vector<16xi32>
      %parallel_loop3A_226 = arith.shli %parallel_loop3A_223, %parallel_loop3A_225 : vector<16xi32>
      %parallel_loop3A_227 = arith.ori %parallel_loop3A_220, %parallel_loop3A_226 : vector<16xi32>
      %parallel_loop3A_228 = arith.constant 6 : i32
      %parallel_loop3A_229 = vector.broadcast %parallel_loop3A_228 : i32 to vector<16xi32>
      %parallel_loop3A_230 = arith.shrsi %parallel_loop3A_214, %parallel_loop3A_229 : vector<16xi32>
      %parallel_loop3A_231 = arith.constant 16 : i32
      %parallel_loop3A_232 = vector.broadcast %parallel_loop3A_231 : i32 to vector<16xi32>
      %parallel_loop3A_233 = arith.shli %parallel_loop3A_230, %parallel_loop3A_232 : vector<16xi32>
      %parallel_loop3A_234 = arith.ori %parallel_loop3A_227, %parallel_loop3A_233 : vector<16xi32>
      %parallel_loop3A_235 = arith.constant 128 : i32
      %parallel_loop3A_236 = arith.muli %parallel_loop3A_16, %parallel_loop3A_235 : i32
      %parallel_loop3A_237 = arith.constant 96 : i32
      %parallel_loop3A_238 = arith.addi %parallel_loop3A_236, %parallel_loop3A_237 : i32
      %parallel_loop3A_239 = arith.index_cast %parallel_loop3A_238 : i32 to index
      %parallel_loop3A_240 = tpu.vector_load %arg12[%parallel_loop3A_239] {strides = array<i32>} : memref<8192xi32, #tpu.memory_space<vmem>>, vector<16xi32>,
      tpu.vector_store %arg12[%parallel_loop3A_239], %parallel_loop3A_234 {strides = array<i32>} : memref<8192xi32, #tpu.memory_space<vmem>>, vector<16xi32>,
      %parallel_loop3A_241 = arith.constant 128 : i32
      %parallel_loop3A_242 = arith.muli %parallel_loop3A_16, %parallel_loop3A_241 : i32
      %parallel_loop3A_243 = arith.constant 112 : i32
      %parallel_loop3A_244 = arith.addi %parallel_loop3A_242, %parallel_loop3A_243 : i32
      %parallel_loop3A_245 = arith.index_cast %parallel_loop3A_244 : i32 to index
      %parallel_loop3A_246 = tpu.vector_load %arg10[%parallel_loop3A_245] {strides = array<i32>} : memref<8192xi32, #tpu.memory_space<vmem>>, vector<16xi32>,
      %parallel_loop3A_247 = arith.constant 128 : i32
      %parallel_loop3A_248 = arith.muli %parallel_loop3A_16, %parallel_loop3A_247 : i32
      %parallel_loop3A_249 = arith.constant 112 : i32
      %parallel_loop3A_250 = arith.addi %parallel_loop3A_248, %parallel_loop3A_249 : i32
      %parallel_loop3A_251 = arith.index_cast %parallel_loop3A_250 : i32 to index
      %parallel_loop3A_252 = tpu.vector_load %arg11[%parallel_loop3A_251] {strides = array<i32>} : memref<8192xi32, #tpu.memory_space<vmem>>, vector<16xi32>,
      %parallel_loop3A_253 = arith.constant 63 : i32
      %parallel_loop3A_254 = vector.broadcast %parallel_loop3A_253 : i32 to vector<16xi32>
      %parallel_loop3A_255 = arith.andi %parallel_loop3A_246, %parallel_loop3A_254 : vector<16xi32>
      %parallel_loop3A_256 = arith.constant 10 : i32
      %parallel_loop3A_257 = vector.broadcast %parallel_loop3A_256 : i32 to vector<16xi32>
      %parallel_loop3A_258 = arith.shli %parallel_loop3A_255, %parallel_loop3A_257 : vector<16xi32>
      %parallel_loop3A_259 = arith.ori %parallel_loop3A_252, %parallel_loop3A_258 : vector<16xi32>
      %parallel_loop3A_260 = arith.constant 6 : i32
      %parallel_loop3A_261 = vector.broadcast %parallel_loop3A_260 : i32 to vector<16xi32>
      %parallel_loop3A_262 = arith.shrsi %parallel_loop3A_246, %parallel_loop3A_261 : vector<16xi32>
      %parallel_loop3A_263 = arith.constant 16 : i32
      %parallel_loop3A_264 = vector.broadcast %parallel_loop3A_263 : i32 to vector<16xi32>
      %parallel_loop3A_265 = arith.shli %parallel_loop3A_262, %parallel_loop3A_264 : vector<16xi32>
      %parallel_loop3A_266 = arith.ori %parallel_loop3A_259, %parallel_loop3A_265 : vector<16xi32>
      %parallel_loop3A_267 = arith.constant 128 : i32
      %parallel_loop3A_268 = arith.muli %parallel_loop3A_16, %parallel_loop3A_267 : i32
      %parallel_loop3A_269 = arith.constant 112 : i32
      %parallel_loop3A_270 = arith.addi %parallel_loop3A_268, %parallel_loop3A_269 : i32
      %parallel_loop3A_271 = arith.index_cast %parallel_loop3A_270 : i32 to index
      %parallel_loop3A_272 = tpu.vector_load %arg12[%parallel_loop3A_271] {strides = array<i32>} : memref<8192xi32, #tpu.memory_space<vmem>>, vector<16xi32>,
      tpu.vector_store %arg12[%parallel_loop3A_271], %parallel_loop3A_266 {strides = array<i32>} : memref<8192xi32, #tpu.memory_space<vmem>>, vector<16xi32>,
    } {sc.loop_unroll_factor = 2 : i64, sc.parallel_access}
    "tpu.region"() ({
      %run_scoped3A = tpu.sem_alloc : memref<!tpu.dma_semaphore, #tpu.memory_space<semaphore_mem>>
      %dma_start3A = arith.constant 0 : i32
      %dma_start3A_16 = tpu.memref_slice %arg12[%dma_start3A] : memref<8192xi32, #tpu.memory_space<vmem>> -> memref<2048xi32, #tpu.memory_space<vmem>>
      %dma_start3A_17 = tpu.memref_slice %arg8[%mul3A_12] : memref<65536xi32, #tpu.memory_space<hbm>> -> memref<2048xi32, #tpu.memory_space<hbm>>
      %dma_start3A_18 = tpu.memref_slice %arg8[%mul3A_12] : memref<65536xi32, #tpu.memory_space<hbm>> -> memref<2048xi32, #tpu.memory_space<hbm>>
      %dma_start3A_19 = arith.constant 0 : i32
      %dma_start3A_20 = tpu.memref_slice %arg12[%dma_start3A_19] : memref<8192xi32, #tpu.memory_space<vmem>> -> memref<2048xi32, #tpu.memory_space<vmem>>
      tpu.enqueue_dma source(%dma_start3A_20 : memref<2048xi32, #tpu.memory_space<vmem>>) target(%dma_start3A_18 : memref<2048xi32, #tpu.memory_space<hbm>>) target_semaphore(%run_scoped3A : memref<!tpu.dma_semaphore, #tpu.memory_space<semaphore_mem>>)
      %dma_wait3A = arith.constant 0 : i32
      %dma_wait3A_21 = tpu.memref_slice %arg12[%dma_wait3A] : memref<8192xi32, #tpu.memory_space<vmem>> -> memref<2048xi32, #tpu.memory_space<vmem>>
      %dma_wait3A_22 = tpu.memref_slice %arg8[%mul3A_12] : memref<65536xi32, #tpu.memory_space<hbm>> -> memref<2048xi32, #tpu.memory_space<hbm>>
      %dma_wait3A_23 = tpu.memref_slice %arg8[%mul3A_12] : memref<65536xi32, #tpu.memory_space<hbm>> -> memref<2048xi32, #tpu.memory_space<hbm>>
      %dma_wait3A_24 = arith.constant 0 : i32
      %dma_wait3A_25 = tpu.memref_slice %arg12[%dma_wait3A_24] : memref<8192xi32, #tpu.memory_space<vmem>> -> memref<2048xi32, #tpu.memory_space<vmem>>
      tpu.wait_dma2 semaphore(%run_scoped3A : memref<!tpu.dma_semaphore, #tpu.memory_space<semaphore_mem>>) src(%dma_wait3A_25 : memref<2048xi32, #tpu.memory_space<vmem>>) dst(%dma_wait3A_23 : memref<2048xi32, #tpu.memory_space<hbm>>)
      tpu.yield
    }) : () -> ()
    return
  }
}

#map = affine_map<(d0, d1) -> (0)>
#map1 = affine_map<(d0, d1) -> (0, 0)>
module attributes {stable_mosaic.version = 14 : i64} {
  func.func @_sc_hist_body(%arg0: i32, %arg1: i32, %arg2: memref<262144xi32, #tpu.memory_space<hbm>>, %arg3: memref<65536xi32, #tpu.memory_space<hbm>>, %arg4: memref<16xf32, #tpu.memory_space<hbm>>, %arg5: memref<64x1000xf32, #tpu.memory_space<hbm>>, %arg6: memref<64x500xf32, #tpu.memory_space<hbm>>, %arg7: memref<2048x1000xf32, #tpu.memory_space<hbm>>, %arg8: memref<2048x500xf32, #tpu.memory_space<hbm>>, %arg9: memref<64x1000xf32, #tpu.memory_space<vmem>>, %arg10: memref<64x500xf32, #tpu.memory_space<vmem>>, %arg11: memref<16xf32, #tpu.memory_space<vmem>>, %arg12: memref<8192xi32, #tpu.memory_space<vmem>>) attributes {dimension_semantics = [#tpu.dimension_semantics<core_parallel>, #tpu.dimension_semantics<subcore_parallel>], iteration_bounds = array<i64: 2, 16>, scalar_prefetch = 0 : i64, scratch_operands = 4 : i64, tpu.core_type = #tpu.core_type<sc_vector_subcore>, window_params = [{transform_indices = #map}, {transform_indices = #map}, {transform_indices = #map}, {transform_indices = #map1}, {transform_indices = #map1}, {transform_indices = #map1}, {transform_indices = #map1}]} {
    %mul3A = arith.constant 2 : i32
    %mul3A_0 = arith.muli %arg1, %mul3A : i32
    %add3A = arith.addi %mul3A_0, %arg0 : i32
    "tpu.region"() ({
      %run_scoped3A = tpu.sem_alloc : memref<!tpu.dma_semaphore, #tpu.memory_space<semaphore_mem>>
      tpu.enqueue_dma source(%arg4 : memref<16xf32, #tpu.memory_space<hbm>>) target(%arg11 : memref<16xf32, #tpu.memory_space<vmem>>) target_semaphore(%run_scoped3A : memref<!tpu.dma_semaphore, #tpu.memory_space<semaphore_mem>>)
      tpu.wait_dma2 semaphore(%run_scoped3A : memref<!tpu.dma_semaphore, #tpu.memory_space<semaphore_mem>>) src(%arg4 : memref<16xf32, #tpu.memory_space<hbm>>) dst(%arg11 : memref<16xf32, #tpu.memory_space<vmem>>)
      tpu.yield
    }) : () -> ()
    "tpu.region"() ({
      %run_scoped3A = tpu.sem_alloc : memref<!tpu.dma_semaphore, #tpu.memory_space<semaphore_mem>>
      tpu.enqueue_dma source(%arg5 : memref<64x1000xf32, #tpu.memory_space<hbm>>) target(%arg9 : memref<64x1000xf32, #tpu.memory_space<vmem>>) target_semaphore(%run_scoped3A : memref<!tpu.dma_semaphore, #tpu.memory_space<semaphore_mem>>)
      tpu.wait_dma2 semaphore(%run_scoped3A : memref<!tpu.dma_semaphore, #tpu.memory_space<semaphore_mem>>) src(%arg5 : memref<64x1000xf32, #tpu.memory_space<hbm>>) dst(%arg9 : memref<64x1000xf32, #tpu.memory_space<vmem>>)
      tpu.yield
    }) : () -> ()
    "tpu.region"() ({
      %run_scoped3A = tpu.sem_alloc : memref<!tpu.dma_semaphore, #tpu.memory_space<semaphore_mem>>
      tpu.enqueue_dma source(%arg6 : memref<64x500xf32, #tpu.memory_space<hbm>>) target(%arg10 : memref<64x500xf32, #tpu.memory_space<vmem>>) target_semaphore(%run_scoped3A : memref<!tpu.dma_semaphore, #tpu.memory_space<semaphore_mem>>)
      tpu.wait_dma2 semaphore(%run_scoped3A : memref<!tpu.dma_semaphore, #tpu.memory_space<semaphore_mem>>) src(%arg6 : memref<64x500xf32, #tpu.memory_space<hbm>>) dst(%arg10 : memref<64x500xf32, #tpu.memory_space<vmem>>)
      tpu.yield
    }) : () -> ()
    %scan3A = arith.constant 0 : i32
    %scan3A_1 = arith.constant 0 : i32
    %scan3A_2 = arith.constant 32 : i32
    %scan3A_3 = arith.addi %scan3A_1, %scan3A_2 : i32
    %scan3A_4 = arith.constant 1 : i32
    %scan3A_5 = scf.for %scan3A_19 = %scan3A_1 to %scan3A_3 step %scan3A_4 iter_args(%scan3A_20 = %scan3A) -> (i32)  : i32 {
      %mul3A_21 = arith.constant 8192 : i32
      %mul3A_22 = arith.muli %scan3A_19, %mul3A_21 : i32
      "tpu.region"() ({
        %run_scoped3A = tpu.sem_alloc : memref<!tpu.dma_semaphore, #tpu.memory_space<semaphore_mem>>
        %dma_start3A = tpu.memref_slice %arg2[%mul3A_22] : memref<262144xi32, #tpu.memory_space<hbm>> -> memref<8192xi32, #tpu.memory_space<hbm>>
        %dma_start3A_26 = tpu.memref_slice %arg2[%mul3A_22] : memref<262144xi32, #tpu.memory_space<hbm>> -> memref<8192xi32, #tpu.memory_space<hbm>>
        tpu.enqueue_dma source(%dma_start3A_26 : memref<8192xi32, #tpu.memory_space<hbm>>) target(%arg12 : memref<8192xi32, #tpu.memory_space<vmem>>) target_semaphore(%run_scoped3A : memref<!tpu.dma_semaphore, #tpu.memory_space<semaphore_mem>>)
        %dma_wait3A = tpu.memref_slice %arg2[%mul3A_22] : memref<262144xi32, #tpu.memory_space<hbm>> -> memref<8192xi32, #tpu.memory_space<hbm>>
        %dma_wait3A_27 = tpu.memref_slice %arg2[%mul3A_22] : memref<262144xi32, #tpu.memory_space<hbm>> -> memref<8192xi32, #tpu.memory_space<hbm>>
        tpu.wait_dma2 semaphore(%run_scoped3A : memref<!tpu.dma_semaphore, #tpu.memory_space<semaphore_mem>>) src(%dma_wait3A_27 : memref<8192xi32, #tpu.memory_space<hbm>>) dst(%arg12 : memref<8192xi32, #tpu.memory_space<vmem>>)
        tpu.yield
      }) : () -> ()
      %parallel_loop3A = arith.constant 0 : i32
      %parallel_loop3A_23 = arith.constant 64 : i32
      %parallel_loop3A_24 = arith.constant 1 : i32
      scf.for %parallel_loop3A_26 = %parallel_loop3A to %parallel_loop3A_23 step %parallel_loop3A_24  : i32 {
        %parallel_loop3A_27 = arith.constant 128 : i32
        %parallel_loop3A_28 = arith.muli %parallel_loop3A_26, %parallel_loop3A_27 : i32
        %parallel_loop3A_29 = arith.constant 0 : i32
        %parallel_loop3A_30 = arith.addi %parallel_loop3A_28, %parallel_loop3A_29 : i32
        %parallel_loop3A_31 = arith.index_cast %parallel_loop3A_30 : i32 to index
        %parallel_loop3A_32 = tpu.vector_load %arg12[%parallel_loop3A_31] {strides = array<i32>} : memref<8192xi32, #tpu.memory_space<vmem>>, vector<16xi32>,
        %parallel_loop3A_33 = arith.constant 16 : i32
        %parallel_loop3A_34 = vector.broadcast %parallel_loop3A_33 : i32 to vector<16xi32>
        %parallel_loop3A_35 = arith.shrsi %parallel_loop3A_32, %parallel_loop3A_34 : vector<16xi32>
        %parallel_loop3A_36 = arith.constant 31 : i32
        %parallel_loop3A_37 = vector.broadcast %parallel_loop3A_36 : i32 to vector<16xi32>
        %parallel_loop3A_38 = arith.andi %parallel_loop3A_35, %parallel_loop3A_37 : vector<16xi32>
        %parallel_loop3A_39 = vector.broadcast %add3A : i32 to vector<16xi32>
        %parallel_loop3A_40 = arith.cmpi eq, %parallel_loop3A_38, %parallel_loop3A_39 : vector<16xi32>
        %parallel_loop3A_41 = arith.constant 21 : i32
        %parallel_loop3A_42 = vector.broadcast %parallel_loop3A_41 : i32 to vector<16xi32>
        %parallel_loop3A_43 = arith.shrsi %parallel_loop3A_32, %parallel_loop3A_42 : vector<16xi32>
        %parallel_loop3A_44 = tpu.vector_load_idx %arg11[%parallel_loop3A_43] : memref<16xf32, #tpu.memory_space<vmem>>[vector<16xi32>], vector<16xf32>,
        %parallel_loop3A_45 = arith.constant 10 : i32
        %parallel_loop3A_46 = vector.broadcast %parallel_loop3A_45 : i32 to vector<16xi32>
        %parallel_loop3A_47 = arith.shrsi %parallel_loop3A_32, %parallel_loop3A_46 : vector<16xi32>
        %parallel_loop3A_48 = arith.constant 63 : i32
        %parallel_loop3A_49 = vector.broadcast %parallel_loop3A_48 : i32 to vector<16xi32>
        %parallel_loop3A_50 = arith.andi %parallel_loop3A_47, %parallel_loop3A_49 : vector<16xi32>
        %parallel_loop3A_51 = arith.constant 1023 : i32
        %parallel_loop3A_52 = vector.broadcast %parallel_loop3A_51 : i32 to vector<16xi32>
        %parallel_loop3A_53 = arith.andi %parallel_loop3A_32, %parallel_loop3A_52 : vector<16xi32>
        tpu.vector_store_idx %arg9[%parallel_loop3A_50, %parallel_loop3A_53], %parallel_loop3A_44 masked %parallel_loop3A_40 {add = true} : memref<64x1000xf32, #tpu.memory_space<vmem>>[vector<16xi32>, vector<16xi32>], vector<16xf32>, vector<16xi1>
        %parallel_loop3A_54 = arith.constant 128 : i32
        %parallel_loop3A_55 = arith.muli %parallel_loop3A_26, %parallel_loop3A_54 : i32
        %parallel_loop3A_56 = arith.constant 16 : i32
        %parallel_loop3A_57 = arith.addi %parallel_loop3A_55, %parallel_loop3A_56 : i32
        %parallel_loop3A_58 = arith.index_cast %parallel_loop3A_57 : i32 to index
        %parallel_loop3A_59 = tpu.vector_load %arg12[%parallel_loop3A_58] {strides = array<i32>} : memref<8192xi32, #tpu.memory_space<vmem>>, vector<16xi32>,
        %parallel_loop3A_60 = arith.constant 16 : i32
        %parallel_loop3A_61 = vector.broadcast %parallel_loop3A_60 : i32 to vector<16xi32>
        %parallel_loop3A_62 = arith.shrsi %parallel_loop3A_59, %parallel_loop3A_61 : vector<16xi32>
        %parallel_loop3A_63 = arith.constant 31 : i32
        %parallel_loop3A_64 = vector.broadcast %parallel_loop3A_63 : i32 to vector<16xi32>
        %parallel_loop3A_65 = arith.andi %parallel_loop3A_62, %parallel_loop3A_64 : vector<16xi32>
        %parallel_loop3A_66 = vector.broadcast %add3A : i32 to vector<16xi32>
        %parallel_loop3A_67 = arith.cmpi eq, %parallel_loop3A_65, %parallel_loop3A_66 : vector<16xi32>
        %parallel_loop3A_68 = arith.constant 21 : i32
        %parallel_loop3A_69 = vector.broadcast %parallel_loop3A_68 : i32 to vector<16xi32>
        %parallel_loop3A_70 = arith.shrsi %parallel_loop3A_59, %parallel_loop3A_69 : vector<16xi32>
        %parallel_loop3A_71 = tpu.vector_load_idx %arg11[%parallel_loop3A_70] : memref<16xf32, #tpu.memory_space<vmem>>[vector<16xi32>], vector<16xf32>,
        %parallel_loop3A_72 = arith.constant 10 : i32
        %parallel_loop3A_73 = vector.broadcast %parallel_loop3A_72 : i32 to vector<16xi32>
        %parallel_loop3A_74 = arith.shrsi %parallel_loop3A_59, %parallel_loop3A_73 : vector<16xi32>
        %parallel_loop3A_75 = arith.constant 63 : i32
        %parallel_loop3A_76 = vector.broadcast %parallel_loop3A_75 : i32 to vector<16xi32>
        %parallel_loop3A_77 = arith.andi %parallel_loop3A_74, %parallel_loop3A_76 : vector<16xi32>
        %parallel_loop3A_78 = arith.constant 1023 : i32
        %parallel_loop3A_79 = vector.broadcast %parallel_loop3A_78 : i32 to vector<16xi32>
        %parallel_loop3A_80 = arith.andi %parallel_loop3A_59, %parallel_loop3A_79 : vector<16xi32>
        tpu.vector_store_idx %arg9[%parallel_loop3A_77, %parallel_loop3A_80], %parallel_loop3A_71 masked %parallel_loop3A_67 {add = true} : memref<64x1000xf32, #tpu.memory_space<vmem>>[vector<16xi32>, vector<16xi32>], vector<16xf32>, vector<16xi1>
        %parallel_loop3A_81 = arith.constant 128 : i32
        %parallel_loop3A_82 = arith.muli %parallel_loop3A_26, %parallel_loop3A_81 : i32
        %parallel_loop3A_83 = arith.constant 32 : i32
        %parallel_loop3A_84 = arith.addi %parallel_loop3A_82, %parallel_loop3A_83 : i32
        %parallel_loop3A_85 = arith.index_cast %parallel_loop3A_84 : i32 to index
        %parallel_loop3A_86 = tpu.vector_load %arg12[%parallel_loop3A_85] {strides = array<i32>} : memref<8192xi32, #tpu.memory_space<vmem>>, vector<16xi32>,
        %parallel_loop3A_87 = arith.constant 16 : i32
        %parallel_loop3A_88 = vector.broadcast %parallel_loop3A_87 : i32 to vector<16xi32>
        %parallel_loop3A_89 = arith.shrsi %parallel_loop3A_86, %parallel_loop3A_88 : vector<16xi32>
        %parallel_loop3A_90 = arith.constant 31 : i32
        %parallel_loop3A_91 = vector.broadcast %parallel_loop3A_90 : i32 to vector<16xi32>
        %parallel_loop3A_92 = arith.andi %parallel_loop3A_89, %parallel_loop3A_91 : vector<16xi32>
        %parallel_loop3A_93 = vector.broadcast %add3A : i32 to vector<16xi32>
        %parallel_loop3A_94 = arith.cmpi eq, %parallel_loop3A_92, %parallel_loop3A_93 : vector<16xi32>
        %parallel_loop3A_95 = arith.constant 21 : i32
        %parallel_loop3A_96 = vector.broadcast %parallel_loop3A_95 : i32 to vector<16xi32>
        %parallel_loop3A_97 = arith.shrsi %parallel_loop3A_86, %parallel_loop3A_96 : vector<16xi32>
        %parallel_loop3A_98 = tpu.vector_load_idx %arg11[%parallel_loop3A_97] : memref<16xf32, #tpu.memory_space<vmem>>[vector<16xi32>], vector<16xf32>,
        %parallel_loop3A_99 = arith.constant 10 : i32
        %parallel_loop3A_100 = vector.broadcast %parallel_loop3A_99 : i32 to vector<16xi32>
        %parallel_loop3A_101 = arith.shrsi %parallel_loop3A_86, %parallel_loop3A_100 : vector<16xi32>
        %parallel_loop3A_102 = arith.constant 63 : i32
        %parallel_loop3A_103 = vector.broadcast %parallel_loop3A_102 : i32 to vector<16xi32>
        %parallel_loop3A_104 = arith.andi %parallel_loop3A_101, %parallel_loop3A_103 : vector<16xi32>
        %parallel_loop3A_105 = arith.constant 1023 : i32
        %parallel_loop3A_106 = vector.broadcast %parallel_loop3A_105 : i32 to vector<16xi32>
        %parallel_loop3A_107 = arith.andi %parallel_loop3A_86, %parallel_loop3A_106 : vector<16xi32>
        tpu.vector_store_idx %arg9[%parallel_loop3A_104, %parallel_loop3A_107], %parallel_loop3A_98 masked %parallel_loop3A_94 {add = true} : memref<64x1000xf32, #tpu.memory_space<vmem>>[vector<16xi32>, vector<16xi32>], vector<16xf32>, vector<16xi1>
        %parallel_loop3A_108 = arith.constant 128 : i32
        %parallel_loop3A_109 = arith.muli %parallel_loop3A_26, %parallel_loop3A_108 : i32
        %parallel_loop3A_110 = arith.constant 48 : i32
        %parallel_loop3A_111 = arith.addi %parallel_loop3A_109, %parallel_loop3A_110 : i32
        %parallel_loop3A_112 = arith.index_cast %parallel_loop3A_111 : i32 to index
        %parallel_loop3A_113 = tpu.vector_load %arg12[%parallel_loop3A_112] {strides = array<i32>} : memref<8192xi32, #tpu.memory_space<vmem>>, vector<16xi32>,
        %parallel_loop3A_114 = arith.constant 16 : i32
        %parallel_loop3A_115 = vector.broadcast %parallel_loop3A_114 : i32 to vector<16xi32>
        %parallel_loop3A_116 = arith.shrsi %parallel_loop3A_113, %parallel_loop3A_115 : vector<16xi32>
        %parallel_loop3A_117 = arith.constant 31 : i32
        %parallel_loop3A_118 = vector.broadcast %parallel_loop3A_117 : i32 to vector<16xi32>
        %parallel_loop3A_119 = arith.andi %parallel_loop3A_116, %parallel_loop3A_118 : vector<16xi32>
        %parallel_loop3A_120 = vector.broadcast %add3A : i32 to vector<16xi32>
        %parallel_loop3A_121 = arith.cmpi eq, %parallel_loop3A_119, %parallel_loop3A_120 : vector<16xi32>
        %parallel_loop3A_122 = arith.constant 21 : i32
        %parallel_loop3A_123 = vector.broadcast %parallel_loop3A_122 : i32 to vector<16xi32>
        %parallel_loop3A_124 = arith.shrsi %parallel_loop3A_113, %parallel_loop3A_123 : vector<16xi32>
        %parallel_loop3A_125 = tpu.vector_load_idx %arg11[%parallel_loop3A_124] : memref<16xf32, #tpu.memory_space<vmem>>[vector<16xi32>], vector<16xf32>,
        %parallel_loop3A_126 = arith.constant 10 : i32
        %parallel_loop3A_127 = vector.broadcast %parallel_loop3A_126 : i32 to vector<16xi32>
        %parallel_loop3A_128 = arith.shrsi %parallel_loop3A_113, %parallel_loop3A_127 : vector<16xi32>
        %parallel_loop3A_129 = arith.constant 63 : i32
        %parallel_loop3A_130 = vector.broadcast %parallel_loop3A_129 : i32 to vector<16xi32>
        %parallel_loop3A_131 = arith.andi %parallel_loop3A_128, %parallel_loop3A_130 : vector<16xi32>
        %parallel_loop3A_132 = arith.constant 1023 : i32
        %parallel_loop3A_133 = vector.broadcast %parallel_loop3A_132 : i32 to vector<16xi32>
        %parallel_loop3A_134 = arith.andi %parallel_loop3A_113, %parallel_loop3A_133 : vector<16xi32>
        tpu.vector_store_idx %arg9[%parallel_loop3A_131, %parallel_loop3A_134], %parallel_loop3A_125 masked %parallel_loop3A_121 {add = true} : memref<64x1000xf32, #tpu.memory_space<vmem>>[vector<16xi32>, vector<16xi32>], vector<16xf32>, vector<16xi1>
        %parallel_loop3A_135 = arith.constant 128 : i32
        %parallel_loop3A_136 = arith.muli %parallel_loop3A_26, %parallel_loop3A_135 : i32
        %parallel_loop3A_137 = arith.constant 64 : i32
        %parallel_loop3A_138 = arith.addi %parallel_loop3A_136, %parallel_loop3A_137 : i32
        %parallel_loop3A_139 = arith.index_cast %parallel_loop3A_138 : i32 to index
        %parallel_loop3A_140 = tpu.vector_load %arg12[%parallel_loop3A_139] {strides = array<i32>} : memref<8192xi32, #tpu.memory_space<vmem>>, vector<16xi32>,
        %parallel_loop3A_141 = arith.constant 16 : i32
        %parallel_loop3A_142 = vector.broadcast %parallel_loop3A_141 : i32 to vector<16xi32>
        %parallel_loop3A_143 = arith.shrsi %parallel_loop3A_140, %parallel_loop3A_142 : vector<16xi32>
        %parallel_loop3A_144 = arith.constant 31 : i32
        %parallel_loop3A_145 = vector.broadcast %parallel_loop3A_144 : i32 to vector<16xi32>
        %parallel_loop3A_146 = arith.andi %parallel_loop3A_143, %parallel_loop3A_145 : vector<16xi32>
        %parallel_loop3A_147 = vector.broadcast %add3A : i32 to vector<16xi32>
        %parallel_loop3A_148 = arith.cmpi eq, %parallel_loop3A_146, %parallel_loop3A_147 : vector<16xi32>
        %parallel_loop3A_149 = arith.constant 21 : i32
        %parallel_loop3A_150 = vector.broadcast %parallel_loop3A_149 : i32 to vector<16xi32>
        %parallel_loop3A_151 = arith.shrsi %parallel_loop3A_140, %parallel_loop3A_150 : vector<16xi32>
        %parallel_loop3A_152 = tpu.vector_load_idx %arg11[%parallel_loop3A_151] : memref<16xf32, #tpu.memory_space<vmem>>[vector<16xi32>], vector<16xf32>,
        %parallel_loop3A_153 = arith.constant 10 : i32
        %parallel_loop3A_154 = vector.broadcast %parallel_loop3A_153 : i32 to vector<16xi32>
        %parallel_loop3A_155 = arith.shrsi %parallel_loop3A_140, %parallel_loop3A_154 : vector<16xi32>
        %parallel_loop3A_156 = arith.constant 63 : i32
        %parallel_loop3A_157 = vector.broadcast %parallel_loop3A_156 : i32 to vector<16xi32>
        %parallel_loop3A_158 = arith.andi %parallel_loop3A_155, %parallel_loop3A_157 : vector<16xi32>
        %parallel_loop3A_159 = arith.constant 1023 : i32
        %parallel_loop3A_160 = vector.broadcast %parallel_loop3A_159 : i32 to vector<16xi32>
        %parallel_loop3A_161 = arith.andi %parallel_loop3A_140, %parallel_loop3A_160 : vector<16xi32>
        tpu.vector_store_idx %arg9[%parallel_loop3A_158, %parallel_loop3A_161], %parallel_loop3A_152 masked %parallel_loop3A_148 {add = true} : memref<64x1000xf32, #tpu.memory_space<vmem>>[vector<16xi32>, vector<16xi32>], vector<16xf32>, vector<16xi1>
        %parallel_loop3A_162 = arith.constant 128 : i32
        %parallel_loop3A_163 = arith.muli %parallel_loop3A_26, %parallel_loop3A_162 : i32
        %parallel_loop3A_164 = arith.constant 80 : i32
        %parallel_loop3A_165 = arith.addi %parallel_loop3A_163, %parallel_loop3A_164 : i32
        %parallel_loop3A_166 = arith.index_cast %parallel_loop3A_165 : i32 to index
        %parallel_loop3A_167 = tpu.vector_load %arg12[%parallel_loop3A_166] {strides = array<i32>} : memref<8192xi32, #tpu.memory_space<vmem>>, vector<16xi32>,
        %parallel_loop3A_168 = arith.constant 16 : i32
        %parallel_loop3A_169 = vector.broadcast %parallel_loop3A_168 : i32 to vector<16xi32>
        %parallel_loop3A_170 = arith.shrsi %parallel_loop3A_167, %parallel_loop3A_169 : vector<16xi32>
        %parallel_loop3A_171 = arith.constant 31 : i32
        %parallel_loop3A_172 = vector.broadcast %parallel_loop3A_171 : i32 to vector<16xi32>
        %parallel_loop3A_173 = arith.andi %parallel_loop3A_170, %parallel_loop3A_172 : vector<16xi32>
        %parallel_loop3A_174 = vector.broadcast %add3A : i32 to vector<16xi32>
        %parallel_loop3A_175 = arith.cmpi eq, %parallel_loop3A_173, %parallel_loop3A_174 : vector<16xi32>
        %parallel_loop3A_176 = arith.constant 21 : i32
        %parallel_loop3A_177 = vector.broadcast %parallel_loop3A_176 : i32 to vector<16xi32>
        %parallel_loop3A_178 = arith.shrsi %parallel_loop3A_167, %parallel_loop3A_177 : vector<16xi32>
        %parallel_loop3A_179 = tpu.vector_load_idx %arg11[%parallel_loop3A_178] : memref<16xf32, #tpu.memory_space<vmem>>[vector<16xi32>], vector<16xf32>,
        %parallel_loop3A_180 = arith.constant 10 : i32
        %parallel_loop3A_181 = vector.broadcast %parallel_loop3A_180 : i32 to vector<16xi32>
        %parallel_loop3A_182 = arith.shrsi %parallel_loop3A_167, %parallel_loop3A_181 : vector<16xi32>
        %parallel_loop3A_183 = arith.constant 63 : i32
        %parallel_loop3A_184 = vector.broadcast %parallel_loop3A_183 : i32 to vector<16xi32>
        %parallel_loop3A_185 = arith.andi %parallel_loop3A_182, %parallel_loop3A_184 : vector<16xi32>
        %parallel_loop3A_186 = arith.constant 1023 : i32
        %parallel_loop3A_187 = vector.broadcast %parallel_loop3A_186 : i32 to vector<16xi32>
        %parallel_loop3A_188 = arith.andi %parallel_loop3A_167, %parallel_loop3A_187 : vector<16xi32>
        tpu.vector_store_idx %arg9[%parallel_loop3A_185, %parallel_loop3A_188], %parallel_loop3A_179 masked %parallel_loop3A_175 {add = true} : memref<64x1000xf32, #tpu.memory_space<vmem>>[vector<16xi32>, vector<16xi32>], vector<16xf32>, vector<16xi1>
        %parallel_loop3A_189 = arith.constant 128 : i32
        %parallel_loop3A_190 = arith.muli %parallel_loop3A_26, %parallel_loop3A_189 : i32
        %parallel_loop3A_191 = arith.constant 96 : i32
        %parallel_loop3A_192 = arith.addi %parallel_loop3A_190, %parallel_loop3A_191 : i32
        %parallel_loop3A_193 = arith.index_cast %parallel_loop3A_192 : i32 to index
        %parallel_loop3A_194 = tpu.vector_load %arg12[%parallel_loop3A_193] {strides = array<i32>} : memref<8192xi32, #tpu.memory_space<vmem>>, vector<16xi32>,
        %parallel_loop3A_195 = arith.constant 16 : i32
        %parallel_loop3A_196 = vector.broadcast %parallel_loop3A_195 : i32 to vector<16xi32>
        %parallel_loop3A_197 = arith.shrsi %parallel_loop3A_194, %parallel_loop3A_196 : vector<16xi32>
        %parallel_loop3A_198 = arith.constant 31 : i32
        %parallel_loop3A_199 = vector.broadcast %parallel_loop3A_198 : i32 to vector<16xi32>
        %parallel_loop3A_200 = arith.andi %parallel_loop3A_197, %parallel_loop3A_199 : vector<16xi32>
        %parallel_loop3A_201 = vector.broadcast %add3A : i32 to vector<16xi32>
        %parallel_loop3A_202 = arith.cmpi eq, %parallel_loop3A_200, %parallel_loop3A_201 : vector<16xi32>
        %parallel_loop3A_203 = arith.constant 21 : i32
        %parallel_loop3A_204 = vector.broadcast %parallel_loop3A_203 : i32 to vector<16xi32>
        %parallel_loop3A_205 = arith.shrsi %parallel_loop3A_194, %parallel_loop3A_204 : vector<16xi32>
        %parallel_loop3A_206 = tpu.vector_load_idx %arg11[%parallel_loop3A_205] : memref<16xf32, #tpu.memory_space<vmem>>[vector<16xi32>], vector<16xf32>,
        %parallel_loop3A_207 = arith.constant 10 : i32
        %parallel_loop3A_208 = vector.broadcast %parallel_loop3A_207 : i32 to vector<16xi32>
        %parallel_loop3A_209 = arith.shrsi %parallel_loop3A_194, %parallel_loop3A_208 : vector<16xi32>
        %parallel_loop3A_210 = arith.constant 63 : i32
        %parallel_loop3A_211 = vector.broadcast %parallel_loop3A_210 : i32 to vector<16xi32>
        %parallel_loop3A_212 = arith.andi %parallel_loop3A_209, %parallel_loop3A_211 : vector<16xi32>
        %parallel_loop3A_213 = arith.constant 1023 : i32
        %parallel_loop3A_214 = vector.broadcast %parallel_loop3A_213 : i32 to vector<16xi32>
        %parallel_loop3A_215 = arith.andi %parallel_loop3A_194, %parallel_loop3A_214 : vector<16xi32>
        tpu.vector_store_idx %arg9[%parallel_loop3A_212, %parallel_loop3A_215], %parallel_loop3A_206 masked %parallel_loop3A_202 {add = true} : memref<64x1000xf32, #tpu.memory_space<vmem>>[vector<16xi32>, vector<16xi32>], vector<16xf32>, vector<16xi1>
        %parallel_loop3A_216 = arith.constant 128 : i32
        %parallel_loop3A_217 = arith.muli %parallel_loop3A_26, %parallel_loop3A_216 : i32
        %parallel_loop3A_218 = arith.constant 112 : i32
        %parallel_loop3A_219 = arith.addi %parallel_loop3A_217, %parallel_loop3A_218 : i32
        %parallel_loop3A_220 = arith.index_cast %parallel_loop3A_219 : i32 to index
        %parallel_loop3A_221 = tpu.vector_load %arg12[%parallel_loop3A_220] {strides = array<i32>} : memref<8192xi32, #tpu.memory_space<vmem>>, vector<16xi32>,
        %parallel_loop3A_222 = arith.constant 16 : i32
        %parallel_loop3A_223 = vector.broadcast %parallel_loop3A_222 : i32 to vector<16xi32>
        %parallel_loop3A_224 = arith.shrsi %parallel_loop3A_221, %parallel_loop3A_223 : vector<16xi32>
        %parallel_loop3A_225 = arith.constant 31 : i32
        %parallel_loop3A_226 = vector.broadcast %parallel_loop3A_225 : i32 to vector<16xi32>
        %parallel_loop3A_227 = arith.andi %parallel_loop3A_224, %parallel_loop3A_226 : vector<16xi32>
        %parallel_loop3A_228 = vector.broadcast %add3A : i32 to vector<16xi32>
        %parallel_loop3A_229 = arith.cmpi eq, %parallel_loop3A_227, %parallel_loop3A_228 : vector<16xi32>
        %parallel_loop3A_230 = arith.constant 21 : i32
        %parallel_loop3A_231 = vector.broadcast %parallel_loop3A_230 : i32 to vector<16xi32>
        %parallel_loop3A_232 = arith.shrsi %parallel_loop3A_221, %parallel_loop3A_231 : vector<16xi32>
        %parallel_loop3A_233 = tpu.vector_load_idx %arg11[%parallel_loop3A_232] : memref<16xf32, #tpu.memory_space<vmem>>[vector<16xi32>], vector<16xf32>,
        %parallel_loop3A_234 = arith.constant 10 : i32
        %parallel_loop3A_235 = vector.broadcast %parallel_loop3A_234 : i32 to vector<16xi32>
        %parallel_loop3A_236 = arith.shrsi %parallel_loop3A_221, %parallel_loop3A_235 : vector<16xi32>
        %parallel_loop3A_237 = arith.constant 63 : i32
        %parallel_loop3A_238 = vector.broadcast %parallel_loop3A_237 : i32 to vector<16xi32>
        %parallel_loop3A_239 = arith.andi %parallel_loop3A_236, %parallel_loop3A_238 : vector<16xi32>
        %parallel_loop3A_240 = arith.constant 1023 : i32
        %parallel_loop3A_241 = vector.broadcast %parallel_loop3A_240 : i32 to vector<16xi32>
        %parallel_loop3A_242 = arith.andi %parallel_loop3A_221, %parallel_loop3A_241 : vector<16xi32>
        tpu.vector_store_idx %arg9[%parallel_loop3A_239, %parallel_loop3A_242], %parallel_loop3A_233 masked %parallel_loop3A_229 {add = true} : memref<64x1000xf32, #tpu.memory_space<vmem>>[vector<16xi32>, vector<16xi32>], vector<16xf32>, vector<16xi1>
      } {sc.loop_unroll_factor = 2 : i64, sc.parallel_access}
      %scan3A_25 = arith.constant 0 : i32
      scf.yield %scan3A_25 : i32
    }
    %scan3A_6 = arith.constant 32 : i32
    %broadcast_in_dim3A = arith.constant 1.000000e+00 : f32
    %broadcast_in_dim3A_7 = vector.broadcast %broadcast_in_dim3A : f32 to vector<16xf32>
    %scan3A_8 = arith.constant 0 : i32
    %scan3A_9 = arith.constant 0 : i32
    %scan3A_10 = arith.constant 8 : i32
    %scan3A_11 = arith.addi %scan3A_9, %scan3A_10 : i32
    %scan3A_12 = arith.constant 1 : i32
    %scan3A_13 = scf.for %scan3A_19 = %scan3A_9 to %scan3A_11 step %scan3A_12 iter_args(%scan3A_20 = %scan3A_8) -> (i32)  : i32 {
      %mul3A_21 = arith.constant 8192 : i32
      %mul3A_22 = arith.muli %scan3A_19, %mul3A_21 : i32
      "tpu.region"() ({
        %run_scoped3A = tpu.sem_alloc : memref<!tpu.dma_semaphore, #tpu.memory_space<semaphore_mem>>
        %dma_start3A = tpu.memref_slice %arg3[%mul3A_22] : memref<65536xi32, #tpu.memory_space<hbm>> -> memref<8192xi32, #tpu.memory_space<hbm>>
        %dma_start3A_26 = tpu.memref_slice %arg3[%mul3A_22] : memref<65536xi32, #tpu.memory_space<hbm>> -> memref<8192xi32, #tpu.memory_space<hbm>>
        tpu.enqueue_dma source(%dma_start3A_26 : memref<8192xi32, #tpu.memory_space<hbm>>) target(%arg12 : memref<8192xi32, #tpu.memory_space<vmem>>) target_semaphore(%run_scoped3A : memref<!tpu.dma_semaphore, #tpu.memory_space<semaphore_mem>>)
        %dma_wait3A = tpu.memref_slice %arg3[%mul3A_22] : memref<65536xi32, #tpu.memory_space<hbm>> -> memref<8192xi32, #tpu.memory_space<hbm>>
        %dma_wait3A_27 = tpu.memref_slice %arg3[%mul3A_22] : memref<65536xi32, #tpu.memory_space<hbm>> -> memref<8192xi32, #tpu.memory_space<hbm>>
        tpu.wait_dma2 semaphore(%run_scoped3A : memref<!tpu.dma_semaphore, #tpu.memory_space<semaphore_mem>>) src(%dma_wait3A_27 : memref<8192xi32, #tpu.memory_space<hbm>>) dst(%arg12 : memref<8192xi32, #tpu.memory_space<vmem>>)
        tpu.yield
      }) : () -> ()
      %parallel_loop3A = arith.constant 0 : i32
      %parallel_loop3A_23 = arith.constant 64 : i32
      %parallel_loop3A_24 = arith.constant 1 : i32
      scf.for %parallel_loop3A_26 = %parallel_loop3A to %parallel_loop3A_23 step %parallel_loop3A_24  : i32 {
        %parallel_loop3A_27 = arith.constant 128 : i32
        %parallel_loop3A_28 = arith.muli %parallel_loop3A_26, %parallel_loop3A_27 : i32
        %parallel_loop3A_29 = arith.constant 0 : i32
        %parallel_loop3A_30 = arith.addi %parallel_loop3A_28, %parallel_loop3A_29 : i32
        %parallel_loop3A_31 = arith.index_cast %parallel_loop3A_30 : i32 to index
        %parallel_loop3A_32 = tpu.vector_load %arg12[%parallel_loop3A_31] {strides = array<i32>} : memref<8192xi32, #tpu.memory_space<vmem>>, vector<16xi32>,
        %parallel_loop3A_33 = arith.constant 16 : i32
        %parallel_loop3A_34 = vector.broadcast %parallel_loop3A_33 : i32 to vector<16xi32>
        %parallel_loop3A_35 = arith.shrsi %parallel_loop3A_32, %parallel_loop3A_34 : vector<16xi32>
        %parallel_loop3A_36 = arith.constant 31 : i32
        %parallel_loop3A_37 = vector.broadcast %parallel_loop3A_36 : i32 to vector<16xi32>
        %parallel_loop3A_38 = arith.andi %parallel_loop3A_35, %parallel_loop3A_37 : vector<16xi32>
        %parallel_loop3A_39 = vector.broadcast %add3A : i32 to vector<16xi32>
        %parallel_loop3A_40 = arith.cmpi eq, %parallel_loop3A_38, %parallel_loop3A_39 : vector<16xi32>
        %parallel_loop3A_41 = arith.constant 10 : i32
        %parallel_loop3A_42 = vector.broadcast %parallel_loop3A_41 : i32 to vector<16xi32>
        %parallel_loop3A_43 = arith.shrsi %parallel_loop3A_32, %parallel_loop3A_42 : vector<16xi32>
        %parallel_loop3A_44 = arith.constant 63 : i32
        %parallel_loop3A_45 = vector.broadcast %parallel_loop3A_44 : i32 to vector<16xi32>
        %parallel_loop3A_46 = arith.andi %parallel_loop3A_43, %parallel_loop3A_45 : vector<16xi32>
        %parallel_loop3A_47 = arith.constant 1023 : i32
        %parallel_loop3A_48 = vector.broadcast %parallel_loop3A_47 : i32 to vector<16xi32>
        %parallel_loop3A_49 = arith.andi %parallel_loop3A_32, %parallel_loop3A_48 : vector<16xi32>
        tpu.vector_store_idx %arg10[%parallel_loop3A_46, %parallel_loop3A_49], %broadcast_in_dim3A_7 masked %parallel_loop3A_40 {add = true} : memref<64x500xf32, #tpu.memory_space<vmem>>[vector<16xi32>, vector<16xi32>], vector<16xf32>, vector<16xi1>
        %parallel_loop3A_50 = arith.constant 128 : i32
        %parallel_loop3A_51 = arith.muli %parallel_loop3A_26, %parallel_loop3A_50 : i32
        %parallel_loop3A_52 = arith.constant 16 : i32
        %parallel_loop3A_53 = arith.addi %parallel_loop3A_51, %parallel_loop3A_52 : i32
        %parallel_loop3A_54 = arith.index_cast %parallel_loop3A_53 : i32 to index
        %parallel_loop3A_55 = tpu.vector_load %arg12[%parallel_loop3A_54] {strides = array<i32>} : memref<8192xi32, #tpu.memory_space<vmem>>, vector<16xi32>,
        %parallel_loop3A_56 = arith.constant 16 : i32
        %parallel_loop3A_57 = vector.broadcast %parallel_loop3A_56 : i32 to vector<16xi32>
        %parallel_loop3A_58 = arith.shrsi %parallel_loop3A_55, %parallel_loop3A_57 : vector<16xi32>
        %parallel_loop3A_59 = arith.constant 31 : i32
        %parallel_loop3A_60 = vector.broadcast %parallel_loop3A_59 : i32 to vector<16xi32>
        %parallel_loop3A_61 = arith.andi %parallel_loop3A_58, %parallel_loop3A_60 : vector<16xi32>
        %parallel_loop3A_62 = vector.broadcast %add3A : i32 to vector<16xi32>
        %parallel_loop3A_63 = arith.cmpi eq, %parallel_loop3A_61, %parallel_loop3A_62 : vector<16xi32>
        %parallel_loop3A_64 = arith.constant 10 : i32
        %parallel_loop3A_65 = vector.broadcast %parallel_loop3A_64 : i32 to vector<16xi32>
        %parallel_loop3A_66 = arith.shrsi %parallel_loop3A_55, %parallel_loop3A_65 : vector<16xi32>
        %parallel_loop3A_67 = arith.constant 63 : i32
        %parallel_loop3A_68 = vector.broadcast %parallel_loop3A_67 : i32 to vector<16xi32>
        %parallel_loop3A_69 = arith.andi %parallel_loop3A_66, %parallel_loop3A_68 : vector<16xi32>
        %parallel_loop3A_70 = arith.constant 1023 : i32
        %parallel_loop3A_71 = vector.broadcast %parallel_loop3A_70 : i32 to vector<16xi32>
        %parallel_loop3A_72 = arith.andi %parallel_loop3A_55, %parallel_loop3A_71 : vector<16xi32>
        tpu.vector_store_idx %arg10[%parallel_loop3A_69, %parallel_loop3A_72], %broadcast_in_dim3A_7 masked %parallel_loop3A_63 {add = true} : memref<64x500xf32, #tpu.memory_space<vmem>>[vector<16xi32>, vector<16xi32>], vector<16xf32>, vector<16xi1>
        %parallel_loop3A_73 = arith.constant 128 : i32
        %parallel_loop3A_74 = arith.muli %parallel_loop3A_26, %parallel_loop3A_73 : i32
        %parallel_loop3A_75 = arith.constant 32 : i32
        %parallel_loop3A_76 = arith.addi %parallel_loop3A_74, %parallel_loop3A_75 : i32
        %parallel_loop3A_77 = arith.index_cast %parallel_loop3A_76 : i32 to index
        %parallel_loop3A_78 = tpu.vector_load %arg12[%parallel_loop3A_77] {strides = array<i32>} : memref<8192xi32, #tpu.memory_space<vmem>>, vector<16xi32>,
        %parallel_loop3A_79 = arith.constant 16 : i32
        %parallel_loop3A_80 = vector.broadcast %parallel_loop3A_79 : i32 to vector<16xi32>
        %parallel_loop3A_81 = arith.shrsi %parallel_loop3A_78, %parallel_loop3A_80 : vector<16xi32>
        %parallel_loop3A_82 = arith.constant 31 : i32
        %parallel_loop3A_83 = vector.broadcast %parallel_loop3A_82 : i32 to vector<16xi32>
        %parallel_loop3A_84 = arith.andi %parallel_loop3A_81, %parallel_loop3A_83 : vector<16xi32>
        %parallel_loop3A_85 = vector.broadcast %add3A : i32 to vector<16xi32>
        %parallel_loop3A_86 = arith.cmpi eq, %parallel_loop3A_84, %parallel_loop3A_85 : vector<16xi32>
        %parallel_loop3A_87 = arith.constant 10 : i32
        %parallel_loop3A_88 = vector.broadcast %parallel_loop3A_87 : i32 to vector<16xi32>
        %parallel_loop3A_89 = arith.shrsi %parallel_loop3A_78, %parallel_loop3A_88 : vector<16xi32>
        %parallel_loop3A_90 = arith.constant 63 : i32
        %parallel_loop3A_91 = vector.broadcast %parallel_loop3A_90 : i32 to vector<16xi32>
        %parallel_loop3A_92 = arith.andi %parallel_loop3A_89, %parallel_loop3A_91 : vector<16xi32>
        %parallel_loop3A_93 = arith.constant 1023 : i32
        %parallel_loop3A_94 = vector.broadcast %parallel_loop3A_93 : i32 to vector<16xi32>
        %parallel_loop3A_95 = arith.andi %parallel_loop3A_78, %parallel_loop3A_94 : vector<16xi32>
        tpu.vector_store_idx %arg10[%parallel_loop3A_92, %parallel_loop3A_95], %broadcast_in_dim3A_7 masked %parallel_loop3A_86 {add = true} : memref<64x500xf32, #tpu.memory_space<vmem>>[vector<16xi32>, vector<16xi32>], vector<16xf32>, vector<16xi1>
        %parallel_loop3A_96 = arith.constant 128 : i32
        %parallel_loop3A_97 = arith.muli %parallel_loop3A_26, %parallel_loop3A_96 : i32
        %parallel_loop3A_98 = arith.constant 48 : i32
        %parallel_loop3A_99 = arith.addi %parallel_loop3A_97, %parallel_loop3A_98 : i32
        %parallel_loop3A_100 = arith.index_cast %parallel_loop3A_99 : i32 to index
        %parallel_loop3A_101 = tpu.vector_load %arg12[%parallel_loop3A_100] {strides = array<i32>} : memref<8192xi32, #tpu.memory_space<vmem>>, vector<16xi32>,
        %parallel_loop3A_102 = arith.constant 16 : i32
        %parallel_loop3A_103 = vector.broadcast %parallel_loop3A_102 : i32 to vector<16xi32>
        %parallel_loop3A_104 = arith.shrsi %parallel_loop3A_101, %parallel_loop3A_103 : vector<16xi32>
        %parallel_loop3A_105 = arith.constant 31 : i32
        %parallel_loop3A_106 = vector.broadcast %parallel_loop3A_105 : i32 to vector<16xi32>
        %parallel_loop3A_107 = arith.andi %parallel_loop3A_104, %parallel_loop3A_106 : vector<16xi32>
        %parallel_loop3A_108 = vector.broadcast %add3A : i32 to vector<16xi32>
        %parallel_loop3A_109 = arith.cmpi eq, %parallel_loop3A_107, %parallel_loop3A_108 : vector<16xi32>
        %parallel_loop3A_110 = arith.constant 10 : i32
        %parallel_loop3A_111 = vector.broadcast %parallel_loop3A_110 : i32 to vector<16xi32>
        %parallel_loop3A_112 = arith.shrsi %parallel_loop3A_101, %parallel_loop3A_111 : vector<16xi32>
        %parallel_loop3A_113 = arith.constant 63 : i32
        %parallel_loop3A_114 = vector.broadcast %parallel_loop3A_113 : i32 to vector<16xi32>
        %parallel_loop3A_115 = arith.andi %parallel_loop3A_112, %parallel_loop3A_114 : vector<16xi32>
        %parallel_loop3A_116 = arith.constant 1023 : i32
        %parallel_loop3A_117 = vector.broadcast %parallel_loop3A_116 : i32 to vector<16xi32>
        %parallel_loop3A_118 = arith.andi %parallel_loop3A_101, %parallel_loop3A_117 : vector<16xi32>
        tpu.vector_store_idx %arg10[%parallel_loop3A_115, %parallel_loop3A_118], %broadcast_in_dim3A_7 masked %parallel_loop3A_109 {add = true} : memref<64x500xf32, #tpu.memory_space<vmem>>[vector<16xi32>, vector<16xi32>], vector<16xf32>, vector<16xi1>
        %parallel_loop3A_119 = arith.constant 128 : i32
        %parallel_loop3A_120 = arith.muli %parallel_loop3A_26, %parallel_loop3A_119 : i32
        %parallel_loop3A_121 = arith.constant 64 : i32
        %parallel_loop3A_122 = arith.addi %parallel_loop3A_120, %parallel_loop3A_121 : i32
        %parallel_loop3A_123 = arith.index_cast %parallel_loop3A_122 : i32 to index
        %parallel_loop3A_124 = tpu.vector_load %arg12[%parallel_loop3A_123] {strides = array<i32>} : memref<8192xi32, #tpu.memory_space<vmem>>, vector<16xi32>,
        %parallel_loop3A_125 = arith.constant 16 : i32
        %parallel_loop3A_126 = vector.broadcast %parallel_loop3A_125 : i32 to vector<16xi32>
        %parallel_loop3A_127 = arith.shrsi %parallel_loop3A_124, %parallel_loop3A_126 : vector<16xi32>
        %parallel_loop3A_128 = arith.constant 31 : i32
        %parallel_loop3A_129 = vector.broadcast %parallel_loop3A_128 : i32 to vector<16xi32>
        %parallel_loop3A_130 = arith.andi %parallel_loop3A_127, %parallel_loop3A_129 : vector<16xi32>
        %parallel_loop3A_131 = vector.broadcast %add3A : i32 to vector<16xi32>
        %parallel_loop3A_132 = arith.cmpi eq, %parallel_loop3A_130, %parallel_loop3A_131 : vector<16xi32>
        %parallel_loop3A_133 = arith.constant 10 : i32
        %parallel_loop3A_134 = vector.broadcast %parallel_loop3A_133 : i32 to vector<16xi32>
        %parallel_loop3A_135 = arith.shrsi %parallel_loop3A_124, %parallel_loop3A_134 : vector<16xi32>
        %parallel_loop3A_136 = arith.constant 63 : i32
        %parallel_loop3A_137 = vector.broadcast %parallel_loop3A_136 : i32 to vector<16xi32>
        %parallel_loop3A_138 = arith.andi %parallel_loop3A_135, %parallel_loop3A_137 : vector<16xi32>
        %parallel_loop3A_139 = arith.constant 1023 : i32
        %parallel_loop3A_140 = vector.broadcast %parallel_loop3A_139 : i32 to vector<16xi32>
        %parallel_loop3A_141 = arith.andi %parallel_loop3A_124, %parallel_loop3A_140 : vector<16xi32>
        tpu.vector_store_idx %arg10[%parallel_loop3A_138, %parallel_loop3A_141], %broadcast_in_dim3A_7 masked %parallel_loop3A_132 {add = true} : memref<64x500xf32, #tpu.memory_space<vmem>>[vector<16xi32>, vector<16xi32>], vector<16xf32>, vector<16xi1>
        %parallel_loop3A_142 = arith.constant 128 : i32
        %parallel_loop3A_143 = arith.muli %parallel_loop3A_26, %parallel_loop3A_142 : i32
        %parallel_loop3A_144 = arith.constant 80 : i32
        %parallel_loop3A_145 = arith.addi %parallel_loop3A_143, %parallel_loop3A_144 : i32
        %parallel_loop3A_146 = arith.index_cast %parallel_loop3A_145 : i32 to index
        %parallel_loop3A_147 = tpu.vector_load %arg12[%parallel_loop3A_146] {strides = array<i32>} : memref<8192xi32, #tpu.memory_space<vmem>>, vector<16xi32>,
        %parallel_loop3A_148 = arith.constant 16 : i32
        %parallel_loop3A_149 = vector.broadcast %parallel_loop3A_148 : i32 to vector<16xi32>
        %parallel_loop3A_150 = arith.shrsi %parallel_loop3A_147, %parallel_loop3A_149 : vector<16xi32>
        %parallel_loop3A_151 = arith.constant 31 : i32
        %parallel_loop3A_152 = vector.broadcast %parallel_loop3A_151 : i32 to vector<16xi32>
        %parallel_loop3A_153 = arith.andi %parallel_loop3A_150, %parallel_loop3A_152 : vector<16xi32>
        %parallel_loop3A_154 = vector.broadcast %add3A : i32 to vector<16xi32>
        %parallel_loop3A_155 = arith.cmpi eq, %parallel_loop3A_153, %parallel_loop3A_154 : vector<16xi32>
        %parallel_loop3A_156 = arith.constant 10 : i32
        %parallel_loop3A_157 = vector.broadcast %parallel_loop3A_156 : i32 to vector<16xi32>
        %parallel_loop3A_158 = arith.shrsi %parallel_loop3A_147, %parallel_loop3A_157 : vector<16xi32>
        %parallel_loop3A_159 = arith.constant 63 : i32
        %parallel_loop3A_160 = vector.broadcast %parallel_loop3A_159 : i32 to vector<16xi32>
        %parallel_loop3A_161 = arith.andi %parallel_loop3A_158, %parallel_loop3A_160 : vector<16xi32>
        %parallel_loop3A_162 = arith.constant 1023 : i32
        %parallel_loop3A_163 = vector.broadcast %parallel_loop3A_162 : i32 to vector<16xi32>
        %parallel_loop3A_164 = arith.andi %parallel_loop3A_147, %parallel_loop3A_163 : vector<16xi32>
        tpu.vector_store_idx %arg10[%parallel_loop3A_161, %parallel_loop3A_164], %broadcast_in_dim3A_7 masked %parallel_loop3A_155 {add = true} : memref<64x500xf32, #tpu.memory_space<vmem>>[vector<16xi32>, vector<16xi32>], vector<16xf32>, vector<16xi1>
        %parallel_loop3A_165 = arith.constant 128 : i32
        %parallel_loop3A_166 = arith.muli %parallel_loop3A_26, %parallel_loop3A_165 : i32
        %parallel_loop3A_167 = arith.constant 96 : i32
        %parallel_loop3A_168 = arith.addi %parallel_loop3A_166, %parallel_loop3A_167 : i32
        %parallel_loop3A_169 = arith.index_cast %parallel_loop3A_168 : i32 to index
        %parallel_loop3A_170 = tpu.vector_load %arg12[%parallel_loop3A_169] {strides = array<i32>} : memref<8192xi32, #tpu.memory_space<vmem>>, vector<16xi32>,
        %parallel_loop3A_171 = arith.constant 16 : i32
        %parallel_loop3A_172 = vector.broadcast %parallel_loop3A_171 : i32 to vector<16xi32>
        %parallel_loop3A_173 = arith.shrsi %parallel_loop3A_170, %parallel_loop3A_172 : vector<16xi32>
        %parallel_loop3A_174 = arith.constant 31 : i32
        %parallel_loop3A_175 = vector.broadcast %parallel_loop3A_174 : i32 to vector<16xi32>
        %parallel_loop3A_176 = arith.andi %parallel_loop3A_173, %parallel_loop3A_175 : vector<16xi32>
        %parallel_loop3A_177 = vector.broadcast %add3A : i32 to vector<16xi32>
        %parallel_loop3A_178 = arith.cmpi eq, %parallel_loop3A_176, %parallel_loop3A_177 : vector<16xi32>
        %parallel_loop3A_179 = arith.constant 10 : i32
        %parallel_loop3A_180 = vector.broadcast %parallel_loop3A_179 : i32 to vector<16xi32>
        %parallel_loop3A_181 = arith.shrsi %parallel_loop3A_170, %parallel_loop3A_180 : vector<16xi32>
        %parallel_loop3A_182 = arith.constant 63 : i32
        %parallel_loop3A_183 = vector.broadcast %parallel_loop3A_182 : i32 to vector<16xi32>
        %parallel_loop3A_184 = arith.andi %parallel_loop3A_181, %parallel_loop3A_183 : vector<16xi32>
        %parallel_loop3A_185 = arith.constant 1023 : i32
        %parallel_loop3A_186 = vector.broadcast %parallel_loop3A_185 : i32 to vector<16xi32>
        %parallel_loop3A_187 = arith.andi %parallel_loop3A_170, %parallel_loop3A_186 : vector<16xi32>
        tpu.vector_store_idx %arg10[%parallel_loop3A_184, %parallel_loop3A_187], %broadcast_in_dim3A_7 masked %parallel_loop3A_178 {add = true} : memref<64x500xf32, #tpu.memory_space<vmem>>[vector<16xi32>, vector<16xi32>], vector<16xf32>, vector<16xi1>
        %parallel_loop3A_188 = arith.constant 128 : i32
        %parallel_loop3A_189 = arith.muli %parallel_loop3A_26, %parallel_loop3A_188 : i32
        %parallel_loop3A_190 = arith.constant 112 : i32
        %parallel_loop3A_191 = arith.addi %parallel_loop3A_189, %parallel_loop3A_190 : i32
        %parallel_loop3A_192 = arith.index_cast %parallel_loop3A_191 : i32 to index
        %parallel_loop3A_193 = tpu.vector_load %arg12[%parallel_loop3A_192] {strides = array<i32>} : memref<8192xi32, #tpu.memory_space<vmem>>, vector<16xi32>,
        %parallel_loop3A_194 = arith.constant 16 : i32
        %parallel_loop3A_195 = vector.broadcast %parallel_loop3A_194 : i32 to vector<16xi32>
        %parallel_loop3A_196 = arith.shrsi %parallel_loop3A_193, %parallel_loop3A_195 : vector<16xi32>
        %parallel_loop3A_197 = arith.constant 31 : i32
        %parallel_loop3A_198 = vector.broadcast %parallel_loop3A_197 : i32 to vector<16xi32>
        %parallel_loop3A_199 = arith.andi %parallel_loop3A_196, %parallel_loop3A_198 : vector<16xi32>
        %parallel_loop3A_200 = vector.broadcast %add3A : i32 to vector<16xi32>
        %parallel_loop3A_201 = arith.cmpi eq, %parallel_loop3A_199, %parallel_loop3A_200 : vector<16xi32>
        %parallel_loop3A_202 = arith.constant 10 : i32
        %parallel_loop3A_203 = vector.broadcast %parallel_loop3A_202 : i32 to vector<16xi32>
        %parallel_loop3A_204 = arith.shrsi %parallel_loop3A_193, %parallel_loop3A_203 : vector<16xi32>
        %parallel_loop3A_205 = arith.constant 63 : i32
        %parallel_loop3A_206 = vector.broadcast %parallel_loop3A_205 : i32 to vector<16xi32>
        %parallel_loop3A_207 = arith.andi %parallel_loop3A_204, %parallel_loop3A_206 : vector<16xi32>
        %parallel_loop3A_208 = arith.constant 1023 : i32
        %parallel_loop3A_209 = vector.broadcast %parallel_loop3A_208 : i32 to vector<16xi32>
        %parallel_loop3A_210 = arith.andi %parallel_loop3A_193, %parallel_loop3A_209 : vector<16xi32>
        tpu.vector_store_idx %arg10[%parallel_loop3A_207, %parallel_loop3A_210], %broadcast_in_dim3A_7 masked %parallel_loop3A_201 {add = true} : memref<64x500xf32, #tpu.memory_space<vmem>>[vector<16xi32>, vector<16xi32>], vector<16xf32>, vector<16xi1>
      } {sc.loop_unroll_factor = 2 : i64, sc.parallel_access}
      %scan3A_25 = arith.constant 0 : i32
      scf.yield %scan3A_25 : i32
    }
    %scan3A_14 = arith.constant 8 : i32
    %mul3A_15 = arith.constant 64 : i32
    %mul3A_16 = arith.muli %add3A, %mul3A_15 : i32
    "tpu.region"() ({
      %run_scoped3A = tpu.sem_alloc : memref<!tpu.dma_semaphore, #tpu.memory_space<semaphore_mem>>
      %dma_start3A = arith.constant 0 : i32
      %dma_start3A_19 = tpu.memref_slice %arg7[%mul3A_16, %dma_start3A] : memref<2048x1000xf32, #tpu.memory_space<hbm>> -> memref<64x1000xf32, #tpu.memory_space<hbm>>
      %dma_start3A_20 = arith.constant 0 : i32
      %dma_start3A_21 = tpu.memref_slice %arg7[%mul3A_16, %dma_start3A_20] : memref<2048x1000xf32, #tpu.memory_space<hbm>> -> memref<64x1000xf32, #tpu.memory_space<hbm>>
      tpu.enqueue_dma source(%arg9 : memref<64x1000xf32, #tpu.memory_space<vmem>>) target(%dma_start3A_21 : memref<64x1000xf32, #tpu.memory_space<hbm>>) target_semaphore(%run_scoped3A : memref<!tpu.dma_semaphore, #tpu.memory_space<semaphore_mem>>)
      %dma_wait3A = arith.constant 0 : i32
      %dma_wait3A_22 = tpu.memref_slice %arg7[%mul3A_16, %dma_wait3A] : memref<2048x1000xf32, #tpu.memory_space<hbm>> -> memref<64x1000xf32, #tpu.memory_space<hbm>>
      %dma_wait3A_23 = arith.constant 0 : i32
      %dma_wait3A_24 = tpu.memref_slice %arg7[%mul3A_16, %dma_wait3A_23] : memref<2048x1000xf32, #tpu.memory_space<hbm>> -> memref<64x1000xf32, #tpu.memory_space<hbm>>
      tpu.wait_dma2 semaphore(%run_scoped3A : memref<!tpu.dma_semaphore, #tpu.memory_space<semaphore_mem>>) src(%arg9 : memref<64x1000xf32, #tpu.memory_space<vmem>>) dst(%dma_wait3A_24 : memref<64x1000xf32, #tpu.memory_space<hbm>>)
      tpu.yield
    }) : () -> ()
    %mul3A_17 = arith.constant 64 : i32
    %mul3A_18 = arith.muli %add3A, %mul3A_17 : i32
    "tpu.region"() ({
      %run_scoped3A = tpu.sem_alloc : memref<!tpu.dma_semaphore, #tpu.memory_space<semaphore_mem>>
      %dma_start3A = arith.constant 0 : i32
      %dma_start3A_19 = tpu.memref_slice %arg8[%mul3A_18, %dma_start3A] : memref<2048x500xf32, #tpu.memory_space<hbm>> -> memref<64x500xf32, #tpu.memory_space<hbm>>
      %dma_start3A_20 = arith.constant 0 : i32
      %dma_start3A_21 = tpu.memref_slice %arg8[%mul3A_18, %dma_start3A_20] : memref<2048x500xf32, #tpu.memory_space<hbm>> -> memref<64x500xf32, #tpu.memory_space<hbm>>
      tpu.enqueue_dma source(%arg10 : memref<64x500xf32, #tpu.memory_space<vmem>>) target(%dma_start3A_21 : memref<64x500xf32, #tpu.memory_space<hbm>>) target_semaphore(%run_scoped3A : memref<!tpu.dma_semaphore, #tpu.memory_space<semaphore_mem>>)
      %dma_wait3A = arith.constant 0 : i32
      %dma_wait3A_22 = tpu.memref_slice %arg8[%mul3A_18, %dma_wait3A] : memref<2048x500xf32, #tpu.memory_space<hbm>> -> memref<64x500xf32, #tpu.memory_space<hbm>>
      %dma_wait3A_23 = arith.constant 0 : i32
      %dma_wait3A_24 = tpu.memref_slice %arg8[%mul3A_18, %dma_wait3A_23] : memref<2048x500xf32, #tpu.memory_space<hbm>> -> memref<64x500xf32, #tpu.memory_space<hbm>>
      tpu.wait_dma2 semaphore(%run_scoped3A : memref<!tpu.dma_semaphore, #tpu.memory_space<semaphore_mem>>) src(%arg10 : memref<64x500xf32, #tpu.memory_space<vmem>>) dst(%dma_wait3A_24 : memref<64x500xf32, #tpu.memory_space<hbm>>)
      tpu.yield
    }) : () -> ()
    return
  }
}

module attributes {stable_mosaic.version = 14 : i64} {
  func.func @_conv_body(%arg0: i32, %arg1: memref<1024x300xbf16, #tpu.memory_space<vmem>>, %arg2: memref<1024x50xbf16, #tpu.memory_space<vmem>>, %arg3: memref<300x1024xf32, #tpu.memory_space<vmem>>, %arg4: memref<50x1024xf32, #tpu.memory_space<vmem>>, %arg5: memref<1x128xf32, #tpu.memory_space<vmem>>, %arg6: memref<1x128xf32, #tpu.memory_space<vmem>>, %arg7: memref<1024x1xf32, #tpu.memory_space<vmem>>, %arg8: memref<1024x1xf32, #tpu.memory_space<vmem>>, %arg9: memref<8x512xf32, #tpu.memory_space<vmem>>) attributes {dimension_semantics = [#tpu.dimension_semantics<arbitrary>], iteration_bounds = array<i64: 8>, scalar_prefetch = 0 : i64, scratch_operands = 0 : i64, tpu.core_type = #tpu.core_type<tc>, window_params = [{transform_indices = @transform_0, window_bounds = array<i64: 1024, 300>}, {transform_indices = @transform_1, window_bounds = array<i64: 1024, 50>}, {pipeline_mode = #tpu.pipeline_mode<synchronous>, transform_indices = @transform_2, window_bounds = array<i64: 300, 1024>}, {pipeline_mode = #tpu.pipeline_mode<synchronous>, transform_indices = @transform_3, window_bounds = array<i64: 50, 1024>}, {pipeline_mode = #tpu.pipeline_mode<synchronous>, transform_indices = @transform_4, window_bounds = array<i64: 1, 128>}, {pipeline_mode = #tpu.pipeline_mode<synchronous>, transform_indices = @transform_5, window_bounds = array<i64: 1, 128>}, {transform_indices = @transform_6, window_bounds = array<i64: 1024, 1>}, {transform_indices = @transform_7, window_bounds = array<i64: 1024, 1>}, {transform_indices = @transform_8, window_bounds = array<i64: 8, 512>}]} {
    %get3A = arith.constant 0 : index
    %get3A_0 = arith.constant 0 : index
    %get3A_1 = vector.load %arg1[%get3A, %get3A_0] : memref<1024x300xbf16, #tpu.memory_space<vmem>>, vector<1024x300xbf16>
    %get3A_2 = arith.constant 0 : index
    %get3A_3 = arith.constant 0 : index
    %get3A_4 = vector.load %arg3[%get3A_2, %get3A_3] : memref<300x1024xf32, #tpu.memory_space<vmem>>, vector<300x1024xf32>
    %convert_element_type3A = arith.truncf %get3A_4 : vector<300x1024xf32> to vector<300x1024xbf16>
    %dot_general3A = arith.constant dense<0.000000e+00> : vector<1024x1024xf32>
    %dot_general3A_5 = tpu.matmul %get3A_1, %convert_element_type3A, %dot_general3A {dimension_numbers = #tpu.dot_dimension_numbers<[1], [0], [0], [1], [0, 0, 1, 1], [], []>, transpose_lhs_hint = false} : vector<1024x300xbf16>, vector<300x1024xbf16>, vector<1024x1024xf32> -> vector<1024x1024xf32>
    %get3A_6 = arith.constant 0 : index
    %get3A_7 = arith.constant 0 : index
    %get3A_8 = vector.load %arg2[%get3A_6, %get3A_7] : memref<1024x50xbf16, #tpu.memory_space<vmem>>, vector<1024x50xbf16>
    %get3A_9 = arith.constant 0 : index
    %get3A_10 = arith.constant 0 : index
    %get3A_11 = vector.load %arg4[%get3A_9, %get3A_10] : memref<50x1024xf32, #tpu.memory_space<vmem>>, vector<50x1024xf32>
    %convert_element_type3A_12 = arith.truncf %get3A_11 : vector<50x1024xf32> to vector<50x1024xbf16>
    %dot_general3A_13 = arith.constant dense<0.000000e+00> : vector<1024x1024xf32>
    %dot_general3A_14 = tpu.matmul %get3A_8, %convert_element_type3A_12, %dot_general3A_13 {dimension_numbers = #tpu.dot_dimension_numbers<[1], [0], [0], [1], [0, 0, 1, 1], [], []>, transpose_lhs_hint = false} : vector<1024x50xbf16>, vector<50x1024xbf16>, vector<1024x1024xf32> -> vector<1024x1024xf32>
    %add3A = arith.addf %dot_general3A_5, %dot_general3A_14 : vector<1024x1024xf32>
    %iota3A = tpu.iota {dimensions = array<i32: 0>} : vector<1024x1xi32>
    %jit3A = arith.constant 128 : i32
    %eq3A = arith.constant 0 : i32
    %eq3A_15 = arith.cmpi eq, %jit3A, %eq3A : i32
    %jit3A_16 = arith.constant 1 : i32
    %select_n3A = arith.select %eq3A_15, %jit3A_16, %jit3A : i32
    %rem3A = vector.broadcast %select_n3A : i32 to vector<1024x1xi32>
    %rem3A_17 = arith.remsi %iota3A, %rem3A : vector<1024x1xi32>
    %ne3A = arith.constant 0 : i32
    %ne3A_18 = vector.broadcast %ne3A : i32 to vector<1024x1xi32>
    %ne3A_19 = arith.cmpi ne, %rem3A_17, %ne3A_18 : vector<1024x1xi32>
    %lt3A = arith.constant 0 : i32
    %lt3A_20 = vector.broadcast %lt3A : i32 to vector<1024x1xi32>
    %lt3A_21 = arith.cmpi slt, %rem3A_17, %lt3A_20 : vector<1024x1xi32>
    %lt3A_22 = arith.constant 0 : i32
    %lt3A_23 = arith.cmpi slt, %select_n3A, %lt3A_22 : i32
    %ne3A_24 = vector.broadcast %lt3A_23 : i1 to vector<1024x1xi1>
    %ne3A_25 = vector.broadcast %ne3A_24 : vector<1024x1xi1> to vector<1024x1xi1>
    %ne3A_26 = arith.xori %lt3A_21, %ne3A_25 : vector<1024x1xi1>
    %and3A = arith.andi %ne3A_26, %ne3A_19 : vector<1024x1xi1>
    %add3A_27 = vector.broadcast %select_n3A : i32 to vector<1024x1xi32>
    %add3A_28 = arith.addi %rem3A_17, %add3A_27 : vector<1024x1xi32>
    %select_n3A_29 = arith.select %and3A, %add3A_28, %rem3A_17 : vector<1024x1xi1>, vector<1024x1xi32>
    %slice3A = vector.extract_strided_slice %add3A {offsets = [0, 0], sizes = [1024, 128], strides = [1, 1]} : vector<1024x1024xf32> to vector<1024x128xf32>
    %slice3A_30 = vector.extract_strided_slice %slice3A {offsets = [1023, 0], sizes = [1, 128], strides = [1, 1]} : vector<1024x128xf32> to vector<1x128xf32>
    %slice3A_31 = vector.extract_strided_slice %slice3A {offsets = [0, 0], sizes = [1023, 128], strides = [1, 1]} : vector<1024x128xf32> to vector<1023x128xf32>
    %concatenate3A = tpu.concatenate %slice3A_30, %slice3A_31 in 0 : vector<1x128xf32>, vector<1023x128xf32> -> vector<1024x128xf32>
    %add3A_32 = arith.constant -1 : i32
    %add3A_33 = vector.broadcast %add3A_32 : i32 to vector<1024x1xi32>
    %add3A_34 = arith.addi %select_n3A_29, %add3A_33 : vector<1024x1xi32>
    %ge3A = arith.constant 0 : i32
    %ge3A_35 = vector.broadcast %ge3A : i32 to vector<1024x1xi32>
    %ge3A_36 = arith.cmpi sge, %add3A_34, %ge3A_35 : vector<1024x1xi32>
    %add3A_37 = arith.constant -1 : i32
    %add3A_38 = vector.broadcast %add3A_37 : i32 to vector<1024x1xi32>
    %add3A_39 = arith.addi %select_n3A_29, %add3A_38 : vector<1024x1xi32>
    %lt3A_40 = arith.constant 128 : i32
    %lt3A_41 = vector.broadcast %lt3A_40 : i32 to vector<1024x1xi32>
    %lt3A_42 = arith.cmpi slt, %add3A_39, %lt3A_41 : vector<1024x1xi32>
    %and3A_43 = arith.andi %ge3A_36, %lt3A_42 : vector<1024x1xi1>
    %convert_element_type3A_44 = arith.extui %and3A_43 : vector<1024x1xi1> to vector<1024x1xi32>
    %convert_element_type3A_45 = arith.sitofp %convert_element_type3A_44 : vector<1024x1xi32> to vector<1024x1xf32>
    %mul3A = vector.broadcast %convert_element_type3A_45 : vector<1024x1xf32> to vector<1024x128xf32>
    %mul3A_46 = arith.mulf %concatenate3A, %mul3A : vector<1024x128xf32>
    %slice3A_47 = vector.extract_strided_slice %add3A {offsets = [0, 128], sizes = [1024, 128], strides = [1, 1]} : vector<1024x1024xf32> to vector<1024x128xf32>
    %add3A_48 = arith.constant 0 : i32
    %add3A_49 = vector.broadcast %add3A_48 : i32 to vector<1024x1xi32>
    %add3A_50 = arith.addi %select_n3A_29, %add3A_49 : vector<1024x1xi32>
    %ge3A_51 = arith.constant 0 : i32
    %ge3A_52 = vector.broadcast %ge3A_51 : i32 to vector<1024x1xi32>
    %ge3A_53 = arith.cmpi sge, %add3A_50, %ge3A_52 : vector<1024x1xi32>
    %add3A_54 = arith.constant 0 : i32
    %add3A_55 = vector.broadcast %add3A_54 : i32 to vector<1024x1xi32>
    %add3A_56 = arith.addi %select_n3A_29, %add3A_55 : vector<1024x1xi32>
    %lt3A_57 = arith.constant 128 : i32
    %lt3A_58 = vector.broadcast %lt3A_57 : i32 to vector<1024x1xi32>
    %lt3A_59 = arith.cmpi slt, %add3A_56, %lt3A_58 : vector<1024x1xi32>
    %and3A_60 = arith.andi %ge3A_53, %lt3A_59 : vector<1024x1xi1>
    %convert_element_type3A_61 = arith.extui %and3A_60 : vector<1024x1xi1> to vector<1024x1xi32>
    %convert_element_type3A_62 = arith.sitofp %convert_element_type3A_61 : vector<1024x1xi32> to vector<1024x1xf32>
    %mul3A_63 = vector.broadcast %convert_element_type3A_62 : vector<1024x1xf32> to vector<1024x128xf32>
    %mul3A_64 = arith.mulf %slice3A_47, %mul3A_63 : vector<1024x128xf32>
    %add3A_65 = arith.addf %mul3A_46, %mul3A_64 : vector<1024x128xf32>
    %slice3A_66 = vector.extract_strided_slice %add3A {offsets = [0, 256], sizes = [1024, 128], strides = [1, 1]} : vector<1024x1024xf32> to vector<1024x128xf32>
    %slice3A_67 = vector.extract_strided_slice %slice3A_66 {offsets = [1, 0], sizes = [1023, 128], strides = [1, 1]} : vector<1024x128xf32> to vector<1023x128xf32>
    %slice3A_68 = vector.extract_strided_slice %slice3A_66 {offsets = [0, 0], sizes = [1, 128], strides = [1, 1]} : vector<1024x128xf32> to vector<1x128xf32>
    %concatenate3A_69 = tpu.concatenate %slice3A_67, %slice3A_68 in 0 : vector<1023x128xf32>, vector<1x128xf32> -> vector<1024x128xf32>
    %add3A_70 = arith.constant 1 : i32
    %add3A_71 = vector.broadcast %add3A_70 : i32 to vector<1024x1xi32>
    %add3A_72 = arith.addi %select_n3A_29, %add3A_71 : vector<1024x1xi32>
    %ge3A_73 = arith.constant 0 : i32
    %ge3A_74 = vector.broadcast %ge3A_73 : i32 to vector<1024x1xi32>
    %ge3A_75 = arith.cmpi sge, %add3A_72, %ge3A_74 : vector<1024x1xi32>
    %add3A_76 = arith.constant 1 : i32
    %add3A_77 = vector.broadcast %add3A_76 : i32 to vector<1024x1xi32>
    %add3A_78 = arith.addi %select_n3A_29, %add3A_77 : vector<1024x1xi32>
    %lt3A_79 = arith.constant 128 : i32
    %lt3A_80 = vector.broadcast %lt3A_79 : i32 to vector<1024x1xi32>
    %lt3A_81 = arith.cmpi slt, %add3A_78, %lt3A_80 : vector<1024x1xi32>
    %and3A_82 = arith.andi %ge3A_75, %lt3A_81 : vector<1024x1xi1>
    %convert_element_type3A_83 = arith.extui %and3A_82 : vector<1024x1xi1> to vector<1024x1xi32>
    %convert_element_type3A_84 = arith.sitofp %convert_element_type3A_83 : vector<1024x1xi32> to vector<1024x1xf32>
    %mul3A_85 = vector.broadcast %convert_element_type3A_84 : vector<1024x1xf32> to vector<1024x128xf32>
    %mul3A_86 = arith.mulf %concatenate3A_69, %mul3A_85 : vector<1024x128xf32>
    %add3A_87 = arith.addf %add3A_65, %mul3A_86 : vector<1024x128xf32>
    %get3A_88 = arith.constant 0 : index
    %get3A_89 = arith.constant 0 : index
    %get3A_90 = vector.load %arg5[%get3A_88, %get3A_89] : memref<1x128xf32, #tpu.memory_space<vmem>>, vector<1x128xf32>
    %add3A_91 = vector.broadcast %get3A_90 : vector<1x128xf32> to vector<1024x128xf32>
    %add3A_92 = arith.addf %add3A_87, %add3A_91 : vector<1024x128xf32>
    %max3A = arith.constant 0.000000e+00 : f32
    %max3A_93 = vector.broadcast %max3A : f32 to vector<1024x128xf32>
    %max3A_94 = arith.maximumf %add3A_92, %max3A_93 : vector<1024x128xf32>
    %slice3A_95 = vector.extract_strided_slice %add3A {offsets = [0, 384], sizes = [1024, 128], strides = [1, 1]} : vector<1024x1024xf32> to vector<1024x128xf32>
    %slice3A_96 = vector.extract_strided_slice %slice3A_95 {offsets = [1022, 0], sizes = [2, 128], strides = [1, 1]} : vector<1024x128xf32> to vector<2x128xf32>
    %slice3A_97 = vector.extract_strided_slice %slice3A_95 {offsets = [0, 0], sizes = [1022, 128], strides = [1, 1]} : vector<1024x128xf32> to vector<1022x128xf32>
    %concatenate3A_98 = tpu.concatenate %slice3A_96, %slice3A_97 in 0 : vector<2x128xf32>, vector<1022x128xf32> -> vector<1024x128xf32>
    %add3A_99 = arith.constant -2 : i32
    %add3A_100 = vector.broadcast %add3A_99 : i32 to vector<1024x1xi32>
    %add3A_101 = arith.addi %select_n3A_29, %add3A_100 : vector<1024x1xi32>
    %ge3A_102 = arith.constant 0 : i32
    %ge3A_103 = vector.broadcast %ge3A_102 : i32 to vector<1024x1xi32>
    %ge3A_104 = arith.cmpi sge, %add3A_101, %ge3A_103 : vector<1024x1xi32>
    %add3A_105 = arith.constant -2 : i32
    %add3A_106 = vector.broadcast %add3A_105 : i32 to vector<1024x1xi32>
    %add3A_107 = arith.addi %select_n3A_29, %add3A_106 : vector<1024x1xi32>
    %lt3A_108 = arith.constant 128 : i32
    %lt3A_109 = vector.broadcast %lt3A_108 : i32 to vector<1024x1xi32>
    %lt3A_110 = arith.cmpi slt, %add3A_107, %lt3A_109 : vector<1024x1xi32>
    %and3A_111 = arith.andi %ge3A_104, %lt3A_110 : vector<1024x1xi1>
    %convert_element_type3A_112 = arith.extui %and3A_111 : vector<1024x1xi1> to vector<1024x1xi32>
    %convert_element_type3A_113 = arith.sitofp %convert_element_type3A_112 : vector<1024x1xi32> to vector<1024x1xf32>
    %mul3A_114 = vector.broadcast %convert_element_type3A_113 : vector<1024x1xf32> to vector<1024x128xf32>
    %mul3A_115 = arith.mulf %concatenate3A_98, %mul3A_114 : vector<1024x128xf32>
    %slice3A_116 = vector.extract_strided_slice %add3A {offsets = [0, 512], sizes = [1024, 128], strides = [1, 1]} : vector<1024x1024xf32> to vector<1024x128xf32>
    %slice3A_117 = vector.extract_strided_slice %slice3A_116 {offsets = [1023, 0], sizes = [1, 128], strides = [1, 1]} : vector<1024x128xf32> to vector<1x128xf32>
    %slice3A_118 = vector.extract_strided_slice %slice3A_116 {offsets = [0, 0], sizes = [1023, 128], strides = [1, 1]} : vector<1024x128xf32> to vector<1023x128xf32>
    %concatenate3A_119 = tpu.concatenate %slice3A_117, %slice3A_118 in 0 : vector<1x128xf32>, vector<1023x128xf32> -> vector<1024x128xf32>
    %add3A_120 = arith.constant -1 : i32
    %add3A_121 = vector.broadcast %add3A_120 : i32 to vector<1024x1xi32>
    %add3A_122 = arith.addi %select_n3A_29, %add3A_121 : vector<1024x1xi32>
    %ge3A_123 = arith.constant 0 : i32
    %ge3A_124 = vector.broadcast %ge3A_123 : i32 to vector<1024x1xi32>
    %ge3A_125 = arith.cmpi sge, %add3A_122, %ge3A_124 : vector<1024x1xi32>
    %add3A_126 = arith.constant -1 : i32
    %add3A_127 = vector.broadcast %add3A_126 : i32 to vector<1024x1xi32>
    %add3A_128 = arith.addi %select_n3A_29, %add3A_127 : vector<1024x1xi32>
    %lt3A_129 = arith.constant 128 : i32
    %lt3A_130 = vector.broadcast %lt3A_129 : i32 to vector<1024x1xi32>
    %lt3A_131 = arith.cmpi slt, %add3A_128, %lt3A_130 : vector<1024x1xi32>
    %and3A_132 = arith.andi %ge3A_125, %lt3A_131 : vector<1024x1xi1>
    %convert_element_type3A_133 = arith.extui %and3A_132 : vector<1024x1xi1> to vector<1024x1xi32>
    %convert_element_type3A_134 = arith.sitofp %convert_element_type3A_133 : vector<1024x1xi32> to vector<1024x1xf32>
    %mul3A_135 = vector.broadcast %convert_element_type3A_134 : vector<1024x1xf32> to vector<1024x128xf32>
    %mul3A_136 = arith.mulf %concatenate3A_119, %mul3A_135 : vector<1024x128xf32>
    %add3A_137 = arith.addf %mul3A_115, %mul3A_136 : vector<1024x128xf32>
    %slice3A_138 = vector.extract_strided_slice %add3A {offsets = [0, 640], sizes = [1024, 128], strides = [1, 1]} : vector<1024x1024xf32> to vector<1024x128xf32>
    %add3A_139 = arith.constant 0 : i32
    %add3A_140 = vector.broadcast %add3A_139 : i32 to vector<1024x1xi32>
    %add3A_141 = arith.addi %select_n3A_29, %add3A_140 : vector<1024x1xi32>
    %ge3A_142 = arith.constant 0 : i32
    %ge3A_143 = vector.broadcast %ge3A_142 : i32 to vector<1024x1xi32>
    %ge3A_144 = arith.cmpi sge, %add3A_141, %ge3A_143 : vector<1024x1xi32>
    %add3A_145 = arith.constant 0 : i32
    %add3A_146 = vector.broadcast %add3A_145 : i32 to vector<1024x1xi32>
    %add3A_147 = arith.addi %select_n3A_29, %add3A_146 : vector<1024x1xi32>
    %lt3A_148 = arith.constant 128 : i32
    %lt3A_149 = vector.broadcast %lt3A_148 : i32 to vector<1024x1xi32>
    %lt3A_150 = arith.cmpi slt, %add3A_147, %lt3A_149 : vector<1024x1xi32>
    %and3A_151 = arith.andi %ge3A_144, %lt3A_150 : vector<1024x1xi1>
    %convert_element_type3A_152 = arith.extui %and3A_151 : vector<1024x1xi1> to vector<1024x1xi32>
    %convert_element_type3A_153 = arith.sitofp %convert_element_type3A_152 : vector<1024x1xi32> to vector<1024x1xf32>
    %mul3A_154 = vector.broadcast %convert_element_type3A_153 : vector<1024x1xf32> to vector<1024x128xf32>
    %mul3A_155 = arith.mulf %slice3A_138, %mul3A_154 : vector<1024x128xf32>
    %add3A_156 = arith.addf %add3A_137, %mul3A_155 : vector<1024x128xf32>
    %slice3A_157 = vector.extract_strided_slice %add3A {offsets = [0, 768], sizes = [1024, 128], strides = [1, 1]} : vector<1024x1024xf32> to vector<1024x128xf32>
    %slice3A_158 = vector.extract_strided_slice %slice3A_157 {offsets = [1, 0], sizes = [1023, 128], strides = [1, 1]} : vector<1024x128xf32> to vector<1023x128xf32>
    %slice3A_159 = vector.extract_strided_slice %slice3A_157 {offsets = [0, 0], sizes = [1, 128], strides = [1, 1]} : vector<1024x128xf32> to vector<1x128xf32>
    %concatenate3A_160 = tpu.concatenate %slice3A_158, %slice3A_159 in 0 : vector<1023x128xf32>, vector<1x128xf32> -> vector<1024x128xf32>
    %add3A_161 = arith.constant 1 : i32
    %add3A_162 = vector.broadcast %add3A_161 : i32 to vector<1024x1xi32>
    %add3A_163 = arith.addi %select_n3A_29, %add3A_162 : vector<1024x1xi32>
    %ge3A_164 = arith.constant 0 : i32
    %ge3A_165 = vector.broadcast %ge3A_164 : i32 to vector<1024x1xi32>
    %ge3A_166 = arith.cmpi sge, %add3A_163, %ge3A_165 : vector<1024x1xi32>
    %add3A_167 = arith.constant 1 : i32
    %add3A_168 = vector.broadcast %add3A_167 : i32 to vector<1024x1xi32>
    %add3A_169 = arith.addi %select_n3A_29, %add3A_168 : vector<1024x1xi32>
    %lt3A_170 = arith.constant 128 : i32
    %lt3A_171 = vector.broadcast %lt3A_170 : i32 to vector<1024x1xi32>
    %lt3A_172 = arith.cmpi slt, %add3A_169, %lt3A_171 : vector<1024x1xi32>
    %and3A_173 = arith.andi %ge3A_166, %lt3A_172 : vector<1024x1xi1>
    %convert_element_type3A_174 = arith.extui %and3A_173 : vector<1024x1xi1> to vector<1024x1xi32>
    %convert_element_type3A_175 = arith.sitofp %convert_element_type3A_174 : vector<1024x1xi32> to vector<1024x1xf32>
    %mul3A_176 = vector.broadcast %convert_element_type3A_175 : vector<1024x1xf32> to vector<1024x128xf32>
    %mul3A_177 = arith.mulf %concatenate3A_160, %mul3A_176 : vector<1024x128xf32>
    %add3A_178 = arith.addf %add3A_156, %mul3A_177 : vector<1024x128xf32>
    %slice3A_179 = vector.extract_strided_slice %add3A {offsets = [0, 896], sizes = [1024, 128], strides = [1, 1]} : vector<1024x1024xf32> to vector<1024x128xf32>
    %slice3A_180 = vector.extract_strided_slice %slice3A_179 {offsets = [2, 0], sizes = [1022, 128], strides = [1, 1]} : vector<1024x128xf32> to vector<1022x128xf32>
    %slice3A_181 = vector.extract_strided_slice %slice3A_179 {offsets = [0, 0], sizes = [2, 128], strides = [1, 1]} : vector<1024x128xf32> to vector<2x128xf32>
    %concatenate3A_182 = tpu.concatenate %slice3A_180, %slice3A_181 in 0 : vector<1022x128xf32>, vector<2x128xf32> -> vector<1024x128xf32>
    %add3A_183 = arith.constant 2 : i32
    %add3A_184 = vector.broadcast %add3A_183 : i32 to vector<1024x1xi32>
    %add3A_185 = arith.addi %select_n3A_29, %add3A_184 : vector<1024x1xi32>
    %ge3A_186 = arith.constant 0 : i32
    %ge3A_187 = vector.broadcast %ge3A_186 : i32 to vector<1024x1xi32>
    %ge3A_188 = arith.cmpi sge, %add3A_185, %ge3A_187 : vector<1024x1xi32>
    %add3A_189 = arith.constant 2 : i32
    %add3A_190 = vector.broadcast %add3A_189 : i32 to vector<1024x1xi32>
    %add3A_191 = arith.addi %select_n3A_29, %add3A_190 : vector<1024x1xi32>
    %lt3A_192 = arith.constant 128 : i32
    %lt3A_193 = vector.broadcast %lt3A_192 : i32 to vector<1024x1xi32>
    %lt3A_194 = arith.cmpi slt, %add3A_191, %lt3A_193 : vector<1024x1xi32>
    %and3A_195 = arith.andi %ge3A_188, %lt3A_194 : vector<1024x1xi1>
    %convert_element_type3A_196 = arith.extui %and3A_195 : vector<1024x1xi1> to vector<1024x1xi32>
    %convert_element_type3A_197 = arith.sitofp %convert_element_type3A_196 : vector<1024x1xi32> to vector<1024x1xf32>
    %mul3A_198 = vector.broadcast %convert_element_type3A_197 : vector<1024x1xf32> to vector<1024x128xf32>
    %mul3A_199 = arith.mulf %concatenate3A_182, %mul3A_198 : vector<1024x128xf32>
    %add3A_200 = arith.addf %add3A_178, %mul3A_199 : vector<1024x128xf32>
    %get3A_201 = arith.constant 0 : index
    %get3A_202 = arith.constant 0 : index
    %get3A_203 = vector.load %arg6[%get3A_201, %get3A_202] : memref<1x128xf32, #tpu.memory_space<vmem>>, vector<1x128xf32>
    %add3A_204 = vector.broadcast %get3A_203 : vector<1x128xf32> to vector<1024x128xf32>
    %add3A_205 = arith.addf %add3A_200, %add3A_204 : vector<1024x128xf32>
    %max3A_206 = arith.constant 0.000000e+00 : f32
    %max3A_207 = vector.broadcast %max3A_206 : f32 to vector<1024x128xf32>
    %max3A_208 = arith.maximumf %add3A_205, %max3A_207 : vector<1024x128xf32>
    %get3A_209 = arith.constant 0 : index
    %get3A_210 = arith.constant 0 : index
    %get3A_211 = vector.load %arg7[%get3A_209, %get3A_210] : memref<1024x1xf32, #tpu.memory_space<vmem>>, vector<1024x1xf32>
    %get3A_212 = arith.constant 0 : index
    %get3A_213 = arith.constant 0 : index
    %get3A_214 = vector.load %arg8[%get3A_212, %get3A_213] : memref<1024x1xf32, #tpu.memory_space<vmem>>, vector<1024x1xf32>
    %mul3A_215 = vector.broadcast %get3A_211 : vector<1024x1xf32> to vector<1024x128xf32>
    %mul3A_216 = arith.mulf %max3A_94, %mul3A_215 : vector<1024x128xf32>
    %sub3A = arith.constant 1.000000e+00 : f32
    %sub3A_217 = vector.broadcast %sub3A : f32 to vector<1024x1xf32>
    %sub3A_218 = arith.subf %sub3A_217, %get3A_211 : vector<1024x1xf32>
    %mul3A_219 = arith.constant 1.000000e+10 : f32
    %mul3A_220 = vector.broadcast %mul3A_219 : f32 to vector<1024x1xf32>
    %mul3A_221 = arith.mulf %sub3A_218, %mul3A_220 : vector<1024x1xf32>
    %sub3A_222 = vector.broadcast %mul3A_221 : vector<1024x1xf32> to vector<1024x128xf32>
    %sub3A_223 = arith.subf %mul3A_216, %sub3A_222 : vector<1024x128xf32>
    %reshape3A = vector.shape_cast %sub3A_223 : vector<1024x128xf32> to vector<8x128x128xf32>
    %reduce_max3A = arith.constant dense<0xFF800000> : vector<8x128xf32>
    %reduce_max3A_224 = vector.multi_reduction <maximumf>, %reshape3A, %reduce_max3A [1] : vector<8x128x128xf32> to vector<8x128xf32>
    %mul3A_225 = vector.broadcast %get3A_211 : vector<1024x1xf32> to vector<1024x128xf32>
    %mul3A_226 = arith.mulf %max3A_208, %mul3A_225 : vector<1024x128xf32>
    %sub3A_227 = arith.constant 1.000000e+00 : f32
    %sub3A_228 = vector.broadcast %sub3A_227 : f32 to vector<1024x1xf32>
    %sub3A_229 = arith.subf %sub3A_228, %get3A_211 : vector<1024x1xf32>
    %mul3A_230 = arith.constant 1.000000e+10 : f32
    %mul3A_231 = vector.broadcast %mul3A_230 : f32 to vector<1024x1xf32>
    %mul3A_232 = arith.mulf %sub3A_229, %mul3A_231 : vector<1024x1xf32>
    %sub3A_233 = vector.broadcast %mul3A_232 : vector<1024x1xf32> to vector<1024x128xf32>
    %sub3A_234 = arith.subf %mul3A_226, %sub3A_233 : vector<1024x128xf32>
    %reshape3A_235 = vector.shape_cast %sub3A_234 : vector<1024x128xf32> to vector<8x128x128xf32>
    %reduce_max3A_236 = arith.constant dense<0xFF800000> : vector<8x128xf32>
    %reduce_max3A_237 = vector.multi_reduction <maximumf>, %reshape3A_235, %reduce_max3A_236 [1] : vector<8x128x128xf32> to vector<8x128xf32>
    %mul3A_238 = vector.broadcast %get3A_214 : vector<1024x1xf32> to vector<1024x128xf32>
    %mul3A_239 = arith.mulf %max3A_94, %mul3A_238 : vector<1024x128xf32>
    %sub3A_240 = arith.constant 1.000000e+00 : f32
    %sub3A_241 = vector.broadcast %sub3A_240 : f32 to vector<1024x1xf32>
    %sub3A_242 = arith.subf %sub3A_241, %get3A_214 : vector<1024x1xf32>
    %mul3A_243 = arith.constant 1.000000e+10 : f32
    %mul3A_244 = vector.broadcast %mul3A_243 : f32 to vector<1024x1xf32>
    %mul3A_245 = arith.mulf %sub3A_242, %mul3A_244 : vector<1024x1xf32>
    %sub3A_246 = vector.broadcast %mul3A_245 : vector<1024x1xf32> to vector<1024x128xf32>
    %sub3A_247 = arith.subf %mul3A_239, %sub3A_246 : vector<1024x128xf32>
    %reshape3A_248 = vector.shape_cast %sub3A_247 : vector<1024x128xf32> to vector<8x128x128xf32>
    %reduce_max3A_249 = arith.constant dense<0xFF800000> : vector<8x128xf32>
    %reduce_max3A_250 = vector.multi_reduction <maximumf>, %reshape3A_248, %reduce_max3A_249 [1] : vector<8x128x128xf32> to vector<8x128xf32>
    %mul3A_251 = vector.broadcast %get3A_214 : vector<1024x1xf32> to vector<1024x128xf32>
    %mul3A_252 = arith.mulf %max3A_208, %mul3A_251 : vector<1024x128xf32>
    %sub3A_253 = arith.constant 1.000000e+00 : f32
    %sub3A_254 = vector.broadcast %sub3A_253 : f32 to vector<1024x1xf32>
    %sub3A_255 = arith.subf %sub3A_254, %get3A_214 : vector<1024x1xf32>
    %mul3A_256 = arith.constant 1.000000e+10 : f32
    %mul3A_257 = vector.broadcast %mul3A_256 : f32 to vector<1024x1xf32>
    %mul3A_258 = arith.mulf %sub3A_255, %mul3A_257 : vector<1024x1xf32>
    %sub3A_259 = vector.broadcast %mul3A_258 : vector<1024x1xf32> to vector<1024x128xf32>
    %sub3A_260 = arith.subf %mul3A_252, %sub3A_259 : vector<1024x128xf32>
    %reshape3A_261 = vector.shape_cast %sub3A_260 : vector<1024x128xf32> to vector<8x128x128xf32>
    %reduce_max3A_262 = arith.constant dense<0xFF800000> : vector<8x128xf32>
    %reduce_max3A_263 = vector.multi_reduction <maximumf>, %reshape3A_261, %reduce_max3A_262 [1] : vector<8x128x128xf32> to vector<8x128xf32>
    %concatenate3A_264 = tpu.concatenate %reduce_max3A_224, %reduce_max3A_237, %reduce_max3A_250, %reduce_max3A_263 in 1 : vector<8x128xf32>, vector<8x128xf32>, vector<8x128xf32>, vector<8x128xf32> -> vector<8x512xf32>
    %swap3A = arith.constant 0 : index
    %swap3A_265 = arith.constant 0 : index
    %swap3A_266 = vector.load %arg9[%swap3A, %swap3A_265] : memref<8x512xf32, #tpu.memory_space<vmem>>, vector<8x512xf32>
    tpu.vector_store %arg9[%swap3A, %swap3A_265], %concatenate3A_264 {strides = array<i32>} : memref<8x512xf32, #tpu.memory_space<vmem>>, vector<8x512xf32>,
    return
  }
  func.func @transform_0(%arg0: i32) -> (i32, i32) {
    %c0_i32 = arith.constant 0 : i32
    %c0_i32_0 = arith.constant 0 : i32
    return %arg0, %c0_i32 : i32, i32
  }
  func.func @transform_1(%arg0: i32) -> (i32, i32) {
    %c0_i32 = arith.constant 0 : i32
    %c0_i32_0 = arith.constant 0 : i32
    return %arg0, %c0_i32 : i32, i32
  }
  func.func @transform_2(%arg0: i32) -> (i32, i32) {
    %c0_i32 = arith.constant 0 : i32
    %c0_i32_0 = arith.constant 0 : i32
    %c0_i32_1 = arith.constant 0 : i32
    return %c0_i32, %c0_i32_0 : i32, i32
  }
  func.func @transform_3(%arg0: i32) -> (i32, i32) {
    %c0_i32 = arith.constant 0 : i32
    %c0_i32_0 = arith.constant 0 : i32
    %c0_i32_1 = arith.constant 0 : i32
    return %c0_i32, %c0_i32_0 : i32, i32
  }
  func.func @transform_4(%arg0: i32) -> (i32, i32) {
    %c0_i32 = arith.constant 0 : i32
    %c0_i32_0 = arith.constant 0 : i32
    %c0_i32_1 = arith.constant 0 : i32
    return %c0_i32, %c0_i32_0 : i32, i32
  }
  func.func @transform_5(%arg0: i32) -> (i32, i32) {
    %c0_i32 = arith.constant 0 : i32
    %c0_i32_0 = arith.constant 0 : i32
    %c0_i32_1 = arith.constant 0 : i32
    return %c0_i32, %c0_i32_0 : i32, i32
  }
  func.func @transform_6(%arg0: i32) -> (i32, i32) {
    %c0_i32 = arith.constant 0 : i32
    %c0_i32_0 = arith.constant 0 : i32
    return %arg0, %c0_i32 : i32, i32
  }
  func.func @transform_7(%arg0: i32) -> (i32, i32) {
    %c0_i32 = arith.constant 0 : i32
    %c0_i32_0 = arith.constant 0 : i32
    return %arg0, %c0_i32 : i32, i32
  }
  func.func @transform_8(%arg0: i32) -> (i32, i32) {
    %c0_i32 = arith.constant 0 : i32
    %c0_i32_0 = arith.constant 0 : i32
    return %arg0, %c0_i32 : i32, i32
  }
}

module attributes {stable_mosaic.version = 14 : i64} {
  func.func @_head_body(%arg0: memref<2048x1000xf32, #tpu.memory_space<vmem>>, %arg1: memref<2048x500xf32, #tpu.memory_space<vmem>>, %arg2: memref<1000x128xf32, #tpu.memory_space<vmem>>, %arg3: memref<500x128xf32, #tpu.memory_space<vmem>>, %arg4: memref<128x128xf32, #tpu.memory_space<vmem>>, %arg5: memref<64x512xf32, #tpu.memory_space<vmem>>, %arg6: memref<64x1xi32, #tpu.memory_space<vmem>>, %arg7: memref<512x512xf32, #tpu.memory_space<vmem>>, %arg8: memref<128x512xf32, #tpu.memory_space<vmem>>, %arg9: memref<1x512xf32, #tpu.memory_space<vmem>>, %arg10: memref<1x512xf32, #tpu.memory_space<vmem>>, %arg11: memref<1x1xf32, #tpu.memory_space<vmem>>, %arg12: memref<512x512xf32, #tpu.memory_space<vmem>>, %arg13: memref<128x512xf32, #tpu.memory_space<vmem>>, %arg14: memref<1x512xf32, #tpu.memory_space<vmem>>, %arg15: memref<1x512xf32, #tpu.memory_space<vmem>>, %arg16: memref<1x1xf32, #tpu.memory_space<vmem>>, %arg17: memref<64x32xf32, #tpu.memory_space<vmem>>, %arg18: memref<64x1xf32, #tpu.memory_space<vmem>>) attributes {dimension_semantics = [], scalar_prefetch = 0 : i64, scratch_operands = 0 : i64, tpu.core_type = #tpu.core_type<tc>} {
    %get3A = arith.constant 0 : index
    %get3A_0 = arith.constant 0 : index
    %get3A_1 = vector.load %arg0[%get3A, %get3A_0] : memref<2048x1000xf32, #tpu.memory_space<vmem>>, vector<2048x1000xf32>
    %get3A_2 = arith.constant 0 : index
    %get3A_3 = arith.constant 0 : index
    %get3A_4 = vector.load %arg2[%get3A_2, %get3A_3] : memref<1000x128xf32, #tpu.memory_space<vmem>>, vector<1000x128xf32>
    %dot_general3A = arith.constant dense<0.000000e+00> : vector<2048x128xf32>
    %dot_general3A_5 = tpu.matmul %get3A_1, %get3A_4, %dot_general3A {dimension_numbers = #tpu.dot_dimension_numbers<[1], [0], [0], [1], [0, 0, 1, 1], [], []>, precision = #tpu.contract_precision<fp32>, transpose_lhs_hint = false} : vector<2048x1000xf32>, vector<1000x128xf32>, vector<2048x128xf32> -> vector<2048x128xf32>
    %get3A_6 = arith.constant 0 : index
    %get3A_7 = arith.constant 0 : index
    %get3A_8 = vector.load %arg1[%get3A_6, %get3A_7] : memref<2048x500xf32, #tpu.memory_space<vmem>>, vector<2048x500xf32>
    %get3A_9 = arith.constant 0 : index
    %get3A_10 = arith.constant 0 : index
    %get3A_11 = vector.load %arg3[%get3A_9, %get3A_10] : memref<500x128xf32, #tpu.memory_space<vmem>>, vector<500x128xf32>
    %dot_general3A_12 = arith.constant dense<0.000000e+00> : vector<2048x128xf32>
    %dot_general3A_13 = tpu.matmul %get3A_8, %get3A_11, %dot_general3A_12 {dimension_numbers = #tpu.dot_dimension_numbers<[1], [0], [0], [1], [0, 0, 1, 1], [], []>, precision = #tpu.contract_precision<fp32>, transpose_lhs_hint = false} : vector<2048x500xf32>, vector<500x128xf32>, vector<2048x128xf32> -> vector<2048x128xf32>
    %get3A_14 = arith.constant 0 : index
    %get3A_15 = arith.constant 0 : index
    %get3A_16 = vector.load %arg4[%get3A_14, %get3A_15] : memref<128x128xf32, #tpu.memory_space<vmem>>, vector<128x128xf32>
    %convert_element_type3A = arith.truncf %get3A_16 : vector<128x128xf32> to vector<128x128xbf16>
    %convert_element_type3A_17 = arith.extf %convert_element_type3A : vector<128x128xbf16> to vector<128x128xf32>
    %dot_general3A_18 = arith.constant dense<0.000000e+00> : vector<2048x128xf32>
    %dot_general3A_19 = tpu.matmul %dot_general3A_5, %convert_element_type3A_17, %dot_general3A_18 {dimension_numbers = #tpu.dot_dimension_numbers<[1], [0], [0], [1], [0, 0, 1, 1], [], []>, precision = #tpu.contract_precision<fp32>, transpose_lhs_hint = false} : vector<2048x128xf32>, vector<128x128xf32>, vector<2048x128xf32> -> vector<2048x128xf32>
    %add3A = arith.addf %dot_general3A_19, %dot_general3A_13 : vector<2048x128xf32>
    %max3A = arith.constant 0.000000e+00 : f32
    %max3A_20 = vector.broadcast %max3A : f32 to vector<2048x128xf32>
    %max3A_21 = arith.maximumf %add3A, %max3A_20 : vector<2048x128xf32>
    %get3A_22 = arith.constant 0 : index
    %get3A_23 = arith.constant 0 : index
    %get3A_24 = vector.load %arg5[%get3A_22, %get3A_23] : memref<64x512xf32, #tpu.memory_space<vmem>>, vector<64x512xf32>
    %get3A_25 = arith.constant 0 : index
    %get3A_26 = arith.constant 0 : index
    %get3A_27 = vector.load %arg7[%get3A_25, %get3A_26] : memref<512x512xf32, #tpu.memory_space<vmem>>, vector<512x512xf32>
    %convert_element_type3A_28 = arith.truncf %get3A_24 : vector<64x512xf32> to vector<64x512xbf16>
    %convert_element_type3A_29 = arith.truncf %get3A_27 : vector<512x512xf32> to vector<512x512xbf16>
    %dot_general3A_30 = arith.constant dense<0.000000e+00> : vector<64x512xf32>
    %dot_general3A_31 = tpu.matmul %convert_element_type3A_28, %convert_element_type3A_29, %dot_general3A_30 {dimension_numbers = #tpu.dot_dimension_numbers<[1], [0], [0], [1], [0, 0, 1, 1], [], []>, transpose_lhs_hint = false} : vector<64x512xbf16>, vector<512x512xbf16>, vector<64x512xf32> -> vector<64x512xf32>
    %get3A_32 = arith.constant 0 : index
    %get3A_33 = arith.constant 0 : index
    %get3A_34 = vector.load %arg8[%get3A_32, %get3A_33] : memref<128x512xf32, #tpu.memory_space<vmem>>, vector<128x512xf32>
    %convert_element_type3A_35 = arith.truncf %max3A_21 : vector<2048x128xf32> to vector<2048x128xbf16>
    %convert_element_type3A_36 = arith.truncf %get3A_34 : vector<128x512xf32> to vector<128x512xbf16>
    %dot_general3A_37 = arith.constant dense<0.000000e+00> : vector<2048x512xf32>
    %dot_general3A_38 = tpu.matmul %convert_element_type3A_35, %convert_element_type3A_36, %dot_general3A_37 {dimension_numbers = #tpu.dot_dimension_numbers<[1], [0], [0], [1], [0, 0, 1, 1], [], []>, transpose_lhs_hint = false} : vector<2048x128xbf16>, vector<128x512xbf16>, vector<2048x512xf32> -> vector<2048x512xf32>
    %reshape3A = vector.shape_cast %dot_general3A_38 : vector<2048x512xf32> to vector<64x32x512xf32>
    %broadcast_in_dim3A = vector.shape_cast %dot_general3A_31 : vector<64x512xf32> to vector<64x1x512xf32>
    %add3A_39 = vector.broadcast %broadcast_in_dim3A : vector<64x1x512xf32> to vector<64x32x512xf32>
    %add3A_40 = arith.addf %reshape3A, %add3A_39 : vector<64x32x512xf32>
    %get3A_41 = arith.constant 0 : index
    %get3A_42 = arith.constant 0 : index
    %get3A_43 = vector.load %arg9[%get3A_41, %get3A_42] : memref<1x512xf32, #tpu.memory_space<vmem>>, vector<1x512xf32>
    %reshape3A_44 = vector.shape_cast %get3A_43 : vector<1x512xf32> to vector<1x1x512xf32>
    %add3A_45 = vector.broadcast %reshape3A_44 : vector<1x1x512xf32> to vector<64x32x512xf32>
    %add3A_46 = arith.addf %add3A_40, %add3A_45 : vector<64x32x512xf32>
    %max3A_47 = arith.constant 0.000000e+00 : f32
    %max3A_48 = vector.broadcast %max3A_47 : f32 to vector<64x32x512xf32>
    %max3A_49 = arith.maximumf %add3A_46, %max3A_48 : vector<64x32x512xf32>
    %convert_element_type3A_50 = arith.truncf %max3A_49 : vector<64x32x512xf32> to vector<64x32x512xbf16>
    %convert_element_type3A_51 = arith.extf %convert_element_type3A_50 : vector<64x32x512xbf16> to vector<64x32x512xf32>
    %get3A_52 = arith.constant 0 : index
    %get3A_53 = arith.constant 0 : index
    %get3A_54 = vector.load %arg10[%get3A_52, %get3A_53] : memref<1x512xf32, #tpu.memory_space<vmem>>, vector<1x512xf32>
    %convert_element_type3A_55 = arith.truncf %get3A_54 : vector<1x512xf32> to vector<1x512xbf16>
    %convert_element_type3A_56 = arith.extf %convert_element_type3A_55 : vector<1x512xbf16> to vector<1x512xf32>
    %reshape3A_57 = vector.shape_cast %convert_element_type3A_56 : vector<1x512xf32> to vector<1x1x512xf32>
    %mul3A = vector.broadcast %reshape3A_57 : vector<1x1x512xf32> to vector<64x32x512xf32>
    %mul3A_58 = arith.mulf %convert_element_type3A_51, %mul3A : vector<64x32x512xf32>
    %reduce_sum3A = arith.constant dense<0.000000e+00> : vector<64x32xf32>
    %reduce_sum3A_59 = vector.multi_reduction <add>, %mul3A_58, %reduce_sum3A [2] : vector<64x32x512xf32> to vector<64x32xf32>
    %get3A_60 = arith.constant 0 : index
    %get3A_61 = arith.constant 0 : index
    %get3A_62 = vector.load %arg11[%get3A_60, %get3A_61] : memref<1x1xf32, #tpu.memory_space<vmem>>, vector<1x1xf32>
    %get3A_63 = vector.extract %get3A_62[0, 0] : f32 from vector<1x1xf32>
    %add3A_64 = vector.broadcast %get3A_63 : f32 to vector<64x32xf32>
    %add3A_65 = arith.addf %reduce_sum3A_59, %add3A_64 : vector<64x32xf32>
    %iota3A = tpu.iota {dimensions = array<i32: 1>} : vector<64x32xi32>
    %ge3A = arith.constant 4 : i32
    %ge3A_66 = vector.broadcast %ge3A : i32 to vector<64x32xi32>
    %ge3A_67 = arith.cmpi sge, %iota3A, %ge3A_66 : vector<64x32xi32>
    %add3A_68 = arith.constant 1 : i32
    %add3A_69 = vector.broadcast %add3A_68 : i32 to vector<64x32xi32>
    %add3A_70 = arith.addi %iota3A, %add3A_69 : vector<64x32xi32>
    %get3A_71 = arith.constant 0 : index
    %get3A_72 = arith.constant 0 : index
    %get3A_73 = vector.load %arg6[%get3A_71, %get3A_72] : memref<64x1xi32, #tpu.memory_space<vmem>>, vector<64x1xi32>
    %le3A = vector.broadcast %get3A_73 : vector<64x1xi32> to vector<64x32xi32>
    %le3A_74 = arith.cmpi sle, %add3A_70, %le3A : vector<64x32xi32>
    %or3A = arith.ori %ge3A_67, %le3A_74 : vector<64x32xi1>
    %jit3A = arith.constant -1.000000e+10 : f32
    %broadcast_in_dim3A_75 = vector.broadcast %jit3A : f32 to vector<64x32xf32>
    %select_n3A = arith.select %or3A, %add3A_65, %broadcast_in_dim3A_75 : vector<64x32xi1>, vector<64x32xf32>
    %swap3A = arith.constant 0 : index
    %swap3A_76 = arith.constant 0 : index
    %swap3A_77 = vector.load %arg17[%swap3A, %swap3A_76] : memref<64x32xf32, #tpu.memory_space<vmem>>, vector<64x32xf32>
    tpu.vector_store %arg17[%swap3A, %swap3A_76], %select_n3A {strides = array<i32>} : memref<64x32xf32, #tpu.memory_space<vmem>>, vector<64x32xf32>,
    %slice3A = vector.extract_strided_slice %select_n3A {offsets = [0, 0], sizes = [64, 4], strides = [1, 1]} : vector<64x32xf32> to vector<64x4xf32>
    %reduce_max3A = arith.constant dense<0xFF800000> : vector<64xf32>
    %reduce_max3A_78 = vector.multi_reduction <maximumf>, %slice3A, %reduce_max3A [1] : vector<64x4xf32> to vector<64xf32>
    %broadcast_in_dim3A_79 = vector.shape_cast %reduce_max3A_78 : vector<64xf32> to vector<64x1xf32>
    %sub3A = vector.broadcast %broadcast_in_dim3A_79 : vector<64x1xf32> to vector<64x4xf32>
    %sub3A_80 = arith.subf %slice3A, %sub3A : vector<64x4xf32>
    %exp3A = math.exp %sub3A_80 : vector<64x4xf32>
    %reduce_sum3A_81 = arith.constant dense<0.000000e+00> : vector<64xf32>
    %reduce_sum3A_82 = vector.multi_reduction <add>, %exp3A, %reduce_sum3A_81 [1] : vector<64x4xf32> to vector<64xf32>
    %broadcast_in_dim3A_83 = vector.shape_cast %reduce_sum3A_82 : vector<64xf32> to vector<64x1xf32>
    %div3A = vector.broadcast %broadcast_in_dim3A_83 : vector<64x1xf32> to vector<64x4xf32>
    %div3A_84 = arith.divf %exp3A, %div3A : vector<64x4xf32>
    %reshape3A_85 = vector.shape_cast %max3A_21 : vector<2048x128xf32> to vector<64x32x128xf32>
    %slice3A_86 = vector.extract_strided_slice %div3A_84 {offsets = [0, 0], sizes = [64, 1], strides = [1, 1]} : vector<64x4xf32> to vector<64x1xf32>
    %slice3A_87 = vector.extract_strided_slice %reshape3A_85 {offsets = [0, 0, 0], sizes = [64, 1, 128], strides = [1, 1, 1]} : vector<64x32x128xf32> to vector<64x1x128xf32>
    %squeeze3A = vector.shape_cast %slice3A_87 : vector<64x1x128xf32> to vector<64x128xf32>
    %mul3A_88 = vector.broadcast %slice3A_86 : vector<64x1xf32> to vector<64x128xf32>
    %mul3A_89 = arith.mulf %mul3A_88, %squeeze3A : vector<64x128xf32>
    %slice3A_90 = vector.extract_strided_slice %div3A_84 {offsets = [0, 1], sizes = [64, 1], strides = [1, 1]} : vector<64x4xf32> to vector<64x1xf32>
    %slice3A_91 = vector.extract_strided_slice %reshape3A_85 {offsets = [0, 1, 0], sizes = [64, 1, 128], strides = [1, 1, 1]} : vector<64x32x128xf32> to vector<64x1x128xf32>
    %squeeze3A_92 = vector.shape_cast %slice3A_91 : vector<64x1x128xf32> to vector<64x128xf32>
    %mul3A_93 = vector.broadcast %slice3A_90 : vector<64x1xf32> to vector<64x128xf32>
    %mul3A_94 = arith.mulf %mul3A_93, %squeeze3A_92 : vector<64x128xf32>
    %add3A_95 = arith.addf %mul3A_89, %mul3A_94 : vector<64x128xf32>
    %slice3A_96 = vector.extract_strided_slice %div3A_84 {offsets = [0, 2], sizes = [64, 1], strides = [1, 1]} : vector<64x4xf32> to vector<64x1xf32>
    %slice3A_97 = vector.extract_strided_slice %reshape3A_85 {offsets = [0, 2, 0], sizes = [64, 1, 128], strides = [1, 1, 1]} : vector<64x32x128xf32> to vector<64x1x128xf32>
    %squeeze3A_98 = vector.shape_cast %slice3A_97 : vector<64x1x128xf32> to vector<64x128xf32>
    %mul3A_99 = vector.broadcast %slice3A_96 : vector<64x1xf32> to vector<64x128xf32>
    %mul3A_100 = arith.mulf %mul3A_99, %squeeze3A_98 : vector<64x128xf32>
    %add3A_101 = arith.addf %add3A_95, %mul3A_100 : vector<64x128xf32>
    %slice3A_102 = vector.extract_strided_slice %div3A_84 {offsets = [0, 3], sizes = [64, 1], strides = [1, 1]} : vector<64x4xf32> to vector<64x1xf32>
    %slice3A_103 = vector.extract_strided_slice %reshape3A_85 {offsets = [0, 3, 0], sizes = [64, 1, 128], strides = [1, 1, 1]} : vector<64x32x128xf32> to vector<64x1x128xf32>
    %squeeze3A_104 = vector.shape_cast %slice3A_103 : vector<64x1x128xf32> to vector<64x128xf32>
    %mul3A_105 = vector.broadcast %slice3A_102 : vector<64x1xf32> to vector<64x128xf32>
    %mul3A_106 = arith.mulf %mul3A_105, %squeeze3A_104 : vector<64x128xf32>
    %add3A_107 = arith.addf %add3A_101, %mul3A_106 : vector<64x128xf32>
    %get3A_108 = arith.constant 0 : index
    %get3A_109 = arith.constant 0 : index
    %get3A_110 = vector.load %arg12[%get3A_108, %get3A_109] : memref<512x512xf32, #tpu.memory_space<vmem>>, vector<512x512xf32>
    %convert_element_type3A_111 = arith.truncf %get3A_24 : vector<64x512xf32> to vector<64x512xbf16>
    %convert_element_type3A_112 = arith.truncf %get3A_110 : vector<512x512xf32> to vector<512x512xbf16>
    %dot_general3A_113 = arith.constant dense<0.000000e+00> : vector<64x512xf32>
    %dot_general3A_114 = tpu.matmul %convert_element_type3A_111, %convert_element_type3A_112, %dot_general3A_113 {dimension_numbers = #tpu.dot_dimension_numbers<[1], [0], [0], [1], [0, 0, 1, 1], [], []>, transpose_lhs_hint = false} : vector<64x512xbf16>, vector<512x512xbf16>, vector<64x512xf32> -> vector<64x512xf32>
    %get3A_115 = arith.constant 0 : index
    %get3A_116 = arith.constant 0 : index
    %get3A_117 = vector.load %arg13[%get3A_115, %get3A_116] : memref<128x512xf32, #tpu.memory_space<vmem>>, vector<128x512xf32>
    %convert_element_type3A_118 = arith.truncf %add3A_107 : vector<64x128xf32> to vector<64x128xbf16>
    %convert_element_type3A_119 = arith.truncf %get3A_117 : vector<128x512xf32> to vector<128x512xbf16>
    %dot_general3A_120 = arith.constant dense<0.000000e+00> : vector<64x512xf32>
    %dot_general3A_121 = tpu.matmul %convert_element_type3A_118, %convert_element_type3A_119, %dot_general3A_120 {dimension_numbers = #tpu.dot_dimension_numbers<[1], [0], [0], [1], [0, 0, 1, 1], [], []>, transpose_lhs_hint = false} : vector<64x128xbf16>, vector<128x512xbf16>, vector<64x512xf32> -> vector<64x512xf32>
    %add3A_122 = arith.addf %dot_general3A_114, %dot_general3A_121 : vector<64x512xf32>
    %get3A_123 = arith.constant 0 : index
    %get3A_124 = arith.constant 0 : index
    %get3A_125 = vector.load %arg14[%get3A_123, %get3A_124] : memref<1x512xf32, #tpu.memory_space<vmem>>, vector<1x512xf32>
    %add3A_126 = vector.broadcast %get3A_125 : vector<1x512xf32> to vector<64x512xf32>
    %add3A_127 = arith.addf %add3A_122, %add3A_126 : vector<64x512xf32>
    %max3A_128 = arith.constant 0.000000e+00 : f32
    %max3A_129 = vector.broadcast %max3A_128 : f32 to vector<64x512xf32>
    %max3A_130 = arith.maximumf %add3A_127, %max3A_129 : vector<64x512xf32>
    %convert_element_type3A_131 = arith.truncf %max3A_130 : vector<64x512xf32> to vector<64x512xbf16>
    %convert_element_type3A_132 = arith.extf %convert_element_type3A_131 : vector<64x512xbf16> to vector<64x512xf32>
    %get3A_133 = arith.constant 0 : index
    %get3A_134 = arith.constant 0 : index
    %get3A_135 = vector.load %arg15[%get3A_133, %get3A_134] : memref<1x512xf32, #tpu.memory_space<vmem>>, vector<1x512xf32>
    %convert_element_type3A_136 = arith.truncf %get3A_135 : vector<1x512xf32> to vector<1x512xbf16>
    %convert_element_type3A_137 = arith.extf %convert_element_type3A_136 : vector<1x512xbf16> to vector<1x512xf32>
    %mul3A_138 = vector.broadcast %convert_element_type3A_137 : vector<1x512xf32> to vector<64x512xf32>
    %mul3A_139 = arith.mulf %convert_element_type3A_132, %mul3A_138 : vector<64x512xf32>
    %reduce_sum3A_140 = arith.constant dense<0.000000e+00> : vector<64xf32>
    %reduce_sum3A_141 = vector.multi_reduction <add>, %mul3A_139, %reduce_sum3A_140 [1] : vector<64x512xf32> to vector<64xf32>
    %broadcast_in_dim3A_142 = vector.shape_cast %reduce_sum3A_141 : vector<64xf32> to vector<64x1xf32>
    %get3A_143 = arith.constant 0 : index
    %get3A_144 = arith.constant 0 : index
    %get3A_145 = vector.load %arg16[%get3A_143, %get3A_144] : memref<1x1xf32, #tpu.memory_space<vmem>>, vector<1x1xf32>
    %get3A_146 = vector.extract %get3A_145[0, 0] : f32 from vector<1x1xf32>
    %add3A_147 = vector.broadcast %get3A_146 : f32 to vector<64x1xf32>
    %add3A_148 = arith.addf %broadcast_in_dim3A_142, %add3A_147 : vector<64x1xf32>
    %swap3A_149 = arith.constant 0 : index
    %swap3A_150 = arith.constant 0 : index
    %swap3A_151 = vector.load %arg18[%swap3A_149, %swap3A_150] : memref<64x1xf32, #tpu.memory_space<vmem>>, vector<64x1xf32>
    tpu.vector_store %arg18[%swap3A_149, %swap3A_150], %add3A_148 {strides = array<i32>} : memref<64x1xf32, #tpu.memory_space<vmem>>, vector<64x1xf32>,
    return
  }
}

</mosaic_0001>

<sc_bundles>
// kernel: gather_offload_async_start
scs
__scs_entry_jumppad:
0x0: {  	(pc) =	sbr.rel $0x88, $3  }
0x1: {  	(tag) =	ssettag $0x0;
	lr =	simm.s32 $0x1  }
0x2: {  	[smem:$0x3F87] =	sst lr;
	_ =	strace $0xD0000000  }
0x3: {  	_ = 	snop  }
0x4: {  	_ = 	snop  }
0x5: {  	_ = 	snop  }
0x6: {  	_ = 	snop  }
0x7: {  	_ = 	snop  }
__scs_overlays_trampoline_lowered:
0x8: {  	[smem:$0x3F96] =	sst s0  }
0x9: {  	[smem:$0x3F97] =	sst s1  }
0xa: {  	[smem:$0x3F98] =	sst s2  }
0xb: {  	[smem:$0x3F99] =	sst s3  }
0xc: {  	[smem:$0x3F9A] =	sst s4  }
0xd: {  	[smem:$0x3F9B] =	sst s5  }
0xe: {  	[smem:$0x3F9C] =	sst s6  }
0xf: {  	[smem:$0x3F9D] =	sst s7  }
0x10: {  	[smem:$0x3F9E] =	sst s8  }
0x11: {  	[smem:$0x3F9F] =	sst s9;
	s0 =	simm.s32 @!p0 $0x0  }
0x12: {  	s1 =	sld [smem:$0x3F85];
	s0 =	simm.s32 @p0 $0x1  }
0x13: {  	[smem:$0x3FA0] =	sst s0;
	s0 =	simm.s32 @!p1 $0x0  }
0x14: {  	s2 =	sld [smem:$0x3F84];
	s0 =	simm.s32 @p1 $0x1  }
0x15: {  	[smem:$0x3FA1] =	sst s0;
	s0 =	simm.s32 @!p2 $0x0  }
0x16: {  	s3 =	sld [smem:$0x3FDB];
	s0 =	simm.s32 @p2 $0x1  }
0x17: {  	s4 =	simm.s32 $0x1BF5;
	[smem:$0x3FA3] =	sst s0  }
0x18: {  	s0 =	sld [smem:$0x3F86];
	_ =	swait.ge [sflag:s4], $0x0  }
0x19: {  	s7 =	sld [smem:$0x3F87]  }
0x1a: {  	s8 =	sadd.s32 $0xFFFFE003, lr  }
0x1b: {  	s9 =	sadd.s32 $0xFFFFFEF7, lr;
	s5 =	simm.s32 $0xFFFFFFFF;
	p2 =	slt.u32 s8, $0xFFFFF086  }
0x1c: {  	p1 =	slt.u32 s9, $0xF7A;
	s5 =	simm.s32 @!p2 $0x0  }
0x1d: {  	s5 =	simm.s32 @p1 $0x1;
	p0 =	seq.s32 s7, s2  }
0x1e: {  	s7 =	smul.u32 @!p0 $0xF7A, s2;
	p2 =	seq.s32 @!p0 s5, $0x0  }
0x1f: {  	s9 =	smul.u32 $0xF7A, s1;
	s8 =	simm.s32 @!p0 $0x1BF5;
	p2 =	por !p2, p0  }
0x20: {  	[sflag:s8] =	ssyncset.s32 @!p0 $0xFFFFF086;
	s6 =	sadd.s32 @!p0 s3, s7;
	s7 =	simm.s32 @!p0 $0x108  }
0x21: {  	s3 =	sadd.s32 s3, s9;
	s6 =	sadd.s32 @!p0 $0x88, s6;
	s7 =	simm.s32 @p2 $0x1082  }
0x22: {  	[simem:s7], [sflag:s8] =	dma.local @!p0 [hbm:s6], $0xF7A  }
0x23: {  	s9 =	sor.u32 $0xD0000000, s2;
	s6 =	simm.s32 $0x108;
	_ =	swait.ge @!p0 [sflag:s8], $0x0  }
0x24: {  	s3 =	sadd.s32 $0x88, s3;
	s6 =	simm.s32 @!p1 $0x1082;
	[sflag:s4] =	ssyncset.s32 $0xFFFFF086  }
0x25: {  	[simem:s6], [sflag:s4] =	dma.local [hbm:s3], $0xF7A  }
0x26: {  	[smem:$0x3F87] =	sst s1;
	(tag) =	ssettag s2;
	_ =	strace s9  }
0x27: {  	s1 =	sld [smem:$0x3F97]  }
0x28: {  	s2 =	sld [smem:$0x3F98]  }
0x29: {  	s4 =	sld [smem:$0x3F9A]  }
0x2a: {  	p0 =	seq.s32 s5, $0x0;
	s5 =	sld [smem:$0x3F9B]  }
0x2b: {  	s6 =	sld [smem:$0x3F9C]  }
0x2c: {  	s7 =	sld [smem:$0x3F9D]  }
0x2d: {  	s3 =	simm.s32 $0x108;
	s8 =	sld [smem:$0x3F9E]  }
0x2e: {  	s3 =	simm.s32 @!p0 $0x1082;
	s9 =	sld [smem:$0x3F9F]  }
0x2f: {  	lr =	sadd.s32 s0, s3;
	s0 =	sld [smem:$0x3F96]  }
0x30: {  	s3 =	sld [smem:$0x3F99]  }
0x31: {  	[smem:$0x3FA2] =	sst s10  }
0x32: {  	s10 =	sld [smem:$0x3FA0];
	_ =	sdelay $0x3  }
0x33: {  	p0 =	seq.s32 s10, $0x1;
	s10 =	sld [smem:$0x3FA2];
	_ =	sdelay $0x3  }
0x34: {  	[smem:$0x3FA2] =	sst s10  }
0x35: {  	s10 =	sld [smem:$0x3FA1];
	_ =	sdelay $0x3  }
0x36: {  	p1 =	seq.s32 s10, $0x1;
	s10 =	sld [smem:$0x3FA2];
	_ =	sdelay $0x3  }
0x37: {  	[smem:$0x3FA2] =	sst s10  }
0x38: {  	s10 =	sld [smem:$0x3FA3]  }
0x39: {  	_ = 	snop;
	(pc) =	sbr.ind lr, $3  }
0x3a: {  	_ = 	snop  }
0x3b: {  	_ = 	snop  }
0x3c: {  	p2 =	seq.s32 s10, $0x1;
	s10 =	sld [smem:$0x3FA2]  }
0x3d: {  	_ =	shalt  }
0x3e: {  	_ =	shalt  }
0x3f: {  	_ =	shalt  }
0x40: {  	_ =	shalt  }
0x41: {  	_ =	shalt  }
0x42: {  	_ =	shalt  }
0x43: {  	_ =	shalt  }
0x44: {  	_ =	shalt  }
0x45: {  	_ =	shalt  }
0x46: {  	_ =	shalt  }
0x47: {  	_ =	shalt  }
0x48: {  	_ =	shalt  }
0x49: {  	_ =	shalt  }
0x4a: {  	_ =	shalt  }
0x4b: {  	_ =	shalt  }
0x4c: {  	_ =	shalt  }
0x4d: {  	_ =	shalt  }
0x4e: {  	_ =	shalt  }
0x4f: {  	_ =	shalt  }
0x50: {  	_ =	shalt  }
0x51: {  	_ =	shalt  }
0x52: {  	_ =	shalt  }
0x53: {  	_ =	shalt  }
0x54: {  	_ =	shalt  }
0x55: {  	_ =	shalt  }
0x56: {  	_ =	shalt  }
0x57: {  	_ =	shalt  }
0x58: {  	_ =	shalt  }
0x59: {  	_ =	shalt  }
0x5a: {  	_ =	shalt  }
0x5b: {  	_ =	shalt  }
0x5c: {  	_ =	shalt  }
0x5d: {  	_ =	shalt  }
0x5e: {  	_ =	shalt  }
0x5f: {  	_ =	shalt  }
0x60: {  	_ =	shalt  }
0x61: {  	_ =	shalt  }
0x62: {  	_ =	shalt  }
0x63: {  	_ =	shalt  }
0x64: {  	_ =	shalt  }
0x65: {  	_ =	shalt  }
0x66: {  	_ =	shalt  }
0x67: {  	_ =	shalt  }
0x68: {  	_ =	shalt  }
0x69: {  	_ =	shalt  }
0x6a: {  	_ =	shalt  }
0x6b: {  	_ =	shalt  }
0x6c: {  	_ =	shalt  }
0x6d: {  	_ =	shalt  }
0x6e: {  	_ =	shalt  }
0x6f: {  	_ =	shalt  }
0x70: {  	_ =	shalt  }
0x71: {  	_ =	shalt  }
0x72: {  	_ =	shalt  }
0x73: {  	_ =	shalt  }
0x74: {  	_ =	shalt  }
0x75: {  	_ =	shalt  }
0x76: {  	_ =	shalt  }
0x77: {  	_ =	shalt  }
0x78: {  	_ =	shalt  }
0x79: {  	_ =	shalt  }
0x7a: {  	_ =	shalt  }
0x7b: {  	_ =	shalt  }
0x7c: {  	_ =	shalt  }
0x7d: {  	_ =	shalt  }
0x7e: {  	_ =	shalt  }
0x7f: {  	_ =	shalt  }
0x80: {  	_ =	shalt  }
0x81: {  	_ =	shalt  }
0x82: {  	_ =	shalt  }
0x83: {  	_ =	shalt  }
0x84: {  	_ =	shalt  }
0x85: {  	_ =	shalt  }
0x86: {  	_ =	shalt  }
0x87: {  	_ =	shalt  }
.Lfunc_end0:
.L_simem_size_0:
called_computation.1_lowered:
.L_overlay_start_0:
0x88: {  	s2 =	sld [smem:$0x3FD9]  }
0x89: {  	s3 =	sld [smem:$0x3FFE];
	_ =	sdelay $0x1  }
0x8a: {  	s1 =	srdreg.scid  }
0x8b: {  	s0 =	sand.u32 $0x1, s1  }
0x8c: {  	s17 =	sshll.u32 s0, $0xA;
	s2 =	sadd.s32 s3, s2  }
0x8d: {  	s2 =	sadd.s32 s2, s17  }
0x8e: {  	[smem:$0x3FAE] =	sst s2  }
0x8f: {  	_ = 	snop  }
0x90: {  	(tm) =	ssettm $0x1  }
0x91: {  	s18 =	sld [smem:$0x3FFB];
	_ =	sdelay $0x3  }
0x92: {  	_ =	strace s18  }
0x93: {  	s2 =	sld [smem:$0x3FFC];
	_ =	sdelay $0x3  }
0x94: {  	_ =	strace s2  }
0x95: {  	s2 =	sld [smem:$0x3FFD];
	_ =	sdelay $0x3  }
0x96: {  	_ =	strace s2  }
0x97: {  	_ =	strace $0x8FFFFFFF  }
0x98: {  	s19 =	sld [smem:$0x3FDB];
	_ =	sdelay $0x1  }
0x99: {  	s20 =	simm.s32 $_scs_section_size  }
0x9a: {  	s4 =	simm.s32 $_size__tile_overlayer_lowered;
	s5 =	simm.s32 $_tile_overlayer_lowered  }
0x9b: {  	s6 =	simm.s32 $0x1BFF;
	s21 =	sshll.u32 s5, $0x1;
	s3 =	sadd.s32 s20, s19  }
0x9c: {  	s22 =	simm.s32 $0x0;
	s4 =	sshll.u32 s4, $0x1;
	s5 =	sadd.s32 s21, s3  }
0x9d: {  	[timem:s22], [sflag:s6] =	dma.local [hbm:s5], s4  }
0x9e: {  	_ =	swait.ge [sflag:s6], s4  }
0x9f: {  	s4 =	ssub.s32 $0x0, s4;
	[sflag:s6] =	ssyncset.done $0x0  }
0xa0: {  	[sflag:s6] =	ssyncadd.s32 s4;
	_ =	sdelay $0x1  }
0xa1: {  	s23 =	simm.s32 $0x1B8B  }
0xa2: {  	_ =	swait.ge [sflag:s23], $0x1  }
0xa3: {  	[sflag:s23] =	ssyncset.done $0x0  }
0xa4: {  	[sflag:s23] =	ssyncadd.s32 $0xFFFFFFFF  }
0xa5: {  	s4 =	sld [smem:$0x0]  }
0xa6: {  	s5 =	sand.u32 $0xFFFFFFFE, s1  }
0xa7: {  	p0 =	sne.s32 s1, s5  }
0xa8: {  	s5 =	sshll.u32 @p0 s5, $0xE  }
0xa9: {  	s5 =	sadd.s32 @p0 $0x11B8D, s5;
	s6 =	sshll.u32 @p0 s4, $0x11  }
0xaa: {  	s5 =	sor.u32 @p0 s6, s5  }
0xab: {  	[sflag:s5] =	ssyncadd.remote.s32 @p0 $0x1;
	_ =	sdelay $0x1  }
0xac: {  	s5 =	simm.s32 @p0 $0x1B8D  }
0xad: {  	_ =	swait.eq @p0 [sflag:s5], $0x1  }
0xae: {  	[sflag:s5] =	ssyncadd.s32 @p0 $0xFFFFFFFF  }
0xaf: {  	s6 =	sshll.u32 @!p0 s1, $0xE  }
0xb0: {  	s6 =	sor.u32 @!p0 $0x4000, s6;
	s5 =	simm.s32 @!p0 $0x1B8D  }
0xb1: {  	s4 =	sshll.u32 @!p0 s4, $0x11;
	s6 =	sadd.s32 @!p0 $0x11B8D, s6;
	_ =	swait.eq @!p0 [sflag:s5], $0x1  }
0xb2: {  	s4 =	sor.u32 @!p0 s4, s6;
	[sflag:s5] =	ssyncadd.s32 @!p0 $0xFFFFFFFF  }
0xb3: {  	s25 =	simm.s32 $0x1B8E;
	s24 =	sld [smem:$0x3FFE];
	[sflag:s4] =	ssyncadd.remote.s32 @!p0 $0x1  }
0xb4: {  	s26 =	simm.s32 $execute0_lowered;
	[smem:$0x3FD2] =	sst s25  }
0xb5: {  	s5 =	sshll.u32 s26, $0x1;
	_ =	strace $0x8000004C;
	[dreg:$0x1] =	wrdreg $0xFFFFFFFF  }
0xb6: {  	s28 =	simm.s32 $_size_execute0_lowered;
	s3 =	sadd.s32 s3, s5;
	[dreg:$0x0] =	wrdreg $0x0  }
0xb7: {  	s5 =	sshll.u32 s28, $0x1;
	[dreg:$0x2] =	wrdreg s3  }
0xb8: {  	[dreg:$0x3] =	wrdreg s5  }
0xb9: {  	[dreg:$0x4] =	wrdreg $0xC0  }
0xba: {  	_ =	task [dreg:s22], $0x5FFFF  }
0xbb: {  	[dreg:$0x1] =	wrdreg $0xFFFFFFFF  }
0xbc: {  	[dreg:$0x0] =	wrdreg $0x60  }
0xbd: {  	[dreg:$0x2] =	wrdreg s24  }
0xbe: {  	[dreg:$0x3] =	wrdreg $0x9  }
0xbf: {  	_ =	task.clear_ibuf [dreg:s22], $0x4FFFF;
	_ =	strace $0x9000004C  }
0xc0: {  	s29 =	simm.s32 $0x9;
	_ =	strace $0x8000004E  }
0xc1: {  	_ =	swait.ge [sflag:s29], $0x1  }
0xc2: {  	[sflag:s29] =	ssyncadd.s32 $0xFFFFFFFF  }
0xc3: {  	_ =	strace $0x9000004E  }
0xc4: {  	_ =	sfence  }
0xc5: {  	s30 =	sld [smem:$0x0];
	_ =	sdelay $0x2  }
0xc6: {  	s31 =	sshll.u32 s1, $0xD;
	s1 =	sshrl.u32 s1, $0x2  }
0xc7: {  	s4 =	sand.u32 $0x4000, s31;
	s1 =	sadd.s32 s1, s30  }
0xc8: {  	s0 =	sor.u32 s4, s0;
	s1 =	sshll.u32 s1, $0x11  }
0xc9: {  	s0 =	sor.u32 s1, s0  }
0xca: {  	s0 =	sadd.s32 $0x8F2B, s0  }
0xcb: {  	[sflag:s0] =	ssyncadd.remote.s32 $0x1  }
0xcc: {  	_ =	sfence.sel $0xFFFF  }
0xcd: {  	[dreg:$0x0] =	wrdreg $0xFFFFFFFF;
	(pc) =	sbr.abs _section_cstart, $3  }
0xce: {  	[dreg:$0x1] =	wrdreg $0xFFFFFFFF  }
0xcf: {  	_ =	task.clear_ibuf [dreg:s22], $0x2FFFF;
	_ =	strace $0x9FFFFFFF  }
0xd0: {  	(tm) =	ssettm $0x7FFFFFFF  }
0xd1: {  	_ =	shalt  }
tec
execute0_lowered:
.L_overlay_start_1:
0x0: {  	(tag) =	ssettag $0x1  }
0x1: {  	s7 =	rddreg [dreg:$0x0]  }
0x2: {  	s0 =	rddreg [dreg:$0x1];
	_ =	strace $0x8000004D  }
0x3: {  	s1 =	srdreg.scid;
	s9 =	simm.s32 $0x3;
	s16 =	simm.s32 $0x0  }
0x4: {  	p0 =	por $0x0, $0x0;
	s10 =	simm.s32 $0x0;
	s17 =	simm.s32 $0x0  }
0x5: {  	s11 =	simm.s32 $0x0;
	s13 =	simm.s32 $0x0;
	s14 =	simm.s32 $0x0  }
0x6: {  	s12 =	simm.s32 $0x0;
	s2 =	sadd.s32 $0x1D5400, s7;
	s4 =	sshll.u32 s1, $0x4  }
.Ltmp0:
0x7: {  	s1 =	stileid.u32;
	s5 =	sand.u32 $0x10, s4;
	(pc) =	sbr.rel .LBB2_1-.Ltmp0, $4  }
0x8: {  	vm0 =	vmmov $0xff;
	s3 =	sadd.s32 $0x429400, s7;
	s4 =	simm.s32 $0x1;
	s6 =	sor.u32 s1, s5  }
0x9: {  	vm1 =	vcmask $0x3F20;
	v0 =	vimm.s32 $0x4;
	v1 =	vimm.s32 $0x0;
	[sflag:s4] =	ssyncpa.u1 $0x0;
	s5 =	simm.s32 $0x2;
	s6 =	sshll.u32 s6, $0x8  }
0xa: {  	v2 =	vimm.s32 $0x1;
	v3 =	vimm.s32 $0x2;
	v4 =	vimm.s32 $0x3;
	s7 =	sadd.s32 $0x4E00, s7;
	[sflag:s5] =	ssyncpa.u1 $0x0;
	s8 =	sadd.s32 $0x100, s6  }
0xb: {  	v5 =	vimm.s32 $0x5;
	v6 =	vimm.s32 $0x6;
	v7 =	vimm.s32 $0x7;
	[sflag:s9] =	ssyncpa.u1 $0x0;
	s9 =	simm.s32 $0xFFFF0000;
	s15 =	smov.u32 s6  }
.LBB2_12:
0xc: {  	p1 =	slt.u32 s12, $0x3  }
0xd: {  	s18 =	sadd.s32 $0x80, s14;
	s17 =	sadd.s32 $0x100, s15;
	s16 =	simm.s32 @!p1 $0x3  }
0xe: {  	s19 =	smov.u32 s15;
	p2 =	sgt.s32 s18, $0x17F;
	_ =	swait.ge @!p1 [sflag:s16], $0x4000  }
0xf: {  	s20 =	smov.u32 s6;
	s19 =	smov.u32 @p2 s17;
	[sflag:s16] =	ssyncset.done @!p1 $0x0  }
0x10: {  	s12 =	sadd.s32 $0x1, s12;
	[sflag:s16] =	ssyncadd.s32 @!p1 $0xFFFFC000;
	p1 =	slt.s32 s19, s8  }
0x11: {  	s20 =	smov.u32 @p1 s19;
	p1 =	sne.s32 s12, $0x6  }
.Ltmp1:
0x12: {  	_ = 	snop;
	(pc) =	sbr.rel @!p1 .LBB2_13-.Ltmp1, $4  }
0x13: {  	s9 =	sadd.s32 $0x10000, s9  }
0x14: {  	s10 =	sadd.s32 $0x100, s10;
	p0 =	por !p0, !p0;
	s17 =	smov.u32 s13  }
0x15: {  	s18 =	simm.s32 @p2 $0x0;
	s13 =	smov.u32 s15;
	s16 =	smov.u32 s11  }
0x16: {  	s11 =	smov.u32 s14;
	s14 =	smov.u32 s18;
	s15 =	smov.u32 s20  }
.LBB2_1:
0x17: {  	p1 =	sgt.u32 s12, $0x2  }
0x18: {  	s31 =	sadd.s32 $0xFFFFFFFF, s12;
	s18 =	sshrl.u32 @!p1 s15, $0x3;
	s19 =	sshll.u32 @!p1 s12, $0x8  }
0x19: {  	s20 =	sand.u32 @!p1 $0x7, s15;
	s18 =	sadd.s32 @!p1 s3, s18;
	s19 =	sand.u32 @!p1 $0x3FFFFF00, s19  }
0x1a: {  	[tilespmem:s19], [sflag:$0x1] =	stream.linear.gather @!p1 [hbm4b:s18+s20], $0x100, $0x38;
	[tilespmem:$0x18300] =	vst v63  }
0x1b: {  	p1 =	sgt.u32 s31, $0x2  }
.Ltmp2:
0x1c: {  	_ = 	snop;
	(pc) =	sbr.rel @p1 .LBB2_5-.Ltmp2, $1  }
0x1d: {  	_ =	sdelay $0x3  }
0x1e: {  	_ =	swait.ge [sflag:s4], $0x100  }
0x1f: {  	[sflag:s4] =	ssyncset.done $0x0  }
0x20: {  	s18 =	sadd.s32 $0xFFFFFF00, s10;
	[sflag:s4] =	ssyncadd.s32 $0xFFFFFF00  }
0x21: {  	v8 =	vld.msk [tilespmem:s18+$0x0 ss:$0x1], $0xffff;
	_ =	sdelay $0x4  }
0x22: {  	vm2 =	vgt.s32 v8, $0x0  }
0x23: {  	v8 =	vnsel vm2, $0x0, v8  }
0x24: {  	v10 =	vmin.u32 v8, $0x1869F  }
0x25: {  	v8 =	vshrl.u32 v10, $0x3  }
0x26: {  	v9 =	vshll.u32 v10, $0x7;
	v8 =	vmul.u32 $0xC00, v8  }
0x27: {  	s29 =	sshrl.u32 s11, $0x1;
	v9 =	vand.u32 $0x300, v9  }
0x28: {  	s18 =	sand.u32 $0x7FFFFFC0, s29;
	v11 =	vor.u32 v9, v8  }
0x29: {  	v9 =	vmov s18;
	v8 =	vmov s10;
	v11 =	vshrl.u32 v11, $0x4  }
0x2a: {  	v11 =	vadd.s32 v9, v11  }
0x2b: {  	s30 =	sshrl.u32 s9, $0x1  }
0x2c: {  	s18 =	sand.u32 $0x8000, s30  }
0x2d: {  	s19 =	simm.s32 $0xFFFFFF00;
	v10 =	vand.u32 $0x1, v10;
	s18 =	sor.u32 $0x700, s18  }
0x2e: {  	s20 =	sadd.s32 $0xFFFFFC00, s18;
	[tilespmem:v8+s19+$0x0 ss:$0x1] =	vst.idx.msk $0xffff, v10  }
0x2f: {  	[tilespmem:s20], [sflag:$0x2] =	stream.indirect_vreg.gather [hbm:s2], $0x80, v11, vm0, $0x38;
	[tilespmem:$0x18300] =	vst v63  }
0x30: {  	s31 =	sadd.s32 $0xFFFFFF10, s10  }
0x31: {  	[tilespmem:s18], [sflag:$0x2] =	stream.indirect_vreg.gather [hbm:s2], $0x80, v11, vm1, $0x38;
	[tilespmem:$0x18300] =	vst v63  }
0x32: {  	s19 =	simm.s32 $0xFFFFFF10;
	s20 =	simm.s32 $0xFFFFFC80;
	v10 =	vld.msk [tilespmem:s31+$0x0 ss:$0x1], $0xffff  }
.LBB2_3:
0x33: {  	p1 =	sne.s32 s20, $0xFFFFFFC0;
	_ =	sdelay $0x4  }
0x34: {  	vm2 =	vgt.s32 v10, $0x0  }
0x35: {  	v10 =	vnsel vm2, $0x0, v10  }
0x36: {  	v10 =	vmin.u32 v10, $0x1869F  }
0x37: {  	v11 =	vshrl.u32 v10, $0x3  }
0x38: {  	v12 =	vshll.u32 v10, $0x7;
	v11 =	vmul.u32 $0xC00, v11  }
0x39: {  	v12 =	vand.u32 $0x300, v12  }
0x3a: {  	v11 =	vor.u32 v12, v11  }
0x3b: {  	v11 =	vshrl.u32 v11, $0x4  }
0x3c: {  	v11 =	vadd.s32 v9, v11;
	_ =	sdelay $0x2  }
0x3d: {  	s18 =	sadd.s32 $0x800, s18  }
.Ltmp3:
0x3e: {  	s21 =	sshra.s32 s20, $0x2;
	s22 =	sadd.s32 $0xFFFFFC00, s18;
	v10 =	vand.u32 $0x1, v10;
	(pc) =	sbr.rel @p1 .LBB2_3-.Ltmp3, $4  }
0x3f: {  	[tilespmem:v8+s19+$0x0 ss:$0x1] =	vst.idx.msk $0xffff, v10;
	[tilespmem:s22], [sflag:$0x2] =	stream.indirect_vreg.gather [hbm:s2], $0x80, v11, vm0, $0x38  }
0x40: {  	s22 =	sadd.s32 s21, s10;
	s19 =	smov.u32 s21  }
0x41: {  	[tilespmem:s18], [sflag:$0x2] =	stream.indirect_vreg.gather [hbm:s2], $0x80, v11, vm1, $0x38;
	[tilespmem:$0x18300] =	vst v63  }
0x42: {  	s20 =	sadd.s32 $0x40, s20;
	v10 =	vld.msk [tilespmem:s22+$0x0 ss:$0x1], $0xffff  }
0x43: {  	_ =	sdelay $0x3  }
0x44: {  	vm2 =	vgt.s32 v10, $0x0  }
0x45: {  	v10 =	vnsel vm2, $0x0, v10  }
0x46: {  	v10 =	vmin.u32 v10, $0x1869F  }
0x47: {  	v11 =	vshrl.u32 v10, $0x3  }
0x48: {  	v12 =	vshll.u32 v10, $0x7;
	v11 =	vmul.u32 $0xC00, v11  }
0x49: {  	v12 =	vand.u32 $0x300, v12  }
0x4a: {  	v11 =	vor.u32 v12, v11  }
0x4b: {  	v11 =	vshrl.u32 v11, $0x4  }
0x4c: {  	v9 =	vadd.s32 v9, v11;
	_ =	sdelay $0x2  }
0x4d: {  	s18 =	sadd.s32 $0x800, s18;
	v10 =	vand.u32 $0x1, v10  }
0x4e: {  	s20 =	sadd.s32 $0xFFFFFC00, s18;
	[tilespmem:v8+s19+$0x0 ss:$0x1] =	vst.idx.msk $0xffff, v10  }
0x4f: {  	[tilespmem:s20], [sflag:$0x2] =	stream.indirect_vreg.gather [hbm:s2], $0x80, v9, vm0, $0x38;
	[tilespmem:$0x18300] =	vst v63  }
0x50: {  	_ = 	snop  }
0x51: {  	[tilespmem:s18], [sflag:$0x2] =	stream.indirect_vreg.gather [hbm:s2], $0x80, v9, vm1, $0x38;
	[tilespmem:$0x18300] =	vst v63  }
.LBB2_5:
0x52: {  	p1 =	sgt.u32 s12, $0x5  }
.Ltmp4:
0x53: {  	_ = 	snop;
	(pc) =	sbr.rel @p1 .LBB2_7-.Ltmp4, $1  }
0x54: {  	_ =	sdelay $0x3  }
0x55: {  	s18 =	sshll.u32 s4, s12  }
0x56: {  	s18 =	sand.u32 $0x23, s18  }
0x57: {  	p1 =	sne.s32 s18, $0x0  }
.Ltmp5:
0x58: {  	_ = 	snop;
	(pc) =	sbr.rel @p1 .LBB2_12-.Ltmp5, $1  }
0x59: {  	_ =	sdelay $0x3  }
.LBB2_7:
0x5a: {  	s19 =	sadd.s32 $0xFFFFFFFE, s12  }
0x5b: {  	s18 =	smulhi.u32 $0xAAAAAAAB, s19  }
0x5c: {  	s20 =	simm.s32 $0x1;
	s30 =	sand.u32 $0x1, s12  }
0x5d: {  	_ =	swait.ge [sflag:s5], $0x8000;
	s20 =	simm.s32 @!p0 $0x0;
	s18 =	sshrl.u32 s18, $0x1  }
0x5e: {  	s31 =	sshll.u32 s30, $0xF;
	[sflag:s5] =	ssyncset.done $0x0;
	s21 =	smul.u32 $0x3, s18  }
0x5f: {  	s29 =	sshll.u32 s20, $0xE;
	s20 =	sshll.u32 s30, $0xE;
	[sflag:s5] =	ssyncadd.s32 $0xFFFF8000  }
0x60: {  	s22 =	sor.u32 $0x10300, s20;
	s19 =	ssub.s32 s19, s21;
	s21 =	sor.u32 $0x300, s31  }
0x61: {  	s20 =	simm.s32 $0x0;
	s18 =	sor.u32 $0x10300, s29;
	v9 =	vmov s22;
	s19 =	sshll.u32 s19, $0x8;
	v8 =	vmov s21  }
.LBB2_8:
0x62: {  	s21 =	sshll.u32 s20, $0x3  }
0x63: {  	s21 =	sand.u32 $0x3FFFFFF8, s21  }
0x64: {  	s21 =	sadd.s32 s21, s19  }
0x65: {  	v10 =	vld.msk [tilespmem:s21+$0x0 ss:$0x1], $0xff  }
0x66: {  	s26 =	sshll.u32 s20, $0xA  }
0x67: {  	s23 =	sand.u32 $0x3FFFFC00, s26  }
0x68: {  	v11 =	vld.idx.msk [tilespmem:v8+s23+$0x0 ss:$0x1], $0xffff  }
0x69: {  	v12 =	vld.idx.msk [tilespmem:v8+s23+$0x80 ss:$0x1], $0xffff  }
0x6a: {  	v10 =	vshll.u32 v10, $0x4  }
0x6b: {  	v13 =	vperm.xlane v10, v2  }
0x6c: {  	v15 =	vperm.xlane v10, v1  }
0x6d: {  	v20 =	vsub.s32 $0x10, v13  }
0x6e: {  	v11 =	vshrl.u32 v11, v15;
	v12 =	vshll.u32 v12, v20  }
0x6f: {  	s28 =	sshll.u32 s20, $0x9;
	v14 =	vld.idx.msk [tilespmem:v8+s23+$0x10 ss:$0x1], $0xffff;
	v11 =	vand.u32 $0xFFFF, v11;
	v12 =	vand.u32 $0xFFFF0000, v12  }
0x70: {  	v17 =	vld.idx.msk [tilespmem:v8+s23+$0x90 ss:$0x1], $0xffff;
	s21 =	sand.u32 $0x3FFFFE00, s28;
	v11 =	vor.u32 v11, v12  }
0x71: {  	v63 =	vld.idx.msk [tilespmem:v8+s23+$0x20 ss:$0x1], $0xffff;
	[tilespmem:v9+s21+$0x0 ss:$0x1] =	vst.idx.msk $0xffff, v11  }
0x72: {  	v59 =	vld.idx.msk [tilespmem:v8+s23+$0x100 ss:$0x1], $0xffff  }
0x73: {  	v60 =	vld.idx.msk [tilespmem:v8+s23+$0x180 ss:$0x1], $0xffff  }
0x74: {  	v25 =	vld.idx.msk [tilespmem:v8+s23+$0xA0 ss:$0x1], $0xffff  }
0x75: {  	v23 =	vld.idx.msk [tilespmem:v8+s23+$0x30 ss:$0x1], $0xffff;
	v16 =	vperm.xlane v10, v4  }
0x76: {  	v33 =	vld.idx.msk [tilespmem:v8+s23+$0x40 ss:$0x1], $0xffff;
	v11 =	vperm.xlane v10, v3  }
0x77: {  	v38 =	vld.idx.msk [tilespmem:v8+s23+$0x50 ss:$0x1], $0xffff;
	v19 =	vsub.s32 $0x10, v16  }
0x78: {  	v53 =	vld.idx.msk [tilespmem:v8+s23+$0x60 ss:$0x1], $0xffff;
	v61 =	vshrl.u32 v14, v15;
	v12 =	vshrl.u32 v59, v11;
	v13 =	vshll.u32 v60, v19  }
0x79: {  	v54 =	vld.idx.msk [tilespmem:v8+s23+$0xE0 ss:$0x1], $0xffff;
	v62 =	vshll.u32 v17, v20;
	v12 =	vand.u32 $0xFFFF, v12;
	v13 =	vand.u32 $0xFFFF0000, v13  }
0x7a: {  	v56 =	vld.idx.msk [tilespmem:v8+s23+$0x70 ss:$0x1], $0xffff;
	v18 =	vand.u32 $0xFFFF, v61;
	v24 =	vand.u32 $0xFFFF0000, v62;
	v12 =	vor.u32 v12, v13  }
0x7b: {  	[tilespmem:v9+s21+$0x80 ss:$0x1] =	vst.idx.msk $0xffff, v12;
	v12 =	vor.u32 v18, v24;
	v24 =	vld.idx.msk [tilespmem:v8+s23+$0xB0 ss:$0x1], $0xffff  }
0x7c: {  	v21 =	vld.idx.msk [tilespmem:v8+s23+$0x200 ss:$0x1], $0xffff  }
0x7d: {  	v16 =	vshrl.u32 v63, v15;
	v14 =	vshll.u32 v25, v20;
	v26 =	vld.idx.msk [tilespmem:v8+s23+$0x280 ss:$0x1], $0xffff  }
0x7e: {  	v57 =	vld.idx.msk [tilespmem:v8+s23+$0xF0 ss:$0x1], $0xffff;
	v16 =	vand.u32 $0xFFFF, v16;
	v14 =	vand.u32 $0xFFFF0000, v14;
	[tilespmem:v9+s21+$0x10 ss:$0x1] =	vst.idx.msk $0xffff, v12  }
0x7f: {  	v14 =	vor.u32 v16, v14;
	v18 =	vperm.xlane v10, v5;
	v12 =	vld.idx.msk [tilespmem:v8+s23+$0x110 ss:$0x1], $0xffff  }
0x80: {  	v36 =	vshrl.u32 v23, v15;
	v17 =	vperm.xlane v10, v0;
	[tilespmem:v9+s21+$0x20 ss:$0x1] =	vst.idx.msk $0xffff, v14;
	v22 =	vld.idx.msk [tilespmem:v8+s23+$0x190 ss:$0x1], $0xffff  }
0x81: {  	v46 =	vshrl.u32 v38, v15;
	v39 =	vand.u32 $0xFFFF, v36;
	v29 =	vld.idx.msk [tilespmem:v8+s23+$0x120 ss:$0x1], $0xffff;
	v18 =	vsub.s32 $0x10, v18  }
0x82: {  	s22 =	sor.u32 $0x1, s20;
	v31 =	vld.idx.msk [tilespmem:v8+s23+$0x1A0 ss:$0x1], $0xffff;
	v37 =	vshll.u32 v24, v20;
	v21 =	vshrl.u32 v21, v17;
	v13 =	vshll.u32 v26, v18  }
0x83: {  	s29 =	sshll.u32 s22, $0xA;
	v25 =	vld.idx.msk [tilespmem:v8+s23+$0xC0 ss:$0x1], $0xffff;
	v23 =	vand.u32 $0xFFFF0000, v37;
	v27 =	vand.u32 $0xFFFF, v21;
	v13 =	vand.u32 $0xFFFF0000, v13  }
0x84: {  	s25 =	sand.u32 $0x3FFFFC00, s29;
	v12 =	vshrl.u32 v12, v11;
	v23 =	vor.u32 v39, v23;
	v13 =	vor.u32 v27, v13;
	v27 =	vld.idx.msk [tilespmem:v8+s23+$0xD0 ss:$0x1], $0xffff  }
0x85: {  	v28 =	vshll.u32 v22, v19;
	[tilespmem:v9+s21+$0x30 ss:$0x1] =	vst.idx.msk $0xffff, v23;
	v23 =	vand.u32 $0xFFFF, v46;
	v46 =	vld.idx.msk [tilespmem:v8+s25+$0x10 ss:$0x1], $0xffff  }
0x86: {  	v16 =	vshrl.u32 v29, v11;
	v30 =	vand.u32 $0xFFFF, v12;
	v14 =	vand.u32 $0xFFFF0000, v28;
	v28 =	vld.idx.msk [tilespmem:v8+s23+$0x130 ss:$0x1], $0xffff  }
0x87: {  	v21 =	vshll.u32 v31, v19;
	[tilespmem:v9+s21+$0x100 ss:$0x1] =	vst.idx.msk $0xffff, v13;
	v14 =	vor.u32 v30, v14;
	v43 =	vld.idx.msk [tilespmem:v8+s23+$0x1B0 ss:$0x1], $0xffff  }
0x88: {  	v16 =	vand.u32 $0xFFFF, v16;
	v21 =	vand.u32 $0xFFFF0000, v21;
	v12 =	vld.idx.msk [tilespmem:v8+s23+$0x300 ss:$0x1], $0xffff;
	[tilespmem:v9+s21+$0x90 ss:$0x1] =	vst.idx.msk $0xffff, v14  }
0x89: {  	v16 =	vor.u32 v16, v21;
	v14 =	vld.idx.msk [tilespmem:v8+s23+$0x210 ss:$0x1], $0xffff  }
0x8a: {  	v25 =	vshll.u32 v25, v20;
	v21 =	vshrl.u32 v33, v15;
	[tilespmem:v9+s21+$0xA0 ss:$0x1] =	vst.idx.msk $0xffff, v16;
	v32 =	vld.idx.msk [tilespmem:v8+s23+$0x290 ss:$0x1], $0xffff  }
0x8b: {  	v40 =	vand.u32 $0xFFFF0000, v25;
	v21 =	vand.u32 $0xFFFF, v21;
	v35 =	vld.idx.msk [tilespmem:v8+s23+$0x220 ss:$0x1], $0xffff  }
0x8c: {  	v26 =	vld.idx.msk [tilespmem:v8+s23+$0x2A0 ss:$0x1], $0xffff;
	v21 =	vor.u32 v21, v40  }
0x8d: {  	s24 =	sshll.u32 s22, $0x3;
	v13 =	vld.idx.msk [tilespmem:v8+s23+$0x380 ss:$0x1], $0xffff;
	[tilespmem:v9+s21+$0x40 ss:$0x1] =	vst.idx.msk $0xffff, v21;
	v47 =	vshll.u32 v27, v20  }
0x8e: {  	s24 =	sand.u32 $0x3FFFFFF8, s24;
	v45 =	vld.idx.msk [tilespmem:v8+s23+$0x140 ss:$0x1], $0xffff;
	v24 =	vand.u32 $0xFFFF0000, v47  }
0x8f: {  	s24 =	sadd.s32 s24, s19;
	v48 =	vld.idx.msk [tilespmem:v8+s23+$0x1C0 ss:$0x1], $0xffff;
	v50 =	vshll.u32 v43, v19;
	v23 =	vor.u32 v23, v24  }
0x90: {  	v49 =	vshrl.u32 v28, v11;
	v43 =	vld.msk [tilespmem:s24+$0x0 ss:$0x1], $0xff;
	v24 =	vand.u32 $0xFFFF0000, v50;
	v14 =	vshrl.u32 v14, v17;
	[tilespmem:v9+s21+$0x50 ss:$0x1] =	vst.idx.msk $0xffff, v23  }
0x91: {  	v34 =	vshll.u32 v32, v18;
	v22 =	vshrl.u32 v35, v17;
	v41 =	vshll.u32 v26, v18;
	v51 =	vld.idx.msk [tilespmem:v8+s23+$0x150 ss:$0x1], $0xffff  }
0x92: {  	v23 =	vand.u32 $0xFFFF, v49;
	v22 =	vand.u32 $0xFFFF, v22;
	v42 =	vand.u32 $0xFFFF0000, v41;
	v52 =	vld.idx.msk [tilespmem:v8+s23+$0x1D0 ss:$0x1], $0xffff  }
0x93: {  	v23 =	vor.u32 v23, v24;
	v44 =	vor.u32 v22, v42;
	v22 =	vshrl.u32 v45, v11;
	v45 =	vld.idx.msk [tilespmem:v8+s25+$0x80 ss:$0x1], $0xffff  }
0x94: {  	v14 =	vand.u32 $0xFFFF, v14;
	v16 =	vand.u32 $0xFFFF0000, v34;
	v21 =	vshll.u32 v48, v19;
	[tilespmem:v9+s21+$0xB0 ss:$0x1] =	vst.idx.msk $0xffff, v23;
	v48 =	vld.idx.msk [tilespmem:v8+s25+$0x90 ss:$0x1], $0xffff  }
0x95: {  	v14 =	vor.u32 v14, v16;
	v29 =	vld.idx.msk [tilespmem:v8+s23+$0x230 ss:$0x1], $0xffff  }
0x96: {  	[tilespmem:v9+s21+$0x110 ss:$0x1] =	vst.idx.msk $0xffff, v14;
	v55 =	vld.idx.msk [tilespmem:v8+s23+$0x2B0 ss:$0x1], $0xffff  }
0x97: {  	[tilespmem:v9+s21+$0x120 ss:$0x1] =	vst.idx.msk $0xffff, v44;
	v44 =	vld.idx.msk [tilespmem:v8+s25+$0x0 ss:$0x1], $0xffff  }
0x98: {  	v16 =	vld.idx.msk [tilespmem:v8+s23+$0x310 ss:$0x1], $0xffff  }
0x99: {  	v22 =	vand.u32 $0xFFFF, v22;
	v21 =	vand.u32 $0xFFFF0000, v21;
	v14 =	vld.idx.msk [tilespmem:v8+s23+$0x390 ss:$0x1], $0xffff  }
0x9a: {  	v24 =	vshrl.u32 v53, v15;
	v23 =	vshll.u32 v54, v20;
	v27 =	vld.idx.msk [tilespmem:v8+s23+$0x320 ss:$0x1], $0xffff;
	v21 =	vor.u32 v22, v21  }
0x9b: {  	v24 =	vand.u32 $0xFFFF, v24;
	v23 =	vand.u32 $0xFFFF0000, v23;
	v26 =	vld.idx.msk [tilespmem:v8+s23+$0x3A0 ss:$0x1], $0xffff;
	[tilespmem:v9+s21+$0xC0 ss:$0x1] =	vst.idx.msk $0xffff, v21  }
0x9c: {  	v15 =	vshrl.u32 v56, v15;
	v20 =	vshll.u32 v57, v20;
	v23 =	vor.u32 v24, v23;
	v21 =	vld.idx.msk [tilespmem:v8+s23+$0x240 ss:$0x1], $0xffff  }
0x9d: {  	v15 =	vand.u32 $0xFFFF, v15;
	v20 =	vand.u32 $0xFFFF0000, v20;
	[tilespmem:v9+s21+$0x60 ss:$0x1] =	vst.idx.msk $0xffff, v23;
	v30 =	vld.idx.msk [tilespmem:v8+s23+$0x2C0 ss:$0x1], $0xffff  }
0x9e: {  	v15 =	vor.u32 v15, v20;
	v61 =	vld.idx.msk [tilespmem:v8+s23+$0x160 ss:$0x1], $0xffff  }
0x9f: {  	[tilespmem:v9+s21+$0x70 ss:$0x1] =	vst.idx.msk $0xffff, v15;
	v25 =	vshrl.u32 v51, v11;
	v28 =	vshll.u32 v52, v19;
	v63 =	vld.idx.msk [tilespmem:v8+s23+$0x1E0 ss:$0x1], $0xffff  }
0xa0: {  	v39 =	vld.idx.msk [tilespmem:v8+s23+$0x170 ss:$0x1], $0xffff;
	v25 =	vand.u32 $0xFFFF, v25;
	v28 =	vand.u32 $0xFFFF0000, v28  }
0xa1: {  	v42 =	vld.idx.msk [tilespmem:v8+s23+$0x1F0 ss:$0x1], $0xffff;
	v25 =	vor.u32 v25, v28;
	v29 =	vshrl.u32 v29, v17;
	v22 =	vshll.u32 v55, v18  }
0xa2: {  	v51 =	vld.idx.msk [tilespmem:v8+s25+$0x20 ss:$0x1], $0xffff;
	[tilespmem:v9+s21+$0xD0 ss:$0x1] =	vst.idx.msk $0xffff, v25;
	v58 =	vand.u32 $0xFFFF, v29;
	v22 =	vand.u32 $0xFFFF0000, v22  }
0xa3: {  	v31 =	vld.idx.msk [tilespmem:v8+s23+$0x250 ss:$0x1], $0xffff;
	v22 =	vor.u32 v58, v22;
	v21 =	vshrl.u32 v21, v17;
	v60 =	vshll.u32 v30, v18  }
0xa4: {  	v59 =	vld.idx.msk [tilespmem:v8+s23+$0x2D0 ss:$0x1], $0xffff;
	[tilespmem:v9+s21+$0x130 ss:$0x1] =	vst.idx.msk $0xffff, v22;
	v21 =	vand.u32 $0xFFFF, v21;
	v62 =	vand.u32 $0xFFFF0000, v60  }
0xa5: {  	v37 =	vshrl.u32 v61, v11;
	v38 =	vshll.u32 v63, v19;
	v33 =	vld.idx.msk [tilespmem:v8+s23+$0x330 ss:$0x1], $0xffff;
	v21 =	vor.u32 v21, v62  }
0xa6: {  	v32 =	vld.idx.msk [tilespmem:v8+s23+$0x3B0 ss:$0x1], $0xffff;
	v40 =	vand.u32 $0xFFFF, v37;
	v41 =	vand.u32 $0xFFFF0000, v38;
	[tilespmem:v9+s21+$0x140 ss:$0x1] =	vst.idx.msk $0xffff, v21  }
0xa7: {  	v11 =	vshrl.u32 v39, v11;
	v19 =	vshll.u32 v42, v19;
	v20 =	vor.u32 v40, v41;
	v30 =	vld.idx.msk [tilespmem:v8+s23+$0x340 ss:$0x1], $0xffff  }
0xa8: {  	v23 =	vand.u32 $0xFFFF, v11;
	v19 =	vand.u32 $0xFFFF0000, v19;
	v11 =	vshll.u32 v43, $0x4;
	[tilespmem:v9+s21+$0xE0 ss:$0x1] =	vst.idx.msk $0xffff, v20;
	v28 =	vld.idx.msk [tilespmem:v8+s23+$0x3C0 ss:$0x1], $0xffff  }
0xa9: {  	v19 =	vor.u32 v23, v19;
	v47 =	vperm.xlane v11, v2;
	v39 =	vperm.xlane v11, v1;
	v20 =	vld.idx.msk [tilespmem:v8+s23+$0x260 ss:$0x1], $0xffff  }
0xaa: {  	[tilespmem:v9+s21+$0xF0 ss:$0x1] =	vst.idx.msk $0xffff, v19;
	v25 =	vshrl.u32 v31, v17;
	v35 =	vshll.u32 v59, v18;
	v49 =	vld.idx.msk [tilespmem:v8+s23+$0x2E0 ss:$0x1], $0xffff  }
0xab: {  	v19 =	vld.idx.msk [tilespmem:v8+s23+$0x270 ss:$0x1], $0xffff;
	v40 =	vsub.s32 $0x10, v47;
	v34 =	vand.u32 $0xFFFF, v25;
	v36 =	vand.u32 $0xFFFF0000, v35  }
0xac: {  	v50 =	vshrl.u32 v44, v39;
	v54 =	vld.idx.msk [tilespmem:v8+s23+$0x2F0 ss:$0x1], $0xffff;
	v22 =	vshll.u32 v45, v40;
	v15 =	vor.u32 v34, v36  }
0xad: {  	s22 =	sshll.u32 s22, $0x9;
	v23 =	vand.u32 $0xFFFF, v50;
	v22 =	vand.u32 $0xFFFF0000, v22;
	v34 =	vld.idx.msk [tilespmem:v8+s25+$0xA0 ss:$0x1], $0xffff;
	[tilespmem:v9+s21+$0x150 ss:$0x1] =	vst.idx.msk $0xffff, v15  }
0xae: {  	s22 =	sand.u32 $0x3FFFFE00, s22;
	v21 =	vshrl.u32 v46, v39;
	v52 =	vshll.u32 v48, v40;
	v22 =	vor.u32 v23, v22;
	v15 =	vld.idx.msk [tilespmem:v8+s23+$0x350 ss:$0x1], $0xffff  }
0xaf: {  	v21 =	vand.u32 $0xFFFF, v21;
	v55 =	vand.u32 $0xFFFF0000, v52;
	v25 =	vld.idx.msk [tilespmem:v8+s23+$0x3D0 ss:$0x1], $0xffff;
	[tilespmem:v9+s22+$0x0 ss:$0x1] =	vst.idx.msk $0xffff, v22  }
0xb0: {  	v21 =	vor.u32 v21, v55;
	v57 =	vld.idx.msk [tilespmem:v8+s25+$0x100 ss:$0x1], $0xffff  }
0xb1: {  	[tilespmem:v9+s22+$0x10 ss:$0x1] =	vst.idx.msk $0xffff, v21;
	v58 =	vld.idx.msk [tilespmem:v8+s25+$0x180 ss:$0x1], $0xffff  }
0xb2: {  	v35 =	vld.idx.msk [tilespmem:v8+s25+$0x110 ss:$0x1], $0xffff  }
0xb3: {  	v62 =	vperm.xlane v11, v4;
	v20 =	vshrl.u32 v20, v17;
	v53 =	vshll.u32 v49, v18;
	v63 =	vld.idx.msk [tilespmem:v8+s25+$0x190 ss:$0x1], $0xffff  }
0xb4: {  	v18 =	vshll.u32 v54, v18;
	v54 =	vld.idx.msk [tilespmem:v8+s25+$0xB0 ss:$0x1], $0xffff;
	v20 =	vand.u32 $0xFFFF, v20;
	v56 =	vand.u32 $0xFFFF0000, v53  }
0xb5: {  	v60 =	vshrl.u32 v51, v39;
	v59 =	vshrl.u32 v19, v17;
	v53 =	vld.idx.msk [tilespmem:v8+s25+$0x30 ss:$0x1], $0xffff;
	v20 =	vor.u32 v20, v56  }
0xb6: {  	v21 =	vand.u32 $0xFFFF, v59;
	v18 =	vand.u32 $0xFFFF0000, v18;
	v61 =	vshll.u32 v34, v40;
	v56 =	vld.idx.msk [tilespmem:v8+s25+$0x40 ss:$0x1], $0xffff;
	[tilespmem:v9+s21+$0x160 ss:$0x1] =	vst.idx.msk $0xffff, v20  }
0xb7: {  	v34 =	vand.u32 $0xFFFF, v60;
	v18 =	vor.u32 v21, v18;
	v19 =	vand.u32 $0xFFFF0000, v61;
	v17 =	vld.idx.msk [tilespmem:v8+s23+$0x360 ss:$0x1], $0xffff  }
0xb8: {  	v37 =	vperm.xlane v11, v3;
	[tilespmem:v9+s21+$0x170 ss:$0x1] =	vst.idx.msk $0xffff, v18;
	v23 =	vor.u32 v34, v19;
	v19 =	vld.idx.msk [tilespmem:v8+s23+$0x3E0 ss:$0x1], $0xffff  }
0xb9: {  	v38 =	vsub.s32 $0x10, v62;
	v24 =	vld.idx.msk [tilespmem:v8+s23+$0x3F0 ss:$0x1], $0xffff  }
0xba: {  	[tilespmem:v9+s22+$0x20 ss:$0x1] =	vst.idx.msk $0xffff, v23;
	v36 =	vshrl.u32 v57, v37;
	v41 =	vshll.u32 v58, v38;
	v23 =	vld.idx.msk [tilespmem:v8+s23+$0x370 ss:$0x1], $0xffff  }
0xbb: {  	v42 =	vld.idx.msk [tilespmem:v8+s25+$0x120 ss:$0x1], $0xffff;
	v43 =	vand.u32 $0xFFFF, v36;
	v44 =	vand.u32 $0xFFFF0000, v41  }
0xbc: {  	v46 =	vshrl.u32 v35, v37;
	v47 =	vshll.u32 v63, v38;
	v45 =	vld.idx.msk [tilespmem:v8+s25+$0x1A0 ss:$0x1], $0xffff;
	v18 =	vor.u32 v43, v44  }
0xbd: {  	v48 =	vand.u32 $0xFFFF, v46;
	v49 =	vand.u32 $0xFFFF0000, v47;
	v43 =	vld.idx.msk [tilespmem:v8+s25+$0xC0 ss:$0x1], $0xffff;
	[tilespmem:v9+s22+$0x80 ss:$0x1] =	vst.idx.msk $0xffff, v18  }
0xbe: {  	v18 =	vor.u32 v48, v49;
	v50 =	vld.idx.msk [tilespmem:v8+s25+$0x200 ss:$0x1], $0xffff  }
0xbf: {  	v52 =	vperm.xlane v11, v5;
	v51 =	vld.idx.msk [tilespmem:v8+s25+$0x280 ss:$0x1], $0xffff;
	[tilespmem:v9+s22+$0x90 ss:$0x1] =	vst.idx.msk $0xffff, v18  }
0xc0: {  	v34 =	vperm.xlane v11, v0;
	v18 =	vld.idx.msk [tilespmem:v8+s25+$0x210 ss:$0x1], $0xffff  }
0xc1: {  	v35 =	vsub.s32 $0x10, v52;
	v63 =	vperm.xlane v10, v7;
	v10 =	vperm.xlane v10, v6;
	v36 =	vld.idx.msk [tilespmem:v8+s25+$0x290 ss:$0x1], $0xffff  }
0xc2: {  	v58 =	vshrl.u32 v53, v39;
	v47 =	vld.idx.msk [tilespmem:v8+s25+$0x70 ss:$0x1], $0xffff;
	v22 =	vshrl.u32 v42, v37;
	v21 =	vshll.u32 v45, v38  }
0xc3: {  	v59 =	vand.u32 $0xFFFF, v58;
	v58 =	vld.idx.msk [tilespmem:v8+s25+$0x60 ss:$0x1], $0xffff;
	v22 =	vand.u32 $0xFFFF, v22;
	v21 =	vand.u32 $0xFFFF0000, v21  }
0xc4: {  	v45 =	vld.idx.msk [tilespmem:v8+s25+$0xD0 ss:$0x1], $0xffff;
	v21 =	vor.u32 v22, v21;
	v29 =	vshrl.u32 v50, v34;
	v20 =	vshll.u32 v51, v35  }
0xc5: {  	[tilespmem:v9+s22+$0xA0 ss:$0x1] =	vst.idx.msk $0xffff, v21;
	v50 =	vshrl.u32 v56, v39;
	v51 =	vshll.u32 v43, v40;
	v29 =	vand.u32 $0xFFFF, v29  }
0xc6: {  	v41 =	vld.idx.msk [tilespmem:v8+s25+$0x220 ss:$0x1], $0xffff;
	v20 =	vand.u32 $0xFFFF0000, v20;
	v18 =	vshrl.u32 v18, v34;
	v55 =	vshll.u32 v36, v35  }
0xc7: {  	v42 =	vld.idx.msk [tilespmem:v8+s25+$0x2A0 ss:$0x1], $0xffff;
	v20 =	vor.u32 v29, v20;
	v18 =	vand.u32 $0xFFFF, v18;
	v57 =	vand.u32 $0xFFFF0000, v55  }
0xc8: {  	v53 =	vand.u32 $0xFFFF, v50;
	v44 =	vand.u32 $0xFFFF0000, v51;
	[tilespmem:v9+s22+$0x100 ss:$0x1] =	vst.idx.msk $0xffff, v20;
	v18 =	vor.u32 v18, v57;
	v57 =	vld.idx.msk [tilespmem:v8+s25+$0x50 ss:$0x1], $0xffff  }
0xc9: {  	s30 =	sor.u32 $0x2, s20;
	v12 =	vshrl.u32 v12, v10;
	v21 =	vshll.u32 v54, v40;
	v54 =	vor.u32 v53, v44;
	v31 =	vld.idx.msk [tilespmem:v8+s25+$0x300 ss:$0x1], $0xffff  }
0xca: {  	s31 =	sshll.u32 s30, $0x3;
	v27 =	vshrl.u32 v27, v10;
	v36 =	vsub.s32 $0x10, v63;
	[tilespmem:v9+s22+$0x40 ss:$0x1] =	vst.idx.msk $0xffff, v54;
	v29 =	vld.idx.msk [tilespmem:v8+s25+$0x380 ss:$0x1], $0xffff  }
0xcb: {  	s24 =	sand.u32 $0x3FFFFFF8, s31;
	v60 =	vand.u32 $0xFFFF0000, v21;
	v13 =	vshll.u32 v13, v36;
	v55 =	vshrl.u32 v16, v10;
	v56 =	vld.idx.msk [tilespmem:v8+s25+$0x1C0 ss:$0x1], $0xffff  }
0xcc: {  	s24 =	sadd.s32 s24, s19;
	v12 =	vand.u32 $0xFFFF, v12;
	v13 =	vand.u32 $0xFFFF0000, v13;
	[tilespmem:v9+s22+$0x110 ss:$0x1] =	vst.idx.msk $0xffff, v18;
	v18 =	vor.u32 v59, v60;
	v60 =	vld.idx.msk [tilespmem:v8+s25+$0xE0 ss:$0x1], $0xffff  }
0xcd: {  	v33 =	vshrl.u32 v33, v10;
	v12 =	vor.u32 v12, v13;
	v13 =	vand.u32 $0xFFFF, v55;
	v55 =	vld.msk [tilespmem:s24+$0x0 ss:$0x1], $0xff  }
0xce: {  	v30 =	vshrl.u32 v30, v10;
	v15 =	vshrl.u32 v15, v10;
	v22 =	vld.idx.msk [tilespmem:v8+s25+$0x310 ss:$0x1], $0xffff;
	[tilespmem:v9+s22+$0x30 ss:$0x1] =	vst.idx.msk $0xffff, v18  }
0xcf: {  	v33 =	vand.u32 $0xFFFF, v33;
	v30 =	vand.u32 $0xFFFF, v30;
	v17 =	vshrl.u32 v17, v10;
	v49 =	vld.idx.msk [tilespmem:v8+s25+$0x130 ss:$0x1], $0xffff  }
0xd0: {  	v14 =	vshll.u32 v14, v36;
	v26 =	vshll.u32 v26, v36;
	v45 =	vshll.u32 v45, v40;
	v52 =	vld.idx.msk [tilespmem:v8+s25+$0x1B0 ss:$0x1], $0xffff  }
0xd1: {  	s26 =	sshll.u32 s30, $0xA;
	v14 =	vand.u32 $0xFFFF0000, v14;
	v20 =	vld.idx.msk [tilespmem:v8+s25+$0x390 ss:$0x1], $0xffff;
	v61 =	vshrl.u32 v41, v34;
	v62 =	vshll.u32 v42, v35  }
0xd2: {  	s24 =	sand.u32 $0x3FFFFC00, s26;
	v46 =	vor.u32 v13, v14;
	v42 =	vld.idx.msk [tilespmem:v8+s25+$0x140 ss:$0x1], $0xffff;
	v21 =	vand.u32 $0xFFFF, v61;
	v41 =	vand.u32 $0xFFFF0000, v62  }
0xd3: {  	[tilespmem:v9+s21+$0x190 ss:$0x1] =	vst.idx.msk $0xffff, v46;
	v46 =	vld.idx.msk [tilespmem:v8+s24+$0xD0 ss:$0x1], $0xffff;
	v48 =	vor.u32 v21, v41;
	v44 =	vshrl.u32 v57, v39  }
0xd4: {  	v32 =	vshll.u32 v32, v36;
	v45 =	vand.u32 $0xFFFF0000, v45;
	[tilespmem:v9+s22+$0x120 ss:$0x1] =	vst.idx.msk $0xffff, v48;
	v44 =	vand.u32 $0xFFFF, v44;
	v48 =	vld.idx.msk [tilespmem:v8+s25+$0xF0 ss:$0x1], $0xffff  }
0xd5: {  	v21 =	vld.idx.msk [tilespmem:v8+s25+$0x320 ss:$0x1], $0xffff;
	v13 =	vor.u32 v44, v45;
	v41 =	vshrl.u32 v49, v37;
	v43 =	vshll.u32 v52, v38  }
0xd6: {  	v26 =	vand.u32 $0xFFFF0000, v26;
	v18 =	vld.idx.msk [tilespmem:v8+s25+$0x3A0 ss:$0x1], $0xffff;
	[tilespmem:v9+s22+$0x50 ss:$0x1] =	vst.idx.msk $0xffff, v13;
	v41 =	vand.u32 $0xFFFF, v41;
	v43 =	vand.u32 $0xFFFF0000, v43  }
0xd7: {  	v16 =	vshll.u32 v56, v38;
	v62 =	vshrl.u32 v42, v37;
	v51 =	vld.idx.msk [tilespmem:v8+s25+$0x150 ss:$0x1], $0xffff;
	v41 =	vor.u32 v41, v43  }
0xd8: {  	v59 =	vand.u32 $0xFFFF, v27;
	v16 =	vand.u32 $0xFFFF0000, v16;
	v52 =	vld.idx.msk [tilespmem:v8+s25+$0x1D0 ss:$0x1], $0xffff;
	[tilespmem:v9+s22+$0xB0 ss:$0x1] =	vst.idx.msk $0xffff, v41;
	v41 =	vand.u32 $0xFFFF, v62  }
0xd9: {  	v14 =	vshll.u32 v60, v40;
	v43 =	vshrl.u32 v58, v39;
	v61 =	vld.idx.msk [tilespmem:v8+s25+$0x230 ss:$0x1], $0xffff;
	v16 =	vor.u32 v41, v16  }
0xda: {  	v14 =	vand.u32 $0xFFFF0000, v14;
	v39 =	vshrl.u32 v47, v39;
	v43 =	vand.u32 $0xFFFF, v43;
	v63 =	vld.idx.msk [tilespmem:v8+s25+$0x2B0 ss:$0x1], $0xffff;
	[tilespmem:v9+s22+$0xC0 ss:$0x1] =	vst.idx.msk $0xffff, v16  }
0xdb: {  	v41 =	vor.u32 v59, v26;
	v14 =	vor.u32 v43, v14;
	v26 =	vshll.u32 v48, v40;
	v49 =	vld.idx.msk [tilespmem:v8+s25+$0x240 ss:$0x1], $0xffff  }
0xdc: {  	v28 =	vshll.u32 v28, v36;
	v39 =	vand.u32 $0xFFFF, v39;
	[tilespmem:v9+s22+$0x60 ss:$0x1] =	vst.idx.msk $0xffff, v14;
	v40 =	vand.u32 $0xFFFF0000, v26;
	v50 =	vld.idx.msk [tilespmem:v8+s25+$0x2C0 ss:$0x1], $0xffff  }
0xdd: {  	v25 =	vshll.u32 v25, v36;
	v19 =	vshll.u32 v19, v36;
	v53 =	vld.idx.msk [tilespmem:v8+s25+$0x160 ss:$0x1], $0xffff;
	v40 =	vor.u32 v39, v40  }
0xde: {  	v10 =	vshrl.u32 v23, v10;
	v32 =	vand.u32 $0xFFFF0000, v32;
	v28 =	vand.u32 $0xFFFF0000, v28;
	v54 =	vld.idx.msk [tilespmem:v8+s25+$0x1E0 ss:$0x1], $0xffff;
	[tilespmem:v9+s22+$0x70 ss:$0x1] =	vst.idx.msk $0xffff, v40  }
0xdf: {  	v57 =	vshrl.u32 v51, v37;
	v58 =	vld.idx.msk [tilespmem:v8+s25+$0x1F0 ss:$0x1], $0xffff;
	v27 =	vshrl.u32 v61, v34;
	v42 =	vshll.u32 v63, v35  }
0xe0: {  	v14 =	vshll.u32 v52, v38;
	v40 =	vld.idx.msk [tilespmem:v8+s25+$0x170 ss:$0x1], $0xffff;
	v27 =	vand.u32 $0xFFFF, v27;
	v42 =	vand.u32 $0xFFFF0000, v42  }
0xe1: {  	v59 =	vld.idx.msk [tilespmem:v8+s24+$0x0 ss:$0x1], $0xffff;
	v14 =	vand.u32 $0xFFFF0000, v14;
	v27 =	vor.u32 v27, v42;
	v16 =	vshrl.u32 v49, v34  }
0xe2: {  	v63 =	vld.idx.msk [tilespmem:v8+s24+$0x80 ss:$0x1], $0xffff;
	v13 =	vshll.u32 v50, v35;
	v42 =	vshrl.u32 v53, v37;
	[tilespmem:v9+s22+$0x130 ss:$0x1] =	vst.idx.msk $0xffff, v27  }
0xe3: {  	v56 =	vand.u32 $0xFFFF, v16;
	v16 =	vand.u32 $0xFFFF, v57;
	v27 =	vshll.u32 v54, v38;
	v26 =	vld.idx.msk [tilespmem:v8+s25+$0x330 ss:$0x1], $0xffff  }
0xe4: {  	v60 =	vor.u32 v16, v14;
	v62 =	vand.u32 $0xFFFF0000, v27;
	v27 =	vld.idx.msk [tilespmem:v8+s25+$0x3B0 ss:$0x1], $0xffff;
	v53 =	vshll.u32 v58, v38  }
0xe5: {  	v13 =	vand.u32 $0xFFFF0000, v13;
	v52 =	vshrl.u32 v40, v37;
	[tilespmem:v9+s22+$0xD0 ss:$0x1] =	vst.idx.msk $0xffff, v60;
	v37 =	vand.u32 $0xFFFF0000, v53;
	v53 =	vld.idx.msk [tilespmem:v8+s24+$0x10 ss:$0x1], $0xffff  }
0xe6: {  	v39 =	vor.u32 v33, v32;
	v61 =	vand.u32 $0xFFFF, v42;
	v48 =	vor.u32 v56, v13;
	v49 =	vld.idx.msk [tilespmem:v8+s25+$0x250 ss:$0x1], $0xffff  }
0xe7: {  	v16 =	vshll.u32 v55, $0x4;
	v47 =	vor.u32 v61, v62;
	[tilespmem:v9+s22+$0x140 ss:$0x1] =	vst.idx.msk $0xffff, v48;
	v33 =	vand.u32 $0xFFFF, v52;
	v51 =	vld.idx.msk [tilespmem:v8+s25+$0x2D0 ss:$0x1], $0xffff  }
0xe8: {  	v50 =	vperm.xlane v16, v2;
	[tilespmem:v9+s22+$0xE0 ss:$0x1] =	vst.idx.msk $0xffff, v47;
	v37 =	vor.u32 v33, v37;
	v33 =	vld.idx.msk [tilespmem:v8+s25+$0x340 ss:$0x1], $0xffff  }
0xe9: {  	v25 =	vand.u32 $0xFFFF0000, v25;
	v19 =	vand.u32 $0xFFFF0000, v19;
	v13 =	vperm.xlane v16, v1;
	v54 =	vld.idx.msk [tilespmem:v8+s25+$0x260 ss:$0x1], $0xffff  }
0xea: {  	v10 =	vand.u32 $0xFFFF, v10;
	v61 =	vand.u32 $0xFFFF, v15;
	v14 =	vsub.s32 $0x10, v50;
	v55 =	vld.idx.msk [tilespmem:v8+s25+$0x2E0 ss:$0x1], $0xffff;
	[tilespmem:v9+s22+$0xF0 ss:$0x1] =	vst.idx.msk $0xffff, v37  }
0xeb: {  	v40 =	vor.u32 v61, v25;
	v56 =	vshrl.u32 v59, v13;
	v42 =	vshll.u32 v63, v14;
	v59 =	vld.idx.msk [tilespmem:v8+s25+$0x270 ss:$0x1], $0xffff  }
0xec: {  	s23 =	sshll.u32 s30, $0x9;
	v57 =	vand.u32 $0xFFFF, v56;
	v63 =	vld.idx.msk [tilespmem:v8+s25+$0x2F0 ss:$0x1], $0xffff;
	v58 =	vand.u32 $0xFFFF0000, v42;
	v42 =	vor.u32 v30, v28  }
0xed: {  	s23 =	sand.u32 $0x3FFFFE00, s23;
	v56 =	vld.idx.msk [tilespmem:v8+s24+$0x90 ss:$0x1], $0xffff;
	v60 =	vor.u32 v57, v58;
	[tilespmem:v9+s21+$0x1C0 ss:$0x1] =	vst.idx.msk $0xffff, v42;
	v42 =	vshll.u32 v46, v14  }
0xee: {  	v62 =	vshrl.u32 v49, v34;
	[tilespmem:v9+s23+$0x0 ss:$0x1] =	vst.idx.msk $0xffff, v60;
	v48 =	vshll.u32 v51, v35;
	v42 =	vand.u32 $0xFFFF0000, v42  }
0xef: {  	[tilespmem:v9+s21+$0x180 ss:$0x1] =	vst.idx.msk $0xffff, v12;
	v15 =	vand.u32 $0xFFFF, v62;
	v49 =	vld.idx.msk [tilespmem:v8+s24+$0x100 ss:$0x1], $0xffff;
	v30 =	vand.u32 $0xFFFF0000, v48;
	v50 =	vshrl.u32 v54, v34  }
0xf0: {  	v12 =	vshll.u32 v55, v35;
	v51 =	vld.idx.msk [tilespmem:v8+s24+$0x180 ss:$0x1], $0xffff;
	v55 =	vperm.xlane v16, v4;
	v48 =	vand.u32 $0xFFFF, v17  }
0xf1: {  	v37 =	vld.idx.msk [tilespmem:v8+s25+$0x3C0 ss:$0x1], $0xffff;
	v17 =	vperm.xlane v11, v6;
	v15 =	vor.u32 v15, v30;
	v52 =	vand.u32 $0xFFFF, v50  }
0xf2: {  	v12 =	vand.u32 $0xFFFF0000, v12;
	v28 =	vshrl.u32 v59, v34;
	v32 =	vshll.u32 v63, v35;
	[tilespmem:v9+s22+$0x150 ss:$0x1] =	vst.idx.msk $0xffff, v15  }
0xf3: {  	v54 =	vor.u32 v52, v12;
	v12 =	vperm.xlane v16, v3;
	v15 =	vsub.s32 $0x10, v55;
	v55 =	vld.idx.msk [tilespmem:v8+s24+$0xA0 ss:$0x1], $0xffff  }
0xf4: {  	v59 =	vshrl.u32 v53, v13;
	v60 =	vshll.u32 v56, v14;
	v28 =	vand.u32 $0xFFFF, v28;
	v34 =	vld.idx.msk [tilespmem:v8+s25+$0x350 ss:$0x1], $0xffff  }
0xf5: {  	v35 =	vand.u32 $0xFFFF0000, v32;
	v32 =	vld.idx.msk [tilespmem:v8+s25+$0x3D0 ss:$0x1], $0xffff;
	v58 =	vshrl.u32 v49, v12;
	v38 =	vshll.u32 v51, v15  }
0xf6: {  	[tilespmem:v9+s22+$0x160 ss:$0x1] =	vst.idx.msk $0xffff, v54;
	v57 =	vor.u32 v28, v35;
	v54 =	vld.idx.msk [tilespmem:v8+s24+$0x20 ss:$0x1], $0xffff;
	v35 =	vand.u32 $0xFFFF, v58;
	v38 =	vand.u32 $0xFFFF0000, v38  }
0xf7: {  	v61 =	vand.u32 $0xFFFF, v59;
	v62 =	vand.u32 $0xFFFF0000, v60;
	v58 =	vld.idx.msk [tilespmem:v8+s24+$0x30 ss:$0x1], $0xffff;
	v35 =	vor.u32 v35, v38  }
0xf8: {  	v50 =	vshll.u32 v24, v36;
	[tilespmem:v9+s23+$0x80 ss:$0x1] =	vst.idx.msk $0xffff, v35;
	v35 =	vor.u32 v61, v62;
	v61 =	vld.idx.msk [tilespmem:v8+s24+$0xB0 ss:$0x1], $0xffff  }
0xf9: {  	v11 =	vperm.xlane v11, v7;
	v19 =	vor.u32 v48, v19;
	v23 =	vand.u32 $0xFFFF0000, v50;
	v62 =	vld.idx.msk [tilespmem:v8+s24+$0x40 ss:$0x1], $0xffff  }
0xfa: {  	v52 =	vperm.xlane v16, v5;
	v31 =	vshrl.u32 v31, v17;
	v22 =	vshrl.u32 v22, v17;
	v63 =	vld.idx.msk [tilespmem:v8+s24+$0x200 ss:$0x1], $0xffff  }
0xfb: {  	v21 =	vshrl.u32 v21, v17;
	v26 =	vshrl.u32 v26, v17;
	v49 =	vld.idx.msk [tilespmem:v8+s24+$0x280 ss:$0x1], $0xffff;
	[tilespmem:v9+s23+$0x10 ss:$0x1] =	vst.idx.msk $0xffff, v35  }
0xfc: {  	[tilespmem:v9+s21+$0x1A0 ss:$0x1] =	vst.idx.msk $0xffff, v41;
	v31 =	vand.u32 $0xFFFF, v31;
	v22 =	vand.u32 $0xFFFF, v22;
	v38 =	vor.u32 v10, v23;
	v51 =	vld.idx.msk [tilespmem:v8+s24+$0x110 ss:$0x1], $0xffff  }
0xfd: {  	[tilespmem:v9+s22+$0x170 ss:$0x1] =	vst.idx.msk $0xffff, v57;
	v10 =	vperm.xlane v16, v0;
	v23 =	vsub.s32 $0x10, v11;
	v11 =	vsub.s32 $0x10, v52;
	v53 =	vld.idx.msk [tilespmem:v8+s24+$0x190 ss:$0x1], $0xffff  }
0xfe: {  	v28 =	vld.idx.msk [tilespmem:v8+s25+$0x360 ss:$0x1], $0xffff;
	v29 =	vshll.u32 v29, v23;
	v50 =	vshrl.u32 v54, v13;
	v44 =	vshrl.u32 v58, v13  }
0xff: {  	v30 =	vld.idx.msk [tilespmem:v8+s25+$0x3E0 ss:$0x1], $0xffff;
	v44 =	vand.u32 $0xFFFF, v44;
	v43 =	vshll.u32 v61, v14;
	v41 =	vshrl.u32 v62, v13  }
0x100: {  	v25 =	vld.idx.msk [tilespmem:v8+s25+$0x370 ss:$0x1], $0xffff;
	v56 =	vshrl.u32 v63, v10;
	v57 =	vshll.u32 v49, v11;
	v63 =	vand.u32 $0xFFFF0000, v29  }
0x101: {  	[tilespmem:v9+s21+$0x1B0 ss:$0x1] =	vst.idx.msk $0xffff, v39;
	v62 =	vld.idx.msk [tilespmem:v8+s24+$0x50 ss:$0x1], $0xffff;
	v43 =	vand.u32 $0xFFFF0000, v43;
	v59 =	vand.u32 $0xFFFF, v56;
	v60 =	vand.u32 $0xFFFF0000, v57  }
0x102: {  	v49 =	vld.idx.msk [tilespmem:v8+s24+$0xC0 ss:$0x1], $0xffff;
	v24 =	vshrl.u32 v51, v12;
	v36 =	vshll.u32 v53, v15;
	v43 =	vor.u32 v44, v43  }
0x103: {  	v29 =	vld.idx.msk [tilespmem:v8+s25+$0x3F0 ss:$0x1], $0xffff;
	v39 =	vor.u32 v59, v60;
	v24 =	vand.u32 $0xFFFF, v24;
	v48 =	vand.u32 $0xFFFF0000, v36;
	[tilespmem:v9+s23+$0x30 ss:$0x1] =	vst.idx.msk $0xffff, v43  }
0x104: {  	v35 =	vshll.u32 v55, v14;
	[tilespmem:v9+s23+$0x100 ss:$0x1] =	vst.idx.msk $0xffff, v39;
	v24 =	vor.u32 v24, v48;
	v55 =	vld.idx.msk [tilespmem:v8+s24+$0x130 ss:$0x1], $0xffff  }
0x105: {  	v21 =	vand.u32 $0xFFFF, v21;
	v35 =	vand.u32 $0xFFFF0000, v35;
	v39 =	vand.u32 $0xFFFF, v50;
	v56 =	vld.idx.msk [tilespmem:v8+s24+$0x1B0 ss:$0x1], $0xffff;
	[tilespmem:v9+s23+$0x90 ss:$0x1] =	vst.idx.msk $0xffff, v24  }
0x106: {  	v20 =	vshll.u32 v20, v23;
	v18 =	vshll.u32 v18, v23;
	v35 =	vor.u32 v39, v35;
	v51 =	vld.idx.msk [tilespmem:v8+s24+$0x210 ss:$0x1], $0xffff  }
0x107: {  	v27 =	vshll.u32 v27, v23;
	v20 =	vand.u32 $0xFFFF0000, v20;
	v18 =	vand.u32 $0xFFFF0000, v18;
	[tilespmem:v9+s23+$0x20 ss:$0x1] =	vst.idx.msk $0xffff, v35;
	v52 =	vld.idx.msk [tilespmem:v8+s24+$0x290 ss:$0x1], $0xffff  }
0x108: {  	v20 =	vor.u32 v22, v20;
	v18 =	vor.u32 v21, v18;
	v36 =	vshll.u32 v49, v14;
	v53 =	vld.idx.msk [tilespmem:v8+s24+$0x120 ss:$0x1], $0xffff  }
0x109: {  	v41 =	vand.u32 $0xFFFF, v41;
	v31 =	vor.u32 v31, v63;
	v54 =	vld.idx.msk [tilespmem:v8+s24+$0x1A0 ss:$0x1], $0xffff;
	v36 =	vand.u32 $0xFFFF0000, v36  }
0x10a: {  	v44 =	vld.idx.msk [tilespmem:v8+s24+$0xE0 ss:$0x1], $0xffff;
	v36 =	vor.u32 v41, v36;
	v41 =	vshrl.u32 v55, v12;
	v22 =	vshll.u32 v56, v15  }
0x10b: {  	v24 =	vld.idx.msk [tilespmem:v8+s24+$0x300 ss:$0x1], $0xffff;
	[tilespmem:v9+s23+$0x40 ss:$0x1] =	vst.idx.msk $0xffff, v36;
	v47 =	vand.u32 $0xFFFF, v41;
	v22 =	vand.u32 $0xFFFF0000, v22;
	v57 =	vshrl.u32 v51, v10  }
0x10c: {  	v58 =	vld.idx.msk [tilespmem:v8+s24+$0x140 ss:$0x1], $0xffff;
	v35 =	vshll.u32 v52, v11;
	v21 =	vor.u32 v47, v22;
	v51 =	vshrl.u32 v62, v13  }
0x10d: {  	v59 =	vld.idx.msk [tilespmem:v8+s24+$0x1C0 ss:$0x1], $0xffff;
	v36 =	vand.u32 $0xFFFF, v57;
	v35 =	vand.u32 $0xFFFF0000, v35;
	v60 =	vshrl.u32 v53, v12  }
0x10e: {  	v61 =	vshll.u32 v54, v15;
	[tilespmem:v9+s23+$0xB0 ss:$0x1] =	vst.idx.msk $0xffff, v21;
	v35 =	vor.u32 v36, v35;
	v36 =	vld.idx.msk [tilespmem:v8+s24+$0x380 ss:$0x1], $0xffff  }
0x10f: {  	v41 =	vand.u32 $0xFFFF, v51;
	v53 =	vand.u32 $0xFFFF, v26;
	v54 =	vand.u32 $0xFFFF0000, v27;
	v50 =	vld.idx.msk [tilespmem:v8+s24+$0x230 ss:$0x1], $0xffff  }
0x110: {  	[tilespmem:v9+s21+$0x1D0 ss:$0x1] =	vst.idx.msk $0xffff, v40;
	v63 =	vand.u32 $0xFFFF, v60;
	v45 =	vand.u32 $0xFFFF0000, v61;
	v52 =	vld.idx.msk [tilespmem:v8+s24+$0x2B0 ss:$0x1], $0xffff;
	v55 =	vor.u32 v41, v42  }
0x111: {  	v42 =	vor.u32 v53, v54;
	v53 =	vshll.u32 v44, v14;
	v44 =	vld.idx.msk [tilespmem:v8+s24+$0x70 ss:$0x1], $0xffff;
	[tilespmem:v9+s23+$0x110 ss:$0x1] =	vst.idx.msk $0xffff, v35  }
0x112: {  	v34 =	vshrl.u32 v34, v17;
	v35 =	vor.u32 v63, v45;
	[tilespmem:v9+s23+$0x50 ss:$0x1] =	vst.idx.msk $0xffff, v55;
	v63 =	vld.idx.msk [tilespmem:v8+s24+$0x60 ss:$0x1], $0xffff  }
0x113: {  	v28 =	vshrl.u32 v28, v17;
	v30 =	vshll.u32 v30, v23;
	[tilespmem:v9+s23+$0xA0 ss:$0x1] =	vst.idx.msk $0xffff, v35;
	v27 =	vld.idx.msk [tilespmem:v8+s24+$0x150 ss:$0x1], $0xffff  }
0x114: {  	[tilespmem:v9+s21+$0x1E0 ss:$0x1] =	vst.idx.msk $0xffff, v19;
	v32 =	vshll.u32 v32, v23;
	v28 =	vand.u32 $0xFFFF, v28;
	v30 =	vand.u32 $0xFFFF0000, v30;
	v48 =	vld.idx.msk [tilespmem:v8+s24+$0x220 ss:$0x1], $0xffff  }
0x115: {  	v28 =	vor.u32 v28, v30;
	v39 =	vshrl.u32 v58, v12;
	v40 =	vshll.u32 v59, v15;
	v49 =	vld.idx.msk [tilespmem:v8+s24+$0x2A0 ss:$0x1], $0xffff  }
0x116: {  	[tilespmem:v9+s21+$0x1F0 ss:$0x1] =	vst.idx.msk $0xffff, v38;
	v57 =	vshrl.u32 v33, v17;
	v35 =	vld.idx.msk [tilespmem:v8+s24+$0x310 ss:$0x1], $0xffff;
	v39 =	vand.u32 $0xFFFF, v39;
	v40 =	vand.u32 $0xFFFF0000, v40  }
0x117: {  	s28 =	sor.u32 $0x3, s20;
	v17 =	vshrl.u32 v25, v17;
	v59 =	vshll.u32 v37, v23;
	v60 =	vld.idx.msk [tilespmem:v8+s24+$0x1D0 ss:$0x1], $0xffff;
	v39 =	vor.u32 v39, v40  }
0x118: {  	s29 =	sshll.u32 s28, $0x3;
	v37 =	vand.u32 $0xFFFF0000, v53;
	[tilespmem:v9+s23+$0xC0 ss:$0x1] =	vst.idx.msk $0xffff, v39;
	v61 =	vshrl.u32 v50, v10;
	v62 =	vshll.u32 v52, v11  }
0x119: {  	s21 =	sand.u32 $0x3FFFFFF8, s29;
	v56 =	vld.idx.msk [tilespmem:v8+s24+$0x240 ss:$0x1], $0xffff;
	v43 =	vand.u32 $0xFFFF0000, v62;
	v52 =	vshrl.u32 v63, v13;
	v22 =	vshrl.u32 v48, v10  }
0x11a: {  	s30 =	sshll.u32 s28, $0xA;
	s21 =	sadd.s32 s21, s19;
	v58 =	vld.idx.msk [tilespmem:v8+s24+$0x2C0 ss:$0x1], $0xffff;
	v21 =	vshll.u32 v49, v11;
	v48 =	vshrl.u32 v27, v12;
	v27 =	vand.u32 $0xFFFF, v52  }
0x11b: {  	[tilespmem:v9+s22+$0x1A0 ss:$0x1] =	vst.idx.msk $0xffff, v18;
	v62 =	vld.msk [tilespmem:s21+$0x0 ss:$0x1], $0xff;
	s21 =	sand.u32 $0x3FFFFC00, s30;
	v22 =	vand.u32 $0xFFFF, v22;
	v21 =	vand.u32 $0xFFFF0000, v21;
	v27 =	vor.u32 v27, v37  }
0x11c: {  	v40 =	vand.u32 $0xFFFF, v61;
	v50 =	vand.u32 $0xFFFF, v48;
	v48 =	vld.idx.msk [tilespmem:v8+s21+$0x80 ss:$0x1], $0xffff;
	v21 =	vor.u32 v22, v21;
	[tilespmem:v9+s23+$0x60 ss:$0x1] =	vst.idx.msk $0xffff, v27  }
0x11d: {  	v32 =	vand.u32 $0xFFFF0000, v32;
	v19 =	vand.u32 $0xFFFF, v57;
	[tilespmem:v9+s23+$0x120 ss:$0x1] =	vst.idx.msk $0xffff, v21;
	v21 =	vor.u32 v40, v43;
	v40 =	vld.idx.msk [tilespmem:v8+s24+$0x390 ss:$0x1], $0xffff  }
0x11e: {  	[tilespmem:v9+s22+$0x180 ss:$0x1] =	vst.idx.msk $0xffff, v31;
	v54 =	vand.u32 $0xFFFF, v34;
	v33 =	vand.u32 $0xFFFF0000, v59;
	v59 =	vperm.xlane v16, v7;
	v57 =	vld.idx.msk [tilespmem:v8+s24+$0x160 ss:$0x1], $0xffff  }
0x11f: {  	v31 =	vor.u32 v54, v32;
	[tilespmem:v9+s22+$0x1B0 ss:$0x1] =	vst.idx.msk $0xffff, v42;
	v49 =	vshll.u32 v60, v15;
	v60 =	vld.idx.msk [tilespmem:v8+s24+$0x1E0 ss:$0x1], $0xffff  }
0x120: {  	v33 =	vor.u32 v19, v33;
	v18 =	vsub.s32 $0x10, v59;
	v26 =	vshll.u32 v58, v11;
	v41 =	vld.idx.msk [tilespmem:v8+s24+$0x320 ss:$0x1], $0xffff  }
0x121: {  	v34 =	vshrl.u32 v44, v13;
	v45 =	vshrl.u32 v56, v10;
	v47 =	vand.u32 $0xFFFF0000, v26;
	v26 =	vld.idx.msk [tilespmem:v8+s24+$0x3A0 ss:$0x1], $0xffff  }
0x122: {  	v61 =	vand.u32 $0xFFFF, v17;
	v17 =	vperm.xlane v16, v6;
	[tilespmem:v9+s23+$0x130 ss:$0x1] =	vst.idx.msk $0xffff, v21;
	v46 =	vand.u32 $0xFFFF, v45;
	v45 =	vld.idx.msk [tilespmem:v8+s24+$0xF0 ss:$0x1], $0xffff  }
0x123: {  	v42 =	vshll.u32 v36, v18;
	v51 =	vand.u32 $0xFFFF0000, v49;
	v19 =	vor.u32 v46, v47;
	v22 =	vld.idx.msk [tilespmem:v8+s24+$0x330 ss:$0x1], $0xffff  }
0x124: {  	v34 =	vand.u32 $0xFFFF, v34;
	v21 =	vld.idx.msk [tilespmem:v8+s24+$0x3B0 ss:$0x1], $0xffff;
	[tilespmem:v9+s23+$0x140 ss:$0x1] =	vst.idx.msk $0xffff, v19;
	v19 =	vor.u32 v50, v51  }
0x125: {  	v63 =	vshrl.u32 v24, v17;
	v35 =	vshrl.u32 v35, v17;
	v46 =	vld.idx.msk [tilespmem:v8+s21+$0x0 ss:$0x1], $0xffff;
	[tilespmem:v9+s23+$0xD0 ss:$0x1] =	vst.idx.msk $0xffff, v19  }
0x126: {  	v52 =	vand.u32 $0xFFFF0000, v42;
	v55 =	vld.idx.msk [tilespmem:v8+s24+$0x250 ss:$0x1], $0xffff;
	v32 =	vshrl.u32 v57, v12;
	v25 =	vshll.u32 v60, v15  }
0x127: {  	[tilespmem:v9+s22+$0x190 ss:$0x1] =	vst.idx.msk $0xffff, v20;
	v58 =	vshll.u32 v29, v23;
	v56 =	vld.idx.msk [tilespmem:v8+s24+$0x2D0 ss:$0x1], $0xffff;
	v47 =	vand.u32 $0xFFFF, v32;
	v25 =	vand.u32 $0xFFFF0000, v25  }
0x128: {  	[tilespmem:v9+s22+$0x1E0 ss:$0x1] =	vst.idx.msk $0xffff, v28;
	v16 =	vshll.u32 v62, $0x4;
	v29 =	vand.u32 $0xFFFF0000, v58;
	v51 =	vld.idx.msk [tilespmem:v8+s21+$0x10 ss:$0x1], $0xffff;
	v50 =	vor.u32 v47, v25  }
0x129: {  	v54 =	vperm.xlane v16, v2;
	v19 =	vld.idx.msk [tilespmem:v8+s24+$0x340 ss:$0x1], $0xffff;
	v14 =	vshll.u32 v45, v14;
	[tilespmem:v9+s23+$0xE0 ss:$0x1] =	vst.idx.msk $0xffff, v50  }
0x12a: {  	v13 =	vperm.xlane v16, v1;
	v29 =	vor.u32 v61, v29;
	v36 =	vand.u32 $0xFFFF0000, v14;
	v58 =	vld.idx.msk [tilespmem:v8+s24+$0x2E0 ss:$0x1], $0xffff  }
0x12b: {  	v60 =	vshll.u32 v40, v18;
	v57 =	vor.u32 v34, v36;
	v43 =	vshrl.u32 v55, v10;
	v55 =	vld.idx.msk [tilespmem:v8+s21+$0x90 ss:$0x1], $0xffff  }
0x12c: {  	v49 =	vand.u32 $0xFFFF, v63;
	v14 =	vsub.s32 $0x10, v54;
	[tilespmem:v9+s23+$0x70 ss:$0x1] =	vst.idx.msk $0xffff, v57;
	v27 =	vshll.u32 v56, v11;
	v56 =	vld.idx.msk [tilespmem:v8+s24+$0x260 ss:$0x1], $0xffff  }
0x12d: {  	v59 =	vshrl.u32 v46, v13;
	v46 =	vperm.xlane v16, v4;
	v32 =	vshll.u32 v48, v14;
	v61 =	vld.idx.msk [tilespmem:v8+s24+$0x170 ss:$0x1], $0xffff  }
0x12e: {  	s25 =	sshll.u32 s28, $0x9;
	[tilespmem:v9+s22+$0x1D0 ss:$0x1] =	vst.idx.msk $0xffff, v31;
	v36 =	vand.u32 $0xFFFF, v59;
	v25 =	vshrl.u32 v51, v13;
	v32 =	vand.u32 $0xFFFF0000, v32;
	v62 =	vld.idx.msk [tilespmem:v8+s24+$0x1F0 ss:$0x1], $0xffff  }
0x12f: {  	s25 =	sand.u32 $0x3FFFFE00, s25;
	[tilespmem:v9+s22+$0x1C0 ss:$0x1] =	vst.idx.msk $0xffff, v33;
	v20 =	vld.idx.msk [tilespmem:v8+s24+$0x3C0 ss:$0x1], $0xffff;
	v32 =	vor.u32 v36, v32;
	v30 =	vand.u32 $0xFFFF, v43;
	v27 =	vand.u32 $0xFFFF0000, v27  }
0x130: {  	v53 =	vand.u32 $0xFFFF, v35;
	v48 =	vld.idx.msk [tilespmem:v8+s21+$0x20 ss:$0x1], $0xffff;
	v25 =	vand.u32 $0xFFFF, v25;
	[tilespmem:v9+s25+$0x0 ss:$0x1] =	vst.idx.msk $0xffff, v32;
	v27 =	vor.u32 v30, v27  }
0x131: {  	v63 =	vld.idx.msk [tilespmem:v8+s21+$0x100 ss:$0x1], $0xffff;
	[tilespmem:v9+s23+$0x150 ss:$0x1] =	vst.idx.msk $0xffff, v27;
	v27 =	vor.u32 v49, v52;
	v34 =	vshll.u32 v58, v11  }
0x132: {  	v40 =	vld.idx.msk [tilespmem:v8+s21+$0x180 ss:$0x1], $0xffff;
	v35 =	vshll.u32 v55, v14;
	v31 =	vshrl.u32 v56, v10;
	v44 =	vand.u32 $0xFFFF0000, v34  }
0x133: {  	v51 =	vld.idx.msk [tilespmem:v8+s21+$0xA0 ss:$0x1], $0xffff;
	v36 =	vshrl.u32 v61, v12;
	v15 =	vshll.u32 v62, v15;
	v35 =	vand.u32 $0xFFFF0000, v35  }
0x134: {  	v23 =	vld.idx.msk [tilespmem:v8+s24+$0x350 ss:$0x1], $0xffff;
	v12 =	vperm.xlane v16, v3;
	v43 =	vand.u32 $0xFFFF, v31;
	v25 =	vor.u32 v25, v35  }
0x135: {  	v24 =	vld.idx.msk [tilespmem:v8+s24+$0x3D0 ss:$0x1], $0xffff;
	v49 =	vand.u32 $0xFFFF, v36;
	v50 =	vand.u32 $0xFFFF0000, v15;
	v28 =	vor.u32 v43, v44;
	[tilespmem:v9+s25+$0x10 ss:$0x1] =	vst.idx.msk $0xffff, v25  }
0x136: {  	v15 =	vsub.s32 $0x10, v46;
	[tilespmem:v9+s23+$0x160 ss:$0x1] =	vst.idx.msk $0xffff, v28;
	v28 =	vor.u32 v49, v50;
	v50 =	vld.idx.msk [tilespmem:v8+s21+$0xB0 ss:$0x1], $0xffff  }
0x137: {  	v37 =	vand.u32 $0xFFFF0000, v60;
	v33 =	vshrl.u32 v63, v12;
	v35 =	vshll.u32 v40, v15;
	v45 =	vld.idx.msk [tilespmem:v8+s21+$0x110 ss:$0x1], $0xffff  }
0x138: {  	v30 =	vor.u32 v53, v37;
	v52 =	vand.u32 $0xFFFF, v33;
	v53 =	vand.u32 $0xFFFF0000, v35;
	v47 =	vld.idx.msk [tilespmem:v8+s21+$0x190 ss:$0x1], $0xffff;
	[tilespmem:v9+s23+$0xF0 ss:$0x1] =	vst.idx.msk $0xffff, v28  }
0x139: {  	v28 =	vor.u32 v52, v53;
	v57 =	vld.idx.msk [tilespmem:v8+s24+$0x2F0 ss:$0x1], $0xffff  }
0x13a: {  	v38 =	vld.idx.msk [tilespmem:v8+s24+$0x360 ss:$0x1], $0xffff;
	[tilespmem:v9+s25+$0x80 ss:$0x1] =	vst.idx.msk $0xffff, v28  }
0x13b: {  	v42 =	vshrl.u32 v41, v17;
	v26 =	vshll.u32 v26, v18;
	v32 =	vshrl.u32 v48, v13;
	v61 =	vld.idx.msk [tilespmem:v8+s21+$0x280 ss:$0x1], $0xffff  }
0x13c: {  	v22 =	vshrl.u32 v22, v17;
	v62 =	vand.u32 $0xFFFF, v32;
	v31 =	vshll.u32 v51, v14;
	v54 =	vld.idx.msk [tilespmem:v8+s24+$0x270 ss:$0x1], $0xffff  }
0x13d: {  	v40 =	vperm.xlane v16, v5;
	v36 =	vld.idx.msk [tilespmem:v8+s24+$0x3E0 ss:$0x1], $0xffff;
	v55 =	vshrl.u32 v45, v12;
	v56 =	vshll.u32 v47, v15  }
0x13e: {  	v60 =	vld.idx.msk [tilespmem:v8+s21+$0x200 ss:$0x1], $0xffff;
	v58 =	vand.u32 $0xFFFF, v55;
	v59 =	vand.u32 $0xFFFF0000, v56;
	v11 =	vshll.u32 v57, v11  }
0x13f: {  	v47 =	vld.idx.msk [tilespmem:v8+s21+$0x30 ss:$0x1], $0xffff;
	v28 =	vor.u32 v58, v59;
	v44 =	vand.u32 $0xFFFF0000, v11;
	v11 =	vsub.s32 $0x10, v40  }
0x140: {  	v31 =	vand.u32 $0xFFFF0000, v31;
	v25 =	vand.u32 $0xFFFF, v42;
	[tilespmem:v9+s25+$0x90 ss:$0x1] =	vst.idx.msk $0xffff, v28;
	v33 =	vshll.u32 v61, v11;
	v61 =	vld.idx.msk [tilespmem:v8+s21+$0x40 ss:$0x1], $0xffff  }
0x141: {  	v42 =	vshrl.u32 v54, v10;
	v10 =	vperm.xlane v16, v0;
	v28 =	vor.u32 v62, v31;
	v63 =	vld.idx.msk [tilespmem:v8+s21+$0x210 ss:$0x1], $0xffff  }
0x142: {  	v21 =	vshll.u32 v21, v18;
	v22 =	vand.u32 $0xFFFF, v22;
	v41 =	vld.idx.msk [tilespmem:v8+s21+$0x290 ss:$0x1], $0xffff;
	[tilespmem:v9+s25+$0x20 ss:$0x1] =	vst.idx.msk $0xffff, v28  }
0x143: {  	v21 =	vand.u32 $0xFFFF0000, v21;
	v46 =	vshrl.u32 v60, v10;
	v28 =	vand.u32 $0xFFFF, v42;
	v43 =	vld.idx.msk [tilespmem:v8+s21+$0x120 ss:$0x1], $0xffff  }
0x144: {  	v48 =	vand.u32 $0xFFFF, v46;
	v49 =	vand.u32 $0xFFFF0000, v33;
	v45 =	vld.idx.msk [tilespmem:v8+s21+$0x1A0 ss:$0x1], $0xffff;
	v28 =	vor.u32 v28, v44  }
0x145: {  	v20 =	vshll.u32 v20, v18;
	[tilespmem:v9+s23+$0x170 ss:$0x1] =	vst.idx.msk $0xffff, v28;
	v28 =	vor.u32 v48, v49;
	v48 =	vld.idx.msk [tilespmem:v8+s21+$0xD0 ss:$0x1], $0xffff  }
0x146: {  	[tilespmem:v9+s22+$0x1F0 ss:$0x1] =	vst.idx.msk $0xffff, v29;
	v26 =	vand.u32 $0xFFFF0000, v26;
	v21 =	vor.u32 v22, v21;
	v20 =	vand.u32 $0xFFFF0000, v20;
	v49 =	vld.idx.msk [tilespmem:v8+s21+$0x60 ss:$0x1], $0xffff  }
0x147: {  	[tilespmem:v9+s23+$0x1B0 ss:$0x1] =	vst.idx.msk $0xffff, v21;
	v33 =	vshll.u32 v50, v14;
	v34 =	vshrl.u32 v47, v13;
	v51 =	vld.idx.msk [tilespmem:v8+s24+$0x370 ss:$0x1], $0xffff  }
0x148: {  	[tilespmem:v9+s23+$0x190 ss:$0x1] =	vst.idx.msk $0xffff, v30;
	v25 =	vor.u32 v25, v26;
	v60 =	vand.u32 $0xFFFF0000, v33;
	v59 =	vand.u32 $0xFFFF, v34;
	v53 =	vld.idx.msk [tilespmem:v8+s24+$0x3F0 ss:$0x1], $0xffff  }
0x149: {  	v23 =	vshrl.u32 v23, v17;
	[tilespmem:v9+s25+$0x100 ss:$0x1] =	vst.idx.msk $0xffff, v28;
	v62 =	vor.u32 v59, v60;
	v59 =	vld.idx.msk [tilespmem:v8+s21+$0x70 ss:$0x1], $0xffff  }
0x14a: {  	v56 =	vshrl.u32 v19, v17;
	v40 =	vand.u32 $0xFFFF, v23;
	v44 =	vshll.u32 v36, v18;
	v29 =	vld.idx.msk [tilespmem:v8+s21+$0x300 ss:$0x1], $0xffff  }
0x14b: {  	[tilespmem:v9+s23+$0x180 ss:$0x1] =	vst.idx.msk $0xffff, v27;
	v47 =	vand.u32 $0xFFFF0000, v44;
	v28 =	vand.u32 $0xFFFF, v56;
	v33 =	vshrl.u32 v61, v13;
	v61 =	vld.idx.msk [tilespmem:v8+s21+$0xF0 ss:$0x1], $0xffff  }
0x14c: {  	[tilespmem:v9+s25+$0x30 ss:$0x1] =	vst.idx.msk $0xffff, v62;
	v20 =	vor.u32 v28, v20;
	v26 =	vshrl.u32 v63, v10;
	v63 =	vld.idx.msk [tilespmem:v8+s21+$0xC0 ss:$0x1], $0xffff  }
0x14d: {  	v52 =	vshll.u32 v41, v11;
	v41 =	vshll.u32 v24, v18;
	v42 =	vld.idx.msk [tilespmem:v8+s21+$0x130 ss:$0x1], $0xffff;
	v50 =	vand.u32 $0xFFFF, v33  }
0x14e: {  	[tilespmem:v9+s23+$0x1A0 ss:$0x1] =	vst.idx.msk $0xffff, v25;
	v54 =	vand.u32 $0xFFFF, v26;
	v55 =	vand.u32 $0xFFFF0000, v52;
	v58 =	vshrl.u32 v43, v12;
	v26 =	vld.idx.msk [tilespmem:v8+s21+$0x380 ss:$0x1], $0xffff  }
0x14f: {  	v31 =	vshll.u32 v45, v15;
	v23 =	vand.u32 $0xFFFF0000, v41;
	v43 =	vshrl.u32 v38, v17;
	v45 =	vld.idx.msk [tilespmem:v8+s21+$0x50 ss:$0x1], $0xffff  }
0x150: {  	v57 =	vor.u32 v54, v55;
	v22 =	vand.u32 $0xFFFF, v58;
	v17 =	vshrl.u32 v51, v17;
	v51 =	vld.idx.msk [tilespmem:v8+s21+$0xE0 ss:$0x1], $0xffff  }
0x151: {  	v31 =	vand.u32 $0xFFFF0000, v31;
	v46 =	vand.u32 $0xFFFF, v43;
	[tilespmem:v9+s25+$0x110 ss:$0x1] =	vst.idx.msk $0xffff, v57;
	v18 =	vshll.u32 v53, v18;
	v53 =	vld.idx.msk [tilespmem:v8+s21+$0x1B0 ss:$0x1], $0xffff  }
0x152: {  	v30 =	vshll.u32 v48, v14;
	v60 =	vshrl.u32 v49, v13;
	v22 =	vor.u32 v22, v31;
	v19 =	vld.idx.msk [tilespmem:v8+s21+$0x310 ss:$0x1], $0xffff  }
0x153: {  	[tilespmem:v9+s25+$0xA0 ss:$0x1] =	vst.idx.msk $0xffff, v22;
	v22 =	vor.u32 v40, v23;
	v17 =	vand.u32 $0xFFFF, v17;
	v27 =	vshll.u32 v63, v14  }
0x154: {  	[tilespmem:v9+s23+$0x1C0 ss:$0x1] =	vst.idx.msk $0xffff, v20;
	v18 =	vand.u32 $0xFFFF0000, v18;
	v23 =	vor.u32 v46, v47;
	v41 =	vld.idx.msk [tilespmem:v8+s21+$0x390 ss:$0x1], $0xffff;
	v27 =	vand.u32 $0xFFFF0000, v27  }
0x155: {  	v39 =	vld.idx.msk [tilespmem:v8+s21+$0x220 ss:$0x1], $0xffff;
	[tilespmem:v9+s23+$0x1D0 ss:$0x1] =	vst.idx.msk $0xffff, v22;
	v55 =	vshrl.u32 v45, v13;
	v52 =	vor.u32 v50, v27  }
0x156: {  	v58 =	vand.u32 $0xFFFF0000, v30;
	v18 =	vor.u32 v17, v18;
	v54 =	vld.idx.msk [tilespmem:v8+s21+$0x2A0 ss:$0x1], $0xffff;
	v57 =	vand.u32 $0xFFFF, v55;
	[tilespmem:v9+s25+$0x40 ss:$0x1] =	vst.idx.msk $0xffff, v52  }
0x157: {  	[tilespmem:v9+s23+$0x1E0 ss:$0x1] =	vst.idx.msk $0xffff, v23;
	v24 =	vor.u32 v57, v58;
	v32 =	vshll.u32 v51, v14;
	v21 =	vld.idx.msk [tilespmem:v8+s21+$0x140 ss:$0x1], $0xffff  }
0x158: {  	v28 =	vand.u32 $0xFFFF, v60;
	v56 =	vshrl.u32 v42, v12;
	[tilespmem:v9+s25+$0x50 ss:$0x1] =	vst.idx.msk $0xffff, v24;
	v62 =	vld.idx.msk [tilespmem:v8+s21+$0x1C0 ss:$0x1], $0xffff;
	v32 =	vand.u32 $0xFFFF0000, v32  }
0x159: {  	[tilespmem:v9+s23+$0x1F0 ss:$0x1] =	vst.idx.msk $0xffff, v18;
	v25 =	vshll.u32 v53, v15;
	v34 =	vor.u32 v28, v32;
	v35 =	vld.idx.msk [tilespmem:v8+s21+$0x150 ss:$0x1], $0xffff  }
0x15a: {  	v20 =	vand.u32 $0xFFFF, v56;
	v13 =	vshrl.u32 v59, v13;
	v63 =	vand.u32 $0xFFFF0000, v25;
	v36 =	vld.idx.msk [tilespmem:v8+s21+$0x1D0 ss:$0x1], $0xffff;
	[tilespmem:v9+s25+$0x60 ss:$0x1] =	vst.idx.msk $0xffff, v34  }
0x15b: {  	v14 =	vshll.u32 v61, v14;
	v20 =	vor.u32 v20, v63;
	v38 =	vshrl.u32 v39, v10;
	v39 =	vld.idx.msk [tilespmem:v8+s21+$0x160 ss:$0x1], $0xffff  }
0x15c: {  	v13 =	vand.u32 $0xFFFF, v13;
	v14 =	vand.u32 $0xFFFF0000, v14;
	[tilespmem:v9+s25+$0xB0 ss:$0x1] =	vst.idx.msk $0xffff, v20;
	v40 =	vld.idx.msk [tilespmem:v8+s21+$0x1E0 ss:$0x1], $0xffff  }
0x15d: {  	v13 =	vor.u32 v13, v14;
	v42 =	vld.idx.msk [tilespmem:v8+s21+$0x230 ss:$0x1], $0xffff;
	v21 =	vshrl.u32 v21, v12;
	v24 =	vshll.u32 v62, v15  }
0x15e: {  	v17 =	vperm.xlane v16, v6;
	[tilespmem:v9+s25+$0x70 ss:$0x1] =	vst.idx.msk $0xffff, v13;
	v44 =	vld.idx.msk [tilespmem:v8+s21+$0x2B0 ss:$0x1], $0xffff;
	v21 =	vand.u32 $0xFFFF, v21;
	v43 =	vand.u32 $0xFFFF0000, v24  }
0x15f: {  	v48 =	vld.idx.msk [tilespmem:v8+s21+$0x170 ss:$0x1], $0xffff;
	v45 =	vshrl.u32 v35, v12;
	v47 =	vshll.u32 v36, v15;
	v21 =	vor.u32 v21, v43  }
0x160: {  	v16 =	vperm.xlane v16, v7;
	v51 =	vld.idx.msk [tilespmem:v8+s21+$0x1F0 ss:$0x1], $0xffff;
	v46 =	vand.u32 $0xFFFF, v45;
	[tilespmem:v9+s25+$0xC0 ss:$0x1] =	vst.idx.msk $0xffff, v21;
	v21 =	vand.u32 $0xFFFF0000, v47  }
0x161: {  	v49 =	vshrl.u32 v39, v12;
	v50 =	vshll.u32 v40, v15;
	v13 =	vor.u32 v46, v21;
	v52 =	vld.idx.msk [tilespmem:v8+s21+$0x240 ss:$0x1], $0xffff  }
0x162: {  	v27 =	vshll.u32 v54, v11;
	v53 =	vand.u32 $0xFFFF, v49;
	v54 =	vand.u32 $0xFFFF0000, v50;
	v56 =	vld.idx.msk [tilespmem:v8+s21+$0x2C0 ss:$0x1], $0xffff;
	[tilespmem:v9+s25+$0xD0 ss:$0x1] =	vst.idx.msk $0xffff, v13  }
0x163: {  	v37 =	vshrl.u32 v29, v17;
	v16 =	vsub.s32 $0x10, v16;
	v21 =	vor.u32 v53, v54;
	v57 =	vld.idx.msk [tilespmem:v8+s21+$0x250 ss:$0x1], $0xffff  }
0x164: {  	v26 =	vshll.u32 v26, v16;
	v55 =	vand.u32 $0xFFFF, v38;
	v27 =	vand.u32 $0xFFFF0000, v27;
	[tilespmem:v9+s25+$0xE0 ss:$0x1] =	vst.idx.msk $0xffff, v21;
	v58 =	vld.idx.msk [tilespmem:v8+s21+$0x2D0 ss:$0x1], $0xffff  }
0x165: {  	v12 =	vshrl.u32 v48, v12;
	v15 =	vshll.u32 v51, v15;
	v13 =	vor.u32 v55, v27;
	v59 =	vld.idx.msk [tilespmem:v8+s21+$0x260 ss:$0x1], $0xffff  }
0x166: {  	v25 =	vand.u32 $0xFFFF, v37;
	v12 =	vand.u32 $0xFFFF, v12;
	v15 =	vand.u32 $0xFFFF0000, v15;
	[tilespmem:v9+s25+$0x120 ss:$0x1] =	vst.idx.msk $0xffff, v13;
	v61 =	vld.idx.msk [tilespmem:v8+s21+$0x2E0 ss:$0x1], $0xffff  }
0x167: {  	v14 =	vshrl.u32 v42, v10;
	v23 =	vshll.u32 v44, v11;
	v12 =	vor.u32 v12, v15;
	v62 =	vld.idx.msk [tilespmem:v8+s21+$0x320 ss:$0x1], $0xffff  }
0x168: {  	v26 =	vand.u32 $0xFFFF0000, v26;
	v14 =	vand.u32 $0xFFFF, v14;
	v60 =	vand.u32 $0xFFFF0000, v23;
	[tilespmem:v9+s25+$0xF0 ss:$0x1] =	vst.idx.msk $0xffff, v12;
	v63 =	vld.idx.msk [tilespmem:v8+s21+$0x3A0 ss:$0x1], $0xffff  }
0x169: {  	v13 =	vor.u32 v14, v60;
	v31 =	vld.idx.msk [tilespmem:v8+s21+$0x270 ss:$0x1], $0xffff;
	v18 =	vshrl.u32 v52, v10;
	v24 =	vshll.u32 v56, v11  }
0x16a: {  	v19 =	vshrl.u32 v19, v17;
	[tilespmem:v9+s25+$0x130 ss:$0x1] =	vst.idx.msk $0xffff, v13;
	v34 =	vld.idx.msk [tilespmem:v8+s21+$0x2F0 ss:$0x1], $0xffff;
	v28 =	vand.u32 $0xFFFF, v18;
	v29 =	vand.u32 $0xFFFF0000, v24  }
0x16b: {  	v35 =	vld.idx.msk [tilespmem:v8+s21+$0x330 ss:$0x1], $0xffff;
	v30 =	vshrl.u32 v57, v10;
	v12 =	vor.u32 v28, v29;
	v33 =	vshll.u32 v58, v11  }
0x16c: {  	v19 =	vand.u32 $0xFFFF, v19;
	v37 =	vld.idx.msk [tilespmem:v8+s21+$0x3B0 ss:$0x1], $0xffff;
	v32 =	vand.u32 $0xFFFF, v30;
	v18 =	vand.u32 $0xFFFF0000, v33;
	[tilespmem:v9+s25+$0x140 ss:$0x1] =	vst.idx.msk $0xffff, v12  }
0x16d: {  	v27 =	vshrl.u32 v59, v10;
	v23 =	vshll.u32 v61, v11;
	v36 =	vor.u32 v32, v18;
	v40 =	vld.idx.msk [tilespmem:v8+s21+$0x340 ss:$0x1], $0xffff  }
0x16e: {  	v20 =	vshll.u32 v41, v16;
	v38 =	vand.u32 $0xFFFF, v27;
	v23 =	vand.u32 $0xFFFF0000, v23;
	v41 =	vld.idx.msk [tilespmem:v8+s21+$0x3C0 ss:$0x1], $0xffff;
	[tilespmem:v9+s25+$0x150 ss:$0x1] =	vst.idx.msk $0xffff, v36  }
0x16f: {  	v10 =	vshrl.u32 v31, v10;
	v11 =	vshll.u32 v34, v11;
	v39 =	vor.u32 v38, v23;
	v42 =	vld.idx.msk [tilespmem:v8+s21+$0x350 ss:$0x1], $0xffff  }
0x170: {  	v20 =	vand.u32 $0xFFFF0000, v20;
	v10 =	vand.u32 $0xFFFF, v10;
	v11 =	vand.u32 $0xFFFF0000, v11;
	v43 =	vld.idx.msk [tilespmem:v8+s21+$0x3D0 ss:$0x1], $0xffff;
	[tilespmem:v9+s25+$0x160 ss:$0x1] =	vst.idx.msk $0xffff, v39  }
0x171: {  	v25 =	vor.u32 v25, v26;
	v19 =	vor.u32 v19, v20;
	v10 =	vor.u32 v10, v11;
	v46 =	vld.idx.msk [tilespmem:v8+s21+$0x360 ss:$0x1], $0xffff  }
0x172: {  	v44 =	vshrl.u32 v62, v17;
	v45 =	vshll.u32 v63, v16;
	[tilespmem:v9+s25+$0x170 ss:$0x1] =	vst.idx.msk $0xffff, v10;
	v49 =	vld.idx.msk [tilespmem:v8+s21+$0x3E0 ss:$0x1], $0xffff  }
0x173: {  	[tilespmem:v9+s25+$0x180 ss:$0x1] =	vst.idx.msk $0xffff, v25;
	v47 =	vand.u32 $0xFFFF0000, v45;
	v50 =	vshll.u32 v37, v16;
	v11 =	vand.u32 $0xFFFF, v44;
	v51 =	vld.idx.msk [tilespmem:v8+s21+$0x370 ss:$0x1], $0xffff  }
0x174: {  	v48 =	vshrl.u32 v35, v17;
	v12 =	vand.u32 $0xFFFF0000, v50;
	v10 =	vor.u32 v11, v47;
	v54 =	vld.idx.msk [tilespmem:v8+s21+$0x3F0 ss:$0x1], $0xffff  }
0x175: {  	[tilespmem:v9+s25+$0x190 ss:$0x1] =	vst.idx.msk $0xffff, v19;
	v11 =	vand.u32 $0xFFFF, v48;
	v52 =	vshrl.u32 v40, v17;
	v53 =	vshll.u32 v41, v16  }
0x176: {  	v11 =	vor.u32 v11, v12;
	[tilespmem:v9+s25+$0x1A0 ss:$0x1] =	vst.idx.msk $0xffff, v10;
	v55 =	vand.u32 $0xFFFF, v52;
	v56 =	vand.u32 $0xFFFF0000, v53  }
0x177: {  	v12 =	vor.u32 v55, v56;
	v57 =	vshrl.u32 v42, v17;
	v58 =	vshll.u32 v43, v16  }
0x178: {  	p1 =	slt.u32 s20, $0x1C;
	[tilespmem:v9+s25+$0x1B0 ss:$0x1] =	vst.idx.msk $0xffff, v11;
	v10 =	vand.u32 $0xFFFF, v57;
	v59 =	vand.u32 $0xFFFF0000, v58;
	v15 =	vshrl.u32 v46, v17  }
.Ltmp6:
0x179: {  	v60 =	vshll.u32 v49, v16;
	v13 =	vshrl.u32 v51, v17;
	v62 =	vshll.u32 v54, v16;
	(pc) =	sbr.rel @p1 .LBB2_8-.Ltmp6, $4  }
0x17a: {  	[tilespmem:v9+s25+$0x1C0 ss:$0x1] =	vst.idx.msk $0xffff, v12;
	v10 =	vor.u32 v10, v59;
	v11 =	vand.u32 $0xFFFF, v15;
	v61 =	vand.u32 $0xFFFF0000, v60  }
0x17b: {  	v63 =	vand.u32 $0xFFFF0000, v62;
	[tilespmem:v9+s25+$0x1D0 ss:$0x1] =	vst.idx.msk $0xffff, v10;
	v10 =	vor.u32 v11, v61;
	v11 =	vand.u32 $0xFFFF, v13  }
0x17c: {  	s31 =	sadd.s32 $0x4, s20;
	[tilespmem:v9+s25+$0x1E0 ss:$0x1] =	vst.idx.msk $0xffff, v10;
	v10 =	vor.u32 v11, v63  }
0x17d: {  	s20 =	smov.u32 s31;
	[tilespmem:v9+s25+$0x1F0 ss:$0x1] =	vst.idx.msk $0xffff, v10  }
0x17e: {  	s19 =	sshrl.u32 s17, $0x3  }
0x17f: {  	s19 =	smul.u32 $0xC0, s19  }
0x180: {  	s16 =	sshrl.u32 s16, $0x1  }
0x181: {  	s31 =	sshll.u32 s17, $0x3;
	s16 =	sand.u32 $0x7FFFFFC0, s16;
	s19 =	sadd.s32 s19, s7  }
0x182: {  	s17 =	sand.u32 $0x38, s31;
	s16 =	sadd.s32 s16, s19  }
0x183: {  	s16 =	sadd.s32 s17, s16  }
0x184: {  	s19 =	sadd.s32 $0x200, s18;
	s17 =	simm.s32 $0xC0;
	s20 =	sadd.s32 $0x0, s16  }
.LBB2_10:
0x185: {  	[hbm:s20] =	stream.linear.scatter [tilespmem:s18], [sflag:$0x3], $0x200, $0x38;
	[tilespmem:$0x18300] =	vst v63  }
0x186: {  	s20 =	smov.u32 s17;
	s18 =	smov.u32 s19;
	p1 =	sne.s32 s17, $0x1740  }
.Ltmp7:
0x187: {  	s17 =	sadd.s32 $0xC0, s17;
	(pc) =	sbr.rel @p1 .LBB2_10-.Ltmp7, $2  }
0x188: {  	_ =	sdelay $0x2  }
0x189: {  	s19 =	sadd.s32 $0x200, s19;
	s20 =	sadd.s32 s20, s16  }
.Ltmp8:
0x18a: {  	(pc) =	sbr.rel .LBB2_12-.Ltmp8, $2  }
0x18b: {  	_ =	sdelay $0x2  }
0x18c: {  	[hbm:s20] =	stream.linear.scatter [tilespmem:s18], [sflag:$0x3], $0x200, $0x38;
	[tilespmem:$0x18300] =	vst v63  }
.LBB2_13:
0x18d: {  	_ =	sfence.sel $0x180000  }
0x18e: {  	s2 =	simm.s32 $0x1;
	[bflag:$0x0] =	sbarrier.arrive $0xFFFF  }
0x18f: {  	s30 =	simm.s32 $0x2;
	[sflag:s2] =	ssyncpa.u1 $0x1  }
0x190: {  	s31 =	simm.s32 $0x3;
	[sflag:s30] =	ssyncpa.u1 $0x1  }
0x191: {  	[sflag:s31] =	ssyncpa.u1 $0x1  }
0x192: {  	p0 =	sne.s32 s1, $0x0;
	_ =	strace $0x9000004D  }
0x193: {  	s0 =	sadd.s32 @!p0 $0x100000, s0;
	[bflag:$0x2] =	sbarrier.arrive $0xFFFF  }
0x194: {  	[sflag:s0] =	ssyncadd.tile.s32 @!p0 $0x1;
	_ =	shalt  }
.Lfunc_end2:
_tile_overlayer_lowered:
.L_overlay_start_2:
0x195: {  	(tag) =	ssettag $0x2  }
0x196: {  	s0 =	rddreg [dreg:$0x0];
	s2 =	stileid.u32  }
0x197: {  	s1 =	rddreg [dreg:$0x1];
	p0 =	sne.s32 s2, $0x0  }
0x198: {  	s3 =	rddreg [dreg:$0x2];
	[bflag:$0x3] =	sbarrier.arrive $0xFFFF;
	s2 =	simm.s32 @!p0 $0x1C01  }
0x199: {  	[timem:s3], [sflag:s2] =	dma.local @!p0 [hbm:s0], s1  }
0x19a: {  	s0 =	simm.s32 @!p0 $0x1  }
0x19b: {  	_ =	swait.ge @!p0 [sflag:s0], s1  }
0x19c: {  	s1 =	ssub.s32 @!p0 $0x0, s1;
	[sflag:s0] =	ssyncset.done @!p0 $0x0  }
0x19d: {  	[sflag:s0] =	ssyncadd.s32 @!p0 s1  }
0x19e: {  	[bflag:$0x3] =	sbarrier.arrive $0xFFFF  }
0x19f: {  	_ =	shalt  }

// kernel: kernel.6.cloned.1.call-start
scs
__scs_entry_jumppad:
0x0: {  	(pc) =	sbr.rel $0x88, $3  }
0x1: {  	(tag) =	ssettag $0x0;
	lr =	simm.s32 $0x1  }
0x2: {  	[smem:$0x3F87] =	sst lr;
	_ =	strace $0xD0000000  }
0x3: {  	_ = 	snop  }
0x4: {  	_ = 	snop  }
0x5: {  	_ = 	snop  }
0x6: {  	_ = 	snop  }
0x7: {  	_ = 	snop  }
__scs_overlays_trampoline_lowered:
0x8: {  	[smem:$0x3F96] =	sst s0  }
0x9: {  	[smem:$0x3F97] =	sst s1  }
0xa: {  	[smem:$0x3F98] =	sst s2  }
0xb: {  	[smem:$0x3F99] =	sst s3  }
0xc: {  	[smem:$0x3F9A] =	sst s4  }
0xd: {  	[smem:$0x3F9B] =	sst s5  }
0xe: {  	[smem:$0x3F9C] =	sst s6  }
0xf: {  	[smem:$0x3F9D] =	sst s7  }
0x10: {  	[smem:$0x3F9E] =	sst s8  }
0x11: {  	[smem:$0x3F9F] =	sst s9;
	s0 =	simm.s32 @!p0 $0x0  }
0x12: {  	s1 =	sld [smem:$0x3F85];
	s0 =	simm.s32 @p0 $0x1  }
0x13: {  	[smem:$0x3FA0] =	sst s0;
	s0 =	simm.s32 @!p1 $0x0  }
0x14: {  	s2 =	sld [smem:$0x3F84];
	s0 =	simm.s32 @p1 $0x1  }
0x15: {  	[smem:$0x3FA1] =	sst s0;
	s0 =	simm.s32 @!p2 $0x0  }
0x16: {  	s3 =	sld [smem:$0x3FDB];
	s0 =	simm.s32 @p2 $0x1  }
0x17: {  	s4 =	simm.s32 $0x1BF5;
	[smem:$0x3FA3] =	sst s0  }
0x18: {  	s0 =	sld [smem:$0x3F86];
	_ =	swait.ge [sflag:s4], $0x0  }
0x19: {  	s7 =	sld [smem:$0x3F87]  }
0x1a: {  	s8 =	sadd.s32 $0xFFFFE003, lr  }
0x1b: {  	s9 =	sadd.s32 $0xFFFFFEF7, lr;
	s5 =	simm.s32 $0xFFFFFFFF;
	p2 =	slt.u32 s8, $0xFFFFF086  }
0x1c: {  	p1 =	slt.u32 s9, $0xF7A;
	s5 =	simm.s32 @!p2 $0x0  }
0x1d: {  	s5 =	simm.s32 @p1 $0x1;
	p0 =	seq.s32 s7, s2  }
0x1e: {  	s7 =	smul.u32 @!p0 $0xF7A, s2;
	p2 =	seq.s32 @!p0 s5, $0x0  }
0x1f: {  	s9 =	smul.u32 $0xF7A, s1;
	s8 =	simm.s32 @!p0 $0x1BF5;
	p2 =	por !p2, p0  }
0x20: {  	[sflag:s8] =	ssyncset.s32 @!p0 $0xFFFFF086;
	s6 =	sadd.s32 @!p0 s3, s7;
	s7 =	simm.s32 @!p0 $0x108  }
0x21: {  	s3 =	sadd.s32 s3, s9;
	s6 =	sadd.s32 @!p0 $0x88, s6;
	s7 =	simm.s32 @p2 $0x1082  }
0x22: {  	[simem:s7], [sflag:s8] =	dma.local @!p0 [hbm:s6], $0xF7A  }
0x23: {  	s9 =	sor.u32 $0xD0000000, s2;
	s6 =	simm.s32 $0x108;
	_ =	swait.ge @!p0 [sflag:s8], $0x0  }
0x24: {  	s3 =	sadd.s32 $0x88, s3;
	s6 =	simm.s32 @!p1 $0x1082;
	[sflag:s4] =	ssyncset.s32 $0xFFFFF086  }
0x25: {  	[simem:s6], [sflag:s4] =	dma.local [hbm:s3], $0xF7A  }
0x26: {  	[smem:$0x3F87] =	sst s1;
	(tag) =	ssettag s2;
	_ =	strace s9  }
0x27: {  	s1 =	sld [smem:$0x3F97]  }
0x28: {  	s2 =	sld [smem:$0x3F98]  }
0x29: {  	s4 =	sld [smem:$0x3F9A]  }
0x2a: {  	p0 =	seq.s32 s5, $0x0;
	s5 =	sld [smem:$0x3F9B]  }
0x2b: {  	s6 =	sld [smem:$0x3F9C]  }
0x2c: {  	s7 =	sld [smem:$0x3F9D]  }
0x2d: {  	s3 =	simm.s32 $0x108;
	s8 =	sld [smem:$0x3F9E]  }
0x2e: {  	s3 =	simm.s32 @!p0 $0x1082;
	s9 =	sld [smem:$0x3F9F]  }
0x2f: {  	lr =	sadd.s32 s0, s3;
	s0 =	sld [smem:$0x3F96]  }
0x30: {  	s3 =	sld [smem:$0x3F99]  }
0x31: {  	[smem:$0x3FA2] =	sst s10  }
0x32: {  	s10 =	sld [smem:$0x3FA0];
	_ =	sdelay $0x3  }
0x33: {  	p0 =	seq.s32 s10, $0x1;
	s10 =	sld [smem:$0x3FA2];
	_ =	sdelay $0x3  }
0x34: {  	[smem:$0x3FA2] =	sst s10  }
0x35: {  	s10 =	sld [smem:$0x3FA1];
	_ =	sdelay $0x3  }
0x36: {  	p1 =	seq.s32 s10, $0x1;
	s10 =	sld [smem:$0x3FA2];
	_ =	sdelay $0x3  }
0x37: {  	[smem:$0x3FA2] =	sst s10  }
0x38: {  	s10 =	sld [smem:$0x3FA3]  }
0x39: {  	_ = 	snop;
	(pc) =	sbr.ind lr, $3  }
0x3a: {  	_ = 	snop  }
0x3b: {  	_ = 	snop  }
0x3c: {  	p2 =	seq.s32 s10, $0x1;
	s10 =	sld [smem:$0x3FA2]  }
0x3d: {  	_ =	shalt  }
0x3e: {  	_ =	shalt  }
0x3f: {  	_ =	shalt  }
0x40: {  	_ =	shalt  }
0x41: {  	_ =	shalt  }
0x42: {  	_ =	shalt  }
0x43: {  	_ =	shalt  }
0x44: {  	_ =	shalt  }
0x45: {  	_ =	shalt  }
0x46: {  	_ =	shalt  }
0x47: {  	_ =	shalt  }
0x48: {  	_ =	shalt  }
0x49: {  	_ =	shalt  }
0x4a: {  	_ =	shalt  }
0x4b: {  	_ =	shalt  }
0x4c: {  	_ =	shalt  }
0x4d: {  	_ =	shalt  }
0x4e: {  	_ =	shalt  }
0x4f: {  	_ =	shalt  }
0x50: {  	_ =	shalt  }
0x51: {  	_ =	shalt  }
0x52: {  	_ =	shalt  }
0x53: {  	_ =	shalt  }
0x54: {  	_ =	shalt  }
0x55: {  	_ =	shalt  }
0x56: {  	_ =	shalt  }
0x57: {  	_ =	shalt  }
0x58: {  	_ =	shalt  }
0x59: {  	_ =	shalt  }
0x5a: {  	_ =	shalt  }
0x5b: {  	_ =	shalt  }
0x5c: {  	_ =	shalt  }
0x5d: {  	_ =	shalt  }
0x5e: {  	_ =	shalt  }
0x5f: {  	_ =	shalt  }
0x60: {  	_ =	shalt  }
0x61: {  	_ =	shalt  }
0x62: {  	_ =	shalt  }
0x63: {  	_ =	shalt  }
0x64: {  	_ =	shalt  }
0x65: {  	_ =	shalt  }
0x66: {  	_ =	shalt  }
0x67: {  	_ =	shalt  }
0x68: {  	_ =	shalt  }
0x69: {  	_ =	shalt  }
0x6a: {  	_ =	shalt  }
0x6b: {  	_ =	shalt  }
0x6c: {  	_ =	shalt  }
0x6d: {  	_ =	shalt  }
0x6e: {  	_ =	shalt  }
0x6f: {  	_ =	shalt  }
0x70: {  	_ =	shalt  }
0x71: {  	_ =	shalt  }
0x72: {  	_ =	shalt  }
0x73: {  	_ =	shalt  }
0x74: {  	_ =	shalt  }
0x75: {  	_ =	shalt  }
0x76: {  	_ =	shalt  }
0x77: {  	_ =	shalt  }
0x78: {  	_ =	shalt  }
0x79: {  	_ =	shalt  }
0x7a: {  	_ =	shalt  }
0x7b: {  	_ =	shalt  }
0x7c: {  	_ =	shalt  }
0x7d: {  	_ =	shalt  }
0x7e: {  	_ =	shalt  }
0x7f: {  	_ =	shalt  }
0x80: {  	_ =	shalt  }
0x81: {  	_ =	shalt  }
0x82: {  	_ =	shalt  }
0x83: {  	_ =	shalt  }
0x84: {  	_ =	shalt  }
0x85: {  	_ =	shalt  }
0x86: {  	_ =	shalt  }
0x87: {  	_ =	shalt  }
.Lfunc_end0:
.L_simem_size_0:
called_computation.2_lowered:
.L_overlay_start_0:
0x88: {  	s2 =	sld [smem:$0x3FD9]  }
0x89: {  	s3 =	sld [smem:$0x3FFE];
	_ =	sdelay $0x1  }
0x8a: {  	s1 =	srdreg.scid  }
0x8b: {  	s0 =	sand.u32 $0x1, s1  }
0x8c: {  	s17 =	sshll.u32 s0, $0xA;
	s2 =	sadd.s32 s3, s2  }
0x8d: {  	s2 =	sadd.s32 s2, s17  }
0x8e: {  	[smem:$0x3FAE] =	sst s2  }
0x8f: {  	_ = 	snop  }
0x90: {  	s18 =	sld [smem:$0x3FC6]  }
0x91: {  	s4 =	sld [smem:$0x3FC5]  }
0x92: {  	s5 =	sld [smem:$0x3FC4]  }
0x93: {  	s6 =	sld [smem:$0x3FC3]  }
0x94: {  	s7 =	sld [smem:$0x3FC2];
	(tm) =	ssettm $0x1  }
0x95: {  	s19 =	sld [smem:$0x3FFB];
	_ =	sdelay $0x3  }
0x96: {  	_ =	strace s19  }
0x97: {  	s2 =	sld [smem:$0x3FFC];
	_ =	sdelay $0x3  }
0x98: {  	_ =	strace s2  }
0x99: {  	s2 =	sld [smem:$0x3FFD];
	_ =	sdelay $0x3  }
0x9a: {  	_ =	strace s2  }
0x9b: {  	_ =	strace $0x8FFFFFFF  }
0x9c: {  	s20 =	sld [smem:$0x3FDB];
	_ =	sdelay $0x1  }
0x9d: {  	s8 =	simm.s32 $_scs_section_size  }
0x9e: {  	s9 =	simm.s32 $_size__tile_overlayer_lowered;
	s10 =	simm.s32 $_tile_overlayer_lowered  }
0x9f: {  	s11 =	simm.s32 $0x1BFF;
	s21 =	sshll.u32 s10, $0x1;
	s8 =	sadd.s32 s8, s20  }
0xa0: {  	s22 =	simm.s32 $0x0;
	s9 =	sshll.u32 s9, $0x1;
	s10 =	sadd.s32 s21, s8  }
0xa1: {  	[timem:s22], [sflag:s11] =	dma.local [hbm:s10], s9  }
0xa2: {  	_ =	swait.ge [sflag:s11], s9  }
0xa3: {  	s9 =	ssub.s32 $0x0, s9;
	[sflag:s11] =	ssyncset.done $0x0  }
0xa4: {  	[sflag:s11] =	ssyncadd.s32 s9;
	_ =	sdelay $0x1  }
0xa5: {  	s23 =	simm.s32 $0x1B8B  }
0xa6: {  	_ =	swait.ge [sflag:s23], $0x1  }
0xa7: {  	[sflag:s23] =	ssyncset.done $0x0  }
0xa8: {  	[sflag:s23] =	ssyncadd.s32 $0xFFFFFFFF  }
0xa9: {  	s9 =	sld [smem:$0x0]  }
0xaa: {  	s10 =	sand.u32 $0xFFFFFFFE, s1  }
0xab: {  	p0 =	sne.s32 s1, s10  }
0xac: {  	s10 =	sshll.u32 @p0 s10, $0xE  }
0xad: {  	s10 =	sadd.s32 @p0 $0x11B8D, s10;
	s11 =	sshll.u32 @p0 s9, $0x11  }
0xae: {  	s10 =	sor.u32 @p0 s11, s10  }
0xaf: {  	[sflag:s10] =	ssyncadd.remote.s32 @p0 $0x1;
	_ =	sdelay $0x1  }
0xb0: {  	s10 =	simm.s32 @p0 $0x1B8D  }
0xb1: {  	_ =	swait.eq @p0 [sflag:s10], $0x1  }
0xb2: {  	[sflag:s10] =	ssyncadd.s32 @p0 $0xFFFFFFFF  }
0xb3: {  	s11 =	sshll.u32 @!p0 s1, $0xE  }
0xb4: {  	s11 =	sor.u32 @!p0 $0x4000, s11;
	s10 =	simm.s32 @!p0 $0x1B8D  }
0xb5: {  	s9 =	sshll.u32 @!p0 s9, $0x11;
	s11 =	sadd.s32 @!p0 $0x11B8D, s11;
	_ =	swait.eq @!p0 [sflag:s10], $0x1  }
0xb6: {  	s9 =	sor.u32 @!p0 s9, s11;
	[sflag:s10] =	ssyncadd.s32 @!p0 $0xFFFFFFFF  }
0xb7: {  	s25 =	simm.s32 $0x1B8E;
	s24 =	sld [smem:$0x3FFE];
	[sflag:s9] =	ssyncadd.remote.s32 @!p0 $0x1  }
0xb8: {  	s26 =	simm.s32 $execute0_lowered;
	[smem:$0x3FD2] =	sst s25  }
0xb9: {  	s10 =	sshll.u32 s26, $0x1;
	_ =	strace $0x80000049;
	[dreg:$0x1] =	wrdreg $0xFFFFFFFF  }
0xba: {  	s28 =	simm.s32 $_size_execute0_lowered;
	s8 =	sadd.s32 s8, s10;
	[dreg:$0x0] =	wrdreg $0x0  }
0xbb: {  	s10 =	sshll.u32 s28, $0x1;
	[dreg:$0x2] =	wrdreg s8  }
0xbc: {  	[dreg:$0x3] =	wrdreg s10  }
0xbd: {  	[dreg:$0x4] =	wrdreg $0xC0  }
0xbe: {  	_ =	task [dreg:s22], $0x5FFFF  }
0xbf: {  	[dreg:$0x1] =	wrdreg $0xFFFFFFFF  }
0xc0: {  	[dreg:$0x0] =	wrdreg $0x60  }
0xc1: {  	[dreg:$0x2] =	wrdreg s7  }
0xc2: {  	[dreg:$0x3] =	wrdreg s18  }
0xc3: {  	[dreg:$0x4] =	wrdreg s4  }
0xc4: {  	[dreg:$0x5] =	wrdreg s5  }
0xc5: {  	[dreg:$0x6] =	wrdreg s6  }
0xc6: {  	[dreg:$0x7] =	wrdreg s24  }
0xc7: {  	[dreg:$0x8] =	wrdreg $0xA  }
0xc8: {  	_ =	task.clear_ibuf [dreg:s22], $0x9FFFF;
	_ =	strace $0x90000049  }
0xc9: {  	s29 =	simm.s32 $0xA;
	_ =	strace $0x8000004B  }
0xca: {  	_ =	swait.ge [sflag:s29], $0x1  }
0xcb: {  	[sflag:s29] =	ssyncadd.s32 $0xFFFFFFFF  }
0xcc: {  	_ =	strace $0x9000004B  }
0xcd: {  	_ =	sfence  }
0xce: {  	s30 =	sld [smem:$0x0];
	_ =	sdelay $0x2  }
0xcf: {  	s31 =	sshll.u32 s1, $0xD;
	s1 =	sshrl.u32 s1, $0x2  }
0xd0: {  	s4 =	sand.u32 $0x4000, s31;
	s1 =	sadd.s32 s1, s30  }
0xd1: {  	s0 =	sor.u32 s4, s0;
	s1 =	sshll.u32 s1, $0x11  }
0xd2: {  	s0 =	sor.u32 s1, s0  }
0xd3: {  	s0 =	sadd.s32 $0x8F2B, s0  }
0xd4: {  	[sflag:s0] =	ssyncadd.remote.s32 $0x1  }
0xd5: {  	_ =	sfence.sel $0xFFFF  }
0xd6: {  	[dreg:$0x0] =	wrdreg $0xFFFFFFFF;
	(pc) =	sbr.abs _section_cstart, $3  }
0xd7: {  	[dreg:$0x1] =	wrdreg $0xFFFFFFFF  }
0xd8: {  	_ =	task.clear_ibuf [dreg:s22], $0x2FFFF;
	_ =	strace $0x9FFFFFFF  }
0xd9: {  	(tm) =	ssettm $0x7FFFFFFF  }
tec
execute0_lowered:
.L_overlay_start_1:
0x0: {  	(tag) =	ssettag $0x1  }
0x1: {  	s1 =	rddreg [dreg:$0x0]  }
0x2: {  	s2 =	rddreg [dreg:$0x1]  }
0x3: {  	s5 =	rddreg [dreg:$0x2]  }
0x4: {  	s6 =	rddreg [dreg:$0x3]  }
0x5: {  	s9 =	rddreg [dreg:$0x4]  }
0x6: {  	s7 =	rddreg [dreg:$0x5]  }
0x7: {  	s0 =	rddreg [dreg:$0x6]  }
0x8: {  	s4 =	simm.s32 $0x0;
	s8 =	srdreg.scid;
	s3 =	stileid.u32  }
0x9: {  	s15 =	simm.s32 $0x14000;
	s8 =	sand.u32 $0x1, s8;
	s10 =	sshll.u32 s3, $0x1  }
0xa: {  	s16 =	simm.s32 $0x0;
	[smem:$0x7FF] =	sst s4;
	s10 =	sor.u32 s8, s10  }
0xb: {  	_ =	strace $0x8000004A;
	s8 =	ssub.s32 $0x2, s8;
	s11 =	sshll.u32 s10, $0xA  }
0xc: {  	s10 =	sshll.u32 s10, $0x8;
	s12 =	sshrl.u32 s8, $0x1;
	s13 =	sadd.s32 s11, s7  }
0xd: {  	s14 =	sadd.s32 s10, s7;
	s12 =	ssub.s32 s8, s12;
	s5 =	sadd.s32 s5, s11  }
0xe: {  	s6 =	sadd.s32 s6, s11;
	s8 =	sadd.s32 s1, s10;
	s9 =	sadd.s32 s9, s10  }
0xf: {  	s7 =	sadd.s32 $0x41F400, s13;
	s10 =	sadd.s32 $0x427400, s14;
	s11 =	smax.u32 s12, $0x1  }
0x10: {  	s12 =	simm.s32 $0x1;
	s13 =	simm.s32 $0x10000;
	s14 =	simm.s32 $0x12000  }
.LBB2_1:
0x11: {  	s17 =	simm.s32 $0x0  }
.LBB2_2:
0x12: {  	s19 =	sshll.u32 s17, $0xA  }
0x13: {  	s21 =	simm.s32 $0x0;
	s18 =	simm.s32 $0x10000;
	s20 =	sadd.s32 s1, s19  }
0x14: {  	[tilespmem:s18], [sflag:$0x1] =	stream.linear.gather [hbm4b:s20+s21], $0x2000, $0x38;
	[tilespmem:$0x16000] =	vst v63  }
0x15: {  	_ =	swait.ge [sflag:s12], $0x2000  }
0x16: {  	[sflag:s12] =	ssyncset.done $0x0  }
0x17: {  	s29 =	simm.s32 $0x12000;
	s19 =	sadd.s32 s2, s19;
	[sflag:s12] =	ssyncadd.s32 $0xFFFFE000  }
0x18: {  	[tilespmem:s29], [sflag:$0x1] =	stream.linear.gather [hbm4b:s19+s21], $0x2000, $0x38;
	[tilespmem:$0x16000] =	vst v63  }
0x19: {  	_ =	swait.ge [sflag:s12], $0x2000  }
0x1a: {  	[sflag:s12] =	ssyncset.done $0x0  }
0x1b: {  	[sflag:s12] =	ssyncadd.s32 $0xFFFFE000  }
0x1c: {  	v0 =	vld [tilespmem:s29+$0x0];
	_ =	sdelay $0x1  }
0x1d: {  	v1 =	vld [tilespmem:s18+$0x0];
	_ =	sdelay $0x1  }
0x1e: {  	s30 =	sshll.u32 s17, $0xD  }
0x1f: {  	s31 =	sand.u32 $0x1F80, s21;
	s19 =	sand.u32 $0x3FFFE000, s30;
	v0 =	vshll.u32 v0, $0x10  }
0x20: {  	s21 =	sand.u32 $0x70, s21;
	s20 =	sadd.s32 s31, s19;
	v0 =	vadd.s32 $0xFFFF0000, v0  }
0x21: {  	s20 =	sadd.s32 s21, s20;
	v0 =	vor.u32 v1, v0  }
0x22: {  	s21 =	simm.s32 $0x12010;
	[tilespmem:s20+$0x0] =	vst v0  }
0x23: {  	s22 =	simm.s32 $0x20;
	s20 =	simm.s32 $0x10;
	v0 =	vld [tilespmem:s21+$0x0]  }
.LBB2_3:
0x24: {  	p0 =	sne.s32 s22, $0x1FF0;
	s18 =	sadd.s32 $0x10, s18  }
0x25: {  	v1 =	vld [tilespmem:s18+$0x0];
	_ =	sdelay $0x2  }
.Ltmp0:
0x26: {  	s23 =	sand.u32 $0x1F80, s20;
	v0 =	vshll.u32 v0, $0x10;
	(pc) =	sbr.rel @p0 .LBB2_3-.Ltmp0, $4  }
0x27: {  	s24 =	sand.u32 $0x70, s20;
	s20 =	smov.u32 s22;
	s23 =	sadd.s32 s23, s19;
	v0 =	vadd.s32 $0xFFFF0000, v0  }
0x28: {  	s23 =	sadd.s32 s24, s23;
	v0 =	vor.u32 v1, v0  }
0x29: {  	s21 =	sadd.s32 $0x10, s21;
	[tilespmem:s23+$0x0] =	vst v0  }
0x2a: {  	s22 =	sadd.s32 $0x10, s22;
	v0 =	vld [tilespmem:s21+$0x0]  }
0x2b: {  	s18 =	sadd.s32 $0x10, s18  }
0x2c: {  	s17 =	sadd.s32 $0x1, s17;
	v1 =	vld [tilespmem:s18+$0x0]  }
0x2d: {  	p0 =	sne.s32 s17, $0x8  }
.Ltmp1:
0x2e: {  	_ = 	snop;
	(pc) =	sbr.rel @p0 .LBB2_2-.Ltmp1, $4  }
0x2f: {  	s30 =	sand.u32 $0x1F80, s20;
	v0 =	vshll.u32 v0, $0x10  }
0x30: {  	s31 =	sand.u32 $0x70, s20;
	s18 =	sadd.s32 s30, s19;
	v0 =	vadd.s32 $0xFFFF0000, v0  }
0x31: {  	s18 =	sadd.s32 s31, s18;
	v0 =	vor.u32 v1, v0  }
0x32: {  	[tilespmem:s18+$0x0] =	vst v0  }
0x33: {  	[tilespmem:s13], [sflag:$0x1] =	stream.linear.gather [hbm4b:s5+s4], $0x2000, $0x38;
	[tilespmem:$0x16000] =	vst v63  }
0x34: {  	_ =	swait.ge [sflag:s12], $0x2000  }
0x35: {  	[sflag:s12] =	ssyncset.done $0x0  }
0x36: {  	[sflag:s12] =	ssyncadd.s32 $0xFFFFE000  }
0x37: {  	[tilespmem:s14], [sflag:$0x1] =	stream.linear.gather [hbm4b:s6+s4], $0x2000, $0x38;
	[tilespmem:$0x16000] =	vst v63  }
0x38: {  	_ =	swait.ge [sflag:s12], $0x2000  }
0x39: {  	[sflag:s12] =	ssyncset.done $0x0  }
0x3a: {  	s26 =	simm.s32 $0x10080;
	[sflag:s12] =	ssyncadd.s32 $0xFFFFE000  }
0x3b: {  	v0 =	vld [tilespmem:s26+$0x0];
	_ =	sdelay $0x7  }
0x3c: {  	v0 =	vld.idx.msk [tilespmem:v0+s4+$0x0], $0xffff  }
0x3d: {  	s25 =	simm.s32 $0x12080  }
0x3e: {  	v1 =	vld [tilespmem:s25+$0x0];
	_ =	sdelay $0x2  }
0x3f: {  	v2 =	vshll.u32 v0, $0xA  }
0x40: {  	v0 =	vshll.u32 v0, $0x5;
	v2 =	vand.u32 $0x3FFFC00, v2  }
0x41: {  	v0 =	vand.u32 $0xFFE00000, v0;
	v1 =	vor.u32 v1, v2  }
0x42: {  	s17 =	simm.s32 $0x14080;
	v0 =	vor.u32 v0, v1  }
0x43: {  	[tilespmem:s17+$0x0] =	vst v0  }
0x44: {  	v0 =	vld [tilespmem:s26+$0x10];
	_ =	sdelay $0x2  }
0x45: {  	v1 =	vld [tilespmem:s26+$0xFFFFFF80];
	_ =	sdelay $0x4  }
0x46: {  	v0 =	vld.idx.msk [tilespmem:v0+s4+$0x0], $0xffff;
	_ =	sdelay $0x1  }
0x47: {  	v2 =	vld [tilespmem:s25+$0x10]  }
0x48: {  	v1 =	vld.idx.msk [tilespmem:v1+s4+$0x0], $0xffff;
	_ =	sdelay $0x1  }
0x49: {  	v3 =	vld [tilespmem:s25+$0xFFFFFF80];
	v4 =	vshll.u32 v0, $0xA  }
0x4a: {  	v0 =	vshll.u32 v0, $0x5;
	v4 =	vand.u32 $0x3FFFC00, v4  }
0x4b: {  	v0 =	vand.u32 $0xFFE00000, v0;
	v2 =	vor.u32 v2, v4  }
0x4c: {  	v4 =	vshll.u32 v1, $0xA;
	v0 =	vor.u32 v0, v2  }
0x4d: {  	v1 =	vshll.u32 v1, $0x5;
	v2 =	vand.u32 $0x3FFFC00, v4;
	[tilespmem:s17+$0x10] =	vst v0  }
0x4e: {  	v1 =	vand.u32 $0xFFE00000, v1;
	v0 =	vor.u32 v3, v2;
	v2 =	vld [tilespmem:s26+$0x20]  }
0x4f: {  	v0 =	vor.u32 v1, v0  }
0x50: {  	[tilespmem:s17+$0xFFFFFF80] =	vst v0  }
0x51: {  	v0 =	vld [tilespmem:s26+$0xFFFFFF90];
	_ =	sdelay $0x4  }
0x52: {  	s20 =	simm.s32 $0x10180;
	v1 =	vld.idx.msk [tilespmem:v2+s4+$0x0], $0xffff  }
0x53: {  	v2 =	vld [tilespmem:s20+$0x0]  }
0x54: {  	v3 =	vld [tilespmem:s25+$0x20]  }
0x55: {  	v0 =	vld.idx.msk [tilespmem:v0+s4+$0x0], $0xffff;
	_ =	sdelay $0x1  }
0x56: {  	v4 =	vld [tilespmem:s25+$0xFFFFFF90];
	v5 =	vshll.u32 v1, $0xA  }
0x57: {  	v1 =	vshll.u32 v1, $0x5;
	v5 =	vand.u32 $0x3FFFC00, v5  }
0x58: {  	v6 =	vld [tilespmem:s20+$0xFFFFFF80];
	v1 =	vand.u32 $0xFFE00000, v1;
	v3 =	vor.u32 v3, v5  }
0x59: {  	v5 =	vshll.u32 v0, $0xA;
	v1 =	vor.u32 v1, v3  }
0x5a: {  	v0 =	vshll.u32 v0, $0x5;
	v3 =	vand.u32 $0x3FFFC00, v5;
	v2 =	vld.idx.msk [tilespmem:v2+s4+$0x0], $0xffff;
	[tilespmem:s17+$0x20] =	vst v1  }
0x5b: {  	s19 =	simm.s32 $0x12180;
	v0 =	vand.u32 $0xFFE00000, v0;
	v1 =	vor.u32 v4, v3;
	v3 =	vld [tilespmem:s26+$0x30]  }
0x5c: {  	v0 =	vor.u32 v0, v1;
	v1 =	vld [tilespmem:s19+$0x0]  }
0x5d: {  	[tilespmem:s17+$0xFFFFFF90] =	vst v0  }
0x5e: {  	v0 =	vld [tilespmem:s26+$0xFFFFFFA0]  }
0x5f: {  	v4 =	vshll.u32 v2, $0xA  }
0x60: {  	v5 =	vld.idx.msk [tilespmem:v6+s4+$0x0], $0xffff;
	v2 =	vshll.u32 v2, $0x5;
	v4 =	vand.u32 $0x3FFFC00, v4  }
0x61: {  	v2 =	vand.u32 $0xFFE00000, v2;
	v1 =	vor.u32 v1, v4  }
0x62: {  	s18 =	simm.s32 $0x14180;
	v4 =	vld [tilespmem:s19+$0xFFFFFF80];
	v1 =	vor.u32 v2, v1  }
0x63: {  	[tilespmem:s18+$0x0] =	vst v1;
	v1 =	vld.idx.msk [tilespmem:v3+s4+$0x0], $0xffff  }
0x64: {  	v2 =	vld [tilespmem:s20+$0x10]  }
0x65: {  	v6 =	vld [tilespmem:s25+$0x30];
	v3 =	vshll.u32 v5, $0xA  }
0x66: {  	v5 =	vshll.u32 v5, $0x5;
	v3 =	vand.u32 $0x3FFFC00, v3;
	v0 =	vld.idx.msk [tilespmem:v0+s4+$0x0], $0xffff  }
0x67: {  	v3 =	vor.u32 v4, v3;
	v4 =	vand.u32 $0xFFE00000, v5  }
0x68: {  	v5 =	vld [tilespmem:s25+$0xFFFFFFA0];
	v3 =	vor.u32 v4, v3;
	v4 =	vshll.u32 v1, $0xA  }
0x69: {  	[tilespmem:s18+$0xFFFFFF80] =	vst v3;
	v1 =	vshll.u32 v1, $0x5;
	v3 =	vand.u32 $0x3FFFC00, v4  }
0x6a: {  	v4 =	vld [tilespmem:s20+$0xFFFFFF90];
	v1 =	vand.u32 $0xFFE00000, v1;
	v3 =	vor.u32 v6, v3  }
0x6b: {  	v6 =	vshll.u32 v0, $0xA;
	v1 =	vor.u32 v1, v3  }
0x6c: {  	v0 =	vshll.u32 v0, $0x5;
	v3 =	vand.u32 $0x3FFFC00, v6;
	v2 =	vld.idx.msk [tilespmem:v2+s4+$0x0], $0xffff;
	[tilespmem:s17+$0x30] =	vst v1  }
0x6d: {  	v0 =	vand.u32 $0xFFE00000, v0;
	v1 =	vor.u32 v5, v3;
	v3 =	vld [tilespmem:s26+$0x40]  }
0x6e: {  	v0 =	vor.u32 v0, v1;
	v1 =	vld [tilespmem:s19+$0x10]  }
0x6f: {  	[tilespmem:s17+$0xFFFFFFA0] =	vst v0  }
0x70: {  	v0 =	vld [tilespmem:s26+$0xFFFFFFB0]  }
0x71: {  	v5 =	vshll.u32 v2, $0xA  }
0x72: {  	v2 =	vshll.u32 v2, $0x5;
	v4 =	vld.idx.msk [tilespmem:v4+s4+$0x0], $0xffff;
	v5 =	vand.u32 $0x3FFFC00, v5  }
0x73: {  	v2 =	vand.u32 $0xFFE00000, v2;
	v1 =	vor.u32 v1, v5  }
0x74: {  	v5 =	vld [tilespmem:s19+$0xFFFFFF90];
	v1 =	vor.u32 v2, v1  }
0x75: {  	[tilespmem:s18+$0x10] =	vst v1;
	v1 =	vld.idx.msk [tilespmem:v3+s4+$0x0], $0xffff  }
0x76: {  	v2 =	vld [tilespmem:s20+$0x20]  }
0x77: {  	v6 =	vld [tilespmem:s25+$0x40];
	v3 =	vshll.u32 v4, $0xA  }
0x78: {  	s23 =	simm.s32 $0x10280;
	v4 =	vshll.u32 v4, $0x5;
	v0 =	vld.idx.msk [tilespmem:v0+s4+$0x0], $0xffff;
	v3 =	vand.u32 $0x3FFFC00, v3  }
0x79: {  	v7 =	vld [tilespmem:s23+$0x0];
	v4 =	vand.u32 $0xFFE00000, v4;
	v3 =	vor.u32 v5, v3  }
0x7a: {  	v5 =	vld [tilespmem:s25+$0xFFFFFFB0];
	v3 =	vor.u32 v4, v3;
	v4 =	vshll.u32 v1, $0xA  }
0x7b: {  	[tilespmem:s18+$0xFFFFFF90] =	vst v3;
	v1 =	vshll.u32 v1, $0x5;
	v3 =	vand.u32 $0x3FFFC00, v4  }
0x7c: {  	v4 =	vld [tilespmem:s20+$0xFFFFFFA0];
	v1 =	vand.u32 $0xFFE00000, v1;
	v3 =	vor.u32 v6, v3  }
0x7d: {  	v6 =	vshll.u32 v0, $0xA;
	v1 =	vor.u32 v1, v3  }
0x7e: {  	v0 =	vshll.u32 v0, $0x5;
	v3 =	vand.u32 $0x3FFFC00, v6;
	v2 =	vld.idx.msk [tilespmem:v2+s4+$0x0], $0xffff;
	[tilespmem:s17+$0x40] =	vst v1  }
0x7f: {  	v0 =	vand.u32 $0xFFE00000, v0;
	v1 =	vor.u32 v5, v3;
	v3 =	vld [tilespmem:s26+$0x50]  }
0x80: {  	v0 =	vor.u32 v0, v1  }
0x81: {  	[tilespmem:s17+$0xFFFFFFB0] =	vst v0;
	v0 =	vld [tilespmem:s19+$0x20]  }
0x82: {  	v7 =	vld.idx.msk [tilespmem:v7+s4+$0x0], $0xffff  }
0x83: {  	v5 =	vld [tilespmem:s23+$0xFFFFFF80]  }
0x84: {  	v6 =	vshll.u32 v2, $0xA;
	v4 =	vld.idx.msk [tilespmem:v4+s4+$0x0], $0xffff  }
0x85: {  	v1 =	vld [tilespmem:s26+$0xFFFFFFC0];
	v2 =	vshll.u32 v2, $0x5;
	v6 =	vand.u32 $0x3FFFC00, v6  }
0x86: {  	v8 =	vld [tilespmem:s19+$0xFFFFFFA0];
	v2 =	vand.u32 $0xFFE00000, v2;
	v0 =	vor.u32 v0, v6  }
0x87: {  	s22 =	simm.s32 $0x12280;
	v0 =	vor.u32 v2, v0;
	v2 =	vld.idx.msk [tilespmem:v3+s4+$0x0], $0xffff  }
0x88: {  	v3 =	vld [tilespmem:s22+$0x0];
	[tilespmem:s18+$0x20] =	vst v0  }
0x89: {  	v0 =	vshll.u32 v4, $0xA;
	v6 =	vld [tilespmem:s20+$0x30]  }
0x8a: {  	v9 =	vld [tilespmem:s25+$0x50];
	v4 =	vshll.u32 v4, $0x5;
	v0 =	vand.u32 $0x3FFFC00, v0  }
0x8b: {  	v10 =	vld [tilespmem:s25+$0xFFFFFFC0];
	v4 =	vand.u32 $0xFFE00000, v4;
	v0 =	vor.u32 v8, v0;
	v8 =	vshll.u32 v7, $0xA  }
0x8c: {  	v5 =	vld.idx.msk [tilespmem:v5+s4+$0x0], $0xffff;
	v7 =	vshll.u32 v7, $0x5;
	v0 =	vor.u32 v4, v0;
	v4 =	vand.u32 $0x3FFFC00, v8  }
0x8d: {  	v1 =	vld.idx.msk [tilespmem:v1+s4+$0x0], $0xffff;
	v3 =	vor.u32 v3, v4;
	v4 =	vand.u32 $0xFFE00000, v7;
	v7 =	vshll.u32 v2, $0xA  }
0x8e: {  	s21 =	simm.s32 $0x14280;
	v8 =	vld [tilespmem:s22+$0xFFFFFF80];
	[tilespmem:s18+$0xFFFFFFA0] =	vst v0;
	v2 =	vshll.u32 v2, $0x5;
	v0 =	vor.u32 v4, v3;
	v3 =	vand.u32 $0x3FFFC00, v7  }
0x8f: {  	v4 =	vld [tilespmem:s20+$0xFFFFFFB0];
	v2 =	vand.u32 $0xFFE00000, v2;
	[tilespmem:s21+$0x0] =	vst v0;
	v0 =	vor.u32 v9, v3  }
0x90: {  	v3 =	vld [tilespmem:s23+$0x10];
	v0 =	vor.u32 v2, v0  }
0x91: {  	v2 =	vshll.u32 v5, $0xA;
	v6 =	vld.idx.msk [tilespmem:v6+s4+$0x0], $0xffff;
	[tilespmem:s17+$0x50] =	vst v0  }
0x92: {  	v0 =	vand.u32 $0x3FFFC00, v2;
	v2 =	vshll.u32 v5, $0x5;
	v5 =	vld [tilespmem:s26+$0x60]  }
0x93: {  	v0 =	vor.u32 v8, v0;
	v2 =	vand.u32 $0xFFE00000, v2  }
0x94: {  	s28 =	simm.s32 $0x12380;
	v7 =	vshll.u32 v1, $0xA;
	v0 =	vor.u32 v2, v0;
	v2 =	vld [tilespmem:s19+$0x30]  }
0x95: {  	v14 =	vld [tilespmem:s28+$0xFFFFFF80];
	v1 =	vshll.u32 v1, $0x5;
	v7 =	vand.u32 $0x3FFFC00, v7;
	[tilespmem:s21+$0xFFFFFF80] =	vst v0  }
0x96: {  	v1 =	vand.u32 $0xFFE00000, v1;
	v0 =	vor.u32 v10, v7;
	v7 =	vld [tilespmem:s23+$0xFFFFFF90]  }
0x97: {  	v0 =	vor.u32 v1, v0;
	v1 =	vld.idx.msk [tilespmem:v4+s4+$0x0], $0xffff;
	v4 =	vshll.u32 v6, $0xA  }
0x98: {  	[tilespmem:s17+$0xFFFFFFC0] =	vst v0;
	v0 =	vld.idx.msk [tilespmem:v3+s4+$0x0], $0xffff;
	v3 =	vand.u32 $0x3FFFC00, v4;
	v4 =	vshll.u32 v6, $0x5  }
0x99: {  	v2 =	vor.u32 v2, v3;
	v3 =	vand.u32 $0xFFE00000, v4;
	v4 =	vld [tilespmem:s26+$0xFFFFFFD0]  }
0x9a: {  	v2 =	vor.u32 v3, v2;
	v3 =	vld.idx.msk [tilespmem:v5+s4+$0x0], $0xffff  }
0x9b: {  	v5 =	vld [tilespmem:s22+$0x10]  }
0x9c: {  	v6 =	vld [tilespmem:s25+$0x60];
	[tilespmem:s18+$0x30] =	vst v2  }
0x9d: {  	v2 =	vld [tilespmem:s20+$0x40]  }
0x9e: {  	v8 =	vld [tilespmem:s19+$0xFFFFFFB0];
	v9 =	vshll.u32 v1, $0xA;
	v10 =	vshll.u32 v0, $0xA  }
0x9f: {  	v1 =	vshll.u32 v1, $0x5;
	v7 =	vld.idx.msk [tilespmem:v7+s4+$0x0], $0xffff;
	v0 =	vshll.u32 v0, $0x5;
	v10 =	vand.u32 $0x3FFFC00, v10  }
0xa0: {  	v11 =	vld [tilespmem:s22+$0xFFFFFF90];
	v0 =	vand.u32 $0xFFE00000, v0;
	v5 =	vor.u32 v5, v10;
	v10 =	vshll.u32 v3, $0xA  }
0xa1: {  	s24 =	simm.s32 $0x10380;
	v12 =	vld [tilespmem:s25+$0xFFFFFFD0];
	v3 =	vshll.u32 v3, $0x5;
	v0 =	vor.u32 v0, v5;
	v5 =	vand.u32 $0x3FFFC00, v10  }
0xa2: {  	v9 =	vand.u32 $0x3FFFC00, v9;
	v3 =	vand.u32 $0xFFE00000, v3;
	v10 =	vld [tilespmem:s24+$0x0];
	[tilespmem:s21+$0x10] =	vst v0;
	v0 =	vor.u32 v6, v5  }
0xa3: {  	v1 =	vand.u32 $0xFFE00000, v1;
	v4 =	vld.idx.msk [tilespmem:v4+s4+$0x0], $0xffff;
	v5 =	vor.u32 v8, v9;
	v0 =	vor.u32 v3, v0  }
0xa4: {  	v6 =	vld [tilespmem:s23+$0x20];
	v1 =	vor.u32 v1, v5;
	v3 =	vshll.u32 v7, $0xA;
	[tilespmem:s17+$0x60] =	vst v0  }
0xa5: {  	[tilespmem:s18+$0xFFFFFFB0] =	vst v1;
	v0 =	vshll.u32 v7, $0x5;
	v1 =	vand.u32 $0x3FFFC00, v3;
	v2 =	vld.idx.msk [tilespmem:v2+s4+$0x0], $0xffff  }
0xa6: {  	v51 =	vld [tilespmem:s22+$0x20];
	v0 =	vand.u32 $0xFFE00000, v0;
	v1 =	vor.u32 v11, v1  }
0xa7: {  	v0 =	vor.u32 v0, v1;
	v1 =	vld [tilespmem:s19+$0x40]  }
0xa8: {  	v3 =	vld [tilespmem:s26+$0x70]  }
0xa9: {  	v5 =	vld [tilespmem:s20+$0xFFFFFFC0];
	[tilespmem:s21+$0xFFFFFF90] =	vst v0  }
0xaa: {  	v7 =	vld [tilespmem:s23+$0xFFFFFFA0];
	v9 =	vshll.u32 v2, $0xA  }
0xab: {  	v0 =	vld [tilespmem:s19+$0xFFFFFFC0];
	v2 =	vshll.u32 v2, $0x5;
	v9 =	vand.u32 $0x3FFFC00, v9  }
0xac: {  	v8 =	vld [tilespmem:s22+$0xFFFFFFA0];
	v2 =	vand.u32 $0xFFE00000, v2;
	v1 =	vor.u32 v1, v9  }
0xad: {  	v1 =	vor.u32 v2, v1;
	v2 =	vld [tilespmem:s24+$0xFFFFFF80]  }
0xae: {  	v6 =	vld.idx.msk [tilespmem:v6+s4+$0x0], $0xffff;
	[tilespmem:s18+$0x40] =	vst v1  }
0xaf: {  	v1 =	vshll.u32 v4, $0xA;
	v9 =	vld [tilespmem:s20+$0x50]  }
0xb0: {  	v11 =	vshll.u32 v4, $0x5;
	v10 =	vld.idx.msk [tilespmem:v10+s4+$0x0], $0xffff;
	v1 =	vand.u32 $0x3FFFC00, v1  }
0xb1: {  	v11 =	vand.u32 $0xFFE00000, v11;
	v3 =	vld.idx.msk [tilespmem:v3+s4+$0x0], $0xffff;
	v1 =	vor.u32 v12, v1  }
0xb2: {  	v7 =	vld.idx.msk [tilespmem:v7+s4+$0x0], $0xffff;
	v1 =	vor.u32 v11, v1  }
0xb3: {  	[tilespmem:s17+$0xFFFFFFD0] =	vst v1;
	v1 =	vld.idx.msk [tilespmem:v5+s4+$0x0], $0xffff;
	v5 =	vshll.u32 v6, $0xA  }
0xb4: {  	v6 =	vshll.u32 v6, $0x5;
	v11 =	vld [tilespmem:s26+$0xFFFFFFE0];
	v5 =	vand.u32 $0x3FFFC00, v5  }
0xb5: {  	v6 =	vand.u32 $0xFFE00000, v6;
	v5 =	vor.u32 v51, v5;
	v2 =	vld.idx.msk [tilespmem:v2+s4+$0x0], $0xffff  }
0xb6: {  	v5 =	vor.u32 v6, v5;
	v6 =	vld [tilespmem:s28+$0x0]  }
0xb7: {  	v52 =	vshll.u32 v7, $0xA;
	[tilespmem:s21+$0x20] =	vst v5;
	v9 =	vld.idx.msk [tilespmem:v9+s4+$0x0], $0xffff  }
0xb8: {  	v5 =	vshll.u32 v7, $0x5;
	v7 =	vand.u32 $0x3FFFC00, v52;
	v53 =	vld [tilespmem:s23+$0x30]  }
0xb9: {  	v13 =	vshll.u32 v10, $0xA;
	v5 =	vand.u32 $0xFFE00000, v5;
	v7 =	vor.u32 v8, v7;
	v8 =	vld [tilespmem:s19+$0x50]  }
0xba: {  	v4 =	vld [tilespmem:s25+$0x70];
	v10 =	vshll.u32 v10, $0x5;
	v5 =	vor.u32 v5, v7;
	v7 =	vand.u32 $0x3FFFC00, v13  }
0xbb: {  	v54 =	vld [tilespmem:s25+$0xFFFFFFE0];
	v6 =	vor.u32 v6, v7;
	v7 =	vand.u32 $0xFFE00000, v10  }
0xbc: {  	s29 =	simm.s32 $0x14380;
	[tilespmem:s21+$0xFFFFFFA0] =	vst v5;
	v5 =	vld.idx.msk [tilespmem:v11+s4+$0x0], $0xffff;
	v6 =	vor.u32 v7, v6;
	v11 =	vshll.u32 v9, $0xA  }
0xbd: {  	v10 =	vld [tilespmem:s23+$0xFFFFFFB0];
	v9 =	vshll.u32 v9, $0x5;
	[tilespmem:s29+$0x0] =	vst v6;
	v11 =	vand.u32 $0x3FFFC00, v11  }
0xbe: {  	v6 =	vshll.u32 v2, $0xA;
	v9 =	vand.u32 $0xFFE00000, v9;
	v8 =	vor.u32 v8, v11;
	v11 =	vld [tilespmem:s24+$0x10]  }
0xbf: {  	v7 =	vld [tilespmem:s22+$0xFFFFFFB0];
	v2 =	vshll.u32 v2, $0x5;
	v6 =	vand.u32 $0x3FFFC00, v6;
	v8 =	vor.u32 v9, v8  }
0xc0: {  	v2 =	vand.u32 $0xFFE00000, v2;
	v6 =	vor.u32 v14, v6;
	v9 =	vld.idx.msk [tilespmem:v53+s4+$0x0], $0xffff;
	[tilespmem:s18+$0x50] =	vst v8  }
0xc1: {  	v2 =	vor.u32 v2, v6;
	v6 =	vld [tilespmem:s20+$0x60]  }
0xc2: {  	v8 =	vshll.u32 v1, $0xA;
	[tilespmem:s29+$0xFFFFFF80] =	vst v2;
	v2 =	vld [tilespmem:s22+$0x30]  }
0xc3: {  	v1 =	vshll.u32 v1, $0x5;
	v8 =	vand.u32 $0x3FFFC00, v8;
	v55 =	vld [tilespmem:s24+$0xFFFFFF90]  }
0xc4: {  	v1 =	vand.u32 $0xFFE00000, v1;
	v56 =	vld [tilespmem:s19+$0x60];
	v0 =	vor.u32 v0, v8  }
0xc5: {  	v10 =	vld.idx.msk [tilespmem:v10+s4+$0x0], $0xffff;
	v0 =	vor.u32 v1, v0;
	v1 =	vshll.u32 v9, $0xA  }
0xc6: {  	[tilespmem:s18+$0xFFFFFFC0] =	vst v0;
	v9 =	vshll.u32 v9, $0x5;
	v1 =	vand.u32 $0x3FFFC00, v1;
	v0 =	vld.idx.msk [tilespmem:v11+s4+$0x0], $0xffff  }
0xc7: {  	v1 =	vor.u32 v2, v1;
	v2 =	vand.u32 $0xFFE00000, v9;
	v9 =	vld [tilespmem:s20+$0xFFFFFFD0]  }
0xc8: {  	v1 =	vor.u32 v2, v1;
	v2 =	vld [tilespmem:s28+$0x10]  }
0xc9: {  	v11 =	vshll.u32 v5, $0xA;
	[tilespmem:s21+$0x30] =	vst v1;
	v6 =	vld.idx.msk [tilespmem:v6+s4+$0x0], $0xffff  }
0xca: {  	v5 =	vshll.u32 v5, $0x5;
	v1 =	vand.u32 $0x3FFFC00, v11;
	v11 =	vld [tilespmem:s23+$0x40]  }
0xcb: {  	v8 =	vld [tilespmem:s28+$0xFFFFFF90];
	v5 =	vand.u32 $0xFFE00000, v5;
	v1 =	vor.u32 v54, v1;
	v57 =	vshll.u32 v0, $0xA  }
0xcc: {  	v59 =	vld [tilespmem:s19+$0xFFFFFFD0];
	v1 =	vor.u32 v5, v1;
	v0 =	vshll.u32 v0, $0x5;
	v58 =	vand.u32 $0x3FFFC00, v57  }
0xcd: {  	v5 =	vld.idx.msk [tilespmem:v55+s4+$0x0], $0xffff;
	[tilespmem:s17+$0xFFFFFFE0] =	vst v1;
	v0 =	vand.u32 $0xFFE00000, v0;
	v1 =	vor.u32 v2, v58  }
0xce: {  	v2 =	vshll.u32 v10, $0xA;
	v60 =	vshll.u32 v6, $0xA;
	v0 =	vor.u32 v0, v1;
	v1 =	vld [tilespmem:s26+$0xFFFFFFF0]  }
0xcf: {  	v10 =	vshll.u32 v10, $0x5;
	v15 =	vld.idx.msk [tilespmem:v9+s4+$0x0], $0xffff;
	v6 =	vshll.u32 v6, $0x5;
	v9 =	vand.u32 $0x3FFFC00, v60  }
0xd0: {  	v2 =	vand.u32 $0x3FFFC00, v2;
	[tilespmem:s29+$0x10] =	vst v0;
	v6 =	vand.u32 $0xFFE00000, v6;
	v0 =	vld [tilespmem:s25+$0xFFFFFFF0];
	v12 =	vor.u32 v56, v9  }
0xd1: {  	v10 =	vand.u32 $0xFFE00000, v10;
	v2 =	vor.u32 v7, v2;
	v9 =	vld [tilespmem:s24+$0x20];
	v7 =	vor.u32 v6, v12  }
0xd2: {  	v61 =	vshll.u32 v3, $0xA;
	v2 =	vor.u32 v10, v2;
	v10 =	vshll.u32 v5, $0xA;
	v6 =	vld.idx.msk [tilespmem:v11+s4+$0x0], $0xffff;
	[tilespmem:s18+$0x60] =	vst v7  }
0xd3: {  	v3 =	vshll.u32 v3, $0x5;
	v5 =	vshll.u32 v5, $0x5;
	[tilespmem:s21+$0xFFFFFFB0] =	vst v2;
	v10 =	vand.u32 $0x3FFFC00, v10;
	v2 =	vld [tilespmem:s20+$0x70]  }
0xd4: {  	v11 =	vand.u32 $0xFFE00000, v5;
	v7 =	vand.u32 $0x3FFFC00, v61;
	v8 =	vor.u32 v8, v10;
	v5 =	vld [tilespmem:s23+$0xFFFFFFC0]  }
0xd5: {  	v4 =	vor.u32 v4, v7;
	v8 =	vor.u32 v11, v8;
	v7 =	vld [tilespmem:s22+$0x40];
	v10 =	vshll.u32 v15, $0xA  }
0xd6: {  	v11 =	vand.u32 $0xFFE00000, v3;
	v62 =	vshll.u32 v15, $0x5;
	v3 =	vld [tilespmem:s22+$0xFFFFFFC0];
	[tilespmem:s29+$0xFFFFFF90] =	vst v8;
	v8 =	vand.u32 $0x3FFFC00, v10  }
0xd7: {  	s30 =	simm.s32 $0x6;
	v4 =	vor.u32 v11, v4;
	v12 =	vand.u32 $0xFFE00000, v62;
	v11 =	vld [tilespmem:s24+$0xFFFFFFA0];
	v63 =	vor.u32 v59, v8  }
0xd8: {  	s31 =	simm.s32 $0x10480;
	s26 =	simm.s32 $0x12380;
	s25 =	simm.s32 $0x14380;
	[tilespmem:s17+$0x70] =	vst v4;
	v8 =	vld [tilespmem:s28+$0xFFFFFFA0];
	v10 =	vshll.u32 v6, $0xA;
	v4 =	vor.u32 v12, v63  }
.LBB2_6:
0xd9: {  	v12 =	vld [tilespmem:s31+$0x0];
	v10 =	vand.u32 $0x3FFFC00, v10;
	v6 =	vshll.u32 v6, $0x5;
	[tilespmem:s18+$0xFFFFFFD0] =	vst v4  }
0xda: {  	v4 =	vld.idx.msk [tilespmem:v9+s4+$0x0], $0xffff;
	v7 =	vor.u32 v7, v10;
	v6 =	vand.u32 $0xFFE00000, v6  }
0xdb: {  	v6 =	vor.u32 v6, v7;
	v2 =	vld.idx.msk [tilespmem:v2+s4+$0x0], $0xffff  }
0xdc: {  	v7 =	vld [tilespmem:s31+$0xFFFFFF80];
	[tilespmem:s21+$0x40] =	vst v6  }
0xdd: {  	v6 =	vld [tilespmem:s23+$0x50]  }
0xde: {  	s30 =	sadd.s32 $0x2, s30;
	v9 =	vld [tilespmem:s19+$0x70]  }
0xdf: {  	p0 =	slt.u32 s30, $0x3E;
	v10 =	vld [tilespmem:s28+$0x20]  }
0xe0: {  	v11 =	vld.idx.msk [tilespmem:v11+s4+$0x0], $0xffff  }
0xe1: {  	v13 =	vshll.u32 v4, $0x5;
	v14 =	vshll.u32 v2, $0xA;
	v5 =	vld.idx.msk [tilespmem:v5+s4+$0x0], $0xffff  }
0xe2: {  	v4 =	vshll.u32 v4, $0xA;
	v2 =	vshll.u32 v2, $0x5;
	v14 =	vand.u32 $0x3FFFC00, v14;
	v15 =	vld [tilespmem:s20+$0xFFFFFFE0]  }
0xe3: {  	v4 =	vand.u32 $0x3FFFC00, v4;
	v2 =	vand.u32 $0xFFE00000, v2;
	v12 =	vld.idx.msk [tilespmem:v12+s4+$0x0], $0xffff;
	v9 =	vor.u32 v9, v14  }
0xe4: {  	v7 =	vld.idx.msk [tilespmem:v7+s4+$0x0], $0xffff;
	v4 =	vor.u32 v10, v4;
	v10 =	vand.u32 $0xFFE00000, v13;
	v2 =	vor.u32 v2, v9  }
0xe5: {  	s28 =	sadd.s32 $0x100, s28;
	v4 =	vor.u32 v10, v4;
	v6 =	vld.idx.msk [tilespmem:v6+s4+$0x0], $0xffff;
	[tilespmem:s18+$0x70] =	vst v2  }
0xe6: {  	v9 =	vshll.u32 v11, $0xA;
	v10 =	vshll.u32 v11, $0x5;
	v2 =	vld [tilespmem:s28+$0x0];
	[tilespmem:s29+$0x20] =	vst v4  }
0xe7: {  	v4 =	vand.u32 $0x3FFFC00, v9;
	v9 =	vand.u32 $0xFFE00000, v10;
	v11 =	vshll.u32 v5, $0xA;
	v10 =	vld [tilespmem:s24+$0x30]  }
0xe8: {  	v5 =	vshll.u32 v5, $0x5;
	v4 =	vor.u32 v8, v4;
	v8 =	vand.u32 $0x3FFFC00, v11;
	v11 =	vld [tilespmem:s22+$0x50]  }
0xe9: {  	v14 =	vshll.u32 v12, $0xA;
	v4 =	vor.u32 v9, v4;
	v3 =	vor.u32 v3, v8;
	v13 =	vld [tilespmem:s28+$0xFFFFFF80]  }
0xea: {  	v12 =	vshll.u32 v12, $0x5;
	v8 =	vshll.u32 v7, $0xA;
	v9 =	vand.u32 $0x3FFFC00, v14;
	[tilespmem:s29+$0xFFFFFFA0] =	vst v4;
	v4 =	vld.idx.msk [tilespmem:v15+s4+$0x0], $0xffff  }
0xeb: {  	v14 =	vshll.u32 v6, $0xA;
	v2 =	vor.u32 v2, v9;
	v9 =	vand.u32 $0xFFE00000, v12;
	v12 =	vld [tilespmem:s24+$0xFFFFFFB0]  }
0xec: {  	s29 =	sadd.s32 $0x100, s29;
	v6 =	vshll.u32 v6, $0x5;
	v14 =	vand.u32 $0x3FFFC00, v14;
	v2 =	vor.u32 v9, v2;
	v9 =	vld [tilespmem:s26+$0xFFFFFFB0]  }
0xed: {  	v8 =	vand.u32 $0x3FFFC00, v8;
	v6 =	vand.u32 $0xFFE00000, v6;
	[tilespmem:s29+$0x0] =	vst v2;
	v2 =	vor.u32 v11, v14;
	v11 =	vld [tilespmem:s19+$0xFFFFFFE0]  }
0xee: {  	v7 =	vshll.u32 v7, $0x5;
	v8 =	vor.u32 v13, v8;
	v13 =	vld [tilespmem:s31+$0x10];
	v2 =	vor.u32 v6, v2  }
0xef: {  	v5 =	vand.u32 $0xFFE00000, v5;
	v6 =	vand.u32 $0xFFE00000, v7;
	v7 =	vld.idx.msk [tilespmem:v10+s4+$0x0], $0xffff;
	[tilespmem:s21+$0x50] =	vst v2  }
0xf0: {  	v3 =	vor.u32 v5, v3;
	v2 =	vor.u32 v6, v8;
	v6 =	vshll.u32 v4, $0xA;
	v5 =	vld [tilespmem:s23+$0x60]  }
0xf1: {  	v4 =	vshll.u32 v4, $0x5;
	[tilespmem:s29+$0xFFFFFF80] =	vst v2;
	v2 =	vand.u32 $0x3FFFC00, v6;
	v1 =	vld.idx.msk [tilespmem:v1+s4+$0x0], $0xffff  }
0xf2: {  	v6 =	vld [tilespmem:s26+$0x30];
	[tilespmem:s21+$0xFFFFFFC0] =	vst v3;
	v2 =	vor.u32 v11, v2;
	v3 =	vand.u32 $0xFFE00000, v4  }
0xf3: {  	v4 =	vld [tilespmem:s31+$0xFFFFFF90];
	v2 =	vor.u32 v3, v2  }
0xf4: {  	v3 =	vld [tilespmem:s28+$0xFFFFFF90];
	[tilespmem:s18+$0xFFFFFFE0] =	vst v2  }
0xf5: {  	v8 =	vshll.u32 v7, $0xA;
	v2 =	vld.idx.msk [tilespmem:v12+s4+$0x0], $0xffff  }
0xf6: {  	v7 =	vshll.u32 v7, $0x5;
	v8 =	vand.u32 $0x3FFFC00, v8;
	v10 =	vld.idx.msk [tilespmem:v13+s4+$0x0], $0xffff  }
0xf7: {  	v7 =	vand.u32 $0xFFE00000, v7;
	v11 =	vshll.u32 v1, $0xA;
	v6 =	vor.u32 v6, v8;
	v8 =	vld [tilespmem:s23+$0xFFFFFFD0]  }
0xf8: {  	v1 =	vshll.u32 v1, $0x5;
	v6 =	vor.u32 v7, v6;
	v5 =	vld.idx.msk [tilespmem:v5+s4+$0x0], $0xffff;
	v7 =	vand.u32 $0x3FFFC00, v11  }
0xf9: {  	v1 =	vand.u32 $0xFFE00000, v1;
	v11 =	vld [tilespmem:s28+$0x10];
	[tilespmem:s25+$0x30] =	vst v6;
	v0 =	vor.u32 v0, v7  }
0xfa: {  	v6 =	vld [tilespmem:s24+$0x40];
	v0 =	vor.u32 v1, v0  }
0xfb: {  	v1 =	vshll.u32 v2, $0xA;
	v2 =	vshll.u32 v2, $0x5;
	v7 =	vld [tilespmem:s22+$0x60];
	[tilespmem:s17+$0xFFFFFFF0] =	vst v0;
	s17 =	smov.u32 s18;
	s18 =	smov.u32 s21;
	s21 =	smov.u32 s25  }
0xfc: {  	v0 =	vshll.u32 v10, $0xA;
	v1 =	vand.u32 $0x3FFFC00, v1;
	v2 =	vand.u32 $0xFFE00000, v2;
	s25 =	smov.u32 s29;
	v4 =	vld.idx.msk [tilespmem:v4+s4+$0x0], $0xffff  }
0xfd: {  	v10 =	vshll.u32 v10, $0x5;
	v0 =	vand.u32 $0x3FFFC00, v0;
	v9 =	vor.u32 v9, v1;
	v12 =	vld [tilespmem:s22+$0xFFFFFFD0]  }
0xfe: {  	v10 =	vand.u32 $0xFFE00000, v10;
	v0 =	vor.u32 v11, v0;
	v11 =	vshll.u32 v5, $0xA;
	v1 =	vld [tilespmem:s20+$0xFFFFFFF0];
	s20 =	smov.u32 s23;
	s23 =	smov.u32 s24;
	s24 =	smov.u32 s31  }
0xff: {  	v5 =	vshll.u32 v5, $0x5;
	v0 =	vor.u32 v10, v0;
	v8 =	vld.idx.msk [tilespmem:v8+s4+$0x0], $0xffff;
	v10 =	vand.u32 $0x3FFFC00, v11  }
0x100: {  	v2 =	vor.u32 v2, v9;
	v5 =	vand.u32 $0xFFE00000, v5;
	[tilespmem:s29+$0x10] =	vst v0;
	v7 =	vor.u32 v7, v10;
	v0 =	vld [tilespmem:s19+$0xFFFFFFF0];
	s19 =	smov.u32 s22;
	s22 =	smov.u32 s26;
	s26 =	smov.u32 s28  }
0x101: {  	v9 =	vld [tilespmem:s31+$0x20];
	[tilespmem:s21+$0xFFFFFFB0] =	vst v2;
	v2 =	vor.u32 v5, v7  }
0x102: {  	v5 =	vshll.u32 v4, $0xA;
	v4 =	vshll.u32 v4, $0x5;
	v6 =	vld.idx.msk [tilespmem:v6+s4+$0x0], $0xffff;
	[tilespmem:s18+$0x60] =	vst v2  }
0x103: {  	v5 =	vand.u32 $0x3FFFC00, v5;
	v4 =	vand.u32 $0xFFE00000, v4;
	v2 =	vld [tilespmem:s20+$0x70]  }
.Ltmp2:
0x104: {  	v3 =	vor.u32 v3, v5;
	v5 =	vld [tilespmem:s23+$0xFFFFFFC0];
	(pc) =	sbr.rel @p0 .LBB2_6-.Ltmp2, $4  }
0x105: {  	v3 =	vor.u32 v4, v3;
	v4 =	vshll.u32 v8, $0xA;
	v8 =	vshll.u32 v8, $0x5;
	v7 =	vld [tilespmem:s22+$0x40]  }
0x106: {  	v4 =	vand.u32 $0x3FFFC00, v4;
	v13 =	vand.u32 $0xFFE00000, v8;
	[tilespmem:s29+$0xFFFFFF90] =	vst v3;
	v3 =	vld [tilespmem:s22+$0xFFFFFFC0]  }
0x107: {  	v4 =	vor.u32 v12, v4;
	v11 =	vld [tilespmem:s31+$0xFFFFFFA0]  }
0x108: {  	s31 =	sadd.s32 $0x100, s31;
	v10 =	vshll.u32 v6, $0xA;
	v4 =	vor.u32 v13, v4;
	v8 =	vld [tilespmem:s28+$0xFFFFFFA0]  }
0x109: {  	_ =	sdelay $0x3  }
0x10a: {  	v9 =	vld.idx.msk [tilespmem:v9+s4+$0x0], $0xffff;
	_ =	sdelay $0x1  }
0x10b: {  	v12 =	vld [tilespmem:s28+$0x20];
	_ =	sdelay $0x1  }
0x10c: {  	v11 =	vld.idx.msk [tilespmem:v11+s4+$0x0], $0xffff  }
0x10d: {  	v13 =	vshll.u32 v9, $0xA  }
0x10e: {  	v9 =	vshll.u32 v9, $0x5;
	v13 =	vand.u32 $0x3FFFC00, v13  }
0x10f: {  	v9 =	vand.u32 $0xFFE00000, v9;
	v12 =	vor.u32 v12, v13  }
0x110: {  	v9 =	vor.u32 v9, v12  }
0x111: {  	v32 =	vshll.u32 v11, $0xA;
	[tilespmem:s29+$0x20] =	vst v9  }
0x112: {  	v33 =	vshll.u32 v11, $0x5;
	v34 =	vand.u32 $0x3FFFC00, v32;
	v35 =	vld [tilespmem:s24+$0x30]  }
0x113: {  	v9 =	vand.u32 $0xFFE00000, v33;
	v8 =	vor.u32 v8, v34  }
0x114: {  	v8 =	vor.u32 v9, v8  }
0x115: {  	[tilespmem:s29+$0xFFFFFFA0] =	vst v8  }
0x116: {  	v8 =	vld [tilespmem:s24+$0xFFFFFFB0];
	_ =	sdelay $0x3  }
0x117: {  	v36 =	vld.idx.msk [tilespmem:v35+s4+$0x0], $0xffff;
	_ =	sdelay $0x1  }
0x118: {  	v37 =	vld [tilespmem:s26+$0x30];
	_ =	sdelay $0x1  }
0x119: {  	v8 =	vld.idx.msk [tilespmem:v8+s4+$0x0], $0xffff  }
0x11a: {  	v12 =	vshll.u32 v36, $0xA  }
0x11b: {  	v38 =	vld [tilespmem:s26+$0xFFFFFFB0];
	v9 =	vshll.u32 v36, $0x5;
	v12 =	vand.u32 $0x3FFFC00, v12  }
0x11c: {  	v9 =	vand.u32 $0xFFE00000, v9;
	v11 =	vor.u32 v37, v12  }
0x11d: {  	v9 =	vor.u32 v9, v11  }
0x11e: {  	v39 =	vshll.u32 v8, $0xA;
	[tilespmem:s25+$0x30] =	vst v9  }
0x11f: {  	v8 =	vshll.u32 v8, $0x5;
	v9 =	vand.u32 $0x3FFFC00, v39;
	v40 =	vld [tilespmem:s24+$0x40]  }
0x120: {  	v8 =	vand.u32 $0xFFE00000, v8;
	v9 =	vor.u32 v38, v9  }
0x121: {  	v8 =	vor.u32 v8, v9  }
0x122: {  	[tilespmem:s25+$0xFFFFFFB0] =	vst v8  }
0x123: {  	v8 =	vld [tilespmem:s24+$0xFFFFFFC0];
	_ =	sdelay $0x1  }
0x124: {  	v5 =	vld.idx.msk [tilespmem:v5+s4+$0x0], $0xffff;
	_ =	sdelay $0x1  }
0x125: {  	v41 =	vld.idx.msk [tilespmem:v40+s4+$0x0], $0xffff  }
0x126: {  	v10 =	vand.u32 $0x3FFFC00, v10;
	v6 =	vshll.u32 v6, $0x5  }
0x127: {  	v7 =	vor.u32 v7, v10;
	v6 =	vand.u32 $0xFFE00000, v6;
	v42 =	vld [tilespmem:s26+$0x40]  }
0x128: {  	v6 =	vor.u32 v6, v7;
	v7 =	vshll.u32 v5, $0xA  }
0x129: {  	[tilespmem:s21+$0x40] =	vst v6;
	v6 =	vand.u32 $0x3FFFC00, v7;
	v7 =	vld.idx.msk [tilespmem:v8+s4+$0x0], $0xffff  }
0x12a: {  	v5 =	vshll.u32 v5, $0x5;
	v3 =	vor.u32 v3, v6;
	v8 =	vld [tilespmem:s23+$0x50];
	v6 =	vshll.u32 v41, $0xA  }
0x12b: {  	v5 =	vand.u32 $0xFFE00000, v5;
	v43 =	vld [tilespmem:s26+$0xFFFFFFC0];
	v9 =	vshll.u32 v41, $0x5;
	v6 =	vand.u32 $0x3FFFC00, v6  }
0x12c: {  	v3 =	vor.u32 v5, v3;
	v5 =	vor.u32 v42, v6;
	v6 =	vand.u32 $0xFFE00000, v9  }
0x12d: {  	[tilespmem:s21+$0xFFFFFFC0] =	vst v3;
	v3 =	vor.u32 v6, v5  }
0x12e: {  	v5 =	vld [tilespmem:s23+$0xFFFFFFD0];
	[tilespmem:s25+$0x40] =	vst v3;
	v3 =	vshll.u32 v7, $0xA  }
0x12f: {  	v7 =	vshll.u32 v7, $0x5;
	v6 =	vld [tilespmem:s24+$0x50];
	v3 =	vand.u32 $0x3FFFC00, v3  }
0x130: {  	v7 =	vand.u32 $0xFFE00000, v7;
	v3 =	vor.u32 v43, v3  }
0x131: {  	v3 =	vor.u32 v7, v3  }
0x132: {  	v7 =	vld.idx.msk [tilespmem:v8+s4+$0x0], $0xffff;
	[tilespmem:s25+$0xFFFFFFC0] =	vst v3  }
0x133: {  	v3 =	vld [tilespmem:s24+$0xFFFFFFD0]  }
0x134: {  	v8 =	vld [tilespmem:s22+$0x50];
	_ =	sdelay $0x1  }
0x135: {  	v5 =	vld.idx.msk [tilespmem:v5+s4+$0x0], $0xffff  }
0x136: {  	v44 =	vshll.u32 v7, $0xA;
	v6 =	vld.idx.msk [tilespmem:v6+s4+$0x0], $0xffff  }
0x137: {  	v7 =	vshll.u32 v7, $0x5;
	v9 =	vand.u32 $0x3FFFC00, v44  }
0x138: {  	v45 =	vld [tilespmem:s26+$0x50];
	v7 =	vand.u32 $0xFFE00000, v7;
	v8 =	vor.u32 v8, v9  }
0x139: {  	v7 =	vor.u32 v7, v8;
	v8 =	vld [tilespmem:s22+$0xFFFFFFD0]  }
0x13a: {  	[tilespmem:s21+$0x50] =	vst v7;
	v3 =	vld.idx.msk [tilespmem:v3+s4+$0x0], $0xffff  }
0x13b: {  	v46 =	vshll.u32 v5, $0xA;
	v7 =	vld [tilespmem:s23+$0x60];
	v47 =	vshll.u32 v6, $0xA  }
0x13c: {  	v48 =	vld [tilespmem:s26+$0xFFFFFFD0];
	v5 =	vshll.u32 v5, $0x5;
	v6 =	vshll.u32 v6, $0x5;
	v11 =	vand.u32 $0x3FFFC00, v47  }
0x13d: {  	[tilespmem:s18+$0xFFFFFFD0] =	vst v4;
	v4 =	vand.u32 $0x3FFFC00, v46;
	v6 =	vand.u32 $0xFFE00000, v6;
	v9 =	vor.u32 v45, v11  }
0x13e: {  	v49 =	vld [tilespmem:s20+$0xFFFFFFE0];
	v5 =	vand.u32 $0xFFE00000, v5;
	v4 =	vor.u32 v8, v4;
	v6 =	vor.u32 v6, v9  }
0x13f: {  	v4 =	vor.u32 v5, v4;
	[tilespmem:s25+$0x50] =	vst v6;
	v5 =	vshll.u32 v3, $0xA  }
0x140: {  	[tilespmem:s21+$0xFFFFFFD0] =	vst v4;
	v3 =	vshll.u32 v3, $0x5;
	v4 =	vld [tilespmem:s24+$0x60];
	v5 =	vand.u32 $0x3FFFC00, v5  }
0x141: {  	v3 =	vand.u32 $0xFFE00000, v3;
	v5 =	vor.u32 v48, v5  }
0x142: {  	v6 =	vld [tilespmem:s23+$0xFFFFFFE0];
	v3 =	vor.u32 v3, v5  }
0x143: {  	v5 =	vld.idx.msk [tilespmem:v7+s4+$0x0], $0xffff;
	[tilespmem:s25+$0xFFFFFFD0] =	vst v3  }
0x144: {  	v3 =	vld [tilespmem:s24+$0xFFFFFFE0]  }
0x145: {  	v7 =	vld [tilespmem:s22+$0x60]  }
0x146: {  	v8 =	vld.idx.msk [tilespmem:v49+s4+$0x0], $0xffff  }
0x147: {  	v50 =	vld [tilespmem:s19+$0xFFFFFFE0]  }
0x148: {  	v51 =	vshll.u32 v5, $0xA;
	v4 =	vld.idx.msk [tilespmem:v4+s4+$0x0], $0xffff  }
0x149: {  	v52 =	vld [tilespmem:s26+$0x60];
	v5 =	vshll.u32 v5, $0x5;
	v10 =	vand.u32 $0x3FFFC00, v51  }
0x14a: {  	v6 =	vld.idx.msk [tilespmem:v6+s4+$0x0], $0xffff;
	v5 =	vand.u32 $0xFFE00000, v5;
	v7 =	vor.u32 v7, v10  }
0x14b: {  	v53 =	vshll.u32 v8, $0xA;
	v5 =	vor.u32 v5, v7;
	v7 =	vld [tilespmem:s22+$0xFFFFFFE0]  }
0x14c: {  	v8 =	vshll.u32 v8, $0x5;
	v11 =	vand.u32 $0x3FFFC00, v53;
	[tilespmem:s21+$0x60] =	vst v5;
	v3 =	vld.idx.msk [tilespmem:v3+s4+$0x0], $0xffff  }
0x14d: {  	v8 =	vand.u32 $0xFFE00000, v8;
	v5 =	vor.u32 v50, v11;
	v54 =	vld [tilespmem:s23+$0x70];
	v55 =	vshll.u32 v4, $0xA  }
0x14e: {  	v56 =	vld [tilespmem:s26+$0xFFFFFFE0];
	v5 =	vor.u32 v8, v5;
	v4 =	vshll.u32 v4, $0x5;
	v8 =	vand.u32 $0x3FFFC00, v55  }
0x14f: {  	v2 =	vld.idx.msk [tilespmem:v2+s4+$0x0], $0xffff;
	[tilespmem:s18+$0xFFFFFFE0] =	vst v5;
	v5 =	vshll.u32 v6, $0xA;
	v4 =	vand.u32 $0xFFE00000, v4;
	v8 =	vor.u32 v52, v8  }
0x150: {  	v6 =	vshll.u32 v6, $0x5;
	v57 =	vld [tilespmem:s20+$0xFFFFFFF0];
	v5 =	vand.u32 $0x3FFFC00, v5;
	v4 =	vor.u32 v4, v8  }
0x151: {  	v1 =	vld.idx.msk [tilespmem:v1+s4+$0x0], $0xffff;
	v6 =	vand.u32 $0xFFE00000, v6;
	v5 =	vor.u32 v7, v5;
	[tilespmem:s25+$0x60] =	vst v4;
	v4 =	vshll.u32 v3, $0xA  }
0x152: {  	v8 =	vld [tilespmem:s19+$0x70];
	v5 =	vor.u32 v6, v5;
	v3 =	vshll.u32 v3, $0x5;
	v4 =	vand.u32 $0x3FFFC00, v4  }
0x153: {  	[tilespmem:s21+$0xFFFFFFE0] =	vst v5;
	v6 =	vld [tilespmem:s24+$0x70];
	v3 =	vand.u32 $0xFFE00000, v3;
	v4 =	vor.u32 v56, v4  }
0x154: {  	v5 =	vld [tilespmem:s23+$0xFFFFFFF0];
	v3 =	vor.u32 v3, v4  }
0x155: {  	v4 =	vld.idx.msk [tilespmem:v54+s4+$0x0], $0xffff;
	[tilespmem:s25+$0xFFFFFFE0] =	vst v3  }
0x156: {  	v3 =	vld [tilespmem:s24+$0xFFFFFFF0]  }
0x157: {  	v58 =	vld [tilespmem:s22+$0x70];
	v7 =	vshll.u32 v2, $0xA  }
0x158: {  	v2 =	vshll.u32 v2, $0x5;
	v7 =	vand.u32 $0x3FFFC00, v7;
	v10 =	vld.idx.msk [tilespmem:v57+s4+$0x0], $0xffff  }
0x159: {  	v2 =	vand.u32 $0xFFE00000, v2;
	v7 =	vor.u32 v8, v7;
	v8 =	vshll.u32 v1, $0xA  }
0x15a: {  	v59 =	vld [tilespmem:s19+$0xFFFFFFF0];
	v1 =	vshll.u32 v1, $0x5;
	v2 =	vor.u32 v2, v7;
	v7 =	vand.u32 $0x3FFFC00, v8  }
0x15b: {  	v1 =	vand.u32 $0xFFE00000, v1;
	v0 =	vor.u32 v0, v7;
	v7 =	vshll.u32 v4, $0xA;
	v6 =	vld.idx.msk [tilespmem:v6+s4+$0x0], $0xffff  }
0x15c: {  	v0 =	vor.u32 v1, v0;
	v4 =	vshll.u32 v4, $0x5;
	v7 =	vand.u32 $0x3FFFC00, v7;
	v5 =	vld.idx.msk [tilespmem:v5+s4+$0x0], $0xffff  }
0x15d: {  	v8 =	vld [tilespmem:s26+$0x70];
	v4 =	vand.u32 $0xFFE00000, v4;
	v7 =	vor.u32 v58, v7;
	v60 =	vshll.u32 v10, $0xA  }
0x15e: {  	v1 =	vor.u32 v4, v7;
	v4 =	vand.u32 $0x3FFFC00, v60;
	v7 =	vshll.u32 v10, $0x5;
	v3 =	vld.idx.msk [tilespmem:v3+s4+$0x0], $0xffff  }
0x15f: {  	v61 =	vld [tilespmem:s22+$0xFFFFFFF0];
	[tilespmem:s18+$0x70] =	vst v2;
	v4 =	vor.u32 v59, v4;
	v7 =	vand.u32 $0xFFE00000, v7  }
0x160: {  	v63 =	vld [tilespmem:s26+$0xFFFFFFF0];
	[tilespmem:s17+$0xFFFFFFF0] =	vst v0;
	v0 =	vor.u32 v7, v4;
	v62 =	vshll.u32 v6, $0xA;
	v6 =	vshll.u32 v6, $0x5  }
0x161: {  	[tilespmem:s21+$0x70] =	vst v1;
	v1 =	vshll.u32 v5, $0x5;
	v9 =	vand.u32 $0x3FFFC00, v62;
	v6 =	vand.u32 $0xFFE00000, v6  }
0x162: {  	[tilespmem:s18+$0xFFFFFFF0] =	vst v0;
	v0 =	vand.u32 $0xFFE00000, v1;
	v2 =	vor.u32 v8, v9;
	v8 =	vshll.u32 v5, $0xA  }
0x163: {  	v2 =	vor.u32 v6, v2;
	v4 =	vand.u32 $0x3FFFC00, v8;
	v5 =	vshll.u32 v3, $0xA  }
0x164: {  	v4 =	vor.u32 v61, v4;
	v3 =	vshll.u32 v3, $0x5;
	v1 =	vand.u32 $0x3FFFC00, v5  }
0x165: {  	[tilespmem:s25+$0x70] =	vst v2;
	v0 =	vor.u32 v0, v4;
	v2 =	vand.u32 $0xFFE00000, v3;
	v1 =	vor.u32 v63, v1  }
0x166: {  	[tilespmem:s21+$0xFFFFFFF0] =	vst v0;
	v0 =	vor.u32 v2, v1  }
0x167: {  	[tilespmem:s25+$0xFFFFFFF0] =	vst v0  }
0x168: {  	[hbm4b:s7+s4] =	stream.linear.scatter [tilespmem:s15], [sflag:$0x1], $0x2000, $0x38;
	[tilespmem:$0x16000] =	vst v63  }
0x169: {  	_ =	swait.ge [sflag:s12], $0x2000  }
0x16a: {  	[sflag:s12] =	ssyncset.done $0x0  }
0x16b: {  	[sflag:s12] =	ssyncadd.s32 $0xFFFFE000  }
0x16c: {  	[tilespmem:s13], [sflag:$0x1] =	stream.linear.gather [hbm4b:s8+s4], $0x800, $0x38;
	[tilespmem:$0x16000] =	vst v63  }
0x16d: {  	_ =	swait.ge [sflag:s12], $0x800  }
0x16e: {  	[sflag:s12] =	ssyncset.done $0x0  }
0x16f: {  	[sflag:s12] =	ssyncadd.s32 $0xFFFFF800  }
0x170: {  	[tilespmem:s14], [sflag:$0x1] =	stream.linear.gather [hbm4b:s9+s4], $0x800, $0x38;
	[tilespmem:$0x16000] =	vst v63  }
0x171: {  	_ =	swait.ge [sflag:s12], $0x800  }
0x172: {  	[sflag:s12] =	ssyncset.done $0x0  }
0x173: {  	s30 =	simm.s32 $0x10080;
	[sflag:s12] =	ssyncadd.s32 $0xFFFFF800  }
0x174: {  	s31 =	simm.s32 $0x12080;
	v0 =	vld [tilespmem:s30+$0x0]  }
0x175: {  	v1 =	vld [tilespmem:s31+$0x0];
	_ =	sdelay $0x2  }
0x176: {  	v2 =	vld [tilespmem:s30+$0xFFFFFF80]  }
0x177: {  	v3 =	vld [tilespmem:s31+$0xFFFFFF80];
	v0 =	vshll.u32 v0, $0xA  }
0x178: {  	s17 =	simm.s32 $0x14080;
	v0 =	vor.u32 v0, v1  }
0x179: {  	[tilespmem:s17+$0x0] =	vst v0  }
0x17a: {  	v0 =	vld [tilespmem:s30+$0x10]  }
0x17b: {  	v1 =	vshll.u32 v2, $0xA;
	v2 =	vld [tilespmem:s31+$0x10]  }
0x17c: {  	v1 =	vor.u32 v1, v3  }
0x17d: {  	[tilespmem:s17+$0xFFFFFF80] =	vst v1  }
0x17e: {  	v1 =	vld [tilespmem:s30+$0xFFFFFF90]  }
0x17f: {  	v3 =	vld [tilespmem:s31+$0xFFFFFF90];
	v0 =	vshll.u32 v0, $0xA  }
0x180: {  	v0 =	vor.u32 v0, v2  }
0x181: {  	[tilespmem:s17+$0x10] =	vst v0  }
0x182: {  	v0 =	vld [tilespmem:s30+$0x20]  }
0x183: {  	v1 =	vshll.u32 v1, $0xA;
	v2 =	vld [tilespmem:s31+$0x20]  }
0x184: {  	v1 =	vor.u32 v1, v3  }
0x185: {  	[tilespmem:s17+$0xFFFFFF90] =	vst v1  }
0x186: {  	v1 =	vld [tilespmem:s30+$0xFFFFFFA0]  }
0x187: {  	v3 =	vld [tilespmem:s31+$0xFFFFFFA0];
	v0 =	vshll.u32 v0, $0xA  }
0x188: {  	v0 =	vor.u32 v0, v2  }
0x189: {  	[tilespmem:s17+$0x20] =	vst v0  }
0x18a: {  	v0 =	vld [tilespmem:s30+$0x30]  }
0x18b: {  	v1 =	vshll.u32 v1, $0xA;
	v2 =	vld [tilespmem:s31+$0x30]  }
0x18c: {  	v1 =	vor.u32 v1, v3  }
0x18d: {  	[tilespmem:s17+$0xFFFFFFA0] =	vst v1  }
0x18e: {  	v1 =	vld [tilespmem:s30+$0xFFFFFFB0]  }
0x18f: {  	s18 =	simm.s32 $0x10180;
	v3 =	vld [tilespmem:s31+$0xFFFFFFB0];
	v0 =	vshll.u32 v0, $0xA  }
0x190: {  	s20 =	simm.s32 $0x12180;
	v0 =	vor.u32 v0, v2;
	v2 =	vld [tilespmem:s18+$0x0]  }
0x191: {  	[tilespmem:s17+$0x30] =	vst v0;
	v0 =	vld [tilespmem:s20+$0x0]  }
0x192: {  	v4 =	vld [tilespmem:s30+$0x40]  }
0x193: {  	v1 =	vshll.u32 v1, $0xA;
	v5 =	vld [tilespmem:s31+$0x40]  }
0x194: {  	v1 =	vor.u32 v1, v3;
	v3 =	vld [tilespmem:s18+$0xFFFFFF80]  }
0x195: {  	[tilespmem:s17+$0xFFFFFFB0] =	vst v1;
	v1 =	vld [tilespmem:s20+$0xFFFFFF80];
	v2 =	vshll.u32 v2, $0xA  }
0x196: {  	s19 =	simm.s32 $0x14180;
	v0 =	vor.u32 v2, v0;
	v2 =	vld [tilespmem:s30+$0xFFFFFFC0]  }
0x197: {  	[tilespmem:s19+$0x0] =	vst v0;
	v0 =	vld [tilespmem:s31+$0xFFFFFFC0];
	v4 =	vshll.u32 v4, $0xA  }
0x198: {  	v6 =	vld [tilespmem:s18+$0x10];
	v4 =	vor.u32 v4, v5  }
0x199: {  	v3 =	vshll.u32 v3, $0xA;
	v5 =	vld [tilespmem:s20+$0x10];
	[tilespmem:s17+$0x40] =	vst v4  }
0x19a: {  	v1 =	vor.u32 v3, v1;
	v3 =	vld [tilespmem:s30+$0x50]  }
0x19b: {  	[tilespmem:s19+$0xFFFFFF80] =	vst v1;
	v1 =	vshll.u32 v2, $0xA;
	v2 =	vld [tilespmem:s31+$0x50]  }
0x19c: {  	v4 =	vld [tilespmem:s18+$0xFFFFFF90];
	v0 =	vor.u32 v1, v0  }
0x19d: {  	v1 =	vld [tilespmem:s20+$0xFFFFFF90];
	v6 =	vshll.u32 v6, $0xA;
	[tilespmem:s17+$0xFFFFFFC0] =	vst v0  }
0x19e: {  	v0 =	vor.u32 v6, v5;
	v5 =	vld [tilespmem:s30+$0xFFFFFFD0]  }
0x19f: {  	[tilespmem:s19+$0x10] =	vst v0;
	v0 =	vld [tilespmem:s31+$0xFFFFFFD0];
	v3 =	vshll.u32 v3, $0xA  }
0x1a0: {  	v6 =	vld [tilespmem:s18+$0x20];
	v2 =	vor.u32 v3, v2  }
0x1a1: {  	v3 =	vshll.u32 v4, $0xA;
	v4 =	vld [tilespmem:s20+$0x20];
	[tilespmem:s17+$0x50] =	vst v2  }
0x1a2: {  	v1 =	vor.u32 v3, v1;
	v2 =	vld [tilespmem:s30+$0x60]  }
0x1a3: {  	[tilespmem:s19+$0xFFFFFF90] =	vst v1;
	v3 =	vld [tilespmem:s31+$0x60];
	v1 =	vshll.u32 v5, $0xA  }
0x1a4: {  	v5 =	vld [tilespmem:s18+$0xFFFFFFA0];
	v0 =	vor.u32 v1, v0  }
0x1a5: {  	v1 =	vld [tilespmem:s20+$0xFFFFFFA0];
	v6 =	vshll.u32 v6, $0xA;
	[tilespmem:s17+$0xFFFFFFD0] =	vst v0  }
0x1a6: {  	v0 =	vor.u32 v6, v4;
	v4 =	vld [tilespmem:s30+$0xFFFFFFE0]  }
0x1a7: {  	v6 =	vld [tilespmem:s31+$0xFFFFFFE0];
	[tilespmem:s19+$0x20] =	vst v0;
	v0 =	vshll.u32 v2, $0xA  }
0x1a8: {  	v2 =	vld [tilespmem:s20+$0x30];
	v0 =	vor.u32 v0, v3  }
0x1a9: {  	v3 =	vshll.u32 v5, $0xA;
	v7 =	vld [tilespmem:s18+$0x30];
	[tilespmem:s17+$0x60] =	vst v0  }
0x1aa: {  	v0 =	vor.u32 v3, v1;
	v3 =	vld [tilespmem:s30+$0x70]  }
0x1ab: {  	[tilespmem:s19+$0xFFFFFFA0] =	vst v0;
	v0 =	vld [tilespmem:s31+$0x70];
	v1 =	vshll.u32 v4, $0xA  }
0x1ac: {  	v4 =	vld [tilespmem:s18+$0xFFFFFFB0];
	v1 =	vor.u32 v1, v6  }
0x1ad: {  	v5 =	vld [tilespmem:s20+$0xFFFFFFB0];
	[tilespmem:s17+$0xFFFFFFE0] =	vst v1  }
0x1ae: {  	v6 =	vshll.u32 v7, $0xA;
	v1 =	vld [tilespmem:s30+$0xFFFFFFF0]  }
0x1af: {  	s22 =	simm.s32 $0x2;
	s23 =	simm.s32 $0x10280;
	s21 =	simm.s32 $0x12180;
	v6 =	vor.u32 v6, v2;
	v2 =	vld [tilespmem:s31+$0xFFFFFFF0];
	v3 =	vshll.u32 v3, $0xA  }
.LBB2_8:
0x1b0: {  	v7 =	vld [tilespmem:s23+$0x0];
	[tilespmem:s19+$0x30] =	vst v6;
	s20 =	sadd.s32 $0x100, s20;
	v0 =	vor.u32 v3, v0  }
0x1b1: {  	v3 =	vld [tilespmem:s20+$0x0];
	v4 =	vshll.u32 v4, $0xA;
	[tilespmem:s17+$0x70] =	vst v0  }
0x1b2: {  	s22 =	sadd.s32 $0x2, s22;
	v0 =	vor.u32 v4, v5;
	v4 =	vld [tilespmem:s18+$0x40]  }
0x1b3: {  	p0 =	slt.u32 s22, $0xE;
	[tilespmem:s19+$0xFFFFFFB0] =	vst v0;
	v0 =	vld [tilespmem:s21+$0x40];
	v1 =	vshll.u32 v1, $0xA  }
0x1b4: {  	v5 =	vld [tilespmem:s23+$0xFFFFFF80];
	v1 =	vor.u32 v1, v2  }
0x1b5: {  	v2 =	vld [tilespmem:s20+$0xFFFFFF80];
	v6 =	vshll.u32 v7, $0xA;
	[tilespmem:s17+$0xFFFFFFF0] =	vst v1;
	s17 =	smov.u32 s19  }
0x1b6: {  	s19 =	sadd.s32 $0x100, s19;
	v1 =	vor.u32 v6, v3;
	v3 =	vld [tilespmem:s18+$0xFFFFFFC0]  }
0x1b7: {  	[tilespmem:s19+$0x0] =	vst v1;
	v1 =	vld [tilespmem:s21+$0xFFFFFFC0];
	v4 =	vshll.u32 v4, $0xA  }
0x1b8: {  	v6 =	vld [tilespmem:s23+$0x10];
	v0 =	vor.u32 v4, v0  }
0x1b9: {  	v4 =	vshll.u32 v5, $0xA;
	v5 =	vld [tilespmem:s20+$0x10];
	[tilespmem:s17+$0x40] =	vst v0  }
0x1ba: {  	v0 =	vor.u32 v4, v2;
	v2 =	vld [tilespmem:s18+$0x50]  }
0x1bb: {  	[tilespmem:s19+$0xFFFFFF80] =	vst v0;
	v0 =	vshll.u32 v3, $0xA;
	v3 =	vld [tilespmem:s21+$0x50]  }
0x1bc: {  	v4 =	vld [tilespmem:s23+$0xFFFFFF90];
	v0 =	vor.u32 v0, v1  }
0x1bd: {  	v1 =	vld [tilespmem:s20+$0xFFFFFF90];
	v6 =	vshll.u32 v6, $0xA;
	[tilespmem:s17+$0xFFFFFFC0] =	vst v0  }
0x1be: {  	v0 =	vor.u32 v6, v5;
	v5 =	vld [tilespmem:s18+$0xFFFFFFD0]  }
0x1bf: {  	[tilespmem:s19+$0x10] =	vst v0;
	v0 =	vld [tilespmem:s21+$0xFFFFFFD0];
	v2 =	vshll.u32 v2, $0xA  }
0x1c0: {  	v6 =	vld [tilespmem:s23+$0x20];
	v2 =	vor.u32 v2, v3  }
0x1c1: {  	v3 =	vshll.u32 v4, $0xA;
	v4 =	vld [tilespmem:s20+$0x20];
	[tilespmem:s17+$0x50] =	vst v2  }
0x1c2: {  	v1 =	vor.u32 v3, v1;
	v2 =	vld [tilespmem:s18+$0x60]  }
0x1c3: {  	[tilespmem:s19+$0xFFFFFF90] =	vst v1;
	v1 =	vshll.u32 v5, $0xA;
	v3 =	vld [tilespmem:s21+$0x60]  }
0x1c4: {  	v5 =	vld [tilespmem:s23+$0xFFFFFFA0];
	v0 =	vor.u32 v1, v0  }
0x1c5: {  	v1 =	vld [tilespmem:s20+$0xFFFFFFA0];
	v6 =	vshll.u32 v6, $0xA;
	[tilespmem:s17+$0xFFFFFFD0] =	vst v0  }
0x1c6: {  	v0 =	vor.u32 v6, v4;
	v4 =	vld [tilespmem:s18+$0xFFFFFFE0]  }
0x1c7: {  	[tilespmem:s19+$0x20] =	vst v0;
	v6 =	vld [tilespmem:s21+$0xFFFFFFE0];
	v0 =	vshll.u32 v2, $0xA  }
0x1c8: {  	v2 =	vld [tilespmem:s20+$0x30];
	v0 =	vor.u32 v0, v3  }
0x1c9: {  	v3 =	vshll.u32 v5, $0xA;
	v7 =	vld [tilespmem:s23+$0x30];
	[tilespmem:s17+$0x60] =	vst v0  }
0x1ca: {  	v0 =	vor.u32 v3, v1;
	v3 =	vld [tilespmem:s18+$0x70]  }
.Ltmp3:
0x1cb: {  	[tilespmem:s19+$0xFFFFFFA0] =	vst v0;
	v1 =	vshll.u32 v4, $0xA;
	v0 =	vld [tilespmem:s21+$0x70];
	(pc) =	sbr.rel @p0 .LBB2_8-.Ltmp3, $4  }
0x1cc: {  	v4 =	vld [tilespmem:s23+$0xFFFFFFB0];
	v1 =	vor.u32 v1, v6  }
0x1cd: {  	v5 =	vld [tilespmem:s20+$0xFFFFFFB0];
	[tilespmem:s17+$0xFFFFFFE0] =	vst v1  }
0x1ce: {  	v6 =	vshll.u32 v7, $0xA;
	v1 =	vld [tilespmem:s18+$0xFFFFFFF0];
	s18 =	smov.u32 s23  }
0x1cf: {  	s23 =	sadd.s32 $0x100, s23;
	v6 =	vor.u32 v6, v2;
	v2 =	vld [tilespmem:s21+$0xFFFFFFF0];
	v3 =	vshll.u32 v3, $0xA;
	s21 =	smov.u32 s20  }
0x1d0: {  	_ = 	snop  }
0x1d1: {  	[tilespmem:s19+$0x30] =	vst v6;
	v4 =	vshll.u32 v4, $0xA  }
0x1d2: {  	v48 =	vld [tilespmem:s18+$0x40];
	v4 =	vor.u32 v4, v5  }
0x1d3: {  	v49 =	vld [tilespmem:s21+$0x40];
	[tilespmem:s19+$0xFFFFFFB0] =	vst v4  }
0x1d4: {  	v50 =	vld [tilespmem:s18+$0xFFFFFFC0]  }
0x1d5: {  	v7 =	vld [tilespmem:s21+$0xFFFFFFC0];
	_ =	sdelay $0x1  }
0x1d6: {  	v5 =	vshll.u32 v48, $0xA  }
0x1d7: {  	v4 =	vor.u32 v5, v49  }
0x1d8: {  	[tilespmem:s19+$0x40] =	vst v4;
	v51 =	vshll.u32 v50, $0xA  }
0x1d9: {  	v52 =	vld [tilespmem:s18+$0x50];
	v4 =	vor.u32 v51, v7  }
0x1da: {  	v53 =	vld [tilespmem:s21+$0x50];
	[tilespmem:s19+$0xFFFFFFC0] =	vst v4  }
0x1db: {  	v4 =	vld [tilespmem:s18+$0xFFFFFFD0]  }
0x1dc: {  	v54 =	vld [tilespmem:s21+$0xFFFFFFD0];
	_ =	sdelay $0x1  }
0x1dd: {  	v5 =	vshll.u32 v52, $0xA  }
0x1de: {  	v5 =	vor.u32 v5, v53  }
0x1df: {  	[tilespmem:s19+$0x50] =	vst v5;
	v4 =	vshll.u32 v4, $0xA  }
0x1e0: {  	v5 =	vld [tilespmem:s18+$0x60];
	v4 =	vor.u32 v4, v54  }
0x1e1: {  	v55 =	vld [tilespmem:s21+$0x60];
	[tilespmem:s19+$0xFFFFFFD0] =	vst v4  }
0x1e2: {  	v4 =	vld [tilespmem:s18+$0xFFFFFFE0]  }
0x1e3: {  	v56 =	vld [tilespmem:s21+$0xFFFFFFE0];
	_ =	sdelay $0x1  }
0x1e4: {  	v5 =	vshll.u32 v5, $0xA  }
0x1e5: {  	v5 =	vor.u32 v5, v55  }
0x1e6: {  	[tilespmem:s19+$0x60] =	vst v5;
	v4 =	vshll.u32 v4, $0xA  }
0x1e7: {  	v5 =	vld [tilespmem:s18+$0x70];
	v4 =	vor.u32 v4, v56  }
0x1e8: {  	v57 =	vld [tilespmem:s21+$0x70];
	[tilespmem:s19+$0xFFFFFFE0] =	vst v4  }
0x1e9: {  	v4 =	vld [tilespmem:s18+$0xFFFFFFF0]  }
0x1ea: {  	v58 =	vld [tilespmem:s21+$0xFFFFFFF0];
	_ =	sdelay $0x1  }
0x1eb: {  	v0 =	vor.u32 v3, v0;
	v1 =	vshll.u32 v1, $0xA  }
0x1ec: {  	[tilespmem:s17+$0x70] =	vst v0;
	v59 =	vor.u32 v1, v2;
	v60 =	vshll.u32 v5, $0xA  }
0x1ed: {  	s16 =	sadd.s32 $0x1, s16;
	[tilespmem:s17+$0xFFFFFFF0] =	vst v59;
	v61 =	vor.u32 v60, v57;
	v62 =	vshll.u32 v4, $0xA  }
0x1ee: {  	p0 =	sne.s32 s16, s11;
	[tilespmem:s19+$0x70] =	vst v61;
	v63 =	vor.u32 v62, v58  }
.Ltmp4:
0x1ef: {  	[tilespmem:s19+$0xFFFFFFF0] =	vst v63;
	(pc) =	sbr.rel @p0 .LBB2_1-.Ltmp4, $4  }
0x1f0: {  	[hbm4b:s10+s4] =	stream.linear.scatter [tilespmem:s15], [sflag:$0x1], $0x800, $0x38;
	[tilespmem:$0x16000] =	vst v63  }
0x1f1: {  	_ =	swait.ge [sflag:s12], $0x800  }
0x1f2: {  	[sflag:s12] =	ssyncset.done $0x0  }
0x1f3: {  	[sflag:s12] =	ssyncadd.s32 $0xFFFFF800  }
0x1f4: {  	_ =	sfence.sel $0x180000  }
0x1f5: {  	[bflag:$0x0] =	sbarrier.arrive $0xFFFF  }
0x1f6: {  	p0 =	sne.s32 s3, $0x0;
	_ =	strace $0x9000004A  }
0x1f7: {  	s0 =	sadd.s32 @!p0 $0x100000, s0;
	[bflag:$0x2] =	sbarrier.arrive $0xFFFF  }
0x1f8: {  	[sflag:s0] =	ssyncadd.tile.s32 @!p0 $0x1;
	_ =	shalt  }
.Lfunc_end2:
_tile_overlayer_lowered:
.L_overlay_start_2:
0x1f9: {  	(tag) =	ssettag $0x2  }
0x1fa: {  	s0 =	rddreg [dreg:$0x0];
	s2 =	stileid.u32  }
0x1fb: {  	s1 =	rddreg [dreg:$0x1];
	p0 =	sne.s32 s2, $0x0  }
0x1fc: {  	s3 =	rddreg [dreg:$0x2];
	[bflag:$0x3] =	sbarrier.arrive $0xFFFF;
	s2 =	simm.s32 @!p0 $0x1C01  }
0x1fd: {  	[timem:s3], [sflag:s2] =	dma.local @!p0 [hbm:s0], s1  }
0x1fe: {  	s0 =	simm.s32 @!p0 $0x1  }
0x1ff: {  	_ =	swait.ge @!p0 [sflag:s0], s1  }
0x200: {  	s1 =	ssub.s32 @!p0 $0x0, s1;
	[sflag:s0] =	ssyncset.done @!p0 $0x0  }
0x201: {  	[sflag:s0] =	ssyncadd.s32 @!p0 s1  }
0x202: {  	[bflag:$0x3] =	sbarrier.arrive $0xFFFF  }
0x203: {  	_ =	shalt  }

// kernel: kernel.9.cloned.1.call-start
scs
__scs_entry_jumppad:
0x0: {  	(pc) =	sbr.rel $0x88, $3  }
0x1: {  	(tag) =	ssettag $0x0;
	lr =	simm.s32 $0x1  }
0x2: {  	[smem:$0x3F87] =	sst lr;
	_ =	strace $0xD0000000  }
0x3: {  	_ = 	snop  }
0x4: {  	_ = 	snop  }
0x5: {  	_ = 	snop  }
0x6: {  	_ = 	snop  }
0x7: {  	_ = 	snop  }
__scs_overlays_trampoline_lowered:
0x8: {  	[smem:$0x3F96] =	sst s0  }
0x9: {  	[smem:$0x3F97] =	sst s1  }
0xa: {  	[smem:$0x3F98] =	sst s2  }
0xb: {  	[smem:$0x3F99] =	sst s3  }
0xc: {  	[smem:$0x3F9A] =	sst s4  }
0xd: {  	[smem:$0x3F9B] =	sst s5  }
0xe: {  	[smem:$0x3F9C] =	sst s6  }
0xf: {  	[smem:$0x3F9D] =	sst s7  }
0x10: {  	[smem:$0x3F9E] =	sst s8  }
0x11: {  	[smem:$0x3F9F] =	sst s9;
	s0 =	simm.s32 @!p0 $0x0  }
0x12: {  	s1 =	sld [smem:$0x3F85];
	s0 =	simm.s32 @p0 $0x1  }
0x13: {  	[smem:$0x3FA0] =	sst s0;
	s0 =	simm.s32 @!p1 $0x0  }
0x14: {  	s2 =	sld [smem:$0x3F84];
	s0 =	simm.s32 @p1 $0x1  }
0x15: {  	[smem:$0x3FA1] =	sst s0;
	s0 =	simm.s32 @!p2 $0x0  }
0x16: {  	s3 =	sld [smem:$0x3FDB];
	s0 =	simm.s32 @p2 $0x1  }
0x17: {  	s4 =	simm.s32 $0x1BF5;
	[smem:$0x3FA3] =	sst s0  }
0x18: {  	s0 =	sld [smem:$0x3F86];
	_ =	swait.ge [sflag:s4], $0x0  }
0x19: {  	s7 =	sld [smem:$0x3F87]  }
0x1a: {  	s8 =	sadd.s32 $0xFFFFE003, lr  }
0x1b: {  	s9 =	sadd.s32 $0xFFFFFEF7, lr;
	s5 =	simm.s32 $0xFFFFFFFF;
	p2 =	slt.u32 s8, $0xFFFFF086  }
0x1c: {  	p1 =	slt.u32 s9, $0xF7A;
	s5 =	simm.s32 @!p2 $0x0  }
0x1d: {  	s5 =	simm.s32 @p1 $0x1;
	p0 =	seq.s32 s7, s2  }
0x1e: {  	s7 =	smul.u32 @!p0 $0xF7A, s2;
	p2 =	seq.s32 @!p0 s5, $0x0  }
0x1f: {  	s9 =	smul.u32 $0xF7A, s1;
	s8 =	simm.s32 @!p0 $0x1BF5;
	p2 =	por !p2, p0  }
0x20: {  	[sflag:s8] =	ssyncset.s32 @!p0 $0xFFFFF086;
	s6 =	sadd.s32 @!p0 s3, s7;
	s7 =	simm.s32 @!p0 $0x108  }
0x21: {  	s3 =	sadd.s32 s3, s9;
	s6 =	sadd.s32 @!p0 $0x88, s6;
	s7 =	simm.s32 @p2 $0x1082  }
0x22: {  	[simem:s7], [sflag:s8] =	dma.local @!p0 [hbm:s6], $0xF7A  }
0x23: {  	s9 =	sor.u32 $0xD0000000, s2;
	s6 =	simm.s32 $0x108;
	_ =	swait.ge @!p0 [sflag:s8], $0x0  }
0x24: {  	s3 =	sadd.s32 $0x88, s3;
	s6 =	simm.s32 @!p1 $0x1082;
	[sflag:s4] =	ssyncset.s32 $0xFFFFF086  }
0x25: {  	[simem:s6], [sflag:s4] =	dma.local [hbm:s3], $0xF7A  }
0x26: {  	[smem:$0x3F87] =	sst s1;
	(tag) =	ssettag s2;
	_ =	strace s9  }
0x27: {  	s1 =	sld [smem:$0x3F97]  }
0x28: {  	s2 =	sld [smem:$0x3F98]  }
0x29: {  	s4 =	sld [smem:$0x3F9A]  }
0x2a: {  	p0 =	seq.s32 s5, $0x0;
	s5 =	sld [smem:$0x3F9B]  }
0x2b: {  	s6 =	sld [smem:$0x3F9C]  }
0x2c: {  	s7 =	sld [smem:$0x3F9D]  }
0x2d: {  	s3 =	simm.s32 $0x108;
	s8 =	sld [smem:$0x3F9E]  }
0x2e: {  	s3 =	simm.s32 @!p0 $0x1082;
	s9 =	sld [smem:$0x3F9F]  }
0x2f: {  	lr =	sadd.s32 s0, s3;
	s0 =	sld [smem:$0x3F96]  }
0x30: {  	s3 =	sld [smem:$0x3F99]  }
0x31: {  	[smem:$0x3FA2] =	sst s10  }
0x32: {  	s10 =	sld [smem:$0x3FA0];
	_ =	sdelay $0x3  }
0x33: {  	p0 =	seq.s32 s10, $0x1;
	s10 =	sld [smem:$0x3FA2];
	_ =	sdelay $0x3  }
0x34: {  	[smem:$0x3FA2] =	sst s10  }
0x35: {  	s10 =	sld [smem:$0x3FA1];
	_ =	sdelay $0x3  }
0x36: {  	p1 =	seq.s32 s10, $0x1;
	s10 =	sld [smem:$0x3FA2];
	_ =	sdelay $0x3  }
0x37: {  	[smem:$0x3FA2] =	sst s10  }
0x38: {  	s10 =	sld [smem:$0x3FA3]  }
0x39: {  	_ = 	snop;
	(pc) =	sbr.ind lr, $3  }
0x3a: {  	_ = 	snop  }
0x3b: {  	_ = 	snop  }
0x3c: {  	p2 =	seq.s32 s10, $0x1;
	s10 =	sld [smem:$0x3FA2]  }
0x3d: {  	_ =	shalt  }
0x3e: {  	_ =	shalt  }
0x3f: {  	_ =	shalt  }
0x40: {  	_ =	shalt  }
0x41: {  	_ =	shalt  }
0x42: {  	_ =	shalt  }
0x43: {  	_ =	shalt  }
0x44: {  	_ =	shalt  }
0x45: {  	_ =	shalt  }
0x46: {  	_ =	shalt  }
0x47: {  	_ =	shalt  }
0x48: {  	_ =	shalt  }
0x49: {  	_ =	shalt  }
0x4a: {  	_ =	shalt  }
0x4b: {  	_ =	shalt  }
0x4c: {  	_ =	shalt  }
0x4d: {  	_ =	shalt  }
0x4e: {  	_ =	shalt  }
0x4f: {  	_ =	shalt  }
0x50: {  	_ =	shalt  }
0x51: {  	_ =	shalt  }
0x52: {  	_ =	shalt  }
0x53: {  	_ =	shalt  }
0x54: {  	_ =	shalt  }
0x55: {  	_ =	shalt  }
0x56: {  	_ =	shalt  }
0x57: {  	_ =	shalt  }
0x58: {  	_ =	shalt  }
0x59: {  	_ =	shalt  }
0x5a: {  	_ =	shalt  }
0x5b: {  	_ =	shalt  }
0x5c: {  	_ =	shalt  }
0x5d: {  	_ =	shalt  }
0x5e: {  	_ =	shalt  }
0x5f: {  	_ =	shalt  }
0x60: {  	_ =	shalt  }
0x61: {  	_ =	shalt  }
0x62: {  	_ =	shalt  }
0x63: {  	_ =	shalt  }
0x64: {  	_ =	shalt  }
0x65: {  	_ =	shalt  }
0x66: {  	_ =	shalt  }
0x67: {  	_ =	shalt  }
0x68: {  	_ =	shalt  }
0x69: {  	_ =	shalt  }
0x6a: {  	_ =	shalt  }
0x6b: {  	_ =	shalt  }
0x6c: {  	_ =	shalt  }
0x6d: {  	_ =	shalt  }
0x6e: {  	_ =	shalt  }
0x6f: {  	_ =	shalt  }
0x70: {  	_ =	shalt  }
0x71: {  	_ =	shalt  }
0x72: {  	_ =	shalt  }
0x73: {  	_ =	shalt  }
0x74: {  	_ =	shalt  }
0x75: {  	_ =	shalt  }
0x76: {  	_ =	shalt  }
0x77: {  	_ =	shalt  }
0x78: {  	_ =	shalt  }
0x79: {  	_ =	shalt  }
0x7a: {  	_ =	shalt  }
0x7b: {  	_ =	shalt  }
0x7c: {  	_ =	shalt  }
0x7d: {  	_ =	shalt  }
0x7e: {  	_ =	shalt  }
0x7f: {  	_ =	shalt  }
0x80: {  	_ =	shalt  }
0x81: {  	_ =	shalt  }
0x82: {  	_ =	shalt  }
0x83: {  	_ =	shalt  }
0x84: {  	_ =	shalt  }
0x85: {  	_ =	shalt  }
0x86: {  	_ =	shalt  }
0x87: {  	_ =	shalt  }
.Lfunc_end0:
.L_simem_size_0:
called_computation.3_lowered:
.L_overlay_start_0:
0x88: {  	s2 =	sld [smem:$0x3FD9]  }
0x89: {  	s3 =	sld [smem:$0x3FFE];
	_ =	sdelay $0x1  }
0x8a: {  	s1 =	srdreg.scid  }
0x8b: {  	s0 =	sand.u32 $0x1, s1  }
0x8c: {  	s15 =	sshll.u32 s0, $0xA;
	s2 =	sadd.s32 s3, s2  }
0x8d: {  	s2 =	sadd.s32 s2, s15  }
0x8e: {  	[smem:$0x3FAE] =	sst s2  }
0x8f: {  	_ = 	snop  }
0x90: {  	s2 =	sld [smem:$0x3FD0];
	_ =	sdelay $0x2  }
0x91: {  	s16 =	simm.s32 $0xB;
	s4 =	simm.s32 $0x10  }
0x92: {  	[smem:s4], [sflag:s16] =	dma.local [hbm:s2], $0x1  }
0x93: {  	_ =	swait.eq [sflag:s16], $0x1  }
0x94: {  	[sflag:s16] =	ssyncset.done $0x0  }
0x95: {  	[sflag:s16] =	ssyncadd.s32 $0xFFFFFFFF  }
0x96: {  	s17 =	sld [smem:$0x11];
	(tm) =	ssettm $0x1  }
0x97: {  	s18 =	sld [smem:$0x3FFB];
	_ =	sdelay $0x3  }
0x98: {  	_ =	strace s18  }
0x99: {  	s2 =	sld [smem:$0x3FFC];
	_ =	sdelay $0x3  }
0x9a: {  	_ =	strace s2  }
0x9b: {  	s2 =	sld [smem:$0x3FFD];
	_ =	sdelay $0x3  }
0x9c: {  	_ =	strace s2  }
0x9d: {  	_ =	strace $0x8FFFFFFF  }
0x9e: {  	s19 =	sld [smem:$0x3FDB];
	_ =	sdelay $0x1  }
0x9f: {  	s20 =	simm.s32 $_scs_section_size  }
0xa0: {  	s5 =	simm.s32 $_size__tile_overlayer_lowered;
	s6 =	simm.s32 $_tile_overlayer_lowered  }
0xa1: {  	s7 =	simm.s32 $0x1BFF;
	s21 =	sshll.u32 s6, $0x1;
	s4 =	sadd.s32 s20, s19  }
0xa2: {  	s22 =	simm.s32 $0x0;
	s5 =	sshll.u32 s5, $0x1;
	s6 =	sadd.s32 s21, s4  }
0xa3: {  	[timem:s22], [sflag:s7] =	dma.local [hbm:s6], s5  }
0xa4: {  	_ =	swait.ge [sflag:s7], s5  }
0xa5: {  	s5 =	ssub.s32 $0x0, s5;
	[sflag:s7] =	ssyncset.done $0x0  }
0xa6: {  	[sflag:s7] =	ssyncadd.s32 s5;
	_ =	sdelay $0x1  }
0xa7: {  	s23 =	simm.s32 $0x1B8B  }
0xa8: {  	_ =	swait.ge [sflag:s23], $0x1  }
0xa9: {  	[sflag:s23] =	ssyncset.done $0x0  }
0xaa: {  	[sflag:s23] =	ssyncadd.s32 $0xFFFFFFFF  }
0xab: {  	s5 =	sld [smem:$0x0]  }
0xac: {  	s6 =	sand.u32 $0xFFFFFFFE, s1  }
0xad: {  	p0 =	sne.s32 s1, s6  }
0xae: {  	s6 =	sshll.u32 @p0 s6, $0xE  }
0xaf: {  	s6 =	sadd.s32 @p0 $0x11B8D, s6;
	s7 =	sshll.u32 @p0 s5, $0x11  }
0xb0: {  	s6 =	sor.u32 @p0 s7, s6  }
0xb1: {  	[sflag:s6] =	ssyncadd.remote.s32 @p0 $0x1;
	_ =	sdelay $0x1  }
0xb2: {  	s6 =	simm.s32 @p0 $0x1B8D  }
0xb3: {  	_ =	swait.eq @p0 [sflag:s6], $0x1  }
0xb4: {  	[sflag:s6] =	ssyncadd.s32 @p0 $0xFFFFFFFF  }
0xb5: {  	s7 =	sshll.u32 @!p0 s1, $0xE  }
0xb6: {  	s7 =	sor.u32 @!p0 $0x4000, s7;
	s6 =	simm.s32 @!p0 $0x1B8D  }
0xb7: {  	s5 =	sshll.u32 @!p0 s5, $0x11;
	s7 =	sadd.s32 @!p0 $0x11B8D, s7;
	_ =	swait.eq @!p0 [sflag:s6], $0x1  }
0xb8: {  	s5 =	sor.u32 @!p0 s5, s7;
	[sflag:s6] =	ssyncadd.s32 @!p0 $0xFFFFFFFF  }
0xb9: {  	s25 =	simm.s32 $0x1B8E;
	s24 =	sld [smem:$0x3FFE];
	[sflag:s5] =	ssyncadd.remote.s32 @!p0 $0x1  }
0xba: {  	s26 =	simm.s32 $execute0_lowered;
	[smem:$0x3FD2] =	sst s25  }
0xbb: {  	s6 =	sshll.u32 s26, $0x1;
	_ =	strace $0x8000004F;
	[dreg:$0x1] =	wrdreg $0xFFFFFFFF  }
0xbc: {  	s28 =	simm.s32 $_size_execute0_lowered;
	s4 =	sadd.s32 s4, s6;
	[dreg:$0x0] =	wrdreg $0x0  }
0xbd: {  	s6 =	sshll.u32 s28, $0x1;
	[dreg:$0x2] =	wrdreg s4  }
0xbe: {  	[dreg:$0x3] =	wrdreg s6  }
0xbf: {  	[dreg:$0x4] =	wrdreg $0xC0  }
0xc0: {  	_ =	task [dreg:s22], $0x5FFFF  }
0xc1: {  	[dreg:$0x1] =	wrdreg $0xFFFFFFFF  }
0xc2: {  	[dreg:$0x0] =	wrdreg $0x60  }
0xc3: {  	[dreg:$0x2] =	wrdreg s24  }
0xc4: {  	[dreg:$0x3] =	wrdreg s17  }
0xc5: {  	[dreg:$0x4] =	wrdreg $0xA  }
0xc6: {  	_ =	task.clear_ibuf [dreg:s22], $0x5FFFF;
	_ =	strace $0x9000004F  }
0xc7: {  	s29 =	simm.s32 $0xA;
	_ =	strace $0x80000051  }
0xc8: {  	_ =	swait.ge [sflag:s29], $0x1  }
0xc9: {  	[sflag:s29] =	ssyncadd.s32 $0xFFFFFFFF  }
0xca: {  	_ =	strace $0x90000051  }
0xcb: {  	_ =	sfence  }
0xcc: {  	s30 =	sld [smem:$0x0];
	_ =	sdelay $0x2  }
0xcd: {  	s31 =	sshll.u32 s1, $0xD;
	s1 =	sshrl.u32 s1, $0x2  }
0xce: {  	s4 =	sand.u32 $0x4000, s31;
	s1 =	sadd.s32 s1, s30  }
0xcf: {  	s0 =	sor.u32 s4, s0;
	s1 =	sshll.u32 s1, $0x11  }
0xd0: {  	s0 =	sor.u32 s1, s0  }
0xd1: {  	s0 =	sadd.s32 $0x8F2B, s0  }
0xd2: {  	[sflag:s0] =	ssyncadd.remote.s32 $0x1  }
0xd3: {  	_ =	sfence.sel $0xFFFF  }
0xd4: {  	[dreg:$0x0] =	wrdreg $0xFFFFFFFF;
	(pc) =	sbr.abs _section_cstart, $3  }
0xd5: {  	[dreg:$0x1] =	wrdreg $0xFFFFFFFF  }
0xd6: {  	_ =	task.clear_ibuf [dreg:s22], $0x2FFFF;
	_ =	strace $0x9FFFFFFF  }
0xd7: {  	(tm) =	ssettm $0x7FFFFFFF  }
tec
execute0_lowered:
.L_overlay_start_1:
0x0: {  	(tag) =	ssettag $0x1  }
0x1: {  	s8 =	rddreg [dreg:$0x0]  }
0x2: {  	s1 =	rddreg [dreg:$0x1]  }
0x3: {  	s0 =	rddreg [dreg:$0x2]  }
0x4: {  	s2 =	simm.s32 $0x0;
	s6 =	srdreg.scid;
	s3 =	stileid.u32  }
0x5: {  	s14 =	simm.s32 $0x18080;
	s15 =	simm.s32 $0x0;
	[smem:$0x7FF] =	sst s2  }
0x6: {  	s4 =	sadd.s32 $0x41F400, s8;
	s5 =	sadd.s32 $0x427400, s8;
	s9 =	sand.u32 $0x1, s6  }
0x7: {  	s10 =	sshll.u32 s3, $0x1;
	s6 =	sadd.s32 $0x34E00, s8;
	s7 =	sadd.s32 $0x36E00, s8  }
0x8: {  	_ =	strace $0x80000050;
	s13 =	sor.u32 s9, s10;
	s9 =	ssub.s32 $0x2, s9  }
0x9: {  	s10 =	sshll.u32 s13, $0xD;
	s11 =	sshll.u32 s13, $0xC;
	s31 =	sshrl.u32 s9, $0x1  }
0xa: {  	v0 =	vmov s13;
	s13 =	simm.s32 $0x10000;
	s10 =	sadd.s32 s10, s8;
	s11 =	sadd.s32 s11, s8  }
0xb: {  	s12 =	ssub.s32 s9, s31;
	s8 =	sadd.s32 $0x37E00, s10;
	s9 =	sadd.s32 $0x77E00, s11  }
0xc: {  	v1 =	vimm.f32 $1.000000000e+00;
	s10 =	smax.u32 s12, $0x1;
	s11 =	simm.s32 $0x18000;
	s12 =	simm.s32 $0x1  }
.LBB2_1:
0xd: {  	[tilespmem:s11], [sflag:$0x1] =	stream.linear.gather [hbm4b:s1+s2], $0x80, $0x38;
	[tilespmem:$0x1A080] =	vst v63  }
0xe: {  	_ =	swait.ge [sflag:s12], $0x80  }
0xf: {  	[sflag:s12] =	ssyncset.done $0x0  }
0x10: {  	[sflag:s12] =	ssyncadd.s32 $0xFFFFFF80  }
0x11: {  	[tilespmem:s2], [sflag:$0x1] =	stream.linear.gather [hbm4b:s6+s2], $0x10000, $0x38;
	[tilespmem:$0x1A080] =	vst v63  }
0x12: {  	_ =	swait.ge [sflag:s12], $0x10000  }
0x13: {  	[sflag:s12] =	ssyncset.done $0x0  }
0x14: {  	[sflag:s12] =	ssyncadd.s32 $0xFFFF0000  }
0x15: {  	[tilespmem:s13], [sflag:$0x1] =	stream.linear.gather [hbm4b:s7+s2], $0x8000, $0x38;
	[tilespmem:$0x1A080] =	vst v63  }
0x16: {  	_ =	swait.ge [sflag:s12], $0x8000  }
0x17: {  	[sflag:s12] =	ssyncset.done $0x0  }
0x18: {  	s16 =	simm.s32 $0x0;
	[sflag:s12] =	ssyncadd.s32 $0xFFFF8000  }
.LBB2_2:
0x19: {  	s17 =	sshll.u32 s16, $0xA  }
0x1a: {  	s17 =	sadd.s32 s4, s17  }
0x1b: {  	[tilespmem:s14], [sflag:$0x1] =	stream.linear.gather [hbm4b:s17+s2], $0x2000, $0x38;
	[tilespmem:$0x1A080] =	vst v63  }
0x1c: {  	_ =	swait.ge [sflag:s12], $0x2000  }
0x1d: {  	[sflag:s12] =	ssyncset.done $0x0  }
0x1e: {  	s20 =	simm.s32 $0x18100;
	[sflag:s12] =	ssyncadd.s32 $0xFFFFE000  }
0x1f: {  	v2 =	vld [tilespmem:s20+$0x0];
	_ =	sdelay $0x4  }
0x20: {  	v3 =	vshra.s32 v2, $0x15;
	_ =	sdelay $0x1  }
0x21: {  	v4 =	vshll.u32 v2, $0x3;
	v5 =	vshrl.u32 v2, $0x3;
	v6 =	vshrl.u32 v2, $0x10  }
0x22: {  	v2 =	vand.u32 $0xE07F, v2;
	v4 =	vand.u32 $0x1C00, v4;
	v6 =	vand.u32 $0x1F, v6  }
0x23: {  	v5 =	vand.u32 $0x380, v5;
	v2 =	vor.u32 v4, v2;
	vm0 =	veq.s32 v6, v0  }
0x24: {  	v2 =	vor.u32 v5, v2;
	v3 =	vld.idx.msk [tilespmem:v3+s11+$0x0], $0xffff;
	_ =	sdelay $0x2  }
0x25: {  	v4 =	vld [tilespmem:s20+$0xFFFFFF80];
	_ =	sdelay $0x1  }
0x26: {  	[tilespmem:v2+s2+$0x0] =	vst.idx.add.f32.msk vm0, v3  }
0x27: {  	v2 =	vld [tilespmem:s20+$0x10];
	_ =	sdelay $0x1  }
0x28: {  	v3 =	vshra.s32 v4, $0x15  }
0x29: {  	v5 =	vshll.u32 v4, $0x3;
	v6 =	vshrl.u32 v4, $0x10;
	v7 =	vshrl.u32 v4, $0x3  }
0x2a: {  	v5 =	vand.u32 $0x1C00, v5;
	v6 =	vand.u32 $0x1F, v6;
	v4 =	vand.u32 $0xE07F, v4  }
0x2b: {  	v4 =	vor.u32 v5, v4;
	v5 =	vand.u32 $0x380, v7;
	v7 =	vshra.s32 v2, $0x15  }
0x2c: {  	vm0 =	veq.s32 v6, v0;
	v4 =	vor.u32 v5, v4  }
0x2d: {  	v3 =	vld.idx.msk [tilespmem:v3+s11+$0x0], $0xffff;
	v5 =	vshrl.u32 v2, $0x10;
	v6 =	vshll.u32 v2, $0x3;
	v8 =	vshrl.u32 v2, $0x3  }
0x2e: {  	v2 =	vand.u32 $0xE07F, v2;
	v5 =	vand.u32 $0x1F, v5;
	v6 =	vand.u32 $0x1C00, v6  }
0x2f: {  	vm1 =	veq.s32 v5, v0;
	v5 =	vand.u32 $0x380, v8;
	v2 =	vor.u32 v6, v2  }
0x30: {  	v2 =	vor.u32 v5, v2;
	v6 =	vld.idx.msk [tilespmem:v7+s11+$0x0], $0xffff;
	_ =	sdelay $0x1  }
0x31: {  	[tilespmem:v4+s2+$0x0] =	vst.idx.add.f32.msk vm0, v3  }
0x32: {  	v3 =	vld [tilespmem:s20+$0xFFFFFF90];
	_ =	sdelay $0x1  }
0x33: {  	[tilespmem:v2+s2+$0x0] =	vst.idx.add.f32.msk vm1, v6  }
0x34: {  	v2 =	vld [tilespmem:s20+$0x20];
	_ =	sdelay $0x1  }
0x35: {  	v4 =	vshll.u32 v3, $0x3  }
0x36: {  	v5 =	vshra.s32 v3, $0x15;
	v6 =	vshrl.u32 v3, $0x10;
	v7 =	vshrl.u32 v3, $0x3  }
0x37: {  	v3 =	vand.u32 $0xE07F, v3;
	v4 =	vand.u32 $0x1C00, v4;
	v6 =	vand.u32 $0x1F, v6  }
0x38: {  	v7 =	vand.u32 $0x380, v7;
	v3 =	vor.u32 v4, v3;
	v4 =	vshra.s32 v2, $0x15  }
0x39: {  	vm0 =	veq.s32 v6, v0;
	v3 =	vor.u32 v7, v3  }
0x3a: {  	v6 =	vshrl.u32 v2, $0x10;
	v7 =	vshll.u32 v2, $0x3;
	v8 =	vshrl.u32 v2, $0x3  }
0x3b: {  	v2 =	vand.u32 $0xE07F, v2;
	v6 =	vand.u32 $0x1F, v6;
	v7 =	vand.u32 $0x1C00, v7  }
0x3c: {  	v5 =	vld.idx.msk [tilespmem:v5+s11+$0x0], $0xffff;
	vm1 =	veq.s32 v6, v0;
	v6 =	vand.u32 $0x380, v8;
	v2 =	vor.u32 v7, v2  }
0x3d: {  	v2 =	vor.u32 v6, v2;
	v4 =	vld.idx.msk [tilespmem:v4+s11+$0x0], $0xffff;
	_ =	sdelay $0x3  }
0x3e: {  	[tilespmem:v3+s2+$0x0] =	vst.idx.add.f32.msk vm0, v5  }
0x3f: {  	[tilespmem:v2+s2+$0x0] =	vst.idx.add.f32.msk vm1, v4  }
0x40: {  	v2 =	vld [tilespmem:s20+$0x30]  }
0x41: {  	v3 =	vld [tilespmem:s20+$0xFFFFFFA0];
	_ =	sdelay $0x2  }
0x42: {  	s17 =	simm.s32 $0x18200  }
0x43: {  	v7 =	vld [tilespmem:s17+$0x0];
	v4 =	vshra.s32 v2, $0x15  }
0x44: {  	v5 =	vshra.s32 v3, $0x15;
	v6 =	vshll.u32 v3, $0x3  }
0x45: {  	v8 =	vshrl.u32 v2, $0x10;
	v9 =	vshll.u32 v2, $0x3;
	v10 =	vshrl.u32 v2, $0x3  }
0x46: {  	v2 =	vand.u32 $0xE07F, v2;
	v8 =	vand.u32 $0x1F, v8;
	v9 =	vand.u32 $0x1C00, v9  }
0x47: {  	v11 =	vld [tilespmem:s17+$0xFFFFFF80];
	vm0 =	veq.s32 v8, v0;
	v8 =	vand.u32 $0x380, v10;
	v2 =	vor.u32 v9, v2  }
0x48: {  	v12 =	vshrl.u32 v7, $0x10;
	v6 =	vand.u32 $0x1C00, v6;
	v2 =	vor.u32 v8, v2;
	v4 =	vld.idx.msk [tilespmem:v4+s11+$0x0], $0xffff  }
0x49: {  	v9 =	vshrl.u32 v3, $0x10;
	v8 =	vshrl.u32 v3, $0x3;
	v3 =	vand.u32 $0xE07F, v3  }
0x4a: {  	v9 =	vand.u32 $0x1F, v9;
	v3 =	vor.u32 v6, v3;
	v6 =	vshra.s32 v7, $0x15  }
0x4b: {  	v12 =	vand.u32 $0x1F, v12;
	v8 =	vand.u32 $0x380, v8;
	vm1 =	veq.s32 v9, v0  }
0x4c: {  	v5 =	vld.idx.msk [tilespmem:v5+s11+$0x0], $0xffff;
	v10 =	vshrl.u32 v7, $0x3;
	v9 =	vshll.u32 v7, $0x3;
	v3 =	vor.u32 v8, v3  }
0x4d: {  	v7 =	vand.u32 $0xE07F, v7;
	v8 =	vshra.s32 v11, $0x15;
	v9 =	vand.u32 $0x1C00, v9;
	[tilespmem:v2+s2+$0x0] =	vst.idx.add.f32.msk vm0, v4  }
0x4e: {  	v2 =	vand.u32 $0x380, v10;
	v4 =	vor.u32 v9, v7;
	vm0 =	veq.s32 v12, v0;
	v7 =	vld [tilespmem:s20+$0x40]  }
0x4f: {  	v6 =	vld.idx.msk [tilespmem:v6+s11+$0x0], $0xffff;
	v2 =	vor.u32 v2, v4;
	_ =	sdelay $0x1  }
0x50: {  	[tilespmem:v3+s2+$0x0] =	vst.idx.add.f32.msk vm1, v5;
	v3 =	vshrl.u32 v11, $0x10;
	v5 =	vshrl.u32 v11, $0x3;
	v4 =	vshll.u32 v11, $0x3  }
0x51: {  	v10 =	vand.u32 $0xE07F, v11;
	v8 =	vld.idx.msk [tilespmem:v8+s11+$0x0], $0xffff;
	v3 =	vand.u32 $0x1F, v3;
	v4 =	vand.u32 $0x1C00, v4  }
0x52: {  	v9 =	vld [tilespmem:s20+$0xFFFFFFB0];
	v5 =	vand.u32 $0x380, v5;
	v4 =	vor.u32 v4, v10;
	v10 =	vshra.s32 v7, $0x15  }
0x53: {  	vm1 =	veq.s32 v3, v0;
	v3 =	vor.u32 v5, v4;
	[tilespmem:v2+s2+$0x0] =	vst.idx.add.f32.msk vm0, v6  }
0x54: {  	v4 =	vshrl.u32 v7, $0x10;
	v5 =	vshll.u32 v7, $0x3;
	v6 =	vshrl.u32 v7, $0x3;
	v2 =	vld [tilespmem:s17+$0x10]  }
0x55: {  	v7 =	vand.u32 $0xE07F, v7;
	v4 =	vand.u32 $0x1F, v4;
	v5 =	vand.u32 $0x1C00, v5  }
0x56: {  	vm0 =	veq.s32 v4, v0;
	v4 =	vand.u32 $0x380, v6;
	v5 =	vor.u32 v5, v7  }
0x57: {  	v4 =	vor.u32 v4, v5;
	v6 =	vld.idx.msk [tilespmem:v10+s11+$0x0], $0xffff  }
0x58: {  	v7 =	vshll.u32 v9, $0x3;
	v5 =	vshra.s32 v9, $0x15  }
0x59: {  	v7 =	vand.u32 $0x1C00, v7;
	[tilespmem:v3+s2+$0x0] =	vst.idx.add.f32.msk vm1, v8;
	v10 =	vshrl.u32 v9, $0x10;
	v3 =	vshra.s32 v2, $0x15  }
0x5a: {  	v8 =	vshrl.u32 v9, $0x3;
	v11 =	vld [tilespmem:s17+$0xFFFFFF90];
	v9 =	vand.u32 $0xE07F, v9;
	v10 =	vand.u32 $0x1F, v10  }
0x5b: {  	v12 =	vshrl.u32 v2, $0x10;
	v13 =	vshll.u32 v2, $0x3;
	v14 =	vshrl.u32 v2, $0x3  }
0x5c: {  	v2 =	vand.u32 $0xE07F, v2;
	[tilespmem:v4+s2+$0x0] =	vst.idx.add.f32.msk vm0, v6;
	v4 =	vand.u32 $0x1F, v12;
	v6 =	vand.u32 $0x1C00, v13  }
0x5d: {  	v12 =	vld [tilespmem:s20+$0x50];
	vm0 =	veq.s32 v4, v0;
	v4 =	vand.u32 $0x380, v14;
	v2 =	vor.u32 v6, v2  }
0x5e: {  	v7 =	vor.u32 v7, v9;
	vm1 =	veq.s32 v10, v0;
	v3 =	vld.idx.msk [tilespmem:v3+s11+$0x0], $0xffff;
	v2 =	vor.u32 v4, v2  }
0x5f: {  	v9 =	vshrl.u32 v11, $0x3;
	v10 =	vand.u32 $0xE07F, v11;
	v6 =	vand.u32 $0x380, v8  }
0x60: {  	v9 =	vand.u32 $0x380, v9;
	v4 =	vor.u32 v6, v7;
	v6 =	vshll.u32 v11, $0x3  }
0x61: {  	v8 =	vshrl.u32 v11, $0x10;
	v7 =	vshra.s32 v11, $0x15;
	v6 =	vand.u32 $0x1C00, v6  }
0x62: {  	v5 =	vld.idx.msk [tilespmem:v5+s11+$0x0], $0xffff;
	v8 =	vand.u32 $0x1F, v8;
	v6 =	vor.u32 v6, v10;
	v10 =	vshra.s32 v12, $0x15  }
0x63: {  	vm2 =	veq.s32 v8, v0;
	v6 =	vor.u32 v9, v6;
	[tilespmem:v2+s2+$0x0] =	vst.idx.add.f32.msk vm0, v3  }
0x64: {  	v8 =	vshll.u32 v12, $0x3;
	v9 =	vshrl.u32 v12, $0x3;
	v3 =	vshrl.u32 v12, $0x10;
	v2 =	vld [tilespmem:s17+$0x20]  }
0x65: {  	v11 =	vand.u32 $0xE07F, v12;
	v8 =	vand.u32 $0x1C00, v8;
	v3 =	vand.u32 $0x1F, v3  }
0x66: {  	v7 =	vld.idx.msk [tilespmem:v7+s11+$0x0], $0xffff;
	v8 =	vor.u32 v8, v11;
	vm0 =	veq.s32 v3, v0;
	v3 =	vand.u32 $0x380, v9  }
0x67: {  	v3 =	vor.u32 v3, v8;
	v9 =	vld.idx.msk [tilespmem:v10+s11+$0x0], $0xffff;
	_ =	sdelay $0x1  }
0x68: {  	[tilespmem:v4+s2+$0x0] =	vst.idx.add.f32.msk vm1, v5;
	v4 =	vshra.s32 v2, $0x15  }
0x69: {  	v5 =	vld [tilespmem:s20+$0xFFFFFFC0]  }
0x6a: {  	[tilespmem:v6+s2+$0x0] =	vst.idx.add.f32.msk vm2, v7  }
0x6b: {  	v6 =	vshrl.u32 v2, $0x10;
	v7 =	vshll.u32 v2, $0x3;
	v8 =	vshrl.u32 v2, $0x3;
	[tilespmem:v3+s2+$0x0] =	vst.idx.add.f32.msk vm0, v9  }
0x6c: {  	v2 =	vand.u32 $0xE07F, v2;
	v3 =	vand.u32 $0x1F, v6;
	v6 =	vand.u32 $0x1C00, v7;
	v7 =	vld [tilespmem:s20+$0x60]  }
0x6d: {  	vm0 =	veq.s32 v3, v0;
	v2 =	vor.u32 v6, v2;
	v3 =	vld.idx.msk [tilespmem:v4+s11+$0x0], $0xffff;
	v4 =	vand.u32 $0x380, v8  }
0x6e: {  	v6 =	vld [tilespmem:s17+$0xFFFFFFA0];
	v2 =	vor.u32 v4, v2;
	_ =	sdelay $0x1  }
0x6f: {  	v10 =	vshrl.u32 v5, $0x3  }
0x70: {  	v10 =	vand.u32 $0x380, v10;
	v8 =	vshll.u32 v5, $0x3  }
0x71: {  	v9 =	vshrl.u32 v5, $0x10;
	v4 =	vshra.s32 v5, $0x15;
	v8 =	vand.u32 $0x1C00, v8  }
0x72: {  	v5 =	vand.u32 $0xE07F, v5;
	v11 =	vshra.s32 v7, $0x15;
	v12 =	vshrl.u32 v6, $0x10;
	[tilespmem:v2+s2+$0x0] =	vst.idx.add.f32.msk vm0, v3  }
0x73: {  	v14 =	vshrl.u32 v7, $0x10;
	v15 =	vshll.u32 v7, $0x3;
	v16 =	vshrl.u32 v7, $0x3;
	v13 =	vld [tilespmem:s17+$0x30]  }
0x74: {  	v7 =	vand.u32 $0xE07F, v7;
	v14 =	vand.u32 $0x1F, v14;
	v15 =	vand.u32 $0x1C00, v15  }
0x75: {  	v12 =	vand.u32 $0x1F, v12;
	v2 =	vshra.s32 v6, $0x15;
	v3 =	vshll.u32 v6, $0x3  }
0x76: {  	vm0 =	veq.s32 v14, v0;
	v14 =	vand.u32 $0x380, v16;
	v7 =	vor.u32 v15, v7  }
0x77: {  	s18 =	simm.s32 $0x18300;
	v15 =	vshrl.u32 v6, $0x3;
	v6 =	vand.u32 $0xE07F, v6;
	v3 =	vand.u32 $0x1C00, v3  }
0x78: {  	v16 =	vld [tilespmem:s18+$0x0];
	v15 =	vand.u32 $0x380, v15;
	v3 =	vor.u32 v3, v6;
	v6 =	vshra.s32 v13, $0x15  }
0x79: {  	vm2 =	veq.s32 v12, v0;
	v7 =	vor.u32 v14, v7;
	v11 =	vld.idx.msk [tilespmem:v11+s11+$0x0], $0xffff;
	v3 =	vor.u32 v15, v3  }
0x7a: {  	v12 =	vld [tilespmem:s18+$0xFFFFFF80];
	v14 =	vshrl.u32 v13, $0x10;
	v15 =	vshll.u32 v13, $0x3;
	v17 =	vshrl.u32 v13, $0x3  }
0x7b: {  	v2 =	vld.idx.msk [tilespmem:v2+s11+$0x0], $0xffff;
	v13 =	vand.u32 $0xE07F, v13;
	v14 =	vand.u32 $0x1F, v14;
	v15 =	vand.u32 $0x1C00, v15  }
0x7c: {  	v4 =	vld.idx.msk [tilespmem:v4+s11+$0x0], $0xffff;
	vm3 =	veq.s32 v14, v0;
	v14 =	vand.u32 $0x380, v17;
	v13 =	vor.u32 v15, v13  }
0x7d: {  	v9 =	vand.u32 $0x1F, v9;
	v5 =	vor.u32 v8, v5;
	v8 =	vor.u32 v14, v13;
	v6 =	vld.idx.msk [tilespmem:v6+s11+$0x0], $0xffff  }
0x7e: {  	vm1 =	veq.s32 v9, v0;
	v5 =	vor.u32 v10, v5;
	[tilespmem:v7+s2+$0x0] =	vst.idx.add.f32.msk vm0, v11  }
0x7f: {  	v10 =	vshra.s32 v12, $0x15;
	v7 =	vshra.s32 v16, $0x15;
	v11 =	vshll.u32 v12, $0x3;
	v9 =	vld [tilespmem:s20+$0x70]  }
0x80: {  	v15 =	vshrl.u32 v16, $0x3;
	v17 =	vshrl.u32 v16, $0x10;
	v14 =	vshll.u32 v16, $0x3;
	[tilespmem:v3+s2+$0x0] =	vst.idx.add.f32.msk vm2, v2  }
0x81: {  	v16 =	vand.u32 $0xE07F, v16;
	v17 =	vand.u32 $0x1F, v17;
	v2 =	vshrl.u32 v12, $0x10;
	v13 =	vld [tilespmem:s17+$0xFFFFFFB0]  }
0x82: {  	v3 =	vand.u32 $0x1C00, v11;
	v11 =	vshrl.u32 v12, $0x3;
	v14 =	vand.u32 $0x1C00, v14;
	[tilespmem:v8+s2+$0x0] =	vst.idx.add.f32.msk vm3, v6  }
0x83: {  	vm0 =	veq.s32 v17, v0;
	v6 =	vand.u32 $0x380, v15;
	v8 =	vor.u32 v14, v16;
	v14 =	vld [tilespmem:s17+$0x40]  }
0x84: {  	v12 =	vand.u32 $0xE07F, v12;
	v2 =	vand.u32 $0x1F, v2;
	v7 =	vld.idx.msk [tilespmem:v7+s11+$0x0], $0xffff;
	v6 =	vor.u32 v6, v8  }
0x85: {  	[tilespmem:v5+s2+$0x0] =	vst.idx.add.f32.msk vm1, v4;
	v3 =	vor.u32 v3, v12;
	vm1 =	veq.s32 v2, v0;
	v2 =	vand.u32 $0x380, v11  }
0x86: {  	v10 =	vld.idx.msk [tilespmem:v10+s11+$0x0], $0xffff;
	v2 =	vor.u32 v2, v3;
	v15 =	vshll.u32 v9, $0x3  }
0x87: {  	v4 =	vshra.s32 v13, $0x15;
	v3 =	vshll.u32 v13, $0x3;
	v12 =	vshrl.u32 v13, $0x10  }
0x88: {  	v5 =	vld [tilespmem:s20+$0xFFFFFFD0];
	v17 =	vshrl.u32 v13, $0x3;
	v3 =	vand.u32 $0x1C00, v3;
	v11 =	vshra.s32 v14, $0x15  }
0x89: {  	[tilespmem:v6+s2+$0x0] =	vst.idx.add.f32.msk vm0, v7;
	v6 =	vand.u32 $0x1F, v12;
	v7 =	vand.u32 $0x380, v17;
	v12 =	vand.u32 $0xE07F, v13  }
0x8a: {  	v17 =	vshrl.u32 v14, $0x10;
	v18 =	vshll.u32 v14, $0x3;
	v19 =	vshrl.u32 v14, $0x3  }
0x8b: {  	[tilespmem:v2+s2+$0x0] =	vst.idx.add.f32.msk vm1, v10;
	v14 =	vand.u32 $0xE07F, v14;
	v17 =	vand.u32 $0x1F, v17;
	v18 =	vand.u32 $0x1C00, v18  }
0x8c: {  	v13 =	vld [tilespmem:s18+$0x10];
	v3 =	vor.u32 v3, v12;
	vm2 =	veq.s32 v6, v0;
	vm0 =	veq.s32 v17, v0  }
0x8d: {  	v4 =	vld.idx.msk [tilespmem:v4+s11+$0x0], $0xffff;
	v17 =	vand.u32 $0x380, v19;
	v14 =	vor.u32 v18, v14;
	v3 =	vor.u32 v7, v3  }
0x8e: {  	v16 =	vshrl.u32 v9, $0x3;
	v10 =	vld [tilespmem:s18+$0xFFFFFF90];
	v12 =	vor.u32 v17, v14;
	v14 =	vshra.s32 v5, $0x15  }
0x8f: {  	v8 =	vshrl.u32 v9, $0x10;
	v6 =	vshll.u32 v5, $0x3;
	v7 =	vshrl.u32 v5, $0x10;
	v11 =	vld.idx.msk [tilespmem:v11+s11+$0x0], $0xffff  }
0x90: {  	v15 =	vand.u32 $0x1C00, v15;
	v6 =	vand.u32 $0x1C00, v6;
	v7 =	vand.u32 $0x1F, v7  }
0x91: {  	v17 =	vshrl.u32 v5, $0x3;
	v5 =	vand.u32 $0xE07F, v5;
	v2 =	vshra.s32 v13, $0x15  }
0x92: {  	vm1 =	veq.s32 v7, v0;
	v7 =	vand.u32 $0x380, v17;
	v5 =	vor.u32 v6, v5;
	[tilespmem:v3+s2+$0x0] =	vst.idx.add.f32.msk vm2, v4  }
0x93: {  	v6 =	vshra.s32 v10, $0x15;
	v5 =	vor.u32 v7, v5;
	v18 =	vshrl.u32 v13, $0x10;
	v14 =	vld.idx.msk [tilespmem:v14+s11+$0x0], $0xffff  }
0x94: {  	v19 =	vshll.u32 v13, $0x3;
	v20 =	vshrl.u32 v13, $0x3;
	v13 =	vand.u32 $0xE07F, v13;
	[tilespmem:v12+s2+$0x0] =	vst.idx.add.f32.msk vm0, v11  }
0x95: {  	v3 =	vshrl.u32 v10, $0x10;
	v11 =	vand.u32 $0x1F, v18;
	v12 =	vand.u32 $0x1C00, v19;
	v18 =	vld [tilespmem:s17+$0x50]  }
0x96: {  	vm0 =	veq.s32 v11, v0;
	v11 =	vand.u32 $0x380, v20;
	v12 =	vor.u32 v12, v13;
	v2 =	vld.idx.msk [tilespmem:v2+s11+$0x0], $0xffff  }
0x97: {  	v3 =	vand.u32 $0x1F, v3;
	v13 =	vld [tilespmem:s17+$0xFFFFFFC0];
	v11 =	vor.u32 v11, v12;
	v12 =	vshll.u32 v10, $0x3  }
0x98: {  	v4 =	vand.u32 $0x1C00, v12;
	v12 =	vshrl.u32 v10, $0x3;
	v10 =	vand.u32 $0xE07F, v10  }
0x99: {  	vm2 =	veq.s32 v3, v0;
	v12 =	vand.u32 $0x380, v12;
	v3 =	vor.u32 v4, v10  }
0x9a: {  	v8 =	vand.u32 $0x1F, v8;
	v10 =	vand.u32 $0xE07F, v9;
	v3 =	vor.u32 v12, v3  }
0x9b: {  	[tilespmem:v5+s2+$0x0] =	vst.idx.add.f32.msk vm1, v14;
	v10 =	vor.u32 v15, v10;
	v4 =	vshra.s32 v18, $0x15;
	v12 =	vshrl.u32 v18, $0x3  }
0x9c: {  	v17 =	vand.u32 $0xE07F, v18;
	v5 =	vshrl.u32 v13, $0x10;
	v14 =	vshrl.u32 v13, $0x3;
	[tilespmem:v11+s2+$0x0] =	vst.idx.add.f32.msk vm0, v2  }
0x9d: {  	v2 =	vshrl.u32 v18, $0x10;
	v11 =	vshll.u32 v18, $0x3;
	vm0 =	veq.s32 v8, v0;
	v7 =	vld [tilespmem:s18+$0x20]  }
0x9e: {  	v6 =	vld.idx.msk [tilespmem:v6+s11+$0x0], $0xffff;
	v8 =	vshll.u32 v13, $0x3;
	v2 =	vand.u32 $0x1F, v2;
	v11 =	vand.u32 $0x1C00, v11  }
0x9f: {  	vm3 =	veq.s32 v2, v0;
	v2 =	vand.u32 $0x380, v12;
	v11 =	vor.u32 v11, v17  }
0xa0: {  	s19 =	simm.s32 $0x18400;
	v5 =	vand.u32 $0x1F, v5;
	v12 =	vand.u32 $0x380, v16;
	v11 =	vor.u32 v2, v11;
	v15 =	vld.idx.msk [tilespmem:v4+s11+$0x0], $0xffff  }
0xa1: {  	v8 =	vand.u32 $0x1C00, v8;
	v17 =	vld [tilespmem:s19+$0x0];
	v2 =	vor.u32 v12, v10;
	v10 =	vshra.s32 v13, $0x15  }
0xa2: {  	v12 =	vld [tilespmem:s20+$0xFFFFFFE0];
	v13 =	vand.u32 $0xE07F, v13;
	v4 =	vshra.s32 v9, $0x15;
	v9 =	vshra.s32 v7, $0x15  }
0xa3: {  	vm1 =	veq.s32 v5, v0;
	[tilespmem:v3+s2+$0x0] =	vst.idx.add.f32.msk vm2, v6;
	v8 =	vor.u32 v8, v13;
	v3 =	vshrl.u32 v7, $0x10  }
0xa4: {  	v5 =	vshll.u32 v7, $0x3;
	v6 =	vshrl.u32 v7, $0x3;
	v7 =	vand.u32 $0xE07F, v7  }
0xa5: {  	v3 =	vand.u32 $0x1F, v3;
	v5 =	vand.u32 $0x1C00, v5;
	v6 =	vand.u32 $0x380, v6;
	[tilespmem:v11+s2+$0x0] =	vst.idx.add.f32.msk vm3, v15  }
0xa6: {  	v21 =	vshrl.u32 v17, $0x3;
	vm2 =	veq.s32 v3, v0;
	v5 =	vor.u32 v5, v7;
	v11 =	vld [tilespmem:s17+$0x60]  }
0xa7: {  	v7 =	vand.u32 $0x380, v14;
	v13 =	vshrl.u32 v12, $0x10;
	v14 =	vshrl.u32 v12, $0x3;
	v3 =	vld.idx.msk [tilespmem:v9+s11+$0x0], $0xffff  }
0xa8: {  	v21 =	vand.u32 $0x380, v21;
	v5 =	vor.u32 v6, v5;
	v6 =	vor.u32 v7, v8;
	v9 =	vld [tilespmem:s18+$0xFFFFFFA0]  }
0xa9: {  	v7 =	vshra.s32 v12, $0x15;
	v8 =	vshll.u32 v12, $0x3;
	v13 =	vand.u32 $0x1F, v13  }
0xaa: {  	v14 =	vand.u32 $0x380, v14;
	v12 =	vand.u32 $0xE07F, v12;
	v8 =	vand.u32 $0x1C00, v8  }
0xab: {  	vm3 =	veq.s32 v13, v0;
	v8 =	vor.u32 v8, v12;
	v15 =	vshra.s32 v11, $0x15  }
0xac: {  	v8 =	vor.u32 v14, v8;
	v14 =	vshll.u32 v11, $0x3;
	v16 =	vshrl.u32 v11, $0x3  }
0xad: {  	v12 =	vshra.s32 v9, $0x15;
	v13 =	vshll.u32 v9, $0x3;
	[tilespmem:v5+s2+$0x0] =	vst.idx.add.f32.msk vm2, v3;
	v5 =	vshrl.u32 v11, $0x10  }
0xae: {  	v14 =	vand.u32 $0x1C00, v14;
	v11 =	vand.u32 $0xE07F, v11;
	v3 =	vld [tilespmem:s18+$0x30];
	v5 =	vand.u32 $0x1F, v5  }
0xaf: {  	v11 =	vor.u32 v14, v11;
	vm2 =	veq.s32 v5, v0;
	v5 =	vand.u32 $0x380, v16  }
0xb0: {  	v14 =	vshrl.u32 v9, $0x10;
	v13 =	vand.u32 $0x1C00, v13;
	v5 =	vor.u32 v5, v11;
	v15 =	vld.idx.msk [tilespmem:v15+s11+$0x0], $0xffff  }
0xb1: {  	v14 =	vand.u32 $0x1F, v14;
	v16 =	vld [tilespmem:s19+$0xFFFFFF80];
	v11 =	vshrl.u32 v9, $0x3;
	v9 =	vand.u32 $0xE07F, v9  }
0xb2: {  	vm4 =	veq.s32 v14, v0;
	v11 =	vand.u32 $0x380, v11;
	v9 =	vor.u32 v13, v9  }
0xb3: {  	v9 =	vor.u32 v11, v9;
	v11 =	vshra.s32 v17, $0x15;
	v12 =	vld.idx.msk [tilespmem:v12+s11+$0x0], $0xffff;
	v13 =	vshra.s32 v3, $0x15  }
0xb4: {  	v10 =	vld.idx.msk [tilespmem:v10+s11+$0x0], $0xffff;
	v14 =	vshrl.u32 v3, $0x10;
	v18 =	vshll.u32 v3, $0x3;
	v19 =	vshrl.u32 v3, $0x3  }
0xb5: {  	v3 =	vand.u32 $0xE07F, v3;
	[tilespmem:v5+s2+$0x0] =	vst.idx.add.f32.msk vm2, v15;
	v5 =	vand.u32 $0x1F, v14;
	v14 =	vand.u32 $0x1C00, v18  }
0xb6: {  	v18 =	vshll.u32 v16, $0x3;
	vm2 =	veq.s32 v5, v0;
	v5 =	vand.u32 $0x380, v19  }
0xb7: {  	v15 =	vld [tilespmem:s17+$0x70];
	v3 =	vor.u32 v14, v3;
	v14 =	vshra.s32 v16, $0x15;
	v19 =	vshrl.u32 v16, $0x10  }
0xb8: {  	v18 =	vand.u32 $0x1C00, v18;
	[tilespmem:v9+s2+$0x0] =	vst.idx.add.f32.msk vm4, v12;
	v9 =	vshrl.u32 v16, $0x3;
	v12 =	vand.u32 $0xE07F, v17  }
0xb9: {  	v16 =	vand.u32 $0xE07F, v16;
	v13 =	vld.idx.msk [tilespmem:v13+s11+$0x0], $0xffff;
	v3 =	vor.u32 v5, v3;
	v5 =	vshll.u32 v17, $0x3  }
0xba: {  	[tilespmem:v6+s2+$0x0] =	vst.idx.add.f32.msk vm1, v10;
	v17 =	vshrl.u32 v17, $0x10;
	v10 =	vand.u32 $0x1F, v19;
	v16 =	vor.u32 v18, v16  }
0xbb: {  	v7 =	vld.idx.msk [tilespmem:v7+s11+$0x0], $0xffff;
	v9 =	vand.u32 $0x380, v9;
	v5 =	vand.u32 $0x1C00, v5;
	v17 =	vand.u32 $0x1F, v17  }
0xbc: {  	v20 =	vld [tilespmem:s18+$0xFFFFFFB0];
	vm1 =	veq.s32 v10, v0;
	v12 =	vor.u32 v5, v12;
	vm13 =	veq.s32 v17, v0  }
0xbd: {  	v11 =	vld.idx.msk [tilespmem:v11+s11+$0x0], $0xffff;
	v9 =	vor.u32 v9, v16;
	v12 =	vor.u32 v21, v12;
	v5 =	vshra.s32 v15, $0x15  }
0xbe: {  	v17 =	vshll.u32 v15, $0x3;
	v60 =	vshrl.u32 v15, $0x3;
	[tilespmem:v3+s2+$0x0] =	vst.idx.add.f32.msk vm2, v13;
	v13 =	vshrl.u32 v15, $0x10  }
0xbf: {  	v17 =	vand.u32 $0x1C00, v17;
	v15 =	vand.u32 $0xE07F, v15;
	v3 =	vld [tilespmem:s18+$0x40];
	v13 =	vand.u32 $0x1F, v13  }
0xc0: {  	v15 =	vor.u32 v17, v15;
	vm2 =	veq.s32 v13, v0;
	v13 =	vand.u32 $0x380, v60  }
0xc1: {  	v14 =	vld.idx.msk [tilespmem:v14+s11+$0x0], $0xffff;
	v10 =	vshra.s32 v20, $0x15;
	v6 =	vor.u32 v13, v15;
	v13 =	vshll.u32 v20, $0x3  }
0xc2: {  	[tilespmem:v12+s2+$0x0] =	vst.idx.add.f32.msk vm13, v11;
	v11 =	vshrl.u32 v20, $0x10;
	v12 =	vand.u32 $0x1C00, v13;
	v13 =	vshrl.u32 v20, $0x3  }
0xc3: {  	v18 =	vand.u32 $0xE07F, v20;
	v16 =	vld [tilespmem:s19+$0x10];
	v11 =	vand.u32 $0x1F, v11;
	v13 =	vand.u32 $0x380, v13  }
0xc4: {  	[tilespmem:v8+s2+$0x0] =	vst.idx.add.f32.msk vm3, v7;
	v8 =	vor.u32 v12, v18;
	vm14 =	veq.s32 v11, v0;
	v15 =	vshra.s32 v3, $0x15  }
0xc5: {  	v17 =	vld [tilespmem:s17+$0xFFFFFFD0];
	v19 =	vshrl.u32 v3, $0x10;
	v20 =	vshll.u32 v3, $0x3;
	v61 =	vshrl.u32 v3, $0x3  }
0xc6: {  	[tilespmem:v9+s2+$0x0] =	vst.idx.add.f32.msk vm1, v14;
	v3 =	vand.u32 $0xE07F, v3;
	v8 =	vor.u32 v13, v8;
	v20 =	vand.u32 $0x1C00, v20  }
0xc7: {  	v10 =	vld.idx.msk [tilespmem:v10+s11+$0x0], $0xffff;
	v19 =	vand.u32 $0x1F, v19;
	v7 =	vand.u32 $0x380, v61;
	v3 =	vor.u32 v20, v3  }
0xc8: {  	v14 =	vld [tilespmem:s19+$0xFFFFFF90];
	vm3 =	veq.s32 v19, v0;
	v3 =	vor.u32 v7, v3;
	v7 =	vshra.s32 v16, $0x15  }
0xc9: {  	v9 =	vshrl.u32 v16, $0x10;
	v12 =	vld.idx.msk [tilespmem:v15+s11+$0x0], $0xffff  }
0xca: {  	v11 =	vshll.u32 v16, $0x3;
	v13 =	vshrl.u32 v16, $0x3;
	v16 =	vand.u32 $0xE07F, v16  }
0xcb: {  	v19 =	vld [tilespmem:s20+$0xFFFFFFF0];
	v9 =	vand.u32 $0x1F, v9;
	v11 =	vand.u32 $0x1C00, v11;
	v15 =	vshra.s32 v17, $0x15  }
0xcc: {  	vm5 =	veq.s32 v9, v0;
	v9 =	vand.u32 $0x380, v13;
	v11 =	vor.u32 v11, v16;
	[tilespmem:v8+s2+$0x0] =	vst.idx.add.f32.msk vm14, v10  }
0xcd: {  	v13 =	vshll.u32 v17, $0x3;
	v16 =	vshrl.u32 v17, $0x10;
	v9 =	vor.u32 v9, v11;
	v7 =	vld.idx.msk [tilespmem:v7+s11+$0x0], $0xffff  }
0xce: {  	v8 =	vshrl.u32 v14, $0x10;
	v11 =	vand.u32 $0x1C00, v13;
	v13 =	vand.u32 $0x1F, v16;
	[tilespmem:v3+s2+$0x0] =	vst.idx.add.f32.msk vm3, v12  }
0xcf: {  	v16 =	vshrl.u32 v17, $0x3;
	v8 =	vand.u32 $0x1F, v8;
	vm1 =	veq.s32 v13, v0;
	v13 =	vld [tilespmem:s18+$0x50]  }
0xd0: {  	v3 =	vand.u32 $0xE07F, v17;
	v12 =	vand.u32 $0x380, v16;
	v16 =	vshll.u32 v14, $0x3  }
0xd1: {  	v4 =	vld.idx.msk [tilespmem:v4+s11+$0x0], $0xffff;
	vm3 =	veq.s32 v8, v0;
	v3 =	vor.u32 v11, v3;
	v11 =	vshra.s32 v14, $0x15  }
0xd2: {  	v10 =	vand.u32 $0x1C00, v16;
	v16 =	vshrl.u32 v14, $0x3;
	v14 =	vand.u32 $0xE07F, v14;
	[tilespmem:v9+s2+$0x0] =	vst.idx.add.f32.msk vm5, v7  }
0xd3: {  	v16 =	vand.u32 $0x380, v16;
	v8 =	vor.u32 v10, v14;
	v7 =	vld.idx.msk [tilespmem:v15+s11+$0x0], $0xffff;
	v9 =	vor.u32 v12, v3  }
0xd4: {  	v10 =	vld [tilespmem:s18+$0xFFFFFFC0];
	v14 =	vshra.s32 v19, $0x15;
	v8 =	vor.u32 v16, v8;
	v12 =	vshra.s32 v13, $0x15  }
0xd5: {  	v15 =	vshrl.u32 v19, $0x10;
	v16 =	vshll.u32 v19, $0x3;
	v3 =	vshrl.u32 v19, $0x3;
	v17 =	vld [tilespmem:s19+$0x20]  }
0xd6: {  	v11 =	vld.idx.msk [tilespmem:v11+s11+$0x0], $0xffff;
	v18 =	vshrl.u32 v13, $0x10;
	v20 =	vshll.u32 v13, $0x3;
	v62 =	vshrl.u32 v13, $0x3  }
0xd7: {  	v13 =	vand.u32 $0xE07F, v13;
	v18 =	vand.u32 $0x1F, v18;
	v20 =	vand.u32 $0x1C00, v20  }
0xd8: {  	[tilespmem:v9+s2+$0x0] =	vst.idx.add.f32.msk vm1, v7;
	vm15 =	veq.s32 v18, v0;
	v7 =	vand.u32 $0x380, v62;
	v9 =	vor.u32 v20, v13  }
0xd9: {  	v16 =	vand.u32 $0x1C00, v16;
	v18 =	vshll.u32 v10, $0x3;
	v7 =	vor.u32 v7, v9;
	v12 =	vld.idx.msk [tilespmem:v12+s11+$0x0], $0xffff  }
0xda: {  	[tilespmem:v2+s2+$0x0] =	vst.idx.add.f32.msk vm0, v4;
	v13 =	vshra.s32 v10, $0x15;
	v9 =	vshrl.u32 v10, $0x10;
	v18 =	vand.u32 $0x1C00, v18  }
0xdb: {  	v9 =	vand.u32 $0x1F, v9;
	[tilespmem:v8+s2+$0x0] =	vst.idx.add.f32.msk vm3, v11;
	v8 =	vshrl.u32 v10, $0x3;
	v11 =	vshra.s32 v17, $0x15  }
0xdc: {  	v20 =	vld [tilespmem:s17+$0xFFFFFFE0];
	v10 =	vand.u32 $0xE07F, v10;
	vm1 =	veq.s32 v9, v0;
	v8 =	vand.u32 $0x380, v8  }
0xdd: {  	v9 =	vor.u32 v18, v10;
	v10 =	vld.idx.msk [tilespmem:v5+s11+$0x0], $0xffff;
	v18 =	vand.u32 $0xE07F, v19;
	v5 =	vshrl.u32 v17, $0x10  }
0xde: {  	v8 =	vor.u32 v8, v9;
	v9 =	vshll.u32 v17, $0x3;
	v5 =	vand.u32 $0x1F, v5;
	[tilespmem:v7+s2+$0x0] =	vst.idx.add.f32.msk vm15, v12  }
0xdf: {  	v7 =	vshrl.u32 v17, $0x3;
	v12 =	vand.u32 $0x1C00, v9;
	v17 =	vand.u32 $0xE07F, v17;
	v9 =	vld [tilespmem:s18+$0x60]  }
0xe0: {  	vm3 =	veq.s32 v5, v0;
	v63 =	vld.idx.msk [tilespmem:v11+s11+$0x0], $0xffff;
	v5 =	vand.u32 $0x380, v7;
	v7 =	vor.u32 v12, v17  }
0xe1: {  	v2 =	vshrl.u32 v20, $0x10;
	v11 =	vand.u32 $0xE07F, v20;
	v12 =	vld [tilespmem:s19+$0xFFFFFFA0];
	v22 =	vor.u32 v5, v7  }
0xe2: {  	[tilespmem:v6+s2+$0x0] =	vst.idx.add.f32.msk vm2, v10;
	v6 =	vand.u32 $0x1F, v2;
	v5 =	vshra.s32 v20, $0x15;
	v7 =	vshll.u32 v20, $0x3  }
0xe3: {  	vm0 =	veq.s32 v6, v0;
	v4 =	vand.u32 $0x1C00, v7;
	v7 =	vshrl.u32 v20, $0x3  }
0xe4: {  	v2 =	vld.idx.msk [tilespmem:v14+s11+$0x0], $0xffff;
	v7 =	vand.u32 $0x380, v7;
	v4 =	vor.u32 v4, v11;
	v10 =	vshra.s32 v9, $0x15  }
0xe5: {  	v6 =	vor.u32 v16, v18;
	v11 =	vld.idx.msk [tilespmem:v13+s11+$0x0], $0xffff;
	v4 =	vor.u32 v7, v4;
	v7 =	vand.u32 $0x1F, v15  }
0xe6: {  	v18 =	vshrl.u32 v12, $0x10;
	v17 =	vshra.s32 v12, $0x15;
	v19 =	vshll.u32 v12, $0x3;
	[tilespmem:v22+s2+$0x0] =	vst.idx.add.f32.msk vm3, v63  }
0xe7: {  	s21 =	simm.s32 $0x18500;
	s20 =	simm.s32 $0x6;
	v15 =	vshrl.u32 v9, $0x10;
	v16 =	vshll.u32 v9, $0x3;
	v13 =	vshrl.u32 v9, $0x3;
	v14 =	vld [tilespmem:s19+$0x30]  }
.LBB2_3:
0xe8: {  	v20 =	vld [tilespmem:s21+$0x0];
	v15 =	vand.u32 $0x1F, v15;
	v16 =	vand.u32 $0x1C00, v16;
	v9 =	vand.u32 $0xE07F, v9  }
0xe9: {  	v13 =	vand.u32 $0x380, v13;
	vm2 =	veq.s32 v15, v0;
	v10 =	vld.idx.msk [tilespmem:v10+s11+$0x0], $0xffff;
	v9 =	vor.u32 v16, v9  }
0xea: {  	v16 =	vand.u32 $0x1C00, v19;
	v19 =	vshrl.u32 v12, $0x3;
	v15 =	vld [tilespmem:s21+$0xFFFFFF80];
	v9 =	vor.u32 v13, v9  }
0xeb: {  	v12 =	vand.u32 $0xE07F, v12;
	v13 =	vand.u32 $0x1F, v18;
	v18 =	vand.u32 $0x380, v19;
	v17 =	vld.idx.msk [tilespmem:v17+s11+$0x0], $0xffff  }
0xec: {  	v12 =	vor.u32 v16, v12;
	vm3 =	veq.s32 v13, v0;
	v13 =	vshra.s32 v14, $0x15;
	[tilespmem:v8+s2+$0x0] =	vst.idx.add.f32.msk vm1, v11  }
0xed: {  	v3 =	vand.u32 $0x380, v3;
	v8 =	vor.u32 v18, v12;
	vm1 =	veq.s32 v7, v0;
	v11 =	vld [tilespmem:s18+$0xFFFFFFD0]  }
0xee: {  	v3 =	vor.u32 v3, v6;
	v7 =	vshra.s32 v20, $0x15;
	v5 =	vld.idx.msk [tilespmem:v5+s11+$0x0], $0xffff  }
0xef: {  	s20 =	sadd.s32 $0x2, s20;
	v6 =	vshrl.u32 v14, $0x10;
	v12 =	vshll.u32 v14, $0x3;
	v16 =	vshrl.u32 v14, $0x3;
	[tilespmem:v9+s2+$0x0] =	vst.idx.add.f32.msk vm2, v10  }
0xf0: {  	p0 =	slt.u32 s20, $0x3E;
	v6 =	vand.u32 $0x1F, v6;
	v9 =	vand.u32 $0x1C00, v12;
	v10 =	vand.u32 $0xE07F, v14;
	v12 =	vld [tilespmem:s18+$0x70]  }
0xf1: {  	vm2 =	veq.s32 v6, v0;
	v9 =	vor.u32 v9, v10;
	v6 =	vld.idx.msk [tilespmem:v13+s11+$0x0], $0xffff;
	v13 =	vand.u32 $0x380, v16  }
0xf2: {  	v14 =	vshll.u32 v15, $0x3;
	v10 =	vshra.s32 v15, $0x15;
	[tilespmem:v8+s2+$0x0] =	vst.idx.add.f32.msk vm3, v17;
	v8 =	vor.u32 v13, v9  }
0xf3: {  	v9 =	vshrl.u32 v15, $0x10;
	v13 =	vand.u32 $0x1C00, v14;
	v14 =	vshrl.u32 v15, $0x3;
	v16 =	vld [tilespmem:s19+$0xFFFFFFB0]  }
0xf4: {  	v18 =	vshrl.u32 v20, $0x3;
	v19 =	vand.u32 $0xE07F, v20;
	v17 =	vshll.u32 v20, $0x3;
	[tilespmem:v4+s2+$0x0] =	vst.idx.add.f32.msk vm0, v5  }
0xf5: {  	v17 =	vand.u32 $0x1C00, v17;
	v5 =	vshrl.u32 v20, $0x10;
	v20 =	vshra.s32 v12, $0x15;
	v4 =	vld [tilespmem:s17+$0xFFFFFFF0];
	s17 =	smov.u32 s18;
	s18 =	smov.u32 s19;
	s19 =	smov.u32 s21  }
0xf6: {  	v18 =	vand.u32 $0x380, v18;
	v17 =	vor.u32 v17, v19;
	v5 =	vand.u32 $0x1F, v5;
	v7 =	vld.idx.msk [tilespmem:v7+s11+$0x0], $0xffff  }
0xf7: {  	v15 =	vand.u32 $0xE07F, v15;
	vm3 =	veq.s32 v5, v0;
	v5 =	vor.u32 v18, v17;
	[tilespmem:v8+s2+$0x0] =	vst.idx.add.f32.msk vm2, v6  }
0xf8: {  	v17 =	vshll.u32 v12, $0x3;
	v18 =	vshrl.u32 v12, $0x3;
	v8 =	vshrl.u32 v12, $0x10;
	v6 =	vld [tilespmem:s18+$0x40]  }
0xf9: {  	v17 =	vand.u32 $0x1C00, v17;
	v12 =	vand.u32 $0xE07F, v12;
	v8 =	vand.u32 $0x1F, v8;
	v10 =	vld.idx.msk [tilespmem:v10+s11+$0x0], $0xffff  }
0xfa: {  	v18 =	vand.u32 $0x380, v18;
	v12 =	vor.u32 v17, v12;
	vm2 =	veq.s32 v8, v0;
	v8 =	vld.idx.msk [tilespmem:v20+s11+$0x0], $0xffff  }
0xfb: {  	v9 =	vand.u32 $0x1F, v9;
	v13 =	vor.u32 v13, v15;
	v12 =	vor.u32 v18, v12;
	[tilespmem:v3+s2+$0x0] =	vst.idx.add.f32.msk vm1, v2  }
0xfc: {  	vm0 =	veq.s32 v9, v0;
	v2 =	vand.u32 $0x380, v14;
	v3 =	vshra.s32 v16, $0x15  }
0xfd: {  	v9 =	vshll.u32 v16, $0x3;
	v2 =	vor.u32 v2, v13;
	v13 =	vshra.s32 v6, $0x15  }
0xfe: {  	[tilespmem:v5+s2+$0x0] =	vst.idx.add.f32.msk vm3, v7;
	v5 =	vshrl.u32 v16, $0x10;
	v7 =	vand.u32 $0x1C00, v9;
	v9 =	vshrl.u32 v16, $0x3  }
0xff: {  	v15 =	vand.u32 $0xE07F, v16;
	v14 =	vld [tilespmem:s21+$0x10];
	v5 =	vand.u32 $0x1F, v5;
	v9 =	vand.u32 $0x380, v9  }
0x100: {  	v17 =	vshll.u32 v6, $0x3;
	v18 =	vshrl.u32 v6, $0x3;
	v16 =	vshrl.u32 v6, $0x10;
	[tilespmem:v12+s2+$0x0] =	vst.idx.add.f32.msk vm2, v8  }
0x101: {  	v6 =	vand.u32 $0xE07F, v6;
	v8 =	vand.u32 $0x1F, v16;
	v12 =	vand.u32 $0x1C00, v17;
	v3 =	vld.idx.msk [tilespmem:v3+s11+$0x0], $0xffff  }
0x102: {  	vm2 =	veq.s32 v8, v0;
	v6 =	vor.u32 v12, v6;
	v8 =	vld.idx.msk [tilespmem:v13+s11+$0x0], $0xffff;
	v13 =	vand.u32 $0x380, v18  }
0x103: {  	[tilespmem:v2+s2+$0x0] =	vst.idx.add.f32.msk vm0, v10;
	v2 =	vor.u32 v7, v15;
	v6 =	vor.u32 v13, v6;
	v7 =	vshra.s32 v11, $0x15  }
0x104: {  	vm1 =	veq.s32 v5, v0;
	v5 =	vshll.u32 v11, $0x3;
	v10 =	vld [tilespmem:s21+$0xFFFFFF90];
	v2 =	vor.u32 v9, v2  }
0x105: {  	v12 =	vshrl.u32 v11, $0x10;
	v5 =	vand.u32 $0x1C00, v5;
	v9 =	vshra.s32 v14, $0x15  }
0x106: {  	v12 =	vand.u32 $0x1F, v12;
	v13 =	vshrl.u32 v11, $0x3;
	v11 =	vand.u32 $0xE07F, v11  }
0x107: {  	vm0 =	veq.s32 v12, v0;
	v12 =	vand.u32 $0x380, v13;
	v5 =	vor.u32 v5, v11  }
0x108: {  	v11 =	vshrl.u32 v14, $0x10;
	v13 =	vshll.u32 v14, $0x3;
	v15 =	vshrl.u32 v14, $0x3;
	[tilespmem:v6+s2+$0x0] =	vst.idx.add.f32.msk vm2, v8  }
0x109: {  	v6 =	vand.u32 $0x1F, v11;
	v8 =	vand.u32 $0x1C00, v13;
	v11 =	vand.u32 $0xE07F, v14;
	v13 =	vld [tilespmem:s18+$0x50]  }
0x10a: {  	vm3 =	veq.s32 v6, v0;
	v8 =	vor.u32 v8, v11;
	v6 =	vld.idx.msk [tilespmem:v9+s11+$0x0], $0xffff;
	v9 =	vand.u32 $0x380, v15  }
0x10b: {  	v11 =	vshra.s32 v10, $0x15;
	v14 =	vshll.u32 v10, $0x3;
	v8 =	vor.u32 v9, v8;
	[tilespmem:v2+s2+$0x0] =	vst.idx.add.f32.msk vm1, v3  }
0x10c: {  	v2 =	vshrl.u32 v10, $0x10;
	v3 =	vand.u32 $0x1C00, v14;
	v9 =	vshrl.u32 v10, $0x3;
	v14 =	vld [tilespmem:s18+$0xFFFFFFC0]  }
0x10d: {  	v10 =	vand.u32 $0xE07F, v10;
	v2 =	vand.u32 $0x1F, v2;
	v9 =	vand.u32 $0x380, v9;
	v7 =	vld.idx.msk [tilespmem:v7+s11+$0x0], $0xffff  }
0x10e: {  	vm2 =	veq.s32 v2, v0;
	v2 =	vor.u32 v3, v10;
	v10 =	vshra.s32 v13, $0x15  }
0x10f: {  	v9 =	vor.u32 v9, v2;
	v2 =	vor.u32 v12, v5;
	v5 =	vshra.s32 v4, $0x15  }
0x110: {  	v3 =	vshrl.u32 v4, $0x3;
	v12 =	vshll.u32 v4, $0x3;
	[tilespmem:v8+s2+$0x0] =	vst.idx.add.f32.msk vm3, v6;
	v6 =	vshrl.u32 v4, $0x10  }
0x111: {  	v16 =	vshll.u32 v13, $0x3;
	v17 =	vshrl.u32 v13, $0x3;
	v8 =	vshrl.u32 v13, $0x10;
	v15 =	vld [tilespmem:s21+$0x20]  }
0x112: {  	v16 =	vand.u32 $0x1C00, v16;
	v13 =	vand.u32 $0xE07F, v13;
	v8 =	vand.u32 $0x1F, v8;
	v11 =	vld.idx.msk [tilespmem:v11+s11+$0x0], $0xffff  }
0x113: {  	v13 =	vor.u32 v16, v13;
	vm3 =	veq.s32 v8, v0;
	v8 =	vand.u32 $0x380, v17;
	v10 =	vld.idx.msk [tilespmem:v10+s11+$0x0], $0xffff  }
0x114: {  	v16 =	vshra.s32 v14, $0x15;
	v17 =	vshll.u32 v14, $0x3;
	v13 =	vor.u32 v8, v13;
	[tilespmem:v2+s2+$0x0] =	vst.idx.add.f32.msk vm0, v7  }
0x115: {  	v8 =	vshrl.u32 v14, $0x3;
	v2 =	vshrl.u32 v14, $0x10;
	v7 =	vand.u32 $0x1C00, v17;
	v17 =	vld [tilespmem:s17+$0xFFFFFFE0]  }
0x116: {  	v14 =	vand.u32 $0xE07F, v14;
	v19 =	vand.u32 $0x1F, v2;
	v18 =	vshra.s32 v15, $0x15;
	v2 =	vld.idx.msk [tilespmem:v5+s11+$0x0], $0xffff  }
0x117: {  	v7 =	vor.u32 v7, v14;
	vm1 =	veq.s32 v19, v0;
	v5 =	vand.u32 $0x380, v8  }
0x118: {  	v14 =	vand.u32 $0x1C00, v12;
	v19 =	vand.u32 $0xE07F, v4;
	v8 =	vor.u32 v5, v7;
	[tilespmem:v9+s2+$0x0] =	vst.idx.add.f32.msk vm2, v11  }
0x119: {  	v4 =	vshrl.u32 v15, $0x10;
	v5 =	vshll.u32 v15, $0x3;
	v7 =	vshrl.u32 v15, $0x3;
	[tilespmem:v13+s2+$0x0] =	vst.idx.add.f32.msk vm3, v10  }
0x11a: {  	v4 =	vand.u32 $0x1F, v4;
	v5 =	vand.u32 $0x1C00, v5;
	v10 =	vand.u32 $0xE07F, v15;
	v9 =	vld [tilespmem:s18+$0x60]  }
0x11b: {  	vm2 =	veq.s32 v4, v0;
	v4 =	vand.u32 $0x380, v7;
	v5 =	vor.u32 v5, v10;
	v13 =	vld.idx.msk [tilespmem:v18+s11+$0x0], $0xffff  }
0x11c: {  	v15 =	vor.u32 v4, v5;
	v5 =	vshra.s32 v17, $0x15;
	v4 =	vshll.u32 v17, $0x3;
	v12 =	vld [tilespmem:s21+$0xFFFFFFA0]  }
0x11d: {  	v7 =	vshrl.u32 v17, $0x10;
	v10 =	vshrl.u32 v17, $0x3;
	v4 =	vand.u32 $0x1C00, v4;
	v11 =	vld.idx.msk [tilespmem:v16+s11+$0x0], $0xffff  }
.Ltmp0:
0x11e: {  	v7 =	vand.u32 $0x1F, v7;
	v17 =	vand.u32 $0xE07F, v17;
	v16 =	vand.u32 $0x380, v10;
	(pc) =	sbr.rel @p0 .LBB2_3-.Ltmp0, $4  }
0x11f: {  	vm0 =	veq.s32 v7, v0;
	v4 =	vor.u32 v4, v17;
	v10 =	vshra.s32 v9, $0x15  }
0x120: {  	v7 =	vand.u32 $0x1F, v6;
	v6 =	vor.u32 v14, v19;
	v4 =	vor.u32 v16, v4  }
0x121: {  	v18 =	vshrl.u32 v12, $0x10;
	v17 =	vshra.s32 v12, $0x15;
	v19 =	vshll.u32 v12, $0x3;
	[tilespmem:v15+s2+$0x0] =	vst.idx.add.f32.msk vm2, v13  }
0x122: {  	s21 =	sadd.s32 $0x100, s21;
	v16 =	vshll.u32 v9, $0x3;
	v15 =	vshrl.u32 v9, $0x10;
	v13 =	vshrl.u32 v9, $0x3;
	v14 =	vld [tilespmem:s19+$0x30]  }
0x123: {  	_ = 	snop  }
0x124: {  	v19 =	vand.u32 $0x1C00, v19  }
0x125: {  	v20 =	vshrl.u32 v12, $0x3;
	v18 =	vand.u32 $0x1F, v18;
	v44 =	vand.u32 $0xE07F, v12  }
0x126: {  	v20 =	vand.u32 $0x380, v20;
	vm2 =	veq.s32 v18, v0;
	v12 =	vor.u32 v19, v44  }
0x127: {  	v17 =	vld.idx.msk [tilespmem:v17+s11+$0x0], $0xffff;
	v12 =	vor.u32 v20, v12;
	_ =	sdelay $0x3  }
0x128: {  	v45 =	vshra.s32 v14, $0x15  }
0x129: {  	[tilespmem:v12+s2+$0x0] =	vst.idx.add.f32.msk vm2, v17  }
0x12a: {  	v46 =	vshrl.u32 v14, $0x10;
	v47 =	vshll.u32 v14, $0x3;
	v48 =	vshrl.u32 v14, $0x3;
	v49 =	vld [tilespmem:s19+$0xFFFFFFB0]  }
0x12b: {  	v50 =	vand.u32 $0xE07F, v14;
	v12 =	vand.u32 $0x1F, v46;
	v17 =	vand.u32 $0x1C00, v47  }
0x12c: {  	v51 =	vand.u32 $0x380, v48;
	vm11 =	veq.s32 v12, v0;
	v14 =	vor.u32 v17, v50  }
0x12d: {  	v52 =	vld.idx.msk [tilespmem:v45+s11+$0x0], $0xffff;
	v12 =	vor.u32 v51, v14;
	_ =	sdelay $0x1  }
0x12e: {  	v53 =	vshra.s32 v49, $0x15;
	_ =	sdelay $0x1  }
0x12f: {  	v54 =	vshll.u32 v49, $0x3;
	v55 =	vshrl.u32 v49, $0x10;
	v56 =	vshrl.u32 v49, $0x3  }
0x130: {  	v58 =	vand.u32 $0xE07F, v49;
	v18 =	vand.u32 $0x1C00, v54;
	[tilespmem:v12+s2+$0x0] =	vst.idx.add.f32.msk vm11, v52;
	v57 =	vand.u32 $0x1F, v55  }
0x131: {  	v12 =	vand.u32 $0x380, v56;
	v59 =	vld [tilespmem:s19+$0x40];
	v18 =	vor.u32 v18, v58;
	vm12 =	veq.s32 v57, v0  }
0x132: {  	v12 =	vor.u32 v12, v18;
	v14 =	vld.idx.msk [tilespmem:v53+s11+$0x0], $0xffff;
	_ =	sdelay $0x3  }
0x133: {  	v60 =	vshra.s32 v59, $0x15  }
0x134: {  	[tilespmem:v12+s2+$0x0] =	vst.idx.add.f32.msk vm12, v14  }
0x135: {  	v61 =	vshrl.u32 v59, $0x10;
	v62 =	vshll.u32 v59, $0x3;
	v63 =	vshrl.u32 v59, $0x3;
	v24 =	vld [tilespmem:s19+$0xFFFFFFC0]  }
0x136: {  	v20 =	vand.u32 $0xE07F, v59;
	v12 =	vand.u32 $0x1F, v61;
	v14 =	vand.u32 $0x1C00, v62  }
0x137: {  	v25 =	vand.u32 $0x380, v63;
	v14 =	vor.u32 v14, v20;
	vm13 =	veq.s32 v12, v0  }
0x138: {  	v17 =	vld.idx.msk [tilespmem:v60+s11+$0x0], $0xffff;
	v12 =	vor.u32 v25, v14;
	_ =	sdelay $0x1  }
0x139: {  	[tilespmem:v8+s2+$0x0] =	vst.idx.add.f32.msk vm1, v11;
	v26 =	vshra.s32 v24, $0x15  }
0x13a: {  	v27 =	vand.u32 $0x1F, v15;
	v28 =	vand.u32 $0x1C00, v16;
	v9 =	vand.u32 $0xE07F, v9;
	v29 =	vld [tilespmem:s18+$0xFFFFFFD0]  }
0x13b: {  	v30 =	vshll.u32 v24, $0x3;
	v31 =	vshrl.u32 v24, $0x10;
	v32 =	vshrl.u32 v24, $0x3  }
0x13c: {  	v34 =	vand.u32 $0xE07F, v24;
	v16 =	vand.u32 $0x1C00, v30;
	[tilespmem:v12+s2+$0x0] =	vst.idx.add.f32.msk vm13, v17;
	v33 =	vand.u32 $0x1F, v31  }
0x13d: {  	v12 =	vand.u32 $0x380, v32;
	v35 =	vld [tilespmem:s19+$0x50];
	vm14 =	veq.s32 v33, v0;
	v16 =	vor.u32 v16, v34  }
0x13e: {  	v13 =	vand.u32 $0x380, v13;
	v9 =	vor.u32 v28, v9;
	v12 =	vor.u32 v12, v16;
	v8 =	vld.idx.msk [tilespmem:v26+s11+$0x0], $0xffff  }
0x13f: {  	vm15 =	veq.s32 v27, v0;
	v9 =	vor.u32 v13, v9;
	v36 =	vshll.u32 v29, $0x3  }
0x140: {  	v37 =	vshra.s32 v29, $0x15;
	v15 =	vand.u32 $0xE07F, v29;
	v11 =	vand.u32 $0x1C00, v36  }
0x141: {  	v38 =	vshrl.u32 v29, $0x10;
	v39 =	vshrl.u32 v29, $0x3;
	v11 =	vor.u32 v11, v15  }
0x142: {  	v10 =	vld.idx.msk [tilespmem:v10+s11+$0x0], $0xffff;
	v14 =	vand.u32 $0x1F, v38;
	v16 =	vand.u32 $0x380, v39;
	v40 =	vshra.s32 v35, $0x15  }
0x143: {  	vm3 =	veq.s32 v14, v0;
	v11 =	vor.u32 v16, v11;
	[tilespmem:v12+s2+$0x0] =	vst.idx.add.f32.msk vm14, v8  }
0x144: {  	v41 =	vshrl.u32 v35, $0x10;
	v42 =	vshll.u32 v35, $0x3;
	v43 =	vshrl.u32 v35, $0x3;
	v44 =	vld [tilespmem:s19+$0xFFFFFFD0]  }
0x145: {  	v13 =	vld.idx.msk [tilespmem:v37+s11+$0x0], $0xffff;
	v45 =	vand.u32 $0xE07F, v35;
	v8 =	vand.u32 $0x1F, v41;
	v12 =	vand.u32 $0x1C00, v42  }
0x146: {  	v46 =	vand.u32 $0x380, v43;
	vm6 =	veq.s32 v8, v0;
	v12 =	vor.u32 v12, v45  }
0x147: {  	v47 =	vld.idx.msk [tilespmem:v40+s11+$0x0], $0xffff;
	v8 =	vor.u32 v46, v12  }
0x148: {  	v5 =	vld.idx.msk [tilespmem:v5+s11+$0x0], $0xffff  }
0x149: {  	[tilespmem:v9+s2+$0x0] =	vst.idx.add.f32.msk vm15, v10;
	v48 =	vshra.s32 v44, $0x15  }
0x14a: {  	[tilespmem:v11+s2+$0x0] =	vst.idx.add.f32.msk vm3, v13  }
0x14b: {  	v50 =	vld [tilespmem:s18+$0xFFFFFFE0];
	v49 =	vshll.u32 v44, $0x3;
	v51 =	vshrl.u32 v44, $0x10;
	v53 =	vshrl.u32 v44, $0x3  }
0x14c: {  	v54 =	vand.u32 $0xE07F, v44;
	v11 =	vand.u32 $0x1C00, v49;
	[tilespmem:v8+s2+$0x0] =	vst.idx.add.f32.msk vm6, v47;
	v52 =	vand.u32 $0x1F, v51  }
0x14d: {  	v56 =	vand.u32 $0x380, v53;
	v55 =	vld [tilespmem:s19+$0x60];
	vm7 =	veq.s32 v52, v0;
	v11 =	vor.u32 v11, v54  }
0x14e: {  	v8 =	vor.u32 v56, v11;
	v10 =	vld.idx.msk [tilespmem:v48+s11+$0x0], $0xffff;
	_ =	sdelay $0x1  }
0x14f: {  	v3 =	vand.u32 $0x380, v3;
	vm8 =	veq.s32 v7, v0;
	v61 =	vshra.s32 v50, $0x15  }
0x150: {  	[tilespmem:v4+s2+$0x0] =	vst.idx.add.f32.msk vm0, v5;
	v24 =	vshll.u32 v50, $0x3;
	v25 =	vshrl.u32 v50, $0x10;
	v27 =	vshrl.u32 v50, $0x3  }
0x151: {  	v9 =	vld [tilespmem:s18+$0x70];
	v29 =	vand.u32 $0xE07F, v50;
	v26 =	vand.u32 $0x1C00, v24;
	v17 =	vand.u32 $0x1F, v25  }
0x152: {  	v28 =	vand.u32 $0x380, v27;
	v5 =	vor.u32 v26, v29;
	v60 =	vshra.s32 v55, $0x15;
	[tilespmem:v8+s2+$0x0] =	vst.idx.add.f32.msk vm7, v10  }
0x153: {  	v3 =	vor.u32 v3, v6;
	vm10 =	veq.s32 v17, v0;
	v4 =	vor.u32 v28, v5;
	v22 =	vld [tilespmem:s19+$0xFFFFFFE0]  }
0x154: {  	v62 =	vshrl.u32 v55, $0x10;
	v63 =	vshll.u32 v55, $0x3;
	v21 =	vshrl.u32 v55, $0x3  }
0x155: {  	v33 =	vld.idx.msk [tilespmem:v61+s11+$0x0], $0xffff;
	v15 =	vand.u32 $0xE07F, v55;
	v8 =	vand.u32 $0x1F, v62;
	v10 =	vand.u32 $0x1C00, v63  }
0x156: {  	v23 =	vand.u32 $0x380, v21;
	vm9 =	veq.s32 v8, v0;
	v10 =	vor.u32 v10, v15  }
0x157: {  	v6 =	vshra.s32 v9, $0x15;
	v57 =	vshrl.u32 v9, $0x10;
	v14 =	vld.idx.msk [tilespmem:v60+s11+$0x0], $0xffff;
	v8 =	vor.u32 v23, v10  }
0x158: {  	v58 =	vshll.u32 v9, $0x3;
	v7 =	vand.u32 $0x1F, v57;
	v31 =	vld [tilespmem:s17+$0xFFFFFFF0];
	v30 =	vshra.s32 v22, $0x15  }
0x159: {  	vm11 =	veq.s32 v7, v0;
	v59 =	vshrl.u32 v9, $0x3;
	v9 =	vand.u32 $0xE07F, v9  }
0x15a: {  	[tilespmem:v4+s2+$0x0] =	vst.idx.add.f32.msk vm10, v33;
	v32 =	vshll.u32 v22, $0x3;
	v34 =	vshrl.u32 v22, $0x10;
	v35 =	vshrl.u32 v22, $0x3  }
0x15b: {  	v47 =	vld [tilespmem:s18+$0xFFFFFFF0];
	v37 =	vand.u32 $0xE07F, v22;
	v10 =	vand.u32 $0x1C00, v32;
	v36 =	vand.u32 $0x1F, v34  }
0x15c: {  	[tilespmem:v8+s2+$0x0] =	vst.idx.add.f32.msk vm9, v14;
	v8 =	vand.u32 $0x380, v35;
	vm4 =	veq.s32 v36, v0;
	v10 =	vor.u32 v10, v37  }
0x15d: {  	v43 =	vshll.u32 v31, $0x3;
	v13 =	vand.u32 $0x380, v59;
	v8 =	vor.u32 v8, v10;
	v39 =	vld.idx.msk [tilespmem:v30+s11+$0x0], $0xffff  }
0x15e: {  	v41 =	vshra.s32 v31, $0x15;
	v42 =	vshrl.u32 v31, $0x10;
	v11 =	vand.u32 $0x1C00, v58  }
0x15f: {  	v45 =	vand.u32 $0x1C00, v43;
	v46 =	vand.u32 $0xE07F, v31;
	v9 =	vor.u32 v11, v9  }
0x160: {  	v44 =	vshrl.u32 v31, $0x3;
	v11 =	vand.u32 $0x1F, v42;
	v40 =	vor.u32 v13, v9;
	v38 =	vld [tilespmem:s19+$0x70]  }
0x161: {  	vm12 =	veq.s32 v11, v0;
	v48 =	vand.u32 $0x380, v44;
	v4 =	vor.u32 v45, v46  }
0x162: {  	v4 =	vor.u32 v48, v4;
	v55 =	vshra.s32 v47, $0x15;
	v56 =	vshrl.u32 v47, $0x10;
	[tilespmem:v8+s2+$0x0] =	vst.idx.add.f32.msk vm4, v39  }
0x163: {  	v57 =	vshll.u32 v47, $0x3;
	v58 =	vshrl.u32 v47, $0x3;
	v12 =	vand.u32 $0xE07F, v47;
	v53 =	vld [tilespmem:s19+$0xFFFFFFF0]  }
0x164: {  	[tilespmem:v3+s2+$0x0] =	vst.idx.add.f32.msk vm8, v2;
	v15 =	vand.u32 $0x1C00, v57;
	v3 =	vand.u32 $0x380, v58;
	v14 =	vand.u32 $0x1F, v56  }
0x165: {  	v2 =	vor.u32 v15, v12;
	vm14 =	veq.s32 v14, v0;
	v49 =	vshra.s32 v38, $0x15  }
0x166: {  	v50 =	vshrl.u32 v38, $0x10;
	v51 =	vshll.u32 v38, $0x3;
	v52 =	vshrl.u32 v38, $0x3  }
0x167: {  	v54 =	vand.u32 $0xE07F, v38;
	v11 =	vand.u32 $0x1F, v50;
	v8 =	vand.u32 $0x1C00, v51  }
0x168: {  	v10 =	vand.u32 $0x380, v52;
	v8 =	vor.u32 v8, v54;
	v59 =	vshra.s32 v53, $0x15  }
0x169: {  	v6 =	vld.idx.msk [tilespmem:v6+s11+$0x0], $0xffff;
	v2 =	vor.u32 v3, v2;
	vm13 =	veq.s32 v11, v0;
	v8 =	vor.u32 v10, v8  }
0x16a: {  	v3 =	vld.idx.msk [tilespmem:v41+s11+$0x0], $0xffff;
	v60 =	vshrl.u32 v53, $0x10;
	v61 =	vshll.u32 v53, $0x3;
	v62 =	vshrl.u32 v53, $0x3  }
0x16b: {  	v11 =	vld.idx.msk [tilespmem:v55+s11+$0x0], $0xffff;
	v13 =	vand.u32 $0xE07F, v53;
	v10 =	vand.u32 $0x1C00, v61;
	v9 =	vand.u32 $0x1F, v60  }
0x16c: {  	s16 =	sadd.s32 $0x1, s16;
	v5 =	vld.idx.msk [tilespmem:v49+s11+$0x0], $0xffff;
	v63 =	vand.u32 $0x380, v62;
	v10 =	vor.u32 v10, v13;
	vm15 =	veq.s32 v9, v0  }
0x16d: {  	p0 =	sne.s32 s16, $0x20;
	v9 =	vor.u32 v63, v10;
	v12 =	vld.idx.msk [tilespmem:v59+s11+$0x0], $0xffff  }
.Ltmp1:
0x16e: {  	[tilespmem:v40+s2+$0x0] =	vst.idx.add.f32.msk vm11, v6;
	(pc) =	sbr.rel @p0 .LBB2_2-.Ltmp1, $4  }
0x16f: {  	[tilespmem:v4+s2+$0x0] =	vst.idx.add.f32.msk vm12, v3  }
0x170: {  	[tilespmem:v2+s2+$0x0] =	vst.idx.add.f32.msk vm14, v11  }
0x171: {  	[tilespmem:v8+s2+$0x0] =	vst.idx.add.f32.msk vm13, v5  }
0x172: {  	[tilespmem:v9+s2+$0x0] =	vst.idx.add.f32.msk vm15, v12  }
0x173: {  	s16 =	simm.s32 $0x0  }
.LBB2_6:
0x174: {  	s17 =	sshll.u32 s16, $0xA  }
0x175: {  	s17 =	sadd.s32 s5, s17  }
0x176: {  	[tilespmem:s14], [sflag:$0x1] =	stream.linear.gather [hbm4b:s17+s2], $0x2000, $0x38;
	[tilespmem:$0x1A080] =	vst v63  }
0x177: {  	_ =	swait.ge [sflag:s12], $0x2000  }
0x178: {  	[sflag:s12] =	ssyncset.done $0x0  }
0x179: {  	s19 =	simm.s32 $0x18100;
	[sflag:s12] =	ssyncadd.s32 $0xFFFFE000  }
0x17a: {  	v2 =	vld [tilespmem:s19+$0x0];
	_ =	sdelay $0x4  }
0x17b: {  	v3 =	vshrl.u32 v2, $0x10;
	v4 =	vshrl.u32 v2, $0x1;
	v5 =	vshll.u32 v2, $0x3  }
0x17c: {  	v6 =	vshrl.u32 v2, $0x3;
	v4 =	vand.u32 $0x7000, v4;
	v5 =	vand.u32 $0x1C00, v5  }
0x17d: {  	v3 =	vand.u32 $0x1F, v3;
	v4 =	vadd.s32 v5, v4;
	v5 =	vand.u32 $0x380, v6  }
0x17e: {  	v2 =	vand.u32 $0x7F, v2;
	vm0 =	veq.s32 v3, v0;
	v3 =	vor.u32 v5, v4  }
0x17f: {  	v2 =	vor.u32 v2, v3;
	_ =	sdelay $0x4  }
0x180: {  	[tilespmem:v2+s13+$0x0] =	vst.idx.add.f32.msk vm0, v1  }
0x181: {  	v2 =	vld [tilespmem:s19+$0x10];
	_ =	sdelay $0x3  }
0x182: {  	v3 =	vld [tilespmem:s19+$0xFFFFFF80]  }
0x183: {  	v5 =	vshrl.u32 v2, $0x10;
	v6 =	vshrl.u32 v2, $0x1;
	v7 =	vshll.u32 v2, $0x3  }
0x184: {  	v8 =	vshrl.u32 v2, $0x3;
	v6 =	vand.u32 $0x7000, v6;
	v7 =	vand.u32 $0x1C00, v7  }
0x185: {  	v5 =	vand.u32 $0x1F, v5;
	v6 =	vadd.s32 v7, v6;
	v7 =	vand.u32 $0x380, v8  }
0x186: {  	v2 =	vand.u32 $0x7F, v2;
	vm0 =	veq.s32 v5, v0;
	v5 =	vor.u32 v7, v6  }
0x187: {  	v4 =	vshrl.u32 v3, $0x1;
	v2 =	vor.u32 v2, v5  }
0x188: {  	v4 =	vand.u32 $0x7000, v4;
	v6 =	vshll.u32 v3, $0x3  }
0x189: {  	v7 =	vshrl.u32 v3, $0x3;
	v5 =	vand.u32 $0x1C00, v6;
	v6 =	vshrl.u32 v3, $0x10  }
0x18a: {  	v4 =	vadd.s32 v5, v4;
	v5 =	vand.u32 $0x1F, v6;
	v6 =	vand.u32 $0x380, v7  }
0x18b: {  	v3 =	vand.u32 $0x7F, v3;
	vm1 =	veq.s32 v5, v0;
	v4 =	vor.u32 v6, v4  }
0x18c: {  	v3 =	vor.u32 v3, v4;
	[tilespmem:v2+s13+$0x0] =	vst.idx.add.f32.msk vm0, v1  }
0x18d: {  	v2 =	vld [tilespmem:s19+$0x20];
	_ =	sdelay $0x3  }
0x18e: {  	[tilespmem:v3+s13+$0x0] =	vst.idx.add.f32.msk vm1, v1  }
0x18f: {  	v3 =	vld [tilespmem:s19+$0xFFFFFF90];
	v4 =	vshrl.u32 v2, $0x10;
	v5 =	vshrl.u32 v2, $0x1;
	v6 =	vshll.u32 v2, $0x3  }
0x190: {  	v7 =	vshrl.u32 v2, $0x3;
	v5 =	vand.u32 $0x7000, v5;
	v6 =	vand.u32 $0x1C00, v6  }
0x191: {  	v4 =	vand.u32 $0x1F, v4;
	v5 =	vadd.s32 v6, v5;
	v6 =	vand.u32 $0x380, v7  }
0x192: {  	v2 =	vand.u32 $0x7F, v2;
	vm0 =	veq.s32 v4, v0;
	v4 =	vor.u32 v6, v5  }
0x193: {  	v2 =	vor.u32 v2, v4  }
0x194: {  	v5 =	vshrl.u32 v3, $0x1;
	v6 =	vshrl.u32 v3, $0x3;
	v4 =	vshll.u32 v3, $0x3  }
0x195: {  	v7 =	vshrl.u32 v3, $0x10;
	v5 =	vand.u32 $0x7000, v5;
	v4 =	vand.u32 $0x1C00, v4  }
0x196: {  	v4 =	vadd.s32 v4, v5;
	v5 =	vand.u32 $0x380, v6;
	v6 =	vand.u32 $0x1F, v7  }
0x197: {  	v3 =	vand.u32 $0x7F, v3;
	v4 =	vor.u32 v5, v4;
	vm1 =	veq.s32 v6, v0  }
0x198: {  	v3 =	vor.u32 v3, v4;
	[tilespmem:v2+s13+$0x0] =	vst.idx.add.f32.msk vm0, v1  }
0x199: {  	v2 =	vld [tilespmem:s19+$0x30];
	_ =	sdelay $0x3  }
0x19a: {  	[tilespmem:v3+s13+$0x0] =	vst.idx.add.f32.msk vm1, v1  }
0x19b: {  	v3 =	vld [tilespmem:s19+$0xFFFFFFA0];
	v4 =	vshrl.u32 v2, $0x10;
	v5 =	vshrl.u32 v2, $0x1;
	v6 =	vshll.u32 v2, $0x3  }
0x19c: {  	v7 =	vshrl.u32 v2, $0x3;
	v5 =	vand.u32 $0x7000, v5;
	v6 =	vand.u32 $0x1C00, v6  }
0x19d: {  	v4 =	vand.u32 $0x1F, v4;
	v5 =	vadd.s32 v6, v5;
	v6 =	vand.u32 $0x380, v7  }
0x19e: {  	v2 =	vand.u32 $0x7F, v2;
	vm0 =	veq.s32 v4, v0;
	v4 =	vor.u32 v6, v5  }
0x19f: {  	s17 =	simm.s32 $0x18200;
	v2 =	vor.u32 v2, v4  }
0x1a0: {  	v7 =	vld [tilespmem:s17+$0x0];
	v4 =	vshrl.u32 v3, $0x1;
	v5 =	vshll.u32 v3, $0x3;
	v6 =	vshrl.u32 v3, $0x3  }
0x1a1: {  	v8 =	vshrl.u32 v3, $0x10;
	v4 =	vand.u32 $0x7000, v4;
	v5 =	vand.u32 $0x1C00, v5  }
0x1a2: {  	v8 =	vand.u32 $0x1F, v8;
	v4 =	vadd.s32 v5, v4;
	v5 =	vand.u32 $0x380, v6  }
0x1a3: {  	v3 =	vand.u32 $0x7F, v3;
	vm1 =	veq.s32 v8, v0;
	v4 =	vor.u32 v5, v4  }
0x1a4: {  	v3 =	vor.u32 v3, v4  }
0x1a5: {  	v5 =	vshrl.u32 v7, $0x1;
	v6 =	vshll.u32 v7, $0x3;
	v8 =	vshrl.u32 v7, $0x3;
	[tilespmem:v2+s13+$0x0] =	vst.idx.add.f32.msk vm0, v1  }
0x1a6: {  	v4 =	vshrl.u32 v7, $0x10;
	v5 =	vand.u32 $0x7000, v5;
	v6 =	vand.u32 $0x1C00, v6;
	v2 =	vld [tilespmem:s19+$0x40]  }
0x1a7: {  	v4 =	vand.u32 $0x1F, v4;
	v5 =	vadd.s32 v6, v5;
	v6 =	vand.u32 $0x380, v8  }
0x1a8: {  	vm0 =	veq.s32 v4, v0;
	v4 =	vand.u32 $0x7F, v7;
	v5 =	vor.u32 v6, v5  }
0x1a9: {  	[tilespmem:v3+s13+$0x0] =	vst.idx.add.f32.msk vm1, v1;
	v3 =	vor.u32 v4, v5  }
0x1aa: {  	v4 =	vld [tilespmem:s19+$0xFFFFFFB0]  }
0x1ab: {  	v5 =	vshrl.u32 v2, $0x10;
	v6 =	vshrl.u32 v2, $0x1;
	v7 =	vshll.u32 v2, $0x3  }
0x1ac: {  	v8 =	vshrl.u32 v2, $0x3;
	v6 =	vand.u32 $0x7000, v6;
	v7 =	vand.u32 $0x1C00, v7  }
0x1ad: {  	v5 =	vand.u32 $0x1F, v5;
	v6 =	vadd.s32 v7, v6;
	v7 =	vand.u32 $0x380, v8  }
0x1ae: {  	v2 =	vand.u32 $0x7F, v2;
	vm1 =	veq.s32 v5, v0;
	v5 =	vor.u32 v7, v6;
	[tilespmem:v3+s13+$0x0] =	vst.idx.add.f32.msk vm0, v1  }
0x1af: {  	v2 =	vor.u32 v2, v5;
	v3 =	vshrl.u32 v4, $0x1;
	v5 =	vshll.u32 v4, $0x3;
	v6 =	vld [tilespmem:s17+$0x10]  }
0x1b0: {  	v7 =	vshrl.u32 v4, $0x3;
	v3 =	vand.u32 $0x7000, v3;
	v5 =	vand.u32 $0x1C00, v5  }
0x1b1: {  	s20 =	simm.s32 $0x18400;
	v8 =	vshrl.u32 v4, $0x10;
	v3 =	vadd.s32 v5, v3;
	v5 =	vand.u32 $0x380, v7  }
0x1b2: {  	v45 =	vld [tilespmem:s20+$0x0];
	v4 =	vand.u32 $0x7F, v4;
	v7 =	vand.u32 $0x1F, v8;
	v3 =	vor.u32 v5, v3  }
0x1b3: {  	v5 =	vld [tilespmem:s17+$0xFFFFFF80];
	vm0 =	veq.s32 v7, v0;
	v3 =	vor.u32 v4, v3  }
0x1b4: {  	[tilespmem:v2+s13+$0x0] =	vst.idx.add.f32.msk vm1, v1;
	v4 =	vshrl.u32 v6, $0x10;
	v7 =	vshrl.u32 v6, $0x1;
	v8 =	vshll.u32 v6, $0x3  }
0x1b5: {  	v9 =	vshrl.u32 v6, $0x3;
	v2 =	vld [tilespmem:s19+$0x50];
	v7 =	vand.u32 $0x7000, v7;
	v8 =	vand.u32 $0x1C00, v8  }
0x1b6: {  	v4 =	vand.u32 $0x1F, v4;
	v7 =	vadd.s32 v8, v7;
	v8 =	vand.u32 $0x380, v9  }
0x1b7: {  	vm1 =	veq.s32 v4, v0;
	v4 =	vand.u32 $0x7F, v6;
	v6 =	vor.u32 v8, v7  }
0x1b8: {  	v4 =	vor.u32 v4, v6  }
0x1b9: {  	v52 =	vshrl.u32 v45, $0x10;
	v7 =	vshrl.u32 v5, $0x1  }
0x1ba: {  	v50 =	vld [tilespmem:s20+$0xFFFFFF80];
	v6 =	vshrl.u32 v2, $0x10;
	v8 =	vshrl.u32 v2, $0x1;
	v9 =	vshll.u32 v2, $0x3  }
0x1bb: {  	[tilespmem:v3+s13+$0x0] =	vst.idx.add.f32.msk vm0, v1;
	v10 =	vshrl.u32 v2, $0x3;
	v8 =	vand.u32 $0x7000, v8;
	v9 =	vand.u32 $0x1C00, v9  }
0x1bc: {  	v3 =	vand.u32 $0x1F, v6;
	v6 =	vadd.s32 v9, v8;
	v8 =	vand.u32 $0x380, v10;
	v9 =	vld [tilespmem:s19+$0xFFFFFFC0]  }
0x1bd: {  	v2 =	vand.u32 $0x7F, v2;
	vm0 =	veq.s32 v3, v0;
	v3 =	vor.u32 v8, v6;
	[tilespmem:v4+s13+$0x0] =	vst.idx.add.f32.msk vm1, v1  }
0x1be: {  	v7 =	vand.u32 $0x7000, v7;
	v6 =	vshll.u32 v5, $0x3;
	v2 =	vor.u32 v2, v3;
	v8 =	vld [tilespmem:s17+$0x20]  }
0x1bf: {  	v4 =	vshrl.u32 v5, $0x10;
	v3 =	vand.u32 $0x1C00, v6;
	v6 =	vshrl.u32 v5, $0x3  }
0x1c0: {  	v4 =	vand.u32 $0x1F, v4;
	v3 =	vadd.s32 v3, v7;
	v6 =	vand.u32 $0x380, v6  }
0x1c1: {  	v5 =	vand.u32 $0x7F, v5;
	vm1 =	veq.s32 v4, v0;
	v3 =	vor.u32 v6, v3  }
0x1c2: {  	v53 =	vshll.u32 v45, $0x3;
	v4 =	vshrl.u32 v9, $0x1;
	v3 =	vor.u32 v5, v3  }
0x1c3: {  	v55 =	vshrl.u32 v50, $0x1;
	v4 =	vand.u32 $0x7000, v4;
	[tilespmem:v2+s13+$0x0] =	vst.idx.add.f32.msk vm0, v1;
	v5 =	vshrl.u32 v8, $0x10  }
0x1c4: {  	v6 =	vshrl.u32 v8, $0x1;
	v7 =	vshll.u32 v8, $0x3;
	v10 =	vshrl.u32 v8, $0x3;
	v2 =	vld [tilespmem:s19+$0x60]  }
0x1c5: {  	v6 =	vand.u32 $0x7000, v6;
	v7 =	vand.u32 $0x1C00, v7;
	v5 =	vand.u32 $0x1F, v5  }
0x1c6: {  	v6 =	vadd.s32 v7, v6;
	v7 =	vand.u32 $0x380, v10;
	vm0 =	veq.s32 v5, v0  }
0x1c7: {  	[tilespmem:v3+s13+$0x0] =	vst.idx.add.f32.msk vm1, v1;
	v3 =	vand.u32 $0x7F, v8;
	v5 =	vor.u32 v7, v6;
	v6 =	vshll.u32 v9, $0x3  }
0x1c8: {  	v8 =	vld [tilespmem:s17+$0xFFFFFF90];
	v3 =	vor.u32 v3, v5;
	v5 =	vand.u32 $0x1C00, v6;
	v6 =	vshrl.u32 v9, $0x3  }
0x1c9: {  	v4 =	vadd.s32 v5, v4;
	v5 =	vand.u32 $0x380, v6;
	v10 =	vshrl.u32 v2, $0x1  }
0x1ca: {  	v11 =	vshrl.u32 v2, $0x10;
	v12 =	vshll.u32 v2, $0x3;
	v13 =	vshrl.u32 v2, $0x3  }
0x1cb: {  	v2 =	vand.u32 $0x7F, v2;
	v10 =	vand.u32 $0x7000, v10;
	v12 =	vand.u32 $0x1C00, v12  }
0x1cc: {  	v11 =	vand.u32 $0x1F, v11;
	v58 =	vand.u32 $0x380, v13;
	v10 =	vadd.s32 v12, v10  }
0x1cd: {  	vm1 =	veq.s32 v11, v0;
	v10 =	vor.u32 v58, v10;
	v11 =	vshrl.u32 v8, $0x1;
	[tilespmem:v3+s13+$0x0] =	vst.idx.add.f32.msk vm0, v1  }
0x1ce: {  	v3 =	vshll.u32 v8, $0x3;
	v2 =	vor.u32 v2, v10;
	v10 =	vand.u32 $0x7000, v11;
	v11 =	vld [tilespmem:s17+$0x30]  }
0x1cf: {  	v59 =	vshrl.u32 v8, $0x3;
	v60 =	vshrl.u32 v8, $0x10;
	v3 =	vand.u32 $0x1C00, v3  }
0x1d0: {  	v61 =	vand.u32 $0x1F, v60;
	v3 =	vadd.s32 v3, v10;
	v10 =	vand.u32 $0x380, v59  }
0x1d1: {  	v8 =	vand.u32 $0x7F, v8;
	vm0 =	veq.s32 v61, v0;
	v3 =	vor.u32 v10, v3  }
0x1d2: {  	v4 =	vor.u32 v5, v4;
	v5 =	vand.u32 $0x7F, v9;
	v3 =	vor.u32 v8, v3  }
0x1d3: {  	[tilespmem:v2+s13+$0x0] =	vst.idx.add.f32.msk vm1, v1;
	v2 =	vshrl.u32 v11, $0x10;
	v6 =	vshrl.u32 v11, $0x1;
	v8 =	vshll.u32 v11, $0x3  }
0x1d4: {  	v62 =	vshrl.u32 v11, $0x3;
	v10 =	vld [tilespmem:s19+$0x70];
	v6 =	vand.u32 $0x7000, v6;
	v8 =	vand.u32 $0x1C00, v8  }
0x1d5: {  	v2 =	vand.u32 $0x1F, v2;
	v6 =	vadd.s32 v8, v6;
	v8 =	vand.u32 $0x380, v62  }
0x1d6: {  	vm1 =	veq.s32 v2, v0;
	v2 =	vand.u32 $0x7F, v11;
	v6 =	vor.u32 v8, v6  }
0x1d7: {  	v7 =	vshrl.u32 v9, $0x10;
	v4 =	vor.u32 v5, v4;
	[tilespmem:v3+s13+$0x0] =	vst.idx.add.f32.msk vm0, v1;
	v2 =	vor.u32 v2, v6  }
0x1d8: {  	v60 =	vshll.u32 v50, $0x3;
	v61 =	vand.u32 $0x7000, v55;
	v3 =	vand.u32 $0x1F, v7;
	v5 =	vld [tilespmem:s17+$0xFFFFFFA0]  }
0x1d9: {  	vm2 =	veq.s32 v3, v0;
	v6 =	vshrl.u32 v10, $0x10;
	v7 =	vshrl.u32 v10, $0x1  }
0x1da: {  	v8 =	vshll.u32 v10, $0x3;
	v3 =	vshrl.u32 v10, $0x3;
	v7 =	vand.u32 $0x7000, v7  }
0x1db: {  	v8 =	vand.u32 $0x1C00, v8;
	v6 =	vand.u32 $0x1F, v6;
	v3 =	vand.u32 $0x380, v3  }
0x1dc: {  	v7 =	vadd.s32 v8, v7;
	vm0 =	veq.s32 v6, v0;
	v6 =	vand.u32 $0x7F, v10;
	[tilespmem:v2+s13+$0x0] =	vst.idx.add.f32.msk vm1, v1  }
0x1dd: {  	v2 =	vor.u32 v3, v7;
	v3 =	vshrl.u32 v5, $0x1;
	v7 =	vshll.u32 v5, $0x3;
	v8 =	vld [tilespmem:s17+$0x40]  }
0x1de: {  	v9 =	vshrl.u32 v5, $0x3;
	v3 =	vand.u32 $0x7000, v3;
	v7 =	vand.u32 $0x1C00, v7  }
0x1df: {  	v10 =	vshrl.u32 v5, $0x10;
	[tilespmem:v4+s13+$0x0] =	vst.idx.add.f32.msk vm2, v1;
	v3 =	vadd.s32 v7, v3;
	v7 =	vand.u32 $0x380, v9  }
0x1e0: {  	s18 =	simm.s32 $0x18300;
	v5 =	vand.u32 $0x7F, v5;
	v9 =	vand.u32 $0x1F, v10;
	v4 =	vld [tilespmem:s19+$0xFFFFFFD0];
	v3 =	vor.u32 v7, v3  }
0x1e1: {  	v2 =	vor.u32 v6, v2;
	vm1 =	veq.s32 v9, v0;
	v9 =	vld [tilespmem:s18+$0x0];
	v3 =	vor.u32 v5, v3  }
0x1e2: {  	v5 =	vshrl.u32 v8, $0x10;
	v6 =	vshrl.u32 v8, $0x1;
	v7 =	vshll.u32 v8, $0x3  }
0x1e3: {  	v10 =	vshrl.u32 v8, $0x3;
	v6 =	vand.u32 $0x7000, v6;
	v7 =	vand.u32 $0x1C00, v7  }
0x1e4: {  	v5 =	vand.u32 $0x1F, v5;
	v6 =	vadd.s32 v7, v6;
	v7 =	vand.u32 $0x380, v10  }
0x1e5: {  	vm2 =	veq.s32 v5, v0;
	v5 =	vand.u32 $0x7F, v8;
	v6 =	vor.u32 v7, v6  }
0x1e6: {  	v8 =	vshll.u32 v4, $0x3;
	v10 =	vshll.u32 v9, $0x3;
	v5 =	vor.u32 v5, v6  }
0x1e7: {  	v63 =	vshrl.u32 v9, $0x3;
	v7 =	vshrl.u32 v4, $0x1;
	[tilespmem:v3+s13+$0x0] =	vst.idx.add.f32.msk vm1, v1;
	v6 =	vshrl.u32 v9, $0x1  }
0x1e8: {  	v3 =	vshrl.u32 v9, $0x10;
	v10 =	vand.u32 $0x1C00, v10;
	v11 =	vld [tilespmem:s17+$0xFFFFFFB0];
	v6 =	vand.u32 $0x7000, v6  }
0x1e9: {  	v3 =	vand.u32 $0x1F, v3;
	v6 =	vadd.s32 v10, v6;
	v10 =	vand.u32 $0x380, v63  }
0x1ea: {  	vm1 =	veq.s32 v3, v0;
	v3 =	vand.u32 $0x7F, v9;
	v6 =	vor.u32 v10, v6  }
0x1eb: {  	v9 =	vshrl.u32 v4, $0x3;
	v10 =	vshrl.u32 v4, $0x10;
	v3 =	vor.u32 v3, v6;
	[tilespmem:v5+s13+$0x0] =	vst.idx.add.f32.msk vm2, v1  }
0x1ec: {  	v6 =	vand.u32 $0x1C00, v8;
	v5 =	vand.u32 $0x7000, v7;
	v7 =	vand.u32 $0x1F, v10;
	v8 =	vld [tilespmem:s17+$0x50]  }
0x1ed: {  	v10 =	vshll.u32 v11, $0x3;
	v5 =	vadd.s32 v6, v5;
	v6 =	vshrl.u32 v11, $0x1  }
0x1ee: {  	v16 =	vshrl.u32 v11, $0x3;
	v10 =	vand.u32 $0x1C00, v10;
	v6 =	vand.u32 $0x7000, v6  }
0x1ef: {  	v17 =	vshrl.u32 v11, $0x10;
	v6 =	vadd.s32 v10, v6;
	v10 =	vand.u32 $0x380, v16  }
0x1f0: {  	v18 =	vand.u32 $0x1F, v17;
	v11 =	vand.u32 $0x7F, v11;
	v6 =	vor.u32 v10, v6;
	[tilespmem:v3+s13+$0x0] =	vst.idx.add.f32.msk vm1, v1  }
0x1f1: {  	v14 =	vld [tilespmem:s18+$0x10];
	v3 =	vshrl.u32 v8, $0x10;
	v10 =	vshrl.u32 v8, $0x1;
	v19 =	vshll.u32 v8, $0x3  }
0x1f2: {  	v15 =	vshrl.u32 v8, $0x3;
	v10 =	vand.u32 $0x7000, v10;
	v13 =	vand.u32 $0x1C00, v19  }
0x1f3: {  	v3 =	vand.u32 $0x1F, v3;
	v20 =	vand.u32 $0x380, v15;
	v10 =	vadd.s32 v13, v10  }
0x1f4: {  	vm1 =	veq.s32 v3, v0;
	v3 =	vand.u32 $0x7F, v8;
	v8 =	vor.u32 v20, v10  }
0x1f5: {  	vm2 =	veq.s32 v18, v0;
	v6 =	vor.u32 v11, v6;
	v10 =	vld [tilespmem:s18+$0xFFFFFF80];
	v3 =	vor.u32 v3, v8  }
0x1f6: {  	v8 =	vshrl.u32 v14, $0x10;
	v11 =	vshrl.u32 v14, $0x1;
	v21 =	vshll.u32 v14, $0x3  }
0x1f7: {  	v22 =	vshrl.u32 v14, $0x3;
	v11 =	vand.u32 $0x7000, v11;
	v12 =	vand.u32 $0x1C00, v21  }
0x1f8: {  	v8 =	vand.u32 $0x1F, v8;
	v23 =	vand.u32 $0x380, v22;
	v11 =	vadd.s32 v12, v11  }
0x1f9: {  	vm3 =	veq.s32 v8, v0;
	v8 =	vand.u32 $0x7F, v14;
	v11 =	vor.u32 v23, v11  }
0x1fa: {  	v9 =	vand.u32 $0x380, v9;
	v24 =	vshrl.u32 v10, $0x1;
	[tilespmem:v3+s13+$0x0] =	vst.idx.add.f32.msk vm1, v1;
	v3 =	vor.u32 v8, v11  }
0x1fb: {  	v25 =	vshrl.u32 v10, $0x10;
	vm1 =	veq.s32 v7, v0;
	v7 =	vshll.u32 v10, $0x3;
	v11 =	vld [tilespmem:s17+$0x60]  }
0x1fc: {  	v26 =	vshrl.u32 v10, $0x3;
	v8 =	vand.u32 $0x7000, v24;
	v7 =	vand.u32 $0x1C00, v7  }
0x1fd: {  	[tilespmem:v6+s13+$0x0] =	vst.idx.add.f32.msk vm2, v1;
	v6 =	vadd.s32 v7, v8;
	v7 =	vand.u32 $0x1F, v25;
	v8 =	vand.u32 $0x380, v26  }
0x1fe: {  	v10 =	vand.u32 $0x7F, v10;
	vm2 =	veq.s32 v7, v0;
	v6 =	vor.u32 v8, v6  }
0x1ff: {  	v4 =	vand.u32 $0x7F, v4;
	v5 =	vor.u32 v9, v5;
	v6 =	vor.u32 v10, v6;
	[tilespmem:v3+s13+$0x0] =	vst.idx.add.f32.msk vm3, v1  }
0x200: {  	v3 =	vor.u32 v4, v5;
	v4 =	vshrl.u32 v11, $0x1;
	v5 =	vshll.u32 v11, $0x3;
	v7 =	vld [tilespmem:s18+$0x20]  }
0x201: {  	v8 =	vshrl.u32 v11, $0x3;
	v4 =	vand.u32 $0x7000, v4;
	v5 =	vand.u32 $0x1C00, v5  }
0x202: {  	v9 =	vshrl.u32 v11, $0x10;
	v4 =	vadd.s32 v5, v4;
	v5 =	vand.u32 $0x380, v8  }
0x203: {  	v27 =	vld [tilespmem:s17+$0xFFFFFFC0];
	v8 =	vand.u32 $0x1F, v9;
	v9 =	vand.u32 $0x7F, v11;
	v4 =	vor.u32 v5, v4  }
0x204: {  	v63 =	vand.u32 $0x1C00, v60;
	[tilespmem:v6+s13+$0x0] =	vst.idx.add.f32.msk vm2, v1;
	vm2 =	veq.s32 v8, v0;
	v4 =	vor.u32 v9, v4  }
0x205: {  	v8 =	vshrl.u32 v7, $0x10;
	v9 =	vshrl.u32 v7, $0x1;
	v10 =	vshll.u32 v7, $0x3  }
0x206: {  	v6 =	vld [tilespmem:s18+$0xFFFFFF90];
	v11 =	vshrl.u32 v7, $0x3;
	v9 =	vand.u32 $0x7000, v9;
	v10 =	vand.u32 $0x1C00, v10  }
0x207: {  	v8 =	vand.u32 $0x1F, v8;
	v9 =	vadd.s32 v10, v9;
	v10 =	vand.u32 $0x380, v11  }
0x208: {  	v7 =	vand.u32 $0x7F, v7;
	vm3 =	veq.s32 v8, v0;
	v8 =	vor.u32 v10, v9  }
0x209: {  	v5 =	vshrl.u32 v27, $0x1;
	v9 =	vshll.u32 v27, $0x3;
	v7 =	vor.u32 v7, v8  }
0x20a: {  	v5 =	vand.u32 $0x7000, v5;
	[tilespmem:v3+s13+$0x0] =	vst.idx.add.f32.msk vm1, v1;
	v3 =	vshrl.u32 v27, $0x10;
	v8 =	vand.u32 $0x1C00, v9  }
0x20b: {  	v10 =	vld [tilespmem:s19+$0xFFFFFFE0];
	v9 =	vshrl.u32 v6, $0x1;
	v28 =	vshll.u32 v6, $0x3;
	v29 =	vshrl.u32 v6, $0x3  }
0x20c: {  	v30 =	vshrl.u32 v6, $0x10;
	[tilespmem:v4+s13+$0x0] =	vst.idx.add.f32.msk vm2, v1;
	v9 =	vand.u32 $0x7000, v9;
	v13 =	vand.u32 $0x1C00, v28  }
0x20d: {  	v31 =	vand.u32 $0x1F, v30;
	v32 =	vld [tilespmem:s17+$0x70];
	v4 =	vadd.s32 v13, v9;
	v9 =	vand.u32 $0x380, v29  }
0x20e: {  	v6 =	vand.u32 $0x7F, v6;
	vm1 =	veq.s32 v31, v0;
	v4 =	vor.u32 v9, v4;
	[tilespmem:v7+s13+$0x0] =	vst.idx.add.f32.msk vm3, v1  }
0x20f: {  	v3 =	vand.u32 $0x1F, v3;
	v11 =	vshrl.u32 v27, $0x3;
	v4 =	vor.u32 v6, v4;
	v6 =	vld [tilespmem:s18+$0x30]  }
0x210: {  	vm2 =	veq.s32 v3, v0;
	v5 =	vadd.s32 v8, v5;
	v7 =	vand.u32 $0x380, v11  }
0x211: {  	v8 =	vshrl.u32 v10, $0x1;
	v5 =	vor.u32 v7, v5;
	v7 =	vand.u32 $0x7F, v27  }
0x212: {  	v9 =	vshrl.u32 v32, $0x10;
	v11 =	vshrl.u32 v32, $0x1;
	v33 =	vshll.u32 v32, $0x3  }
0x213: {  	v5 =	vor.u32 v7, v5;
	v11 =	vand.u32 $0x7000, v11;
	v12 =	vand.u32 $0x1C00, v33  }
0x214: {  	[tilespmem:v4+s13+$0x0] =	vst.idx.add.f32.msk vm1, v1;
	v3 =	vshrl.u32 v6, $0x10;
	v4 =	vshrl.u32 v6, $0x1;
	v34 =	vshll.u32 v6, $0x3  }
0x215: {  	v35 =	vld [tilespmem:s18+$0xFFFFFFA0];
	v16 =	vshrl.u32 v6, $0x3;
	v4 =	vand.u32 $0x7000, v4;
	v13 =	vand.u32 $0x1C00, v34  }
0x216: {  	v3 =	vand.u32 $0x1F, v3;
	v36 =	vand.u32 $0x380, v16;
	v4 =	vadd.s32 v13, v4  }
0x217: {  	vm3 =	veq.s32 v3, v0;
	v3 =	vand.u32 $0x7F, v6;
	v4 =	vor.u32 v36, v4  }
0x218: {  	v9 =	vand.u32 $0x1F, v9;
	v6 =	vshrl.u32 v32, $0x3;
	v3 =	vor.u32 v3, v4  }
0x219: {  	vm1 =	veq.s32 v9, v0;
	[tilespmem:v5+s13+$0x0] =	vst.idx.add.f32.msk vm2, v1;
	v6 =	vand.u32 $0x380, v6;
	v4 =	vadd.s32 v12, v11  }
0x21a: {  	v39 =	vld [tilespmem:s17+$0xFFFFFFD0];
	v9 =	vshrl.u32 v35, $0x1;
	v11 =	vshll.u32 v35, $0x3;
	v37 =	vshrl.u32 v35, $0x3  }
0x21b: {  	v38 =	vshrl.u32 v35, $0x10;
	v9 =	vand.u32 $0x7000, v9;
	v11 =	vand.u32 $0x1C00, v11  }
0x21c: {  	v5 =	vand.u32 $0x1F, v38;
	v9 =	vadd.s32 v11, v9;
	v11 =	vand.u32 $0x380, v37  }
0x21d: {  	vm2 =	veq.s32 v5, v0;
	v5 =	vand.u32 $0x7F, v35;
	v9 =	vor.u32 v11, v9;
	[tilespmem:v3+s13+$0x0] =	vst.idx.add.f32.msk vm3, v1  }
0x21e: {  	v7 =	vshll.u32 v10, $0x3;
	v4 =	vor.u32 v6, v4;
	v6 =	vor.u32 v5, v9;
	v9 =	vld [tilespmem:s18+$0x40]  }
0x21f: {  	v11 =	vshll.u32 v39, $0x3;
	v40 =	vshrl.u32 v39, $0x3;
	v3 =	vand.u32 $0x7F, v32  }
0x220: {  	v5 =	vand.u32 $0x1C00, v7;
	v4 =	vor.u32 v3, v4;
	v3 =	vand.u32 $0x7000, v8  }
0x221: {  	v7 =	vshrl.u32 v10, $0x3;
	v8 =	vshrl.u32 v10, $0x10;
	v3 =	vadd.s32 v5, v3  }
0x222: {  	v5 =	vand.u32 $0x1F, v8;
	v8 =	vand.u32 $0x7F, v10;
	v10 =	vshrl.u32 v39, $0x1  }
0x223: {  	[tilespmem:v6+s13+$0x0] =	vst.idx.add.f32.msk vm2, v1;
	v6 =	vshrl.u32 v9, $0x10;
	v41 =	vshrl.u32 v9, $0x1;
	v42 =	vshll.u32 v9, $0x3  }
0x224: {  	v43 =	vld [tilespmem:s18+$0xFFFFFFB0];
	v17 =	vshrl.u32 v9, $0x3;
	v14 =	vand.u32 $0x7000, v41;
	v15 =	vand.u32 $0x1C00, v42  }
0x225: {  	v6 =	vand.u32 $0x1F, v6;
	v44 =	vand.u32 $0x380, v17;
	v14 =	vadd.s32 v15, v14  }
0x226: {  	vm2 =	veq.s32 v6, v0;
	v6 =	vand.u32 $0x7F, v9;
	v9 =	vor.u32 v44, v14  }
0x227: {  	v11 =	vand.u32 $0x1C00, v11;
	v10 =	vand.u32 $0x7000, v10;
	v6 =	vor.u32 v6, v9  }
0x228: {  	v18 =	vshrl.u32 v45, $0x3;
	v10 =	vadd.s32 v11, v10;
	v11 =	vand.u32 $0x380, v40  }
0x229: {  	v10 =	vor.u32 v11, v10;
	v11 =	vshrl.u32 v43, $0x1;
	v46 =	vshll.u32 v43, $0x3  }
0x22a: {  	v47 =	vshrl.u32 v43, $0x3;
	v11 =	vand.u32 $0x7000, v11;
	v14 =	vand.u32 $0x1C00, v46  }
0x22b: {  	v54 =	vand.u32 $0x380, v18;
	v49 =	vand.u32 $0x380, v47;
	v11 =	vadd.s32 v14, v11  }
0x22c: {  	v48 =	vshrl.u32 v43, $0x10;
	v16 =	vand.u32 $0x7F, v43;
	v11 =	vor.u32 v49, v11;
	[tilespmem:v6+s13+$0x0] =	vst.idx.add.f32.msk vm2, v1  }
0x22d: {  	v17 =	vand.u32 $0x1F, v48;
	v6 =	vor.u32 v16, v11;
	v11 =	vshrl.u32 v45, $0x1;
	v51 =	vld [tilespmem:s18+$0x50]  }
0x22e: {  	vm2 =	veq.s32 v17, v0;
	v17 =	vand.u32 $0x1C00, v53;
	v11 =	vand.u32 $0x7000, v11  }
0x22f: {  	v19 =	vshrl.u32 v50, $0x10;
	v16 =	vand.u32 $0x1F, v52;
	v11 =	vadd.s32 v17, v11  }
0x230: {  	v13 =	vand.u32 $0x7F, v45;
	vm3 =	veq.s32 v16, v0;
	v11 =	vor.u32 v54, v11  }
0x231: {  	v20 =	vshrl.u32 v50, $0x3;
	v7 =	vand.u32 $0x380, v7;
	v11 =	vor.u32 v13, v11  }
0x232: {  	v56 =	vshrl.u32 v51, $0x1;
	v57 =	vshll.u32 v51, $0x3;
	v58 =	vshrl.u32 v51, $0x10  }
0x233: {  	v59 =	vshrl.u32 v51, $0x3;
	v13 =	vand.u32 $0x7000, v56;
	v17 =	vand.u32 $0x1C00, v57  }
0x234: {  	[tilespmem:v6+s13+$0x0] =	vst.idx.add.f32.msk vm2, v1;
	v18 =	vand.u32 $0x1F, v58;
	v13 =	vadd.s32 v17, v13;
	v17 =	vand.u32 $0x380, v59  }
0x235: {  	v6 =	vand.u32 $0x7F, v51;
	v62 =	vld [tilespmem:s18+$0xFFFFFFC0];
	vm4 =	veq.s32 v18, v0;
	v13 =	vor.u32 v17, v13  }
0x236: {  	v12 =	vand.u32 $0x7F, v39;
	v3 =	vor.u32 v7, v3;
	[tilespmem:v11+s13+$0x0] =	vst.idx.add.f32.msk vm3, v1;
	v6 =	vor.u32 v6, v13  }
0x237: {  	v3 =	vor.u32 v8, v3;
	v15 =	vand.u32 $0x7F, v50;
	v9 =	vshrl.u32 v39, $0x10;
	v21 =	vld [tilespmem:s20+$0x10]  }
0x238: {  	v14 =	vand.u32 $0x380, v20;
	v11 =	vadd.s32 v63, v61;
	v13 =	vand.u32 $0x1F, v19  }
0x239: {  	v9 =	vand.u32 $0x1F, v9;
	v11 =	vor.u32 v14, v11;
	vm3 =	veq.s32 v13, v0  }
0x23a: {  	vm2 =	veq.s32 v9, v0;
	v9 =	vor.u32 v12, v10;
	v10 =	vor.u32 v15, v11  }
0x23b: {  	v7 =	vshrl.u32 v62, $0x1;
	v11 =	vshll.u32 v62, $0x3;
	v30 =	vshrl.u32 v62, $0x3;
	[tilespmem:v6+s13+$0x0] =	vst.idx.add.f32.msk vm4, v1  }
0x23c: {  	v6 =	vand.u32 $0x7000, v7;
	v7 =	vand.u32 $0x1C00, v11;
	v11 =	vshrl.u32 v21, $0x10;
	v8 =	vld [tilespmem:s18+$0x60]  }
0x23d: {  	v22 =	vshrl.u32 v21, $0x1;
	v23 =	vshll.u32 v21, $0x3;
	v24 =	vshrl.u32 v21, $0x3  }
0x23e: {  	v12 =	vand.u32 $0x7000, v22;
	v14 =	vand.u32 $0x1C00, v23;
	v11 =	vand.u32 $0x1F, v11  }
0x23f: {  	v25 =	vand.u32 $0x380, v24;
	v6 =	vadd.s32 v7, v6;
	v12 =	vadd.s32 v14, v12;
	[tilespmem:v10+s13+$0x0] =	vst.idx.add.f32.msk vm3, v1  }
0x240: {  	vm3 =	veq.s32 v11, v0;
	v10 =	vand.u32 $0x7F, v21;
	v11 =	vor.u32 v25, v12;
	v26 =	vld [tilespmem:s20+$0xFFFFFF90]  }
0x241: {  	v7 =	vand.u32 $0x380, v30;
	v10 =	vor.u32 v10, v11;
	v11 =	vshrl.u32 v8, $0x1  }
0x242: {  	v27 =	vshll.u32 v8, $0x3;
	v28 =	vshrl.u32 v8, $0x10;
	v29 =	vshrl.u32 v8, $0x3  }
0x243: {  	v8 =	vand.u32 $0x7F, v8;
	v11 =	vand.u32 $0x7000, v11;
	v13 =	vand.u32 $0x1C00, v27  }
0x244: {  	[tilespmem:v9+s13+$0x0] =	vst.idx.add.f32.msk vm2, v1;
	v14 =	vand.u32 $0x1F, v28;
	v15 =	vand.u32 $0x380, v29;
	v11 =	vadd.s32 v13, v11  }
0x245: {  	v31 =	vld [tilespmem:s17+$0xFFFFFFE0];
	vm14 =	veq.s32 v14, v0;
	v32 =	vshll.u32 v26, $0x3;
	v33 =	vshrl.u32 v26, $0x10  }
0x246: {  	v9 =	vor.u32 v15, v11;
	v11 =	vshrl.u32 v26, $0x1;
	[tilespmem:v10+s13+$0x0] =	vst.idx.add.f32.msk vm3, v1;
	v10 =	vand.u32 $0x1C00, v32  }
0x247: {  	v8 =	vor.u32 v8, v9;
	v9 =	vand.u32 $0x7000, v11;
	v11 =	vshrl.u32 v26, $0x3  }
0x248: {  	v15 =	vand.u32 $0x1F, v33;
	v9 =	vadd.s32 v10, v9;
	v10 =	vld [tilespmem:s20+$0x20];
	v11 =	vand.u32 $0x380, v11  }
0x249: {  	v12 =	vand.u32 $0x7F, v26;
	vm2 =	veq.s32 v15, v0;
	v9 =	vor.u32 v11, v9  }
0x24a: {  	v6 =	vor.u32 v7, v6;
	v7 =	vand.u32 $0x7F, v62;
	v9 =	vor.u32 v12, v9  }
0x24b: {  	v6 =	vor.u32 v7, v6;
	v7 =	vshll.u32 v31, $0x3  }
0x24c: {  	v7 =	vand.u32 $0x1C00, v7;
	vm3 =	veq.s32 v5, v0;
	[tilespmem:v8+s13+$0x0] =	vst.idx.add.f32.msk vm14, v1  }
0x24d: {  	v11 =	vshrl.u32 v10, $0x10;
	v34 =	vshrl.u32 v10, $0x1;
	v35 =	vshll.u32 v10, $0x3;
	v36 =	vld [tilespmem:s18+$0x70]  }
0x24e: {  	v37 =	vshrl.u32 v10, $0x3;
	v12 =	vand.u32 $0x7000, v34;
	v13 =	vand.u32 $0x1C00, v35  }
0x24f: {  	v11 =	vand.u32 $0x1F, v11;
	v38 =	vand.u32 $0x380, v37;
	v12 =	vadd.s32 v13, v12;
	[tilespmem:v9+s13+$0x0] =	vst.idx.add.f32.msk vm2, v1  }
0x250: {  	vm2 =	veq.s32 v11, v0;
	v9 =	vand.u32 $0x7F, v10;
	v10 =	vor.u32 v38, v12;
	v11 =	vld [tilespmem:s20+$0xFFFFFFA0]  }
0x251: {  	v5 =	vshrl.u32 v62, $0x10;
	v8 =	vshrl.u32 v31, $0x1;
	v9 =	vor.u32 v9, v10  }
0x252: {  	v5 =	vand.u32 $0x1F, v5;
	v8 =	vand.u32 $0x7000, v8;
	v10 =	vshrl.u32 v36, $0x10  }
0x253: {  	v39 =	vshrl.u32 v36, $0x1;
	v40 =	vshll.u32 v36, $0x3;
	v41 =	vshrl.u32 v36, $0x3  }
0x254: {  	v15 =	vand.u32 $0x7F, v36;
	v12 =	vand.u32 $0x7000, v39;
	v13 =	vand.u32 $0x1C00, v40  }
0x255: {  	v42 =	vand.u32 $0x380, v41;
	v43 =	vshrl.u32 v11, $0x1;
	v44 =	vshll.u32 v11, $0x3  }
0x256: {  	[tilespmem:v9+s13+$0x0] =	vst.idx.add.f32.msk vm2, v1;
	vm2 =	veq.s32 v5, v0;
	v5 =	vand.u32 $0x7000, v43;
	v9 =	vand.u32 $0x1C00, v44  }
0x257: {  	v45 =	vshrl.u32 v11, $0x3;
	v46 =	vld [tilespmem:s20+$0x30];
	v5 =	vadd.s32 v9, v5;
	v9 =	vshrl.u32 v11, $0x10  }
0x258: {  	v12 =	vadd.s32 v13, v12;
	v13 =	vand.u32 $0x380, v45;
	v9 =	vand.u32 $0x1F, v9  }
0x259: {  	v5 =	vor.u32 v13, v5;
	vm5 =	veq.s32 v9, v0;
	v9 =	vand.u32 $0x7F, v11  }
0x25a: {  	v10 =	vand.u32 $0x1F, v10;
	v12 =	vor.u32 v42, v12;
	v5 =	vor.u32 v9, v5  }
0x25b: {  	vm15 =	veq.s32 v10, v0;
	v10 =	vor.u32 v15, v12;
	v9 =	vshrl.u32 v31, $0x3  }
0x25c: {  	[tilespmem:v6+s13+$0x0] =	vst.idx.add.f32.msk vm2, v1;
	v6 =	vshrl.u32 v46, $0x10;
	v11 =	vshrl.u32 v46, $0x1;
	v47 =	vshll.u32 v46, $0x3  }
0x25d: {  	v48 =	vshrl.u32 v46, $0x3;
	v11 =	vand.u32 $0x7000, v11;
	v12 =	vand.u32 $0x1C00, v47;
	v49 =	vld [tilespmem:s18+$0xFFFFFFD0]  }
0x25e: {  	v6 =	vand.u32 $0x1F, v6;
	v50 =	vand.u32 $0x380, v48;
	v11 =	vadd.s32 v12, v11  }
0x25f: {  	vm2 =	veq.s32 v6, v0;
	[tilespmem:v5+s13+$0x0] =	vst.idx.add.f32.msk vm5, v1;
	v5 =	vand.u32 $0x7F, v46;
	v6 =	vor.u32 v50, v11  }
0x260: {  	v8 =	vadd.s32 v7, v8;
	v9 =	vand.u32 $0x380, v9;
	v6 =	vor.u32 v5, v6;
	v7 =	vld [tilespmem:s20+$0xFFFFFFB0]  }
0x261: {  	v9 =	vor.u32 v9, v8;
	v11 =	vand.u32 $0x7F, v31;
	v5 =	vshrl.u32 v31, $0x10  }
0x262: {  	v51 =	vshrl.u32 v49, $0x1;
	v52 =	vshll.u32 v49, $0x3;
	v53 =	vshrl.u32 v49, $0x3  }
0x263: {  	v54 =	vshrl.u32 v49, $0x10;
	v15 =	vand.u32 $0x7F, v49;
	v12 =	vand.u32 $0x7000, v51  }
0x264: {  	v13 =	vand.u32 $0x1C00, v52;
	v16 =	vand.u32 $0x1F, v54;
	v55 =	vand.u32 $0x380, v53  }
0x265: {  	v12 =	vadd.s32 v13, v12;
	[tilespmem:v6+s13+$0x0] =	vst.idx.add.f32.msk vm2, v1;
	vm2 =	veq.s32 v16, v0;
	v6 =	vshrl.u32 v7, $0x1  }
0x266: {  	v56 =	vshll.u32 v7, $0x3;
	v12 =	vor.u32 v55, v12;
	v58 =	vshrl.u32 v7, $0x3;
	v57 =	vld [tilespmem:s20+$0x40]  }
0x267: {  	v59 =	vshrl.u32 v7, $0x10;
	v6 =	vand.u32 $0x7000, v6;
	v14 =	vand.u32 $0x1C00, v56  }
0x268: {  	v16 =	vand.u32 $0x380, v58;
	v6 =	vadd.s32 v14, v6;
	v14 =	vand.u32 $0x1F, v59  }
0x269: {  	[tilespmem:v3+s13+$0x0] =	vst.idx.add.f32.msk vm3, v1;
	v7 =	vand.u32 $0x7F, v7;
	vm3 =	veq.s32 v14, v0;
	v6 =	vor.u32 v16, v6  }
0x26a: {  	v3 =	vld [tilespmem:s19+$0xFFFFFFF0];
	v5 =	vand.u32 $0x1F, v5;
	v6 =	vor.u32 v7, v6;
	v7 =	vor.u32 v15, v12  }
0x26b: {  	v8 =	vshrl.u32 v57, $0x10;
	v60 =	vshrl.u32 v57, $0x1;
	v61 =	vshll.u32 v57, $0x3  }
0x26c: {  	[tilespmem:v2+s13+$0x0] =	vst.idx.add.f32.msk vm0, v1;
	v63 =	vshrl.u32 v57, $0x3;
	v2 =	vand.u32 $0x7000, v60;
	v62 =	vand.u32 $0x1C00, v61  }
0x26d: {  	[tilespmem:v4+s13+$0x0] =	vst.idx.add.f32.msk vm1, v1;
	v4 =	vand.u32 $0x1F, v8;
	v8 =	vand.u32 $0x380, v63;
	v2 =	vadd.s32 v62, v2  }
0x26e: {  	[tilespmem:v10+s13+$0x0] =	vst.idx.add.f32.msk vm15, v1;
	vm0 =	veq.s32 v4, v0;
	v4 =	vand.u32 $0x7F, v57;
	v2 =	vor.u32 v8, v2  }
0x26f: {  	s21 =	simm.s32 $0x18500;
	s19 =	simm.s32 $0x6;
	[tilespmem:v6+s13+$0x0] =	vst.idx.add.f32.msk vm3, v1;
	v6 =	vor.u32 v11, v9;
	v8 =	vor.u32 v4, v2;
	v2 =	vshrl.u32 v3, $0x1  }
.LBB2_7:
0x270: {  	v9 =	vld [tilespmem:s21+$0x0];
	s19 =	sadd.s32 $0x2, s19;
	vm1 =	veq.s32 v5, v0;
	v2 =	vand.u32 $0x7000, v2;
	v4 =	vshll.u32 v3, $0x3  }
0x271: {  	v10 =	vshrl.u32 v3, $0x10;
	v12 =	vshrl.u32 v3, $0x3;
	v5 =	vld [tilespmem:s21+$0xFFFFFF80];
	p0 =	slt.u32 s19, $0x3E;
	v11 =	vand.u32 $0x1C00, v4  }
0x272: {  	v10 =	vand.u32 $0x1F, v10;
	v4 =	vld [tilespmem:s20+$0xFFFFFFC0];
	v2 =	vadd.s32 v11, v2;
	v11 =	vand.u32 $0x380, v12  }
0x273: {  	v3 =	vand.u32 $0x7F, v3;
	[tilespmem:v7+s13+$0x0] =	vst.idx.add.f32.msk vm2, v1;
	vm2 =	veq.s32 v10, v0;
	v2 =	vor.u32 v11, v2  }
0x274: {  	[tilespmem:v8+s13+$0x0] =	vst.idx.add.f32.msk vm0, v1;
	v7 =	vor.u32 v3, v2  }
0x275: {  	v3 =	vshrl.u32 v9, $0x10;
	v2 =	vshrl.u32 v9, $0x1;
	v8 =	vshll.u32 v9, $0x3;
	v10 =	vld [tilespmem:s20+$0x50]  }
0x276: {  	v12 =	vshrl.u32 v9, $0x3;
	v11 =	vand.u32 $0x7000, v2;
	v8 =	vand.u32 $0x1C00, v8;
	v2 =	vld [tilespmem:s18+$0xFFFFFFE0]  }
0x277: {  	v3 =	vand.u32 $0x1F, v3;
	v8 =	vadd.s32 v8, v11;
	v11 =	vand.u32 $0x380, v12;
	[tilespmem:v6+s13+$0x0] =	vst.idx.add.f32.msk vm1, v1  }
0x278: {  	vm0 =	veq.s32 v3, v0;
	v6 =	vand.u32 $0x7F, v9;
	v8 =	vor.u32 v11, v8;
	v3 =	vld [tilespmem:s17+$0xFFFFFFF0];
	s17 =	smov.u32 s18;
	s18 =	smov.u32 s20;
	s20 =	smov.u32 s21  }
0x279: {  	v9 =	vshrl.u32 v5, $0x1;
	v11 =	vshll.u32 v5, $0x3;
	v6 =	vor.u32 v6, v8;
	[tilespmem:v7+s13+$0x0] =	vst.idx.add.f32.msk vm2, v1  }
0x27a: {  	v7 =	vshrl.u32 v10, $0x10;
	v8 =	vshrl.u32 v10, $0x1;
	v12 =	vshll.u32 v10, $0x3  }
0x27b: {  	v13 =	vshrl.u32 v10, $0x3;
	v8 =	vand.u32 $0x7000, v8;
	v12 =	vand.u32 $0x1C00, v12  }
0x27c: {  	v7 =	vand.u32 $0x1F, v7;
	v8 =	vadd.s32 v12, v8;
	v12 =	vand.u32 $0x380, v13  }
0x27d: {  	vm1 =	veq.s32 v7, v0;
	v7 =	vand.u32 $0x7F, v10;
	v8 =	vor.u32 v12, v8  }
0x27e: {  	v9 =	vand.u32 $0x7000, v9;
	v10 =	vand.u32 $0x1C00, v11;
	[tilespmem:v6+s13+$0x0] =	vst.idx.add.f32.msk vm0, v1;
	v6 =	vor.u32 v7, v8  }
0x27f: {  	v7 =	vshrl.u32 v5, $0x10;
	v8 =	vadd.s32 v10, v9;
	v9 =	vshrl.u32 v5, $0x3;
	v10 =	vld [tilespmem:s21+$0x10]  }
0x280: {  	v5 =	vand.u32 $0x7F, v5;
	v7 =	vand.u32 $0x1F, v7;
	v9 =	vand.u32 $0x380, v9  }
0x281: {  	vm0 =	veq.s32 v7, v0;
	v7 =	vor.u32 v9, v8;
	v8 =	vshrl.u32 v4, $0x1  }
0x282: {  	v5 =	vor.u32 v5, v7;
	v7 =	vand.u32 $0x7000, v8;
	v8 =	vshll.u32 v4, $0x3  }
0x283: {  	v11 =	vshrl.u32 v4, $0x3;
	v9 =	vshrl.u32 v4, $0x10;
	v8 =	vand.u32 $0x1C00, v8;
	[tilespmem:v6+s13+$0x0] =	vst.idx.add.f32.msk vm1, v1  }
0x284: {  	v6 =	vshrl.u32 v10, $0x10;
	v12 =	vshrl.u32 v10, $0x1;
	v13 =	vshll.u32 v10, $0x3;
	v14 =	vld [tilespmem:s18+$0x60]  }
0x285: {  	v15 =	vshrl.u32 v10, $0x3;
	v12 =	vand.u32 $0x7000, v12;
	v13 =	vand.u32 $0x1C00, v13  }
0x286: {  	v6 =	vand.u32 $0x1F, v6;
	v12 =	vadd.s32 v13, v12;
	v13 =	vand.u32 $0x380, v15  }
0x287: {  	[tilespmem:v5+s13+$0x0] =	vst.idx.add.f32.msk vm0, v1;
	vm0 =	veq.s32 v6, v0;
	v5 =	vand.u32 $0x7F, v10;
	v6 =	vor.u32 v13, v12  }
0x288: {  	v10 =	vld [tilespmem:s21+$0xFFFFFF90];
	v5 =	vor.u32 v5, v6;
	v6 =	vadd.s32 v8, v7;
	v7 =	vand.u32 $0x380, v11  }
0x289: {  	v8 =	vshrl.u32 v14, $0x10;
	v11 =	vshrl.u32 v14, $0x1;
	v12 =	vshll.u32 v14, $0x3  }
0x28a: {  	v13 =	vshrl.u32 v14, $0x3;
	v11 =	vand.u32 $0x7000, v11;
	v12 =	vand.u32 $0x1C00, v12  }
0x28b: {  	v8 =	vand.u32 $0x1F, v8;
	v11 =	vadd.s32 v12, v11;
	v12 =	vand.u32 $0x380, v13  }
0x28c: {  	vm1 =	veq.s32 v8, v0;
	v8 =	vand.u32 $0x7F, v14;
	v11 =	vor.u32 v12, v11  }
0x28d: {  	v12 =	vshrl.u32 v10, $0x1;
	v13 =	vshll.u32 v10, $0x3;
	[tilespmem:v5+s13+$0x0] =	vst.idx.add.f32.msk vm0, v1;
	v5 =	vor.u32 v8, v11  }
0x28e: {  	v8 =	vand.u32 $0x7000, v12;
	v11 =	vand.u32 $0x1C00, v13;
	v12 =	vshrl.u32 v10, $0x3;
	v13 =	vld [tilespmem:s21+$0x20]  }
0x28f: {  	v14 =	vshrl.u32 v10, $0x10;
	v8 =	vadd.s32 v11, v8;
	v11 =	vand.u32 $0x380, v12  }
0x290: {  	v10 =	vand.u32 $0x7F, v10;
	v12 =	vand.u32 $0x1F, v14;
	v8 =	vor.u32 v11, v8  }
0x291: {  	v6 =	vor.u32 v7, v6;
	vm0 =	veq.s32 v12, v0;
	v8 =	vor.u32 v10, v8  }
0x292: {  	v4 =	vand.u32 $0x7F, v4;
	v7 =	vand.u32 $0x1F, v9;
	[tilespmem:v5+s13+$0x0] =	vst.idx.add.f32.msk vm1, v1;
	v5 =	vshrl.u32 v2, $0x1  }
0x293: {  	v9 =	vshrl.u32 v13, $0x10;
	v10 =	vshrl.u32 v13, $0x1;
	v11 =	vshll.u32 v13, $0x3;
	v12 =	vld [tilespmem:s18+$0x70]  }
0x294: {  	v14 =	vshrl.u32 v13, $0x3;
	v10 =	vand.u32 $0x7000, v10;
	v11 =	vand.u32 $0x1C00, v11  }
0x295: {  	v9 =	vand.u32 $0x1F, v9;
	v10 =	vadd.s32 v11, v10;
	v11 =	vand.u32 $0x380, v14  }
0x296: {  	vm1 =	veq.s32 v9, v0;
	v9 =	vand.u32 $0x7F, v13;
	v10 =	vor.u32 v11, v10  }
0x297: {  	v4 =	vor.u32 v4, v6;
	v6 =	vshll.u32 v2, $0x3;
	[tilespmem:v8+s13+$0x0] =	vst.idx.add.f32.msk vm0, v1;
	v8 =	vor.u32 v9, v10  }
0x298: {  	v9 =	vld [tilespmem:s21+$0xFFFFFFA0];
	v10 =	vshrl.u32 v12, $0x10;
	v11 =	vshrl.u32 v12, $0x1;
	v13 =	vshll.u32 v12, $0x3  }
0x299: {  	v14 =	vshrl.u32 v12, $0x3;
	v11 =	vand.u32 $0x7000, v11;
	v13 =	vand.u32 $0x1C00, v13  }
0x29a: {  	v10 =	vand.u32 $0x1F, v10;
	v11 =	vadd.s32 v13, v11;
	v13 =	vand.u32 $0x380, v14  }
0x29b: {  	vm0 =	veq.s32 v10, v0;
	v10 =	vand.u32 $0x7F, v12;
	v11 =	vor.u32 v13, v11  }
0x29c: {  	v5 =	vand.u32 $0x7000, v5;
	[tilespmem:v8+s13+$0x0] =	vst.idx.add.f32.msk vm1, v1;
	vm1 =	veq.s32 v7, v0;
	v7 =	vor.u32 v10, v11  }
0x29d: {  	v8 =	vshrl.u32 v9, $0x1;
	v10 =	vshll.u32 v9, $0x3;
	v11 =	vshrl.u32 v9, $0x3;
	v12 =	vld [tilespmem:s21+$0x30]  }
0x29e: {  	v13 =	vshrl.u32 v9, $0x10;
	v8 =	vand.u32 $0x7000, v8;
	v10 =	vand.u32 $0x1C00, v10  }
0x29f: {  	v13 =	vand.u32 $0x1F, v13;
	v8 =	vadd.s32 v10, v8;
	v10 =	vand.u32 $0x380, v11  }
0x2a0: {  	v9 =	vand.u32 $0x7F, v9;
	vm2 =	veq.s32 v13, v0;
	v8 =	vor.u32 v10, v8  }
0x2a1: {  	v6 =	vand.u32 $0x1C00, v6;
	v8 =	vor.u32 v9, v8;
	[tilespmem:v7+s13+$0x0] =	vst.idx.add.f32.msk vm0, v1;
	v7 =	vshrl.u32 v2, $0x3  }
0x2a2: {  	v9 =	vshrl.u32 v12, $0x10;
	v10 =	vshrl.u32 v12, $0x1;
	v11 =	vshll.u32 v12, $0x3;
	[tilespmem:v4+s13+$0x0] =	vst.idx.add.f32.msk vm1, v1  }
0x2a3: {  	v4 =	vand.u32 $0x7000, v10;
	v10 =	vand.u32 $0x1C00, v11;
	v11 =	vshrl.u32 v12, $0x3;
	v13 =	vld [tilespmem:s18+$0xFFFFFFD0]  }
0x2a4: {  	v9 =	vand.u32 $0x1F, v9;
	v4 =	vadd.s32 v10, v4;
	v10 =	vand.u32 $0x380, v11  }
0x2a5: {  	vm0 =	veq.s32 v9, v0;
	v9 =	vand.u32 $0x7F, v12;
	v4 =	vor.u32 v10, v4  }
0x2a6: {  	v6 =	vadd.s32 v6, v5;
	[tilespmem:v8+s13+$0x0] =	vst.idx.add.f32.msk vm2, v1;
	v4 =	vor.u32 v9, v4;
	v8 =	vshrl.u32 v2, $0x10  }
0x2a7: {  	v2 =	vand.u32 $0x7F, v2;
	v9 =	vld [tilespmem:s21+$0xFFFFFFB0];
	v5 =	vand.u32 $0x1F, v8;
	v8 =	vand.u32 $0x380, v7  }
0x2a8: {  	v7 =	vshrl.u32 v13, $0x1;
	v10 =	vshll.u32 v13, $0x3;
	v11 =	vshrl.u32 v13, $0x3  }
0x2a9: {  	v12 =	vshrl.u32 v13, $0x10;
	v7 =	vand.u32 $0x7000, v7;
	v10 =	vand.u32 $0x1C00, v10  }
0x2aa: {  	v12 =	vand.u32 $0x1F, v12;
	v7 =	vadd.s32 v10, v7;
	v10 =	vand.u32 $0x380, v11  }
0x2ab: {  	vm2 =	veq.s32 v12, v0;
	[tilespmem:v4+s13+$0x0] =	vst.idx.add.f32.msk vm0, v1;
	v4 =	vand.u32 $0x7F, v13;
	v7 =	vor.u32 v10, v7  }
0x2ac: {  	v10 =	vshrl.u32 v9, $0x1;
	v11 =	vshll.u32 v9, $0x3;
	v12 =	vshrl.u32 v9, $0x3;
	v13 =	vld [tilespmem:s21+$0x40]  }
0x2ad: {  	v14 =	vshrl.u32 v9, $0x10;
	v10 =	vand.u32 $0x7000, v10;
	v11 =	vand.u32 $0x1C00, v11  }
0x2ae: {  	v14 =	vand.u32 $0x1F, v14;
	v10 =	vadd.s32 v11, v10;
	v11 =	vand.u32 $0x380, v12  }
0x2af: {  	v9 =	vand.u32 $0x7F, v9;
	vm1 =	veq.s32 v14, v0;
	v10 =	vor.u32 v11, v10  }
0x2b0: {  	v7 =	vor.u32 v4, v7;
	v4 =	vor.u32 v8, v6;
	v9 =	vor.u32 v9, v10  }
.Ltmp2:
0x2b1: {  	v6 =	vshrl.u32 v13, $0x10;
	v8 =	vshrl.u32 v13, $0x1;
	v10 =	vshll.u32 v13, $0x3;
	(pc) =	sbr.rel @p0 .LBB2_7-.Ltmp2, $4  }
0x2b2: {  	v11 =	vshrl.u32 v13, $0x3;
	v8 =	vand.u32 $0x7000, v8;
	v10 =	vand.u32 $0x1C00, v10  }
0x2b3: {  	v6 =	vand.u32 $0x1F, v6;
	v8 =	vadd.s32 v10, v8;
	v10 =	vand.u32 $0x380, v11  }
0x2b4: {  	vm0 =	veq.s32 v6, v0;
	v6 =	vand.u32 $0x7F, v13;
	v8 =	vor.u32 v10, v8  }
0x2b5: {  	s21 =	sadd.s32 $0x100, s21;
	[tilespmem:v9+s13+$0x0] =	vst.idx.add.f32.msk vm1, v1;
	v8 =	vor.u32 v6, v8;
	v6 =	vor.u32 v2, v4;
	v2 =	vshrl.u32 v3, $0x1  }
0x2b6: {  	_ =	sdelay $0x4  }
0x2b7: {  	[tilespmem:v8+s13+$0x0] =	vst.idx.add.f32.msk vm0, v1  }
0x2b8: {  	v44 =	vld [tilespmem:s20+$0xFFFFFFC0]  }
0x2b9: {  	v4 =	vld [tilespmem:s20+$0x50];
	_ =	sdelay $0x3  }
0x2ba: {  	v47 =	vshrl.u32 v44, $0x1  }
0x2bb: {  	v9 =	vshrl.u32 v4, $0x10;
	v10 =	vshrl.u32 v4, $0x1;
	v11 =	vshll.u32 v4, $0x3  }
0x2bc: {  	v12 =	vshrl.u32 v4, $0x3;
	v10 =	vand.u32 $0x7000, v10;
	v11 =	vand.u32 $0x1C00, v11  }
0x2bd: {  	v9 =	vand.u32 $0x1F, v9;
	v45 =	vand.u32 $0x380, v12;
	v10 =	vadd.s32 v11, v10  }
0x2be: {  	v4 =	vand.u32 $0x7F, v4;
	vm7 =	veq.s32 v9, v0;
	v46 =	vor.u32 v45, v10  }
0x2bf: {  	v48 =	vshll.u32 v44, $0x3;
	v49 =	vshrl.u32 v44, $0x10;
	v4 =	vor.u32 v4, v46  }
0x2c0: {  	v50 =	vshrl.u32 v44, $0x3;
	v9 =	vand.u32 $0x7000, v47;
	v10 =	vand.u32 $0x1C00, v48  }
0x2c1: {  	v51 =	vand.u32 $0x380, v50;
	v11 =	vand.u32 $0x1F, v49;
	v9 =	vadd.s32 v10, v9  }
0x2c2: {  	v8 =	vand.u32 $0x7F, v44;
	vm1 =	veq.s32 v11, v0;
	v9 =	vor.u32 v51, v9  }
0x2c3: {  	v52 =	vor.u32 v8, v9  }
0x2c4: {  	[tilespmem:v4+s13+$0x0] =	vst.idx.add.f32.msk vm7, v1  }
0x2c5: {  	v53 =	vld [tilespmem:s20+$0x60];
	_ =	sdelay $0x2  }
0x2c6: {  	[tilespmem:v52+s13+$0x0] =	vst.idx.add.f32.msk vm1, v1  }
0x2c7: {  	vm9 =	veq.s32 v5, v0;
	v56 =	vld [tilespmem:s20+$0xFFFFFFD0]  }
0x2c8: {  	v2 =	vand.u32 $0x7000, v2;
	v20 =	vshll.u32 v3, $0x3;
	v54 =	vshrl.u32 v53, $0x1  }
0x2c9: {  	v55 =	vshll.u32 v53, $0x3;
	v57 =	vshrl.u32 v53, $0x3;
	v58 =	vshrl.u32 v53, $0x10  }
0x2ca: {  	v8 =	vand.u32 $0x7F, v53;
	v4 =	vand.u32 $0x7000, v54;
	v9 =	vand.u32 $0x1C00, v55  }
0x2cb: {  	v59 =	vand.u32 $0x380, v57;
	v60 =	vand.u32 $0x1F, v58;
	v4 =	vadd.s32 v9, v4  }
0x2cc: {  	vm8 =	veq.s32 v60, v0;
	v61 =	vshrl.u32 v56, $0x1;
	v62 =	vshll.u32 v56, $0x3  }
0x2cd: {  	v63 =	vshrl.u32 v56, $0x3;
	v16 =	vshrl.u32 v56, $0x10;
	v4 =	vor.u32 v59, v4  }
0x2ce: {  	[tilespmem:v7+s13+$0x0] =	vst.idx.add.f32.msk vm2, v1;
	v9 =	vand.u32 $0x1C00, v62;
	v4 =	vor.u32 v8, v4;
	v8 =	vand.u32 $0x7000, v61  }
0x2cf: {  	v19 =	vld [tilespmem:s18+$0xFFFFFFE0];
	v12 =	vand.u32 $0x1F, v16;
	v17 =	vand.u32 $0x380, v63;
	v8 =	vadd.s32 v9, v8  }
0x2d0: {  	v10 =	vand.u32 $0x7F, v56;
	vm3 =	veq.s32 v12, v0;
	v8 =	vor.u32 v17, v8  }
0x2d1: {  	v22 =	vshrl.u32 v3, $0x3;
	v5 =	vand.u32 $0x1C00, v20;
	[tilespmem:v6+s13+$0x0] =	vst.idx.add.f32.msk vm9, v1;
	v18 =	vor.u32 v10, v8  }
0x2d2: {  	v24 =	vand.u32 $0x380, v22;
	v2 =	vadd.s32 v5, v2;
	v37 =	vld [tilespmem:s17+$0xFFFFFFF0]  }
0x2d3: {  	v21 =	vshrl.u32 v3, $0x10;
	v3 =	vand.u32 $0x7F, v3;
	v2 =	vor.u32 v24, v2  }
0x2d4: {  	v2 =	vor.u32 v3, v2;
	v3 =	vshrl.u32 v19, $0x1  }
0x2d5: {  	v25 =	vshll.u32 v19, $0x3;
	v27 =	vshrl.u32 v19, $0x3;
	v30 =	vshrl.u32 v19, $0x10;
	[tilespmem:v4+s13+$0x0] =	vst.idx.add.f32.msk vm8, v1  }
0x2d6: {  	v3 =	vand.u32 $0x7000, v3;
	v29 =	vand.u32 $0x380, v27;
	v7 =	vand.u32 $0x1F, v30;
	[tilespmem:v18+s13+$0x0] =	vst.idx.add.f32.msk vm3, v1  }
0x2d7: {  	vm11 =	veq.s32 v7, v0;
	v44 =	vshrl.u32 v37, $0x1;
	v4 =	vand.u32 $0x1F, v21;
	v26 =	vld [tilespmem:s20+$0xFFFFFFE0]  }
0x2d8: {  	v45 =	vshll.u32 v37, $0x3;
	vm10 =	veq.s32 v4, v0;
	v4 =	vand.u32 $0x1C00, v25  }
0x2d9: {  	v46 =	vshrl.u32 v37, $0x3;
	v47 =	vshrl.u32 v37, $0x10;
	v3 =	vadd.s32 v4, v3  }
0x2da: {  	v49 =	vand.u32 $0x1F, v47;
	v8 =	vand.u32 $0x7F, v19;
	v3 =	vor.u32 v29, v3  }
0x2db: {  	v50 =	vand.u32 $0x7F, v37;
	vm14 =	veq.s32 v49, v0;
	v23 =	vld [tilespmem:s20+$0x70];
	v3 =	vor.u32 v8, v3  }
0x2dc: {  	v32 =	vshrl.u32 v26, $0x1;
	v33 =	vshll.u32 v26, $0x3;
	v34 =	vshrl.u32 v26, $0x3  }
0x2dd: {  	v35 =	vshrl.u32 v26, $0x10;
	v7 =	vand.u32 $0x7000, v32;
	v8 =	vand.u32 $0x1C00, v33  }
0x2de: {  	v36 =	vand.u32 $0x380, v34;
	v6 =	vand.u32 $0x1F, v35;
	v7 =	vadd.s32 v8, v7  }
0x2df: {  	v5 =	vand.u32 $0x7F, v26;
	vm12 =	veq.s32 v6, v0;
	v7 =	vor.u32 v36, v7  }
0x2e0: {  	v31 =	vshrl.u32 v23, $0x1;
	v38 =	vshll.u32 v23, $0x3;
	[tilespmem:v3+s13+$0x0] =	vst.idx.add.f32.msk vm11, v1;
	v5 =	vor.u32 v5, v7  }
0x2e1: {  	v40 =	vshrl.u32 v23, $0x3;
	v4 =	vand.u32 $0x7000, v31;
	v39 =	vand.u32 $0x1C00, v38;
	v43 =	vld [tilespmem:s18+$0xFFFFFFF0]  }
0x2e2: {  	v28 =	vshrl.u32 v23, $0x10;
	v42 =	vand.u32 $0x380, v40;
	v4 =	vadd.s32 v39, v4  }
0x2e3: {  	v41 =	vand.u32 $0x1F, v28;
	v3 =	vand.u32 $0x7F, v23;
	v4 =	vor.u32 v42, v4  }
0x2e4: {  	v3 =	vor.u32 v3, v4;
	v4 =	vand.u32 $0x7000, v44;
	v7 =	vand.u32 $0x1C00, v45  }
0x2e5: {  	v48 =	vand.u32 $0x380, v46;
	vm13 =	veq.s32 v41, v0;
	v4 =	vadd.s32 v7, v4;
	[tilespmem:v5+s13+$0x0] =	vst.idx.add.f32.msk vm12, v1  }
0x2e6: {  	v4 =	vor.u32 v48, v4;
	v52 =	vshrl.u32 v43, $0x1;
	v53 =	vshll.u32 v43, $0x3;
	v51 =	vld [tilespmem:s20+$0xFFFFFFF0]  }
0x2e7: {  	v55 =	vshrl.u32 v43, $0x3;
	v8 =	vand.u32 $0x1C00, v53;
	v5 =	vand.u32 $0x7000, v52  }
0x2e8: {  	v54 =	vshrl.u32 v43, $0x10;
	v56 =	vand.u32 $0x380, v55;
	v5 =	vadd.s32 v8, v5  }
0x2e9: {  	v6 =	vand.u32 $0x7F, v43;
	v9 =	vand.u32 $0x1F, v54;
	v5 =	vor.u32 v56, v5  }
0x2ea: {  	v4 =	vor.u32 v50, v4;
	vm15 =	veq.s32 v9, v0;
	v5 =	vor.u32 v6, v5  }
0x2eb: {  	v57 =	vshrl.u32 v51, $0x1;
	v58 =	vshll.u32 v51, $0x3;
	v61 =	vshrl.u32 v51, $0x10  }
0x2ec: {  	v62 =	vshrl.u32 v51, $0x3;
	v59 =	vand.u32 $0x7000, v57;
	v60 =	vand.u32 $0x1C00, v58  }
0x2ed: {  	v63 =	vand.u32 $0x1F, v61;
	v8 =	vand.u32 $0x380, v62;
	v6 =	vadd.s32 v60, v59  }
0x2ee: {  	s16 =	sadd.s32 $0x1, s16;
	v7 =	vand.u32 $0x7F, v51;
	vm4 =	veq.s32 v63, v0;
	v6 =	vor.u32 v8, v6  }
0x2ef: {  	p0 =	sne.s32 s16, $0x8;
	v6 =	vor.u32 v7, v6  }
.Ltmp3:
0x2f0: {  	[tilespmem:v2+s13+$0x0] =	vst.idx.add.f32.msk vm10, v1;
	(pc) =	sbr.rel @p0 .LBB2_6-.Ltmp3, $4  }
0x2f1: {  	[tilespmem:v3+s13+$0x0] =	vst.idx.add.f32.msk vm13, v1  }
0x2f2: {  	[tilespmem:v4+s13+$0x0] =	vst.idx.add.f32.msk vm14, v1  }
0x2f3: {  	[tilespmem:v5+s13+$0x0] =	vst.idx.add.f32.msk vm15, v1  }
0x2f4: {  	[tilespmem:v6+s13+$0x0] =	vst.idx.add.f32.msk vm4, v1  }
0x2f5: {  	[hbm4b:s8+s2] =	stream.linear.scatter [tilespmem:s2], [sflag:$0x1], $0x10000, $0x38;
	[tilespmem:$0x1A080] =	vst v63  }
0x2f6: {  	s15 =	sadd.s32 $0x1, s15;
	_ =	swait.ge [sflag:s12], $0x10000  }
0x2f7: {  	p0 =	sne.s32 s15, s10;
	[sflag:s12] =	ssyncset.done $0x0  }
.Ltmp4:
0x2f8: {  	[sflag:s12] =	ssyncadd.s32 $0xFFFF0000;
	(pc) =	sbr.rel @p0 .LBB2_1-.Ltmp4, $4  }
0x2f9: {  	[hbm4b:s9+s2] =	stream.linear.scatter [tilespmem:s13], [sflag:$0x1], $0x8000, $0x38;
	[tilespmem:$0x1A080] =	vst v63  }
0x2fa: {  	_ =	swait.ge [sflag:s12], $0x8000  }
0x2fb: {  	[sflag:s12] =	ssyncset.done $0x0  }
0x2fc: {  	[sflag:s12] =	ssyncadd.s32 $0xFFFF8000  }
0x2fd: {  	_ =	sfence.sel $0x180000  }
0x2fe: {  	[bflag:$0x0] =	sbarrier.arrive $0xFFFF  }
0x2ff: {  	p0 =	sne.s32 s3, $0x0;
	_ =	strace $0x90000050  }
0x300: {  	s0 =	sadd.s32 @!p0 $0x100000, s0;
	[bflag:$0x2] =	sbarrier.arrive $0xFFFF  }
0x301: {  	[sflag:s0] =	ssyncadd.tile.s32 @!p0 $0x1;
	_ =	shalt  }
.Lfunc_end2:
_tile_overlayer_lowered:
.L_overlay_start_2:
0x302: {  	(tag) =	ssettag $0x2  }
0x303: {  	s0 =	rddreg [dreg:$0x0];
	s2 =	stileid.u32  }
0x304: {  	s1 =	rddreg [dreg:$0x1];
	p0 =	sne.s32 s2, $0x0  }
0x305: {  	s3 =	rddreg [dreg:$0x2];
	[bflag:$0x3] =	sbarrier.arrive $0xFFFF;
	s2 =	simm.s32 @!p0 $0x1C01  }
0x306: {  	[timem:s3], [sflag:s2] =	dma.local @!p0 [hbm:s0], s1  }
0x307: {  	s0 =	simm.s32 @!p0 $0x1  }
0x308: {  	_ =	swait.ge @!p0 [sflag:s0], s1  }
0x309: {  	s1 =	ssub.s32 @!p0 $0x0, s1;
	[sflag:s0] =	ssyncset.done @!p0 $0x0  }
0x30a: {  	[sflag:s0] =	ssyncadd.s32 @!p0 s1  }
0x30b: {  	[bflag:$0x3] =	sbarrier.arrive $0xFFFF  }
0x30c: {  	_ =	shalt  }

// kernel: sparse-core-data-format-call.cloned.1.call-start
scs
called_computation_lowered:
.L_overlay_start_0:
0x0: {  	s1 =	sld [smem:$0x3FD9]  }
0x1: {  	s2 =	sld [smem:$0x3FFE];
	_ =	sdelay $0x1  }
0x2: {  	s3 =	srdreg.scid  }
0x3: {  	s0 =	sand.u32 $0x1, s3  }
0x4: {  	s17 =	sshll.u32 s0, $0xA;
	s1 =	sadd.s32 s2, s1  }
0x5: {  	s1 =	sadd.s32 s1, s17  }
0x6: {  	[smem:$0x3FAE] =	sst s1  }
0x7: {  	_ = 	snop  }
0x8: {  	(tm) =	ssettm $0x1  }
0x9: {  	s18 =	sld [smem:$0x3FFB];
	_ =	sdelay $0x3  }
0xa: {  	_ =	strace s18  }
0xb: {  	s1 =	sld [smem:$0x3FFC];
	_ =	sdelay $0x3  }
0xc: {  	_ =	strace s1  }
0xd: {  	s1 =	sld [smem:$0x3FFD];
	_ =	sdelay $0x3  }
0xe: {  	_ =	strace s1  }
0xf: {  	_ =	strace $0x8FFFFFFF  }
0x10: {  	s19 =	sld [smem:$0x3FDB];
	_ =	sdelay $0x1  }
0x11: {  	s20 =	simm.s32 $_scs_section_size  }
0x12: {  	s4 =	simm.s32 $_size__tile_overlayer_lowered;
	s5 =	simm.s32 $_tile_overlayer_lowered  }
0x13: {  	s23 =	simm.s32 $0x1BFF;
	s22 =	sshll.u32 s5, $0x1;
	s1 =	sadd.s32 s20, s19  }
0x14: {  	s6 =	simm.s32 $0x0;
	s21 =	sshll.u32 s4, $0x1;
	s4 =	sadd.s32 s22, s1  }
0x15: {  	[timem:s6], [sflag:s23] =	dma.local [hbm:s4], s21  }
0x16: {  	_ =	swait.ge [sflag:s23], s21  }
0x17: {  	s2 =	ssub.s32 $0x0, s21;
	[sflag:s23] =	ssyncset.done $0x0  }
0x18: {  	[sflag:s23] =	ssyncadd.s32 s2;
	_ =	sdelay $0x1  }
0x19: {  	s24 =	simm.s32 $0x1B8B  }
0x1a: {  	_ =	swait.ge [sflag:s24], $0x1  }
0x1b: {  	[sflag:s24] =	ssyncset.done $0x0  }
0x1c: {  	s26 =	simm.s32 $0x1B8E;
	s25 =	sld [smem:$0x3FFE];
	[sflag:s24] =	ssyncadd.s32 $0xFFFFFFFF  }
0x1d: {  	s27 =	simm.s32 $execute0_lowered;
	[smem:$0x3FD2] =	sst s26  }
0x1e: {  	s4 =	sshll.u32 s27, $0x1;
	_ =	strace $0x80000046;
	[dreg:$0x1] =	wrdreg $0xFFFFFFFF  }
0x1f: {  	s28 =	simm.s32 $_size_execute0_lowered;
	s1 =	sadd.s32 s1, s4;
	[dreg:$0x0] =	wrdreg $0x0  }
0x20: {  	s4 =	sshll.u32 s28, $0x1;
	[dreg:$0x2] =	wrdreg s1  }
0x21: {  	[dreg:$0x3] =	wrdreg s4  }
0x22: {  	[dreg:$0x4] =	wrdreg $0xC0  }
0x23: {  	_ =	task [dreg:s6], $0x5FFFF  }
0x24: {  	[dreg:$0x1] =	wrdreg $0xFFFFFFFF  }
0x25: {  	[dreg:$0x0] =	wrdreg $0x60  }
0x26: {  	[dreg:$0x2] =	wrdreg s25  }
0x27: {  	[dreg:$0x3] =	wrdreg $0x9  }
0x28: {  	_ =	task.clear_ibuf [dreg:s6], $0x4FFFF;
	_ =	strace $0x90000046  }
0x29: {  	s29 =	simm.s32 $0x9;
	_ =	strace $0x80000048  }
0x2a: {  	_ =	swait.ge [sflag:s29], $0x1  }
0x2b: {  	[sflag:s29] =	ssyncadd.s32 $0xFFFFFFFF  }
0x2c: {  	_ =	strace $0x90000048  }
0x2d: {  	_ =	sfence  }
0x2e: {  	s30 =	sld [smem:$0x0];
	_ =	sdelay $0x2  }
0x2f: {  	s31 =	sshll.u32 s3, $0xD;
	s3 =	sshrl.u32 s3, $0x2  }
0x30: {  	s2 =	sand.u32 $0x4000, s31;
	s1 =	sadd.s32 s3, s30  }
0x31: {  	s0 =	sor.u32 s2, s0;
	s1 =	sshll.u32 s1, $0x11  }
0x32: {  	s0 =	sor.u32 s1, s0  }
0x33: {  	s0 =	sadd.s32 $0x8F2B, s0  }
0x34: {  	[sflag:s0] =	ssyncadd.remote.s32 $0x1  }
0x35: {  	_ =	sfence.sel $0xFFFF  }
0x36: {  	[dreg:$0x0] =	wrdreg $0xFFFFFFFF;
	(pc) =	sbr.abs _section_cstart, $3  }
0x37: {  	[dreg:$0x1] =	wrdreg $0xFFFFFFFF  }
0x38: {  	_ =	task.clear_ibuf [dreg:s6], $0x2FFFF;
	_ =	strace $0x9FFFFFFF  }
0x39: {  	(tm) =	ssettm $0x7FFFFFFF  }
tec
execute0_lowered:
.L_overlay_start_1:
0x0: {  	(tag) =	ssettag $0x1  }
0x1: {  	s0 =	srdreg.scid  }
0x2: {  	s0 =	sshll.u32 s0, $0x4  }
0x3: {  	s1 =	stileid.u32;
	s0 =	sand.u32 $0x10, s0  }
0x4: {  	s0 =	sor.u32 s1, s0  }
0x5: {  	s29 =	rddreg [dreg:$0x0];
	_ =	strace $0x80000047;
	s3 =	sshll.u32 s0, $0x8  }
0x6: {  	s2 =	simm.s32 $0x1;
	s30 =	simm.s32 $0x2;
	s0 =	ssub.s32 $0x18600, s3  }
0x7: {  	s14 =	simm.s32 $0x0;
	s13 =	simm.s32 $0x0;
	s0 =	sshrl.u32 s0, $0xD  }
0x8: {  	s8 =	simm.s32 $0x0;
	s4 =	sadd.s32 $0x4E00, s29;
	s0 =	smul.u32 $0x3, s0  }
.Ltmp0:
0x9: {  	[dreg:$0x3] =	wrdreg s4;
	s1 =	sadd.s32 $0x1D5400, s29;
	(pc) =	sbr.rel .LBB1_1-.Ltmp0, $4  }
0xa: {  	s10 =	simm.s32 $0x0;
	s12 =	simm.s32 $0x0;
	[dreg:$0x4] =	wrdreg s1  }
0xb: {  	s11 =	simm.s32 $0x0;
	[dreg:$0x2] =	wrdreg s3;
	s31 =	sadd.s32 $0x3, s0  }
0xc: {  	[sflag:s2] =	ssyncpa.u1 $0x0;
	s7 =	sadd.s32 $0x4, s0;
	[dreg:$0x5] =	wrdreg s31  }
0xd: {  	[sflag:s30] =	ssyncpa.u1 $0x0;
	s9 =	smov.u32 s3;
	[dreg:$0x6] =	wrdreg s7  }
.LBB1_12:
0xe: {  	s8 =	rddreg [dreg:$0x7]  }
0xf: {  	s10 =	rddreg [dreg:$0x9]  }
0x10: {  	s4 =	rddreg [dreg:$0xf]  }
0x11: {  	s5 =	rddreg [dreg:$0xd]  }
0x12: {  	s29 =	rddreg [dreg:$0x4]  }
0x13: {  	s30 =	rddreg [dreg:$0xe];
	s0 =	sshrl.u32 s8, $0x3  }
0x14: {  	s1 =	sshll.u32 s10, $0x3;
	s2 =	sshll.u32 s8, $0x7;
	s20 =	sshll.u32 s10, $0x1  }
0x15: {  	s22 =	sand.u32 $0x1, s8;
	p0 =	sgt.s32 s8, $0x185A0;
	s3 =	smov.u32 s10  }
0x16: {  	s0 =	smul.u32 $0xC00, s0;
	s19 =	sand.u32 $0x300, s2;
	s2 =	smov.u32 s8  }
0x17: {  	s1 =	sand.u32 $0xFFFFFC00, s1;
	s2 =	simm.s32 @!p0 $0x185A0;
	p0 =	sgt.s32 s10, $0x100  }
0x18: {  	s21 =	sand.u32 $0xFE, s20;
	s0 =	sadd.s32 s1, s0;
	s3 =	simm.s32 @!p0 $0x100  }
0x19: {  	s2 =	sadd.s32 s4, s2;
	s0 =	sor.u32 s19, s0;
	s3 =	sadd.s32 s5, s3  }
0x1a: {  	s24 =	sadd.s32 $0xFFFE7A60, s2;
	s2 =	ssub.s32 $0x186A0, s2;
	s0 =	sor.u32 s21, s0  }
0x1b: {  	p0 =	sgt.s32 s24, $0xFF;
	s1 =	sor.u32 s22, s0;
	s0 =	smulhi.u32 $0xAAAAAAAB, s0  }
0x1c: {  	s25 =	sadd.s32 $0xFFFFFF00, s3;
	s3 =	ssub.s32 $0x180, s3;
	s2 =	simm.s32 @p0 $0x0  }
0x1d: {  	p0 =	sgt.s32 s25, $0x7F;
	s23 =	smulhi.u32 $0xAAAAAAAB, s1;
	s0 =	sshrl.u32 s0, $0x8  }
0x1e: {  	s7 =	rddreg [dreg:$0x6];
	s3 =	simm.s32 @p0 $0x0;
	s26 =	smulhi.u32 $0x14F8B59, s0  }
0x1f: {  	s9 =	rddreg [dreg:$0x8];
	s2 =	smul.u32 s3, s2;
	s27 =	sshrl.u32 s23, $0x8  }
0x20: {  	s11 =	rddreg [dreg:$0xa];
	s3 =	smul.u32 $0x180, s27;
	s28 =	sshrl.u32 s26, $0x9  }
0x21: {  	s13 =	rddreg [dreg:$0xb];
	s4 =	smul.u32 $0x186A0, s28  }
0x22: {  	s31 =	simm.s32 $0x600;
	s14 =	rddreg [dreg:$0xc]  }
0x23: {  	s2 =	sshrl.u32 s2, $0x1;
	s1 =	ssub.s32 s1, s3;
	s0 =	ssub.s32 s0, s4  }
0x24: {  	s3 =	sshrl.u32 s1, $0x4;
	s1 =	sshll.u32 s1, $0x11;
	s0 =	smul.u32 $0x18, s0  }
0x25: {  	s2 =	sand.u32 $0x3FFFFFFF, s2;
	s3 =	sadd.s32 s29, s3;
	s1 =	sand.u32 $0x1C0000, s1  }
0x26: {  	s4 =	sor.u32 $0x8000, s30;
	s1 =	sor.u32 $0x200, s1;
	s0 =	sadd.s32 s0, s3  }
0x27: {  	[hbm4b:s0+s1] =	stream.strided.scatter [tilespmem:s4], [sflag:$0x2], s2, s31, s1, $0x20;
	[tilespmem:$0x10100] =	vst v63  }
.LBB1_13:
0x28: {  	p0 =	slt.u32 s11, $0x2  }
0x29: {  	s1 =	smov.u32 s14;
	s2 =	smov.u32 s13;
	p1 =	sgt.s32 @!p0 s14, $0x185A0  }
0x2a: {  	s0 =	sshra.s32 @!p0 s14, $0x1F;
	p2 =	sgt.s32 @!p0 s13, $0x100;
	s3 =	sshra.s32 @!p0 s13, $0x1F  }
0x2b: {  	p1 =	por !p1, p0;
	s0 =	sand.u32 @!p0 s0, s14;
	p2 =	por !p2, p0  }
0x2c: {  	s3 =	sand.u32 @!p0 s3, s13;
	s1 =	simm.s32 @p1 $0x185A0;
	s2 =	simm.s32 @p2 $0x100  }
0x2d: {  	s0 =	ssub.s32 @!p0 s1, s0;
	s1 =	ssub.s32 @!p0 s2, s3  }
0x2e: {  	s2 =	sadd.s32 @!p0 $0xFFFE7A60, s0;
	s3 =	sadd.s32 @!p0 $0xFFFFFF00, s1  }
0x2f: {  	s0 =	ssub.s32 @!p0 $0x186A0, s0;
	p1 =	sgt.s32 @!p0 s2, $0xFF;
	p2 =	sgt.s32 @!p0 s3, $0x7F  }
0x30: {  	s1 =	ssub.s32 @!p0 $0x180, s1;
	p1 =	por !p1, p0;
	p2 =	por !p2, p0  }
0x31: {  	s0 =	simm.s32 @!p1 $0x0;
	s1 =	simm.s32 @!p2 $0x0  }
0x32: {  	s0 =	smul.u32 @!p0 s1, s0;
	_ =	sdelay $0x1  }
0x33: {  	s4 =	smov.u32 s12;
	s0 =	sshrl.u32 @!p0 s0, $0x1  }
0x34: {  	s2 =	simm.s32 @!p0 $0x2;
	s1 =	sadd.s32 $0x2000, s9;
	s0 =	sand.u32 @!p0 $0x3FFFFFFF, s0  }
0x35: {  	s3 =	sadd.s32 $0x80, s12;
	p1 =	sgt.s32 s1, $0x1869F;
	_ =	swait.ge @!p0 [sflag:s2], s0  }
0x36: {  	s4 =	smov.u32 @p1 s3;
	s3 =	rddreg [dreg:$0x2]  }
0x37: {  	s1 =	smov.u32 @p1 s3;
	p1 =	sgt.s32 s4, $0x12B  }
0x38: {  	s4 =	simm.s32 @p1 $0x0;
	p1 =	sne.s32 s11, s7  }
.Ltmp1:
0x39: {  	_ = 	snop;
	(pc) =	sbr.rel @!p1 .LBB1_14-.Ltmp1, $4  }
0x3a: {  	s14 =	smov.u32 s8  }
0x3b: {  	s13 =	smov.u32 s10;
	s0 =	ssub.s32 @!p0 $0x0, s0;
	[sflag:s2] =	ssyncset.done @!p0 $0x0  }
0x3c: {  	s8 =	smov.u32 s9;
	s10 =	smov.u32 s12;
	[sflag:s2] =	ssyncadd.s32 @!p0 s0  }
0x3d: {  	s11 =	sadd.s32 $0x1, s11;
	s9 =	smov.u32 s1;
	s12 =	smov.u32 s4  }
.LBB1_1:
0x3e: {  	s0 =	rddreg [dreg:$0x5]  }
0x3f: {  	p0 =	sge.u32 s11, s0  }
0x40: {  	s5 =	smov.u32 s9;
	s0 =	sshrl.u32 @!p0 s12, $0x3  }
0x41: {  	s1 =	sand.u32 @!p0 $0x1, s12;
	s2 =	sshll.u32 @!p0 s9, $0x3;
	s3 =	sshll.u32 @!p0 s12, $0x7  }
0x42: {  	s4 =	sshll.u32 @!p0 s9, $0x1;
	p1 =	sgt.s32 @!p0 s12, $0xB0;
	s0 =	smul.u32 @!p0 $0xC3800, s0  }
0x43: {  	s6 =	sshra.s32 @!p0 s9, $0x1F;
	s2 =	sand.u32 @!p0 $0xFFFFFC00, s2;
	p1 =	por !p1, p0  }
0x44: {  	s0 =	sadd.s32 @!p0 s0, s2;
	s2 =	sand.u32 @!p0 $0x300, s3;
	s3 =	sand.u32 @!p0 $0xFE, s4  }
0x45: {  	s4 =	sshra.s32 @!p0 s12, $0x1F;
	s0 =	sor.u32 @!p0 s2, s0;
	s1 =	sor.u32 @!p0 s1, s3  }
0x46: {  	s3 =	smov.u32 s12;
	s4 =	sand.u32 @!p0 s4, s12;
	s1 =	sor.u32 @!p0 s0, s1  }
0x47: {  	s0 =	smulhi.u32 @!p0 $0xA79C7B17, s0;
	s3 =	simm.s32 @p1 $0xB0;
	p1 =	sgt.s32 @!p0 s9, $0x18600  }
0x48: {  	s2 =	smulhi.u32 @!p0 $0xA79C7B17, s1;
	p1 =	por !p1, p0;
	s3 =	ssub.s32 @!p0 s3, s4  }
0x49: {  	s4 =	sand.u32 @!p0 s6, s9;
	s5 =	simm.s32 @p1 $0x18600;
	s0 =	sshrl.u32 @!p0 s0, $0x10  }
0x4a: {  	s6 =	sadd.s32 @!p0 $0xFFFFFF50, s3;
	s3 =	ssub.s32 @!p0 $0x130, s3;
	s4 =	ssub.s32 @!p0 s5, s4  }
0x4b: {  	s5 =	smul.u32 @!p0 $0xD795, s0;
	p1 =	sgt.s32 @!p0 s6, $0x7F;
	s2 =	sshrl.u32 @!p0 s2, $0x10  }
0x4c: {  	s6 =	sadd.s32 @!p0 $0xFFFE7A00, s4;
	p1 =	por !p1, p0;
	s4 =	ssub.s32 @!p0 $0x18700, s4  }
0x4d: {  	s2 =	smul.u32 @!p0 $0x18700, s2;
	p2 =	sgt.s32 @!p0 s6, $0xFF;
	s5 =	sshrl.u32 @!p0 s5, $0x18  }
0x4e: {  	s3 =	simm.s32 @!p1 $0x0;
	s5 =	smul.u32 @!p0 $0x130, s5;
	p1 =	por !p2, p0  }
0x4f: {  	s4 =	simm.s32 @!p1 $0x0  }
0x50: {  	s1 =	ssub.s32 @!p0 s1, s2;
	s0 =	ssub.s32 @!p0 s0, s5;
	s3 =	smul.u32 @!p0 s3, s4  }
0x51: {  	s4 =	sxor.u32 @!p0 $0xFFFFFFFF, s11;
	s5 =	rddreg [dreg:$0x3];
	s0 =	sand.u32 @!p0 $0xFFFF, s0  }
0x52: {  	s2 =	sshrl.u32 @!p0 s3, $0x1;
	s0 =	smul.u32 @!p0 $0x1870, s0;
	s3 =	sshrl.u32 @!p0 s1, $0x4  }
0x53: {  	s1 =	sshll.u32 @!p0 s1, $0x11;
	s2 =	sand.u32 @!p0 $0x3FFFFFFF, s2;
	s3 =	sadd.s32 @!p0 s5, s3  }
0x54: {  	s1 =	sand.u32 @!p0 $0x1C0000, s1;
	s0 =	sadd.s32 @!p0 s0, s3;
	s3 =	sshll.u32 @!p0 s4, $0xE  }
0x55: {  	s1 =	sor.u32 @!p0 $0x400, s1;
	s4 =	simm.s32 @!p0 $0x61C00;
	s3 =	sand.u32 @!p0 $0x4000, s3  }
0x56: {  	[tilespmem:s3], [sflag:$0x1] =	stream.strided.gather @!p0 [hbm4b:s0+s1], s2, s4, s1, $0x38;
	[tilespmem:$0x10100] =	vst v63  }
0x57: {  	p0 =	seq.s32 s11, $0x0  }
0x58: {  	p1 =	sge.u32 @!p0 s11, s7  }
0x59: {  	p0 =	por p0, p1  }
.Ltmp2:
0x5a: {  	_ = 	snop;
	(pc) =	sbr.rel @p0 .LBB1_13-.Ltmp2, $1  }
0x5b: {  	_ =	sdelay $0x3  }
0x5c: {  	[dreg:$0xc] =	wrdreg s14  }
0x5d: {  	[dreg:$0xb] =	wrdreg s13  }
0x5e: {  	s0 =	ssub.s32 $0x0, s10;
	s1 =	sshra.s32 s10, $0x1F;
	p0 =	sgt.s32 s10, $0xB0  }
0x5f: {  	s2 =	smov.u32 s10;
	s24 =	ssub.s32 $0x0, s8;
	s25 =	sshra.s32 s8, $0x1F  }
0x60: {  	s3 =	smov.u32 s8;
	s4 =	sand.u32 s0, s1;
	s2 =	simm.s32 @!p0 $0xB0  }
0x61: {  	p0 =	sgt.s32 s8, $0x18600;
	s1 =	sand.u32 s24, s25;
	s2 =	sadd.s32 s4, s2  }
0x62: {  	s3 =	simm.s32 @!p0 $0x18600;
	[dreg:$0xf] =	wrdreg s1;
	s26 =	sadd.s32 $0xFFFFFF50, s2  }
0x63: {  	s1 =	sadd.s32 s1, s3;
	s2 =	ssub.s32 $0x130, s2;
	p0 =	sgt.s32 s26, $0x7F  }
0x64: {  	s27 =	sadd.s32 $0xFFFE7A00, s1;
	s0 =	ssub.s32 $0x18700, s1;
	s1 =	sadd.s32 $0x80, s10  }
0x65: {  	p1 =	sgt.s32 s27, $0xFF;
	s2 =	simm.s32 @p0 $0x0;
	p0 =	slt.s32 s1, $0x12C  }
0x66: {  	[dreg:$0x8] =	wrdreg s9;
	s0 =	simm.s32 @p1 $0x0;
	s1 =	simm.s32 @!p0 $0x12C  }
0x67: {  	[dreg:$0x7] =	wrdreg s8;
	s0 =	smul.u32 s2, s0;
	s19 =	ssub.s32 s1, s10  }
0x68: {  	[dreg:$0xa] =	wrdreg s11;
	s28 =	simm.s32 $0x1;
	p0 =	slt.s32 s19, $0x1  }
.Ltmp3:
0x69: {  	s2 =	sshrl.u32 s0, $0x1;
	s0 =	sand.u32 $0x1, s11;
	(pc) =	sbr.rel @p0 .LBB1_12-.Ltmp3, $4  }
0x6a: {  	[dreg:$0xd] =	wrdreg s4;
	s2 =	sand.u32 $0x3FFFFFFF, s2;
	s29 =	smul.u32 $0x8100, s0  }
0x6b: {  	_ =	swait.ge [sflag:s28], s2;
	[dreg:$0x9] =	wrdreg s10  }
0x6c: {  	s30 =	ssub.s32 $0x0, s2;
	[sflag:s28] =	ssyncset.done $0x0;
	s31 =	sshrl.u32 s29, $0x1  }
0x6d: {  	[sflag:s28] =	ssyncadd.s32 s30;
	[dreg:$0xe] =	wrdreg s31  }
0x6e: {  	s2 =	rddreg [dreg:$0x7]  }
0x6f: {  	s1 =	sadd.s32 $0x100, s2  }
0x70: {  	s22 =	sshll.u32 s0, $0xE;
	s30 =	rddreg [dreg:$0xe];
	p0 =	slt.s32 s1, $0x186A0  }
.Ltmp4:
0x71: {  	s25 =	simm.s32 $0x0;
	v0 =	vmov s22;
	s1 =	simm.s32 @!p0 $0x186A0;
	(pc) =	sbr.rel .LBB1_4-.Ltmp4, $4  }
0x72: {  	s26 =	simm.s32 $0x0;
	s27 =	simm.s32 $0x0;
	s1 =	ssub.s32 s1, s2  }
0x73: {  	s23 =	sor.u32 $0x8000, s30;
	s2 =	sadd.s32 $0xF, s1;
	s1 =	sadd.s32 $0x1F, s1  }
0x74: {  	s20 =	sand.u32 $0xFFFFFFF0, s2;
	s21 =	sand.u32 $0xFFFFFF00, s1;
	s31 =	sshll.u32 s1, $0x3  }
0x75: {  	p0 =	slt.s32 s1, $0x100;
	s24 =	sand.u32 $0xFFFFF800, s31;
	p1 =	sge.s32 s21, s20  }
.LBB1_11:
0x76: {  	s27 =	sadd.s32 $0x2, s27  }
0x77: {  	p2 =	slt.s32 s27, s19  }
.Ltmp5:
0x78: {  	_ = 	snop;
	(pc) =	sbr.rel @!p2 .LBB1_12-.Ltmp5, $2  }
0x79: {  	_ =	sdelay $0x2  }
0x7a: {  	s26 =	sadd.s32 $0x200, s26;
	s25 =	sadd.s32 $0x100, s25  }
.LBB1_4:
.Ltmp6:
0x7b: {  	(pc) =	sbr.rel @p0 .LBB1_8-.Ltmp6, $2  }
0x7c: {  	_ =	sdelay $0x2  }
0x7d: {  	s28 =	sand.u32 $0x7E, s27  }
0x7e: {  	s0 =	sand.u32 $0xFFFFF800, s26;
	s1 =	sand.u32 $0x300, s25  }
0x7f: {  	s13 =	sor.u32 s1, s0  }
0x80: {  	s11 =	sshrl.u32 s13, $0x1  }
0x81: {  	s9 =	sadd.s32 $0x400, s13;
	s18 =	sand.u32 $0x3D80, s11  }
0x82: {  	s9 =	sshrl.u32 s9, $0x1;
	v1 =	vld.idx.msk [tilespmem:v0+s18+$0x0 ss:$0x1], $0xffff  }
0x83: {  	s9 =	sand.u32 $0x3F80, s9;
	v7 =	vld.idx.msk [tilespmem:v0+s18+$0x10 ss:$0x1], $0xffff  }
0x84: {  	v2 =	vld.idx.msk [tilespmem:v0+s9+$0x60 ss:$0x1], $0xffff  }
0x85: {  	v3 =	vld.idx.msk [tilespmem:v0+s9+$0x70 ss:$0x1], $0xffff  }
0x86: {  	v4 =	vld.idx.msk [tilespmem:v0+s9+$0x0 ss:$0x1], $0xffff  }
0x87: {  	v5 =	vld.idx.msk [tilespmem:v0+s9+$0x10 ss:$0x1], $0xffff  }
0x88: {  	v8 =	vld.idx.msk [tilespmem:v0+s9+$0x20 ss:$0x1], $0xffff  }
0x89: {  	s3 =	sadd.s32 s28, s23;
	p2 =	sgt.s32 s21, $0x100;
	v9 =	vld.idx.msk [tilespmem:v0+s9+$0x30 ss:$0x1], $0xffff  }
0x8a: {  	s5 =	sadd.s32 $0x1, s3;
	s8 =	sadd.s32 $0x810, s3;
	s0 =	sadd.s32 $0x811, s3;
	v13 =	vld.idx.msk [tilespmem:v0+s9+$0x40 ss:$0x1], $0xffff;
	v3 =	vperm.xlane.i2c.b16 v3;
	v10 =	vperm.xlane.i2c.b16 v2  }
.Ltmp7:
0x8b: {  	s31 =	sadd.s32 $0x1020, s3;
	s1 =	sadd.s32 $0x1021, s3;
	v6 =	vld.idx.msk [tilespmem:v0+s9+$0x50 ss:$0x1], $0xffff;
	v1 =	vperm.xlane.i2c.b16 v1;
	v11 =	vperm.xlane.i2c.b16 v4;
	(pc) =	sbr.rel @!p2 .LBB1_7-.Ltmp7, $4  }
0x8c: {  	s29 =	sadd.s32 $0x1830, s3;
	s30 =	sadd.s32 $0x1831, s3;
	s16 =	sadd.s32 $0x2040, s3;
	v4 =	vld.idx.msk [tilespmem:v0+s18+$0x20 ss:$0x1], $0xffff;
	v14 =	vperm.xlane.i2c.b16 v5;
	v5 =	vcombine.low v10, v3  }
0x8d: {  	s17 =	sadd.s32 $0x2041, s3;
	s7 =	sadd.s32 $0x2850, s3;
	s14 =	sadd.s32 $0x3870, s3;
	v2 =	vld.idx.msk [tilespmem:v0+s18+$0x30 ss:$0x1], $0xffff;
	v8 =	vperm.xlane.i2c.b16 v8;
	v15 =	vcombine.high v10, v3  }
0x8e: {  	s2 =	sadd.s32 $0x2851, s3;
	s6 =	sadd.s32 $0x3060, s3;
	s15 =	sadd.s32 $0x3871, s3;
	v3 =	vld.idx.msk [tilespmem:v0+s18+$0x40 ss:$0x1], $0xffff;
	v12 =	vcombine.low v11, v14;
	v10 =	vperm.xlane.i2c.b16 v9;
	[tilespmem:s14+$0x0 ss:$0x81] =	vst.msk $0xffff, v5  }
0x8f: {  	s4 =	sadd.s32 $0x3061, s3;
	s13 =	sadd.s32 $0x800, s13;
	s11 =	simm.s32 $0x100;
	v11 =	vcombine.high v11, v14;
	v9 =	vperm.xlane.i2c.b16 v13;
	v5 =	vld.idx.msk [tilespmem:v0+s18+$0x50 ss:$0x1], $0xffff;
	[tilespmem:s15+$0x0 ss:$0x81] =	vst.msk $0xffff, v15  }
.LBB1_6:
0x90: {  	s9 =	sshrl.u32 s13, $0x1;
	s10 =	sadd.s32 $0x400, s13;
	v13 =	vld.idx.msk [tilespmem:v0+s18+$0x60 ss:$0x1], $0xffff;
	[tilespmem:s16+$0x0 ss:$0x81] =	vst.msk $0xffff, v12;
	v12 =	vcombine.low v8, v10;
	v6 =	vperm.xlane.i2c.b16 v6  }
0x91: {  	v7 =	vperm.xlane.i2c.b16 v7;
	v8 =	vcombine.high v8, v10;
	s10 =	sshrl.u32 s10, $0x1;
	v14 =	vld.idx.msk [tilespmem:v0+s18+$0x70 ss:$0x1], $0xffff;
	s18 =	sand.u32 $0x3D80, s9;
	[tilespmem:s17+$0x0 ss:$0x81] =	vst.msk $0xffff, v11  }
0x92: {  	s11 =	sadd.s32 $0x100, s11;
	v4 =	vperm.xlane.i2c.b16 v4;
	v10 =	vld.idx.msk [tilespmem:v0+s18+$0x0 ss:$0x1], $0xffff;
	s9 =	sand.u32 $0x3F80, s10;
	[tilespmem:s7+$0x0 ss:$0x81] =	vst.msk $0xffff, v12;
	v11 =	vcombine.low v9, v6  }
0x93: {  	p2 =	slt.s32 s11, s21;
	v2 =	vperm.xlane.i2c.b16 v2;
	v6 =	vcombine.high v9, v6;
	v12 =	vld.idx.msk [tilespmem:v0+s9+$0x60 ss:$0x1], $0xffff;
	[tilespmem:s2+$0x0 ss:$0x81] =	vst.msk $0xffff, v8  }
0x94: {  	v9 =	vcombine.low v1, v7;
	v3 =	vperm.xlane.i2c.b16 v3;
	v8 =	vld.idx.msk [tilespmem:v0+s9+$0x70 ss:$0x1], $0xffff;
	[tilespmem:s6+$0x0 ss:$0x81] =	vst.msk $0xffff, v11  }
0x95: {  	v1 =	vcombine.high v1, v7;
	v5 =	vperm.xlane.i2c.b16 v5;
	v11 =	vld.idx.msk [tilespmem:v0+s9+$0x0 ss:$0x1], $0xffff;
	[tilespmem:s4+$0x0 ss:$0x81] =	vst.msk $0xffff, v6  }
0x96: {  	v6 =	vcombine.low v4, v2;
	v15 =	vld.idx.msk [tilespmem:v0+s9+$0x10 ss:$0x1], $0xffff;
	[tilespmem:s3+$0x0 ss:$0x81] =	vst.msk $0xffff, v9;
	v9 =	vperm.xlane.i2c.b16 v13  }
0x97: {  	v2 =	vcombine.high v4, v2;
	v4 =	vperm.xlane.i2c.b16 v14;
	v13 =	vld.idx.msk [tilespmem:v0+s9+$0x20 ss:$0x1], $0xffff;
	[tilespmem:s5+$0x0 ss:$0x81] =	vst.msk $0xffff, v1  }
0x98: {  	v7 =	vcombine.low v3, v5;
	v1 =	vperm.xlane.i2c.b16 v10;
	v10 =	vld.idx.msk [tilespmem:v0+s9+$0x30 ss:$0x1], $0xffff;
	[tilespmem:s8+$0x0 ss:$0x81] =	vst.msk $0xffff, v6  }
0x99: {  	v14 =	vld.idx.msk [tilespmem:v0+s9+$0x40 ss:$0x1], $0xffff;
	[tilespmem:s0+$0x0 ss:$0x81] =	vst.msk $0xffff, v2;
	v2 =	vcombine.high v3, v5;
	v3 =	vcombine.low v9, v4  }
0x9a: {  	v12 =	vperm.xlane.i2c.b16 v12;
	v5 =	vperm.xlane.i2c.b16 v8;
	v6 =	vld.idx.msk [tilespmem:v0+s9+$0x50 ss:$0x1], $0xffff;
	[tilespmem:s31+$0x0 ss:$0x81] =	vst.msk $0xffff, v7  }
.Ltmp8:
0x9b: {  	v9 =	vcombine.high v9, v4;
	v11 =	vperm.xlane.i2c.b16 v11;
	v7 =	vld.idx.msk [tilespmem:v0+s18+$0x10 ss:$0x1], $0xffff;
	[tilespmem:s1+$0x0 ss:$0x81] =	vst.msk $0xffff, v2;
	(pc) =	sbr.rel @p2 .LBB1_6-.Ltmp8, $4  }
0x9c: {  	v15 =	vperm.xlane.i2c.b16 v15;
	v16 =	vcombine.low v12, v5;
	v4 =	vld.idx.msk [tilespmem:v0+s18+$0x20 ss:$0x1], $0xffff;
	[tilespmem:s29+$0x0 ss:$0x81] =	vst.msk $0xffff, v3  }
0x9d: {  	v8 =	vperm.xlane.i2c.b16 v13;
	v13 =	vcombine.high v12, v5;
	v2 =	vld.idx.msk [tilespmem:v0+s18+$0x30 ss:$0x1], $0xffff;
	[tilespmem:s30+$0x0 ss:$0x81] =	vst.msk $0xffff, v9  }
0x9e: {  	v12 =	vcombine.low v11, v15;
	v10 =	vperm.xlane.i2c.b16 v10;
	v3 =	vld.idx.msk [tilespmem:v0+s18+$0x40 ss:$0x1], $0xffff;
	[tilespmem:s14+$0x0 ss:$0x81] =	vst.msk $0xffff, v16  }
0x9f: {  	s13 =	sadd.s32 $0x800, s13;
	v11 =	vcombine.high v11, v15;
	v9 =	vperm.xlane.i2c.b16 v14;
	v5 =	vld.idx.msk [tilespmem:v0+s18+$0x50 ss:$0x1], $0xffff;
	[tilespmem:s15+$0x0 ss:$0x81] =	vst.msk $0xffff, v13  }
.LBB1_7:
0xa0: {  	_ =	sdelay $0x1  }
0xa1: {  	[tilespmem:s16+$0x0 ss:$0x81] =	vst.msk $0xffff, v12;
	v55 =	vcombine.low v8, v10;
	v6 =	vperm.xlane.i2c.b16 v6  }
0xa2: {  	v56 =	vcombine.high v8, v10;
	v7 =	vperm.xlane.i2c.b16 v7;
	[tilespmem:s17+$0x0 ss:$0x81] =	vst.msk $0xffff, v11  }
0xa3: {  	v57 =	vld.idx.msk [tilespmem:v0+s18+$0x60 ss:$0x1], $0xffff;
	[tilespmem:s7+$0x0 ss:$0x81] =	vst.msk $0xffff, v55;
	v58 =	vcombine.low v9, v6  }
0xa4: {  	v59 =	vld.idx.msk [tilespmem:v0+s18+$0x70 ss:$0x1], $0xffff;
	v4 =	vperm.xlane.i2c.b16 v4;
	v60 =	vcombine.low v1, v7;
	[tilespmem:s2+$0x0 ss:$0x81] =	vst.msk $0xffff, v56  }
0xa5: {  	v6 =	vcombine.high v9, v6;
	v2 =	vperm.xlane.i2c.b16 v2;
	[tilespmem:s6+$0x0 ss:$0x81] =	vst.msk $0xffff, v58  }
0xa6: {  	v1 =	vcombine.high v1, v7;
	v3 =	vperm.xlane.i2c.b16 v3;
	[tilespmem:s3+$0x0 ss:$0x81] =	vst.msk $0xffff, v60  }
0xa7: {  	v5 =	vperm.xlane.i2c.b16 v5;
	v61 =	vcombine.low v4, v2;
	[tilespmem:s4+$0x0 ss:$0x81] =	vst.msk $0xffff, v6  }
0xa8: {  	v62 =	vperm.xlane.i2c.b16 v57;
	[tilespmem:s5+$0x0 ss:$0x81] =	vst.msk $0xffff, v1;
	v1 =	vcombine.high v4, v2  }
0xa9: {  	v2 =	vperm.xlane.i2c.b16 v59;
	[tilespmem:s8+$0x0 ss:$0x81] =	vst.msk $0xffff, v61;
	v63 =	vcombine.low v3, v5  }
0xaa: {  	[tilespmem:s0+$0x0 ss:$0x81] =	vst.msk $0xffff, v1;
	v1 =	vcombine.high v3, v5  }
0xab: {  	v3 =	vcombine.low v62, v2;
	[tilespmem:s31+$0x0 ss:$0x81] =	vst.msk $0xffff, v63  }
0xac: {  	[tilespmem:s1+$0x0 ss:$0x81] =	vst.msk $0xffff, v1;
	v1 =	vcombine.high v62, v2  }
0xad: {  	[tilespmem:s29+$0x0 ss:$0x81] =	vst.msk $0xffff, v3  }
0xae: {  	[tilespmem:s30+$0x0 ss:$0x81] =	vst.msk $0xffff, v1  }
.LBB1_8:
.Ltmp9:
0xaf: {  	(pc) =	sbr.rel @p1 .LBB1_11-.Ltmp9, $1  }
0xb0: {  	_ =	sdelay $0x3  }
0xb1: {  	s0 =	sshll.u32 s27, $0x8;
	s1 =	sshll.u32 s27, $0x7  }
0xb2: {  	s2 =	smov.u32 s24;
	s0 =	sand.u32 $0x7800, s0;
	s1 =	sand.u32 $0x300, s1  }
0xb3: {  	s3 =	smov.u32 s21;
	s0 =	sor.u32 s1, s0;
	s1 =	sadd.s32 s28, s23  }
.LBB1_10:
0xb4: {  	s4 =	sand.u32 $0x7C00, s2  }
0xb5: {  	s4 =	sadd.s32 s0, s4  }
0xb6: {  	s4 =	sshrl.u32 s4, $0x1  }
0xb7: {  	s4 =	sand.u32 $0x3F80, s4  }
0xb8: {  	s5 =	sand.u32 $0x60, s3;
	s4 =	sadd.s32 s4, s22  }
0xb9: {  	s4 =	sadd.s32 s5, s4  }
0xba: {  	v1 =	vld [tilespmem:s4+$0x0]  }
0xbb: {  	v2 =	vld [tilespmem:s4+$0x10];
	_ =	sdelay $0x3  }
0xbc: {  	s31 =	sand.u32 $0xE0, s3;
	s3 =	sadd.s32 $0x20, s3  }
0xbd: {  	p2 =	slt.s32 s3, s20;
	s4 =	smul.u32 $0x102, s31;
	v2 =	vperm.xlane.i2c.b16 v2;
	v1 =	vperm.xlane.i2c.b16 v1  }
.Ltmp10:
0xbe: {  	_ = 	snop;
	(pc) =	sbr.rel @p2 .LBB1_10-.Ltmp10, $4  }
0xbf: {  	s4 =	sshrl.u32 s4, $0x2;
	v3 =	vcombine.low v1, v2  }
0xc0: {  	s4 =	sadd.s32 s4, s1;
	v1 =	vcombine.high v1, v2  }
0xc1: {  	[tilespmem:s4+$0x0 ss:$0x81] =	vst.msk $0xffff, v3  }
0xc2: {  	s2 =	sadd.s32 $0x100, s2;
	[tilespmem:s4+$0x1 ss:$0x81] =	vst.msk $0xffff, v1  }
.Ltmp11:
0xc3: {  	_ = 	snop;
	(pc) =	sbr.rel .LBB1_11-.Ltmp11, $1  }
0xc4: {  	_ =	sdelay $0x3  }
.LBB1_14:
0xc5: {  	_ =	sfence.sel $0x180000  }
0xc6: {  	s0 =	simm.s32 $0x1;
	[bflag:$0x0] =	sbarrier.arrive $0xFFFF  }
0xc7: {  	s30 =	simm.s32 $0x2;
	[sflag:s0] =	ssyncpa.u1 $0x1  }
0xc8: {  	[sflag:s30] =	ssyncpa.u1 $0x1  }
0xc9: {  	_ =	strace $0x90000047  }
0xca: {  	s31 =	stileid.u32;
	[bflag:$0x2] =	sbarrier.arrive $0xFFFF  }
0xcb: {  	p0 =	sne.s32 s31, $0x0;
	s0 =	rddreg [dreg:$0x1]  }
0xcc: {  	s0 =	sadd.s32 @!p0 $0x100000, s0  }
0xcd: {  	[sflag:s0] =	ssyncadd.tile.s32 @!p0 $0x1;
	_ =	shalt  }
.Lfunc_end1:
_tile_overlayer_lowered:
.L_overlay_start_2:
0xce: {  	(tag) =	ssettag $0x2  }
0xcf: {  	s0 =	rddreg [dreg:$0x0];
	s2 =	stileid.u32  }
0xd0: {  	s1 =	rddreg [dreg:$0x1];
	p0 =	sne.s32 s2, $0x0  }
0xd1: {  	s3 =	rddreg [dreg:$0x2];
	[bflag:$0x3] =	sbarrier.arrive $0xFFFF;
	s2 =	simm.s32 @!p0 $0x1C01  }
0xd2: {  	[timem:s3], [sflag:s2] =	dma.local @!p0 [hbm:s0], s1  }
0xd3: {  	s0 =	simm.s32 @!p0 $0x1  }
0xd4: {  	_ =	swait.ge @!p0 [sflag:s0], s1  }
0xd5: {  	s1 =	ssub.s32 @!p0 $0x0, s1;
	[sflag:s0] =	ssyncset.done @!p0 $0x0  }
0xd6: {  	[sflag:s0] =	ssyncadd.s32 @!p0 s1  }
0xd7: {  	[bflag:$0x3] =	sbarrier.arrive $0xFFFF  }
0xd8: {  	_ =	shalt  }

</sc_bundles>
